<compile_context>
chip_gen: v7x
topology: tpu7x:2x2x1
jax: 0.10.2.dev20260603
libtpu: 0.0.44.dev20260713+nightly
codegen_flags: <defaults>
</compile_context>

<pallas_src>
import functools

import jax
import jax.numpy as jnp
from jax import lax
from jax.experimental import pallas as pl
from jax.experimental.pallas import tpu as pltpu
from jax.experimental.pallas import tpu_sc as plsc

R = 16384
C = 1000
K = int(R * 0.7)

NC = 2
NS = 16
NW = NC * NS
L = 16

R_SC = 8192
R_TC = R - R_SC
RPW = R_SC // NW
GR = 32
NG = RPW // GR

BR = 2048
NB_TC = R_TC // BR

_UNROLL = 25


def _sc_body(pred_hbm, tgt_hbm, m_hbm, s_hbm, psc_hbm,
             xbuf0, xbuf1, tvall, macc, sacc, pacc, sem0, sem1):
    wid = lax.axis_index("s") * NC + lax.axis_index("c")
    base = wid * RPW
    lane = lax.broadcasted_iota(jnp.int32, (L,), 0)
    lanec = lane * C

    pltpu.sync_copy(tgt_hbm.at[pl.ds(base, RPW)], tvall)

    def start(g, buf, sem):
        return pltpu.async_copy(
            pred_hbm.at[pl.ds(base + g * GR, GR)], buf, sem
        )

    def compute(g, buf):
        for h in range(GR // L):
            rowv = lane + h * L

            def p1(jo, m):
                for u in range(_UNROLL):
                    j = jo * _UNROLL + u
                    col = j + jnp.zeros((L,), jnp.int32)
                    v = plsc.load_gather(buf, [rowv, col])
                    m = jnp.maximum(m, v)
                return m

            m = lax.fori_loop(0, C // _UNROLL, p1,
                              jnp.full((L,), -jnp.inf, jnp.float32))

            def p2(jo, s):
                for u in range(_UNROLL):
                    j = jo * _UNROLL + u
                    col = j + jnp.zeros((L,), jnp.int32)
                    v = plsc.load_gather(buf, [rowv, col])
                    s = s + jnp.exp(v - m)
                return s

            s = lax.fori_loop(0, C // _UNROLL, p2,
                              jnp.zeros((L,), jnp.float32))

            r0 = g * GR + h * L
            tv = tvall[pl.ds(r0, L)]
            pk = plsc.load_gather(buf, [rowv, tv])
            macc[pl.ds(r0, L)] = m
            sacc[pl.ds(r0, L)] = s
            pacc[pl.ds(r0, L)] = pk

    start(0, xbuf0, sem0)
    start(1, xbuf1, sem1)

    def wait(g, buf, sem):
        pltpu.make_async_copy(
            pred_hbm.at[pl.ds(base + g * GR, GR)], buf, sem
        ).wait()

    def outer(gg, _):
        g0 = gg * 2
        wait(g0, xbuf0, sem0)
        compute(g0, xbuf0)

        @pl.when(g0 + 2 < NG)
        def _():
            start(g0 + 2, xbuf0, sem0)

        wait(g0 + 1, xbuf1, sem1)
        compute(g0 + 1, xbuf1)

        @pl.when(g0 + 3 < NG)
        def _():
            start(g0 + 3, xbuf1, sem1)

        return 0

    lax.fori_loop(0, NG // 2, outer, 0)

    pltpu.sync_copy(macc, m_hbm.at[pl.ds(base, RPW)])
    pltpu.sync_copy(sacc, s_hbm.at[pl.ds(base, RPW)])
    pltpu.sync_copy(pacc, psc_hbm.at[pl.ds(base, RPW)])


_sc_ce = functools.partial(
    pl.kernel,
    out_type=[
        jax.ShapeDtypeStruct((R_SC,), jnp.float32),
        jax.ShapeDtypeStruct((R_SC,), jnp.float32),
        jax.ShapeDtypeStruct((R_SC,), jnp.float32),
    ],
    mesh=plsc.VectorSubcoreMesh(core_axis_name="c", subcore_axis_name="s"),
    compiler_params=pltpu.CompilerParams(needs_layout_passes=False),
    scratch_types=[
        pltpu.VMEM((GR, C), jnp.float32),
        pltpu.VMEM((GR, C), jnp.float32),
        pltpu.VMEM((RPW,), jnp.int32),
        pltpu.VMEM((RPW,), jnp.float32),
        pltpu.VMEM((RPW,), jnp.float32),
        pltpu.VMEM((RPW,), jnp.float32),
        pltpu.SemaphoreType.DMA,
        pltpu.SemaphoreType.DMA,
    ],
)(_sc_body)


def _tc_loss_body(pred_ref, tgt_ref, out_ref):
    x = pred_ref[...]
    m = jnp.max(x, axis=1)
    s = jnp.sum(jnp.exp(x - m[:, None]), axis=1)
    tgt = tgt_ref[0, 0, :]
    col = lax.broadcasted_iota(jnp.int32, (BR, C), 1)
    picked = jnp.sum(jnp.where(col == tgt[:, None], x, 0.0), axis=1)
    out_ref[0, 0, :] = m + jnp.log(s) - picked


def _tc_loss(pred, tgt):
    tgt3 = tgt[R_SC:].reshape(NB_TC, 1, BR)
    out = pl.pallas_call(
        _tc_loss_body,
        grid=(NB_TC,),
        in_specs=[
            pl.BlockSpec((BR, C), lambda i: (i + R_SC // BR, 0)),
            pl.BlockSpec((1, 1, BR), lambda i: (i, 0, 0)),
        ],
        out_specs=pl.BlockSpec((1, 1, BR), lambda i: (i, 0, 0)),
        out_shape=jax.ShapeDtypeStruct((NB_TC, 1, BR), jnp.float32),
    )(pred, tgt3)
    return out.reshape(R_TC)


def _select_body(m_ref, s_ref, psc_ref, ltc_ref, out_ref):
    loss_sc = m_ref[...] + jnp.log(s_ref[...]) - psc_ref[...]
    vals = jnp.concatenate([loss_sc, ltc_ref[...]])
    u = lax.bitcast_convert_type(vals, jnp.uint32)
    sk = u ^ jnp.where(
        u >= jnp.uint32(0x80000000),
        jnp.uint32(0xFFFFFFFF),
        jnp.uint32(0x80000000),
    )

    def body(it, p):
        cand = p | (jnp.uint32(1) << (31 - it).astype(jnp.uint32))
        cnt = jnp.sum((sk >= cand).astype(jnp.int32))
        return jnp.where(cnt >= K, cand, p)

    p = lax.fori_loop(0, 32, body, jnp.uint32(0))

    gt = sk > p
    cnt_gt = jnp.sum(gt.astype(jnp.int32))
    sum_gt = jnp.sum(jnp.where(gt, vals, 0.0))
    orig = jnp.where(
        (p & jnp.uint32(0x80000000)) != jnp.uint32(0),
        p ^ jnp.uint32(0x80000000),
        ~p,
    )
    tau = lax.bitcast_convert_type(orig, jnp.float32)
    total = sum_gt + (K - cnt_gt).astype(jnp.float32) * tau
    out_ref[0, 0] = total / K


def _select(m_sc, s_sc, p_sc, loss_tc):
    return pl.pallas_call(
        _select_body,
        out_specs=pl.BlockSpec(memory_space=pltpu.SMEM),
        out_shape=jax.ShapeDtypeStruct((1, 1), jnp.float32),
    )(m_sc, s_sc, p_sc, loss_tc)


def kernel(pred, target):
    tgt = target.astype(jnp.int32)
    m_sc, s_sc, p_sc = _sc_ce(pred, tgt)
    loss_tc = _tc_loss(pred, tgt)
    out = _select(m_sc, s_sc, p_sc, loss_tc)
    return out[0, 0]

# --- scband reference (transcript-rebuilt; emitter-appended) ---
"""Pipeline reference for scband-ohemcross-entropy-loss-4526895530248 (READ-ONLY COPY).

The authoritative reference and input builder live on the scoring server;
editing this copy changes nothing except your own understanding.
"""

import jax, jax.numpy as jnp
import numpy as np

RATIO = 0.7

def setup_inputs(seed: int = 0) -> dict:
    key = jax.random.key(seed)
    k1, k2 = jax.random.split(key)
    pred = jax.random.normal(k1, (16384, 1000), dtype=jnp.float32)
    target = jax.random.randint(k2, (16384,), 0, 1000, dtype=jnp.int64 if jax.config.read('jax_enable_x64') else jnp.int32)
    return {"pred": pred, "target": target}

def reference(pred, target):
    batch_size = pred.shape[0]
    # per-example cross entropy: logsumexp(pred) - pred[i, target[i]]
    lse = jax.nn.logsumexp(pred, axis=1)
    picked = jnp.take_along_axis(pred, target[:, None].astype(jnp.int32), axis=1)[:, 0]
    losses = lse - picked
    # sort descending
    idx = jnp.argsort(-losses)
    keep_num = min(losses.shape[0], int(batch_size * RATIO))
    keep_idx = idx[:keep_num]
    keep_losses = jnp.take(losses, keep_idx, axis=0)
    return keep_losses.sum() / keep_num

if __name__ == "__main__":
    import jax
    _d = setup_inputs()
    print(jax.jit(kernel)(*tuple(_d.values())))

</pallas_src>

<mosaic_0001>
#map = affine_map<(d0, d1) -> (0, 0)>
#map1 = affine_map<(d0, d1) -> (0)>
module attributes {stable_mosaic.version = 14 : i64} {
  func.func @_sc_body(%arg0: i32, %arg1: i32, %arg2: memref<16384x1000xf32, #tpu.memory_space<hbm>>, %arg3: memref<16384xi32, #tpu.memory_space<hbm>>, %arg4: memref<8192xf32, #tpu.memory_space<hbm>>, %arg5: memref<8192xf32, #tpu.memory_space<hbm>>, %arg6: memref<8192xf32, #tpu.memory_space<hbm>>, %arg7: memref<32x1000xf32, #tpu.memory_space<vmem>>, %arg8: memref<32x1000xf32, #tpu.memory_space<vmem>>, %arg9: memref<256xi32, #tpu.memory_space<vmem>>, %arg10: memref<256xf32, #tpu.memory_space<vmem>>, %arg11: memref<256xf32, #tpu.memory_space<vmem>>, %arg12: memref<256xf32, #tpu.memory_space<vmem>>, %arg13: memref<!tpu.dma_semaphore, #tpu.memory_space<semaphore_mem>>, %arg14: memref<!tpu.dma_semaphore, #tpu.memory_space<semaphore_mem>>) attributes {dimension_semantics = [#tpu.dimension_semantics<core_parallel>, #tpu.dimension_semantics<subcore_parallel>], iteration_bounds = array<i64: 2, 16>, scalar_prefetch = 0 : i64, scratch_operands = 8 : i64, tpu.core_type = #tpu.core_type<sc_vector_subcore>, window_params = [{transform_indices = #map}, {transform_indices = #map1}, {transform_indices = #map1}, {transform_indices = #map1}, {transform_indices = #map1}]} {
    %mul3A = arith.constant 2 : i32
    %mul3A_0 = arith.muli %arg1, %mul3A : i32
    %add3A = arith.addi %mul3A_0, %arg0 : i32
    %mul3A_1 = arith.constant 256 : i32
    %mul3A_2 = arith.muli %add3A, %mul3A_1 : i32
    %iota3A = tpu.iota {dimensions = array<i32: 0>} : vector<16xi32>
    %mul3A_3 = arith.constant 1000 : i32
    %mul3A_4 = vector.broadcast %mul3A_3 : i32 to vector<16xi32>
    %mul3A_5 = arith.muli %iota3A, %mul3A_4 : vector<16xi32>
    "tpu.region"() ({
      %run_scoped3A = tpu.sem_alloc : memref<!tpu.dma_semaphore, #tpu.memory_space<semaphore_mem>>
      %dma_start3A_23 = tpu.memref_slice %arg3[%mul3A_2] : memref<16384xi32, #tpu.memory_space<hbm>> -> memref<256xi32, #tpu.memory_space<hbm>>
      %dma_start3A_24 = tpu.memref_slice %arg3[%mul3A_2] : memref<16384xi32, #tpu.memory_space<hbm>> -> memref<256xi32, #tpu.memory_space<hbm>>
      tpu.enqueue_dma source(%dma_start3A_24 : memref<256xi32, #tpu.memory_space<hbm>>) target(%arg9 : memref<256xi32, #tpu.memory_space<vmem>>) target_semaphore(%run_scoped3A : memref<!tpu.dma_semaphore, #tpu.memory_space<semaphore_mem>>)
      %dma_wait3A = tpu.memref_slice %arg3[%mul3A_2] : memref<16384xi32, #tpu.memory_space<hbm>> -> memref<256xi32, #tpu.memory_space<hbm>>
      %dma_wait3A_25 = tpu.memref_slice %arg3[%mul3A_2] : memref<16384xi32, #tpu.memory_space<hbm>> -> memref<256xi32, #tpu.memory_space<hbm>>
      tpu.wait_dma2 semaphore(%run_scoped3A : memref<!tpu.dma_semaphore, #tpu.memory_space<semaphore_mem>>) src(%dma_wait3A_25 : memref<256xi32, #tpu.memory_space<hbm>>) dst(%arg9 : memref<256xi32, #tpu.memory_space<vmem>>)
      tpu.yield
    }) : () -> ()
    %add3A_6 = arith.constant 0 : i32
    %add3A_7 = arith.addi %mul3A_2, %add3A_6 : i32
    %dma_start3A = arith.constant 0 : i32
    %dma_start3A_8 = tpu.memref_slice %arg2[%add3A_7, %dma_start3A] : memref<16384x1000xf32, #tpu.memory_space<hbm>> -> memref<32x1000xf32, #tpu.memory_space<hbm>>
    %dma_start3A_9 = arith.constant 0 : i32
    %dma_start3A_10 = tpu.memref_slice %arg2[%add3A_7, %dma_start3A_9] : memref<16384x1000xf32, #tpu.memory_space<hbm>> -> memref<32x1000xf32, #tpu.memory_space<hbm>>
    tpu.enqueue_dma source(%dma_start3A_10 : memref<32x1000xf32, #tpu.memory_space<hbm>>) target(%arg7 : memref<32x1000xf32, #tpu.memory_space<vmem>>) target_semaphore(%arg13 : memref<!tpu.dma_semaphore, #tpu.memory_space<semaphore_mem>>)
    %add3A_11 = arith.constant 32 : i32
    %add3A_12 = arith.addi %mul3A_2, %add3A_11 : i32
    %dma_start3A_13 = arith.constant 0 : i32
    %dma_start3A_14 = tpu.memref_slice %arg2[%add3A_12, %dma_start3A_13] : memref<16384x1000xf32, #tpu.memory_space<hbm>> -> memref<32x1000xf32, #tpu.memory_space<hbm>>
    %dma_start3A_15 = arith.constant 0 : i32
    %dma_start3A_16 = tpu.memref_slice %arg2[%add3A_12, %dma_start3A_15] : memref<16384x1000xf32, #tpu.memory_space<hbm>> -> memref<32x1000xf32, #tpu.memory_space<hbm>>
    tpu.enqueue_dma source(%dma_start3A_16 : memref<32x1000xf32, #tpu.memory_space<hbm>>) target(%arg8 : memref<32x1000xf32, #tpu.memory_space<vmem>>) target_semaphore(%arg14 : memref<!tpu.dma_semaphore, #tpu.memory_space<semaphore_mem>>)
    %scan3A = arith.constant 0 : i32
    %scan3A_17 = arith.constant 0 : i32
    %scan3A_18 = arith.constant 4 : i32
    %scan3A_19 = arith.addi %scan3A_17, %scan3A_18 : i32
    %scan3A_20 = arith.constant 1 : i32
    %scan3A_21 = scf.for %scan3A_23 = %scan3A_17 to %scan3A_19 step %scan3A_20 iter_args(%scan3A_24 = %scan3A) -> (i32)  : i32 {
      %mul3A_25 = arith.constant 2 : i32
      %mul3A_26 = arith.muli %scan3A_23, %mul3A_25 : i32
      %mul3A_27 = arith.constant 32 : i32
      %mul3A_28 = arith.muli %mul3A_26, %mul3A_27 : i32
      %add3A_29 = arith.addi %mul3A_2, %mul3A_28 : i32
      %dma_wait3A = arith.constant 0 : i32
      %dma_wait3A_30 = tpu.memref_slice %arg2[%add3A_29, %dma_wait3A] : memref<16384x1000xf32, #tpu.memory_space<hbm>> -> memref<32x1000xf32, #tpu.memory_space<hbm>>
      %dma_wait3A_31 = arith.constant 0 : i32
      %dma_wait3A_32 = tpu.memref_slice %arg2[%add3A_29, %dma_wait3A_31] : memref<16384x1000xf32, #tpu.memory_space<hbm>> -> memref<32x1000xf32, #tpu.memory_space<hbm>>
      tpu.wait_dma2 semaphore(%arg13 : memref<!tpu.dma_semaphore, #tpu.memory_space<semaphore_mem>>) src(%dma_wait3A_32 : memref<32x1000xf32, #tpu.memory_space<hbm>>) dst(%arg7 : memref<32x1000xf32, #tpu.memory_space<vmem>>)
      %add3A_33 = arith.constant 0 : i32
      %add3A_34 = vector.broadcast %add3A_33 : i32 to vector<16xi32>
      %add3A_35 = arith.addi %iota3A, %add3A_34 : vector<16xi32>
      %broadcast_in_dim3A = arith.constant 0xFF800000 : f32
      %broadcast_in_dim3A_36 = vector.broadcast %broadcast_in_dim3A : f32 to vector<16xf32>
      %scan3A_37 = arith.constant 0 : i32
      %scan3A_38 = arith.constant 40 : i32
      %scan3A_39 = arith.addi %scan3A_37, %scan3A_38 : i32
      %scan3A_40 = arith.constant 1 : i32
      %scan3A_41 = scf.for %scan3A_180 = %scan3A_37 to %scan3A_39 step %scan3A_40 iter_args(%scan3A_181 = %broadcast_in_dim3A_36) -> (vector<16xf32>)  : i32 {
        %mul3A_182 = arith.constant 25 : i32
        %mul3A_183 = arith.muli %scan3A_180, %mul3A_182 : i32
        %add3A_184 = arith.constant 0 : i32
        %add3A_185 = arith.addi %mul3A_183, %add3A_184 : i32
        %broadcast_in_dim3A_186 = arith.constant 0 : i32
        %broadcast_in_dim3A_187 = vector.broadcast %broadcast_in_dim3A_186 : i32 to vector<16xi32>
        %add3A_188 = vector.broadcast %add3A_185 : i32 to vector<16xi32>
        %add3A_189 = arith.addi %add3A_188, %broadcast_in_dim3A_187 : vector<16xi32>
        %gather3A_190 = tpu.vector_load_idx %arg7[%add3A_35, %add3A_189] : memref<32x1000xf32, #tpu.memory_space<vmem>>[vector<16xi32>, vector<16xi32>], vector<16xf32>,
        %max3A = arith.maximumf %scan3A_181, %gather3A_190 : vector<16xf32>
        %mul3A_191 = arith.constant 25 : i32
        %mul3A_192 = arith.muli %scan3A_180, %mul3A_191 : i32
        %add3A_193 = arith.constant 1 : i32
        %add3A_194 = arith.addi %mul3A_192, %add3A_193 : i32
        %broadcast_in_dim3A_195 = arith.constant 0 : i32
        %broadcast_in_dim3A_196 = vector.broadcast %broadcast_in_dim3A_195 : i32 to vector<16xi32>
        %add3A_197 = vector.broadcast %add3A_194 : i32 to vector<16xi32>
        %add3A_198 = arith.addi %add3A_197, %broadcast_in_dim3A_196 : vector<16xi32>
        %gather3A_199 = tpu.vector_load_idx %arg7[%add3A_35, %add3A_198] : memref<32x1000xf32, #tpu.memory_space<vmem>>[vector<16xi32>, vector<16xi32>], vector<16xf32>,
        %max3A_200 = arith.maximumf %max3A, %gather3A_199 : vector<16xf32>
        %mul3A_201 = arith.constant 25 : i32
        %mul3A_202 = arith.muli %scan3A_180, %mul3A_201 : i32
        %add3A_203 = arith.constant 2 : i32
        %add3A_204 = arith.addi %mul3A_202, %add3A_203 : i32
        %broadcast_in_dim3A_205 = arith.constant 0 : i32
        %broadcast_in_dim3A_206 = vector.broadcast %broadcast_in_dim3A_205 : i32 to vector<16xi32>
        %add3A_207 = vector.broadcast %add3A_204 : i32 to vector<16xi32>
        %add3A_208 = arith.addi %add3A_207, %broadcast_in_dim3A_206 : vector<16xi32>
        %gather3A_209 = tpu.vector_load_idx %arg7[%add3A_35, %add3A_208] : memref<32x1000xf32, #tpu.memory_space<vmem>>[vector<16xi32>, vector<16xi32>], vector<16xf32>,
        %max3A_210 = arith.maximumf %max3A_200, %gather3A_209 : vector<16xf32>
        %mul3A_211 = arith.constant 25 : i32
        %mul3A_212 = arith.muli %scan3A_180, %mul3A_211 : i32
        %add3A_213 = arith.constant 3 : i32
        %add3A_214 = arith.addi %mul3A_212, %add3A_213 : i32
        %broadcast_in_dim3A_215 = arith.constant 0 : i32
        %broadcast_in_dim3A_216 = vector.broadcast %broadcast_in_dim3A_215 : i32 to vector<16xi32>
        %add3A_217 = vector.broadcast %add3A_214 : i32 to vector<16xi32>
        %add3A_218 = arith.addi %add3A_217, %broadcast_in_dim3A_216 : vector<16xi32>
        %gather3A_219 = tpu.vector_load_idx %arg7[%add3A_35, %add3A_218] : memref<32x1000xf32, #tpu.memory_space<vmem>>[vector<16xi32>, vector<16xi32>], vector<16xf32>,
        %max3A_220 = arith.maximumf %max3A_210, %gather3A_219 : vector<16xf32>
        %mul3A_221 = arith.constant 25 : i32
        %mul3A_222 = arith.muli %scan3A_180, %mul3A_221 : i32
        %add3A_223 = arith.constant 4 : i32
        %add3A_224 = arith.addi %mul3A_222, %add3A_223 : i32
        %broadcast_in_dim3A_225 = arith.constant 0 : i32
        %broadcast_in_dim3A_226 = vector.broadcast %broadcast_in_dim3A_225 : i32 to vector<16xi32>
        %add3A_227 = vector.broadcast %add3A_224 : i32 to vector<16xi32>
        %add3A_228 = arith.addi %add3A_227, %broadcast_in_dim3A_226 : vector<16xi32>
        %gather3A_229 = tpu.vector_load_idx %arg7[%add3A_35, %add3A_228] : memref<32x1000xf32, #tpu.memory_space<vmem>>[vector<16xi32>, vector<16xi32>], vector<16xf32>,
        %max3A_230 = arith.maximumf %max3A_220, %gather3A_229 : vector<16xf32>
        %mul3A_231 = arith.constant 25 : i32
        %mul3A_232 = arith.muli %scan3A_180, %mul3A_231 : i32
        %add3A_233 = arith.constant 5 : i32
        %add3A_234 = arith.addi %mul3A_232, %add3A_233 : i32
        %broadcast_in_dim3A_235 = arith.constant 0 : i32
        %broadcast_in_dim3A_236 = vector.broadcast %broadcast_in_dim3A_235 : i32 to vector<16xi32>
        %add3A_237 = vector.broadcast %add3A_234 : i32 to vector<16xi32>
        %add3A_238 = arith.addi %add3A_237, %broadcast_in_dim3A_236 : vector<16xi32>
        %gather3A_239 = tpu.vector_load_idx %arg7[%add3A_35, %add3A_238] : memref<32x1000xf32, #tpu.memory_space<vmem>>[vector<16xi32>, vector<16xi32>], vector<16xf32>,
        %max3A_240 = arith.maximumf %max3A_230, %gather3A_239 : vector<16xf32>
        %mul3A_241 = arith.constant 25 : i32
        %mul3A_242 = arith.muli %scan3A_180, %mul3A_241 : i32
        %add3A_243 = arith.constant 6 : i32
        %add3A_244 = arith.addi %mul3A_242, %add3A_243 : i32
        %broadcast_in_dim3A_245 = arith.constant 0 : i32
        %broadcast_in_dim3A_246 = vector.broadcast %broadcast_in_dim3A_245 : i32 to vector<16xi32>
        %add3A_247 = vector.broadcast %add3A_244 : i32 to vector<16xi32>
        %add3A_248 = arith.addi %add3A_247, %broadcast_in_dim3A_246 : vector<16xi32>
        %gather3A_249 = tpu.vector_load_idx %arg7[%add3A_35, %add3A_248] : memref<32x1000xf32, #tpu.memory_space<vmem>>[vector<16xi32>, vector<16xi32>], vector<16xf32>,
        %max3A_250 = arith.maximumf %max3A_240, %gather3A_249 : vector<16xf32>
        %mul3A_251 = arith.constant 25 : i32
        %mul3A_252 = arith.muli %scan3A_180, %mul3A_251 : i32
        %add3A_253 = arith.constant 7 : i32
        %add3A_254 = arith.addi %mul3A_252, %add3A_253 : i32
        %broadcast_in_dim3A_255 = arith.constant 0 : i32
        %broadcast_in_dim3A_256 = vector.broadcast %broadcast_in_dim3A_255 : i32 to vector<16xi32>
        %add3A_257 = vector.broadcast %add3A_254 : i32 to vector<16xi32>
        %add3A_258 = arith.addi %add3A_257, %broadcast_in_dim3A_256 : vector<16xi32>
        %gather3A_259 = tpu.vector_load_idx %arg7[%add3A_35, %add3A_258] : memref<32x1000xf32, #tpu.memory_space<vmem>>[vector<16xi32>, vector<16xi32>], vector<16xf32>,
        %max3A_260 = arith.maximumf %max3A_250, %gather3A_259 : vector<16xf32>
        %mul3A_261 = arith.constant 25 : i32
        %mul3A_262 = arith.muli %scan3A_180, %mul3A_261 : i32
        %add3A_263 = arith.constant 8 : i32
        %add3A_264 = arith.addi %mul3A_262, %add3A_263 : i32
        %broadcast_in_dim3A_265 = arith.constant 0 : i32
        %broadcast_in_dim3A_266 = vector.broadcast %broadcast_in_dim3A_265 : i32 to vector<16xi32>
        %add3A_267 = vector.broadcast %add3A_264 : i32 to vector<16xi32>
        %add3A_268 = arith.addi %add3A_267, %broadcast_in_dim3A_266 : vector<16xi32>
        %gather3A_269 = tpu.vector_load_idx %arg7[%add3A_35, %add3A_268] : memref<32x1000xf32, #tpu.memory_space<vmem>>[vector<16xi32>, vector<16xi32>], vector<16xf32>,
        %max3A_270 = arith.maximumf %max3A_260, %gather3A_269 : vector<16xf32>
        %mul3A_271 = arith.constant 25 : i32
        %mul3A_272 = arith.muli %scan3A_180, %mul3A_271 : i32
        %add3A_273 = arith.constant 9 : i32
        %add3A_274 = arith.addi %mul3A_272, %add3A_273 : i32
        %broadcast_in_dim3A_275 = arith.constant 0 : i32
        %broadcast_in_dim3A_276 = vector.broadcast %broadcast_in_dim3A_275 : i32 to vector<16xi32>
        %add3A_277 = vector.broadcast %add3A_274 : i32 to vector<16xi32>
        %add3A_278 = arith.addi %add3A_277, %broadcast_in_dim3A_276 : vector<16xi32>
        %gather3A_279 = tpu.vector_load_idx %arg7[%add3A_35, %add3A_278] : memref<32x1000xf32, #tpu.memory_space<vmem>>[vector<16xi32>, vector<16xi32>], vector<16xf32>,
        %max3A_280 = arith.maximumf %max3A_270, %gather3A_279 : vector<16xf32>
        %mul3A_281 = arith.constant 25 : i32
        %mul3A_282 = arith.muli %scan3A_180, %mul3A_281 : i32
        %add3A_283 = arith.constant 10 : i32
        %add3A_284 = arith.addi %mul3A_282, %add3A_283 : i32
        %broadcast_in_dim3A_285 = arith.constant 0 : i32
        %broadcast_in_dim3A_286 = vector.broadcast %broadcast_in_dim3A_285 : i32 to vector<16xi32>
        %add3A_287 = vector.broadcast %add3A_284 : i32 to vector<16xi32>
        %add3A_288 = arith.addi %add3A_287, %broadcast_in_dim3A_286 : vector<16xi32>
        %gather3A_289 = tpu.vector_load_idx %arg7[%add3A_35, %add3A_288] : memref<32x1000xf32, #tpu.memory_space<vmem>>[vector<16xi32>, vector<16xi32>], vector<16xf32>,
        %max3A_290 = arith.maximumf %max3A_280, %gather3A_289 : vector<16xf32>
        %mul3A_291 = arith.constant 25 : i32
        %mul3A_292 = arith.muli %scan3A_180, %mul3A_291 : i32
        %add3A_293 = arith.constant 11 : i32
        %add3A_294 = arith.addi %mul3A_292, %add3A_293 : i32
        %broadcast_in_dim3A_295 = arith.constant 0 : i32
        %broadcast_in_dim3A_296 = vector.broadcast %broadcast_in_dim3A_295 : i32 to vector<16xi32>
        %add3A_297 = vector.broadcast %add3A_294 : i32 to vector<16xi32>
        %add3A_298 = arith.addi %add3A_297, %broadcast_in_dim3A_296 : vector<16xi32>
        %gather3A_299 = tpu.vector_load_idx %arg7[%add3A_35, %add3A_298] : memref<32x1000xf32, #tpu.memory_space<vmem>>[vector<16xi32>, vector<16xi32>], vector<16xf32>,
        %max3A_300 = arith.maximumf %max3A_290, %gather3A_299 : vector<16xf32>
        %mul3A_301 = arith.constant 25 : i32
        %mul3A_302 = arith.muli %scan3A_180, %mul3A_301 : i32
        %add3A_303 = arith.constant 12 : i32
        %add3A_304 = arith.addi %mul3A_302, %add3A_303 : i32
        %broadcast_in_dim3A_305 = arith.constant 0 : i32
        %broadcast_in_dim3A_306 = vector.broadcast %broadcast_in_dim3A_305 : i32 to vector<16xi32>
        %add3A_307 = vector.broadcast %add3A_304 : i32 to vector<16xi32>
        %add3A_308 = arith.addi %add3A_307, %broadcast_in_dim3A_306 : vector<16xi32>
        %gather3A_309 = tpu.vector_load_idx %arg7[%add3A_35, %add3A_308] : memref<32x1000xf32, #tpu.memory_space<vmem>>[vector<16xi32>, vector<16xi32>], vector<16xf32>,
        %max3A_310 = arith.maximumf %max3A_300, %gather3A_309 : vector<16xf32>
        %mul3A_311 = arith.constant 25 : i32
        %mul3A_312 = arith.muli %scan3A_180, %mul3A_311 : i32
        %add3A_313 = arith.constant 13 : i32
        %add3A_314 = arith.addi %mul3A_312, %add3A_313 : i32
        %broadcast_in_dim3A_315 = arith.constant 0 : i32
        %broadcast_in_dim3A_316 = vector.broadcast %broadcast_in_dim3A_315 : i32 to vector<16xi32>
        %add3A_317 = vector.broadcast %add3A_314 : i32 to vector<16xi32>
        %add3A_318 = arith.addi %add3A_317, %broadcast_in_dim3A_316 : vector<16xi32>
        %gather3A_319 = tpu.vector_load_idx %arg7[%add3A_35, %add3A_318] : memref<32x1000xf32, #tpu.memory_space<vmem>>[vector<16xi32>, vector<16xi32>], vector<16xf32>,
        %max3A_320 = arith.maximumf %max3A_310, %gather3A_319 : vector<16xf32>
        %mul3A_321 = arith.constant 25 : i32
        %mul3A_322 = arith.muli %scan3A_180, %mul3A_321 : i32
        %add3A_323 = arith.constant 14 : i32
        %add3A_324 = arith.addi %mul3A_322, %add3A_323 : i32
        %broadcast_in_dim3A_325 = arith.constant 0 : i32
        %broadcast_in_dim3A_326 = vector.broadcast %broadcast_in_dim3A_325 : i32 to vector<16xi32>
        %add3A_327 = vector.broadcast %add3A_324 : i32 to vector<16xi32>
        %add3A_328 = arith.addi %add3A_327, %broadcast_in_dim3A_326 : vector<16xi32>
        %gather3A_329 = tpu.vector_load_idx %arg7[%add3A_35, %add3A_328] : memref<32x1000xf32, #tpu.memory_space<vmem>>[vector<16xi32>, vector<16xi32>], vector<16xf32>,
        %max3A_330 = arith.maximumf %max3A_320, %gather3A_329 : vector<16xf32>
        %mul3A_331 = arith.constant 25 : i32
        %mul3A_332 = arith.muli %scan3A_180, %mul3A_331 : i32
        %add3A_333 = arith.constant 15 : i32
        %add3A_334 = arith.addi %mul3A_332, %add3A_333 : i32
        %broadcast_in_dim3A_335 = arith.constant 0 : i32
        %broadcast_in_dim3A_336 = vector.broadcast %broadcast_in_dim3A_335 : i32 to vector<16xi32>
        %add3A_337 = vector.broadcast %add3A_334 : i32 to vector<16xi32>
        %add3A_338 = arith.addi %add3A_337, %broadcast_in_dim3A_336 : vector<16xi32>
        %gather3A_339 = tpu.vector_load_idx %arg7[%add3A_35, %add3A_338] : memref<32x1000xf32, #tpu.memory_space<vmem>>[vector<16xi32>, vector<16xi32>], vector<16xf32>,
        %max3A_340 = arith.maximumf %max3A_330, %gather3A_339 : vector<16xf32>
        %mul3A_341 = arith.constant 25 : i32
        %mul3A_342 = arith.muli %scan3A_180, %mul3A_341 : i32
        %add3A_343 = arith.constant 16 : i32
        %add3A_344 = arith.addi %mul3A_342, %add3A_343 : i32
        %broadcast_in_dim3A_345 = arith.constant 0 : i32
        %broadcast_in_dim3A_346 = vector.broadcast %broadcast_in_dim3A_345 : i32 to vector<16xi32>
        %add3A_347 = vector.broadcast %add3A_344 : i32 to vector<16xi32>
        %add3A_348 = arith.addi %add3A_347, %broadcast_in_dim3A_346 : vector<16xi32>
        %gather3A_349 = tpu.vector_load_idx %arg7[%add3A_35, %add3A_348] : memref<32x1000xf32, #tpu.memory_space<vmem>>[vector<16xi32>, vector<16xi32>], vector<16xf32>,
        %max3A_350 = arith.maximumf %max3A_340, %gather3A_349 : vector<16xf32>
        %mul3A_351 = arith.constant 25 : i32
        %mul3A_352 = arith.muli %scan3A_180, %mul3A_351 : i32
        %add3A_353 = arith.constant 17 : i32
        %add3A_354 = arith.addi %mul3A_352, %add3A_353 : i32
        %broadcast_in_dim3A_355 = arith.constant 0 : i32
        %broadcast_in_dim3A_356 = vector.broadcast %broadcast_in_dim3A_355 : i32 to vector<16xi32>
        %add3A_357 = vector.broadcast %add3A_354 : i32 to vector<16xi32>
        %add3A_358 = arith.addi %add3A_357, %broadcast_in_dim3A_356 : vector<16xi32>
        %gather3A_359 = tpu.vector_load_idx %arg7[%add3A_35, %add3A_358] : memref<32x1000xf32, #tpu.memory_space<vmem>>[vector<16xi32>, vector<16xi32>], vector<16xf32>,
        %max3A_360 = arith.maximumf %max3A_350, %gather3A_359 : vector<16xf32>
        %mul3A_361 = arith.constant 25 : i32
        %mul3A_362 = arith.muli %scan3A_180, %mul3A_361 : i32
        %add3A_363 = arith.constant 18 : i32
        %add3A_364 = arith.addi %mul3A_362, %add3A_363 : i32
        %broadcast_in_dim3A_365 = arith.constant 0 : i32
        %broadcast_in_dim3A_366 = vector.broadcast %broadcast_in_dim3A_365 : i32 to vector<16xi32>
        %add3A_367 = vector.broadcast %add3A_364 : i32 to vector<16xi32>
        %add3A_368 = arith.addi %add3A_367, %broadcast_in_dim3A_366 : vector<16xi32>
        %gather3A_369 = tpu.vector_load_idx %arg7[%add3A_35, %add3A_368] : memref<32x1000xf32, #tpu.memory_space<vmem>>[vector<16xi32>, vector<16xi32>], vector<16xf32>,
        %max3A_370 = arith.maximumf %max3A_360, %gather3A_369 : vector<16xf32>
        %mul3A_371 = arith.constant 25 : i32
        %mul3A_372 = arith.muli %scan3A_180, %mul3A_371 : i32
        %add3A_373 = arith.constant 19 : i32
        %add3A_374 = arith.addi %mul3A_372, %add3A_373 : i32
        %broadcast_in_dim3A_375 = arith.constant 0 : i32
        %broadcast_in_dim3A_376 = vector.broadcast %broadcast_in_dim3A_375 : i32 to vector<16xi32>
        %add3A_377 = vector.broadcast %add3A_374 : i32 to vector<16xi32>
        %add3A_378 = arith.addi %add3A_377, %broadcast_in_dim3A_376 : vector<16xi32>
        %gather3A_379 = tpu.vector_load_idx %arg7[%add3A_35, %add3A_378] : memref<32x1000xf32, #tpu.memory_space<vmem>>[vector<16xi32>, vector<16xi32>], vector<16xf32>,
        %max3A_380 = arith.maximumf %max3A_370, %gather3A_379 : vector<16xf32>
        %mul3A_381 = arith.constant 25 : i32
        %mul3A_382 = arith.muli %scan3A_180, %mul3A_381 : i32
        %add3A_383 = arith.constant 20 : i32
        %add3A_384 = arith.addi %mul3A_382, %add3A_383 : i32
        %broadcast_in_dim3A_385 = arith.constant 0 : i32
        %broadcast_in_dim3A_386 = vector.broadcast %broadcast_in_dim3A_385 : i32 to vector<16xi32>
        %add3A_387 = vector.broadcast %add3A_384 : i32 to vector<16xi32>
        %add3A_388 = arith.addi %add3A_387, %broadcast_in_dim3A_386 : vector<16xi32>
        %gather3A_389 = tpu.vector_load_idx %arg7[%add3A_35, %add3A_388] : memref<32x1000xf32, #tpu.memory_space<vmem>>[vector<16xi32>, vector<16xi32>], vector<16xf32>,
        %max3A_390 = arith.maximumf %max3A_380, %gather3A_389 : vector<16xf32>
        %mul3A_391 = arith.constant 25 : i32
        %mul3A_392 = arith.muli %scan3A_180, %mul3A_391 : i32
        %add3A_393 = arith.constant 21 : i32
        %add3A_394 = arith.addi %mul3A_392, %add3A_393 : i32
        %broadcast_in_dim3A_395 = arith.constant 0 : i32
        %broadcast_in_dim3A_396 = vector.broadcast %broadcast_in_dim3A_395 : i32 to vector<16xi32>
        %add3A_397 = vector.broadcast %add3A_394 : i32 to vector<16xi32>
        %add3A_398 = arith.addi %add3A_397, %broadcast_in_dim3A_396 : vector<16xi32>
        %gather3A_399 = tpu.vector_load_idx %arg7[%add3A_35, %add3A_398] : memref<32x1000xf32, #tpu.memory_space<vmem>>[vector<16xi32>, vector<16xi32>], vector<16xf32>,
        %max3A_400 = arith.maximumf %max3A_390, %gather3A_399 : vector<16xf32>
        %mul3A_401 = arith.constant 25 : i32
        %mul3A_402 = arith.muli %scan3A_180, %mul3A_401 : i32
        %add3A_403 = arith.constant 22 : i32
        %add3A_404 = arith.addi %mul3A_402, %add3A_403 : i32
        %broadcast_in_dim3A_405 = arith.constant 0 : i32
        %broadcast_in_dim3A_406 = vector.broadcast %broadcast_in_dim3A_405 : i32 to vector<16xi32>
        %add3A_407 = vector.broadcast %add3A_404 : i32 to vector<16xi32>
        %add3A_408 = arith.addi %add3A_407, %broadcast_in_dim3A_406 : vector<16xi32>
        %gather3A_409 = tpu.vector_load_idx %arg7[%add3A_35, %add3A_408] : memref<32x1000xf32, #tpu.memory_space<vmem>>[vector<16xi32>, vector<16xi32>], vector<16xf32>,
        %max3A_410 = arith.maximumf %max3A_400, %gather3A_409 : vector<16xf32>
        %mul3A_411 = arith.constant 25 : i32
        %mul3A_412 = arith.muli %scan3A_180, %mul3A_411 : i32
        %add3A_413 = arith.constant 23 : i32
        %add3A_414 = arith.addi %mul3A_412, %add3A_413 : i32
        %broadcast_in_dim3A_415 = arith.constant 0 : i32
        %broadcast_in_dim3A_416 = vector.broadcast %broadcast_in_dim3A_415 : i32 to vector<16xi32>
        %add3A_417 = vector.broadcast %add3A_414 : i32 to vector<16xi32>
        %add3A_418 = arith.addi %add3A_417, %broadcast_in_dim3A_416 : vector<16xi32>
        %gather3A_419 = tpu.vector_load_idx %arg7[%add3A_35, %add3A_418] : memref<32x1000xf32, #tpu.memory_space<vmem>>[vector<16xi32>, vector<16xi32>], vector<16xf32>,
        %max3A_420 = arith.maximumf %max3A_410, %gather3A_419 : vector<16xf32>
        %mul3A_421 = arith.constant 25 : i32
        %mul3A_422 = arith.muli %scan3A_180, %mul3A_421 : i32
        %add3A_423 = arith.constant 24 : i32
        %add3A_424 = arith.addi %mul3A_422, %add3A_423 : i32
        %broadcast_in_dim3A_425 = arith.constant 0 : i32
        %broadcast_in_dim3A_426 = vector.broadcast %broadcast_in_dim3A_425 : i32 to vector<16xi32>
        %add3A_427 = vector.broadcast %add3A_424 : i32 to vector<16xi32>
        %add3A_428 = arith.addi %add3A_427, %broadcast_in_dim3A_426 : vector<16xi32>
        %gather3A_429 = tpu.vector_load_idx %arg7[%add3A_35, %add3A_428] : memref<32x1000xf32, #tpu.memory_space<vmem>>[vector<16xi32>, vector<16xi32>], vector<16xf32>,
        %max3A_430 = arith.maximumf %max3A_420, %gather3A_429 : vector<16xf32>
        scf.yield %max3A_430 : vector<16xf32>
      }
      %scan3A_42 = arith.constant 40 : i32
      %broadcast_in_dim3A_43 = arith.constant 0.000000e+00 : f32
      %broadcast_in_dim3A_44 = vector.broadcast %broadcast_in_dim3A_43 : f32 to vector<16xf32>
      %scan3A_45 = arith.constant 0 : i32
      %scan3A_46 = arith.constant 40 : i32
      %scan3A_47 = arith.addi %scan3A_45, %scan3A_46 : i32
      %scan3A_48 = arith.constant 1 : i32
      %scan3A_49 = scf.for %scan3A_180 = %scan3A_45 to %scan3A_47 step %scan3A_48 iter_args(%scan3A_181 = %broadcast_in_dim3A_44) -> (vector<16xf32>)  : i32 {
        %mul3A_182 = arith.constant 25 : i32
        %mul3A_183 = arith.muli %scan3A_180, %mul3A_182 : i32
        %add3A_184 = arith.constant 0 : i32
        %add3A_185 = arith.addi %mul3A_183, %add3A_184 : i32
        %broadcast_in_dim3A_186 = arith.constant 0 : i32
        %broadcast_in_dim3A_187 = vector.broadcast %broadcast_in_dim3A_186 : i32 to vector<16xi32>
        %add3A_188 = vector.broadcast %add3A_185 : i32 to vector<16xi32>
        %add3A_189 = arith.addi %add3A_188, %broadcast_in_dim3A_187 : vector<16xi32>
        %gather3A_190 = tpu.vector_load_idx %arg7[%add3A_35, %add3A_189] : memref<32x1000xf32, #tpu.memory_space<vmem>>[vector<16xi32>, vector<16xi32>], vector<16xf32>,
        %sub3A = arith.subf %gather3A_190, %scan3A_41 : vector<16xf32>
        %exp3A = math.exp %sub3A : vector<16xf32>
        %add3A_191 = arith.addf %scan3A_181, %exp3A : vector<16xf32>
        %mul3A_192 = arith.constant 25 : i32
        %mul3A_193 = arith.muli %scan3A_180, %mul3A_192 : i32
        %add3A_194 = arith.constant 1 : i32
        %add3A_195 = arith.addi %mul3A_193, %add3A_194 : i32
        %broadcast_in_dim3A_196 = arith.constant 0 : i32
        %broadcast_in_dim3A_197 = vector.broadcast %broadcast_in_dim3A_196 : i32 to vector<16xi32>
        %add3A_198 = vector.broadcast %add3A_195 : i32 to vector<16xi32>
        %add3A_199 = arith.addi %add3A_198, %broadcast_in_dim3A_197 : vector<16xi32>
        %gather3A_200 = tpu.vector_load_idx %arg7[%add3A_35, %add3A_199] : memref<32x1000xf32, #tpu.memory_space<vmem>>[vector<16xi32>, vector<16xi32>], vector<16xf32>,
        %sub3A_201 = arith.subf %gather3A_200, %scan3A_41 : vector<16xf32>
        %exp3A_202 = math.exp %sub3A_201 : vector<16xf32>
        %add3A_203 = arith.addf %add3A_191, %exp3A_202 : vector<16xf32>
        %mul3A_204 = arith.constant 25 : i32
        %mul3A_205 = arith.muli %scan3A_180, %mul3A_204 : i32
        %add3A_206 = arith.constant 2 : i32
        %add3A_207 = arith.addi %mul3A_205, %add3A_206 : i32
        %broadcast_in_dim3A_208 = arith.constant 0 : i32
        %broadcast_in_dim3A_209 = vector.broadcast %broadcast_in_dim3A_208 : i32 to vector<16xi32>
        %add3A_210 = vector.broadcast %add3A_207 : i32 to vector<16xi32>
        %add3A_211 = arith.addi %add3A_210, %broadcast_in_dim3A_209 : vector<16xi32>
        %gather3A_212 = tpu.vector_load_idx %arg7[%add3A_35, %add3A_211] : memref<32x1000xf32, #tpu.memory_space<vmem>>[vector<16xi32>, vector<16xi32>], vector<16xf32>,
        %sub3A_213 = arith.subf %gather3A_212, %scan3A_41 : vector<16xf32>
        %exp3A_214 = math.exp %sub3A_213 : vector<16xf32>
        %add3A_215 = arith.addf %add3A_203, %exp3A_214 : vector<16xf32>
        %mul3A_216 = arith.constant 25 : i32
        %mul3A_217 = arith.muli %scan3A_180, %mul3A_216 : i32
        %add3A_218 = arith.constant 3 : i32
        %add3A_219 = arith.addi %mul3A_217, %add3A_218 : i32
        %broadcast_in_dim3A_220 = arith.constant 0 : i32
        %broadcast_in_dim3A_221 = vector.broadcast %broadcast_in_dim3A_220 : i32 to vector<16xi32>
        %add3A_222 = vector.broadcast %add3A_219 : i32 to vector<16xi32>
        %add3A_223 = arith.addi %add3A_222, %broadcast_in_dim3A_221 : vector<16xi32>
        %gather3A_224 = tpu.vector_load_idx %arg7[%add3A_35, %add3A_223] : memref<32x1000xf32, #tpu.memory_space<vmem>>[vector<16xi32>, vector<16xi32>], vector<16xf32>,
        %sub3A_225 = arith.subf %gather3A_224, %scan3A_41 : vector<16xf32>
        %exp3A_226 = math.exp %sub3A_225 : vector<16xf32>
        %add3A_227 = arith.addf %add3A_215, %exp3A_226 : vector<16xf32>
        %mul3A_228 = arith.constant 25 : i32
        %mul3A_229 = arith.muli %scan3A_180, %mul3A_228 : i32
        %add3A_230 = arith.constant 4 : i32
        %add3A_231 = arith.addi %mul3A_229, %add3A_230 : i32
        %broadcast_in_dim3A_232 = arith.constant 0 : i32
        %broadcast_in_dim3A_233 = vector.broadcast %broadcast_in_dim3A_232 : i32 to vector<16xi32>
        %add3A_234 = vector.broadcast %add3A_231 : i32 to vector<16xi32>
        %add3A_235 = arith.addi %add3A_234, %broadcast_in_dim3A_233 : vector<16xi32>
        %gather3A_236 = tpu.vector_load_idx %arg7[%add3A_35, %add3A_235] : memref<32x1000xf32, #tpu.memory_space<vmem>>[vector<16xi32>, vector<16xi32>], vector<16xf32>,
        %sub3A_237 = arith.subf %gather3A_236, %scan3A_41 : vector<16xf32>
        %exp3A_238 = math.exp %sub3A_237 : vector<16xf32>
        %add3A_239 = arith.addf %add3A_227, %exp3A_238 : vector<16xf32>
        %mul3A_240 = arith.constant 25 : i32
        %mul3A_241 = arith.muli %scan3A_180, %mul3A_240 : i32
        %add3A_242 = arith.constant 5 : i32
        %add3A_243 = arith.addi %mul3A_241, %add3A_242 : i32
        %broadcast_in_dim3A_244 = arith.constant 0 : i32
        %broadcast_in_dim3A_245 = vector.broadcast %broadcast_in_dim3A_244 : i32 to vector<16xi32>
        %add3A_246 = vector.broadcast %add3A_243 : i32 to vector<16xi32>
        %add3A_247 = arith.addi %add3A_246, %broadcast_in_dim3A_245 : vector<16xi32>
        %gather3A_248 = tpu.vector_load_idx %arg7[%add3A_35, %add3A_247] : memref<32x1000xf32, #tpu.memory_space<vmem>>[vector<16xi32>, vector<16xi32>], vector<16xf32>,
        %sub3A_249 = arith.subf %gather3A_248, %scan3A_41 : vector<16xf32>
        %exp3A_250 = math.exp %sub3A_249 : vector<16xf32>
        %add3A_251 = arith.addf %add3A_239, %exp3A_250 : vector<16xf32>
        %mul3A_252 = arith.constant 25 : i32
        %mul3A_253 = arith.muli %scan3A_180, %mul3A_252 : i32
        %add3A_254 = arith.constant 6 : i32
        %add3A_255 = arith.addi %mul3A_253, %add3A_254 : i32
        %broadcast_in_dim3A_256 = arith.constant 0 : i32
        %broadcast_in_dim3A_257 = vector.broadcast %broadcast_in_dim3A_256 : i32 to vector<16xi32>
        %add3A_258 = vector.broadcast %add3A_255 : i32 to vector<16xi32>
        %add3A_259 = arith.addi %add3A_258, %broadcast_in_dim3A_257 : vector<16xi32>
        %gather3A_260 = tpu.vector_load_idx %arg7[%add3A_35, %add3A_259] : memref<32x1000xf32, #tpu.memory_space<vmem>>[vector<16xi32>, vector<16xi32>], vector<16xf32>,
        %sub3A_261 = arith.subf %gather3A_260, %scan3A_41 : vector<16xf32>
        %exp3A_262 = math.exp %sub3A_261 : vector<16xf32>
        %add3A_263 = arith.addf %add3A_251, %exp3A_262 : vector<16xf32>
        %mul3A_264 = arith.constant 25 : i32
        %mul3A_265 = arith.muli %scan3A_180, %mul3A_264 : i32
        %add3A_266 = arith.constant 7 : i32
        %add3A_267 = arith.addi %mul3A_265, %add3A_266 : i32
        %broadcast_in_dim3A_268 = arith.constant 0 : i32
        %broadcast_in_dim3A_269 = vector.broadcast %broadcast_in_dim3A_268 : i32 to vector<16xi32>
        %add3A_270 = vector.broadcast %add3A_267 : i32 to vector<16xi32>
        %add3A_271 = arith.addi %add3A_270, %broadcast_in_dim3A_269 : vector<16xi32>
        %gather3A_272 = tpu.vector_load_idx %arg7[%add3A_35, %add3A_271] : memref<32x1000xf32, #tpu.memory_space<vmem>>[vector<16xi32>, vector<16xi32>], vector<16xf32>,
        %sub3A_273 = arith.subf %gather3A_272, %scan3A_41 : vector<16xf32>
        %exp3A_274 = math.exp %sub3A_273 : vector<16xf32>
        %add3A_275 = arith.addf %add3A_263, %exp3A_274 : vector<16xf32>
        %mul3A_276 = arith.constant 25 : i32
        %mul3A_277 = arith.muli %scan3A_180, %mul3A_276 : i32
        %add3A_278 = arith.constant 8 : i32
        %add3A_279 = arith.addi %mul3A_277, %add3A_278 : i32
        %broadcast_in_dim3A_280 = arith.constant 0 : i32
        %broadcast_in_dim3A_281 = vector.broadcast %broadcast_in_dim3A_280 : i32 to vector<16xi32>
        %add3A_282 = vector.broadcast %add3A_279 : i32 to vector<16xi32>
        %add3A_283 = arith.addi %add3A_282, %broadcast_in_dim3A_281 : vector<16xi32>
        %gather3A_284 = tpu.vector_load_idx %arg7[%add3A_35, %add3A_283] : memref<32x1000xf32, #tpu.memory_space<vmem>>[vector<16xi32>, vector<16xi32>], vector<16xf32>,
        %sub3A_285 = arith.subf %gather3A_284, %scan3A_41 : vector<16xf32>
        %exp3A_286 = math.exp %sub3A_285 : vector<16xf32>
        %add3A_287 = arith.addf %add3A_275, %exp3A_286 : vector<16xf32>
        %mul3A_288 = arith.constant 25 : i32
        %mul3A_289 = arith.muli %scan3A_180, %mul3A_288 : i32
        %add3A_290 = arith.constant 9 : i32
        %add3A_291 = arith.addi %mul3A_289, %add3A_290 : i32
        %broadcast_in_dim3A_292 = arith.constant 0 : i32
        %broadcast_in_dim3A_293 = vector.broadcast %broadcast_in_dim3A_292 : i32 to vector<16xi32>
        %add3A_294 = vector.broadcast %add3A_291 : i32 to vector<16xi32>
        %add3A_295 = arith.addi %add3A_294, %broadcast_in_dim3A_293 : vector<16xi32>
        %gather3A_296 = tpu.vector_load_idx %arg7[%add3A_35, %add3A_295] : memref<32x1000xf32, #tpu.memory_space<vmem>>[vector<16xi32>, vector<16xi32>], vector<16xf32>,
        %sub3A_297 = arith.subf %gather3A_296, %scan3A_41 : vector<16xf32>
        %exp3A_298 = math.exp %sub3A_297 : vector<16xf32>
        %add3A_299 = arith.addf %add3A_287, %exp3A_298 : vector<16xf32>
        %mul3A_300 = arith.constant 25 : i32
        %mul3A_301 = arith.muli %scan3A_180, %mul3A_300 : i32
        %add3A_302 = arith.constant 10 : i32
        %add3A_303 = arith.addi %mul3A_301, %add3A_302 : i32
        %broadcast_in_dim3A_304 = arith.constant 0 : i32
        %broadcast_in_dim3A_305 = vector.broadcast %broadcast_in_dim3A_304 : i32 to vector<16xi32>
        %add3A_306 = vector.broadcast %add3A_303 : i32 to vector<16xi32>
        %add3A_307 = arith.addi %add3A_306, %broadcast_in_dim3A_305 : vector<16xi32>
        %gather3A_308 = tpu.vector_load_idx %arg7[%add3A_35, %add3A_307] : memref<32x1000xf32, #tpu.memory_space<vmem>>[vector<16xi32>, vector<16xi32>], vector<16xf32>,
        %sub3A_309 = arith.subf %gather3A_308, %scan3A_41 : vector<16xf32>
        %exp3A_310 = math.exp %sub3A_309 : vector<16xf32>
        %add3A_311 = arith.addf %add3A_299, %exp3A_310 : vector<16xf32>
        %mul3A_312 = arith.constant 25 : i32
        %mul3A_313 = arith.muli %scan3A_180, %mul3A_312 : i32
        %add3A_314 = arith.constant 11 : i32
        %add3A_315 = arith.addi %mul3A_313, %add3A_314 : i32
        %broadcast_in_dim3A_316 = arith.constant 0 : i32
        %broadcast_in_dim3A_317 = vector.broadcast %broadcast_in_dim3A_316 : i32 to vector<16xi32>
        %add3A_318 = vector.broadcast %add3A_315 : i32 to vector<16xi32>
        %add3A_319 = arith.addi %add3A_318, %broadcast_in_dim3A_317 : vector<16xi32>
        %gather3A_320 = tpu.vector_load_idx %arg7[%add3A_35, %add3A_319] : memref<32x1000xf32, #tpu.memory_space<vmem>>[vector<16xi32>, vector<16xi32>], vector<16xf32>,
        %sub3A_321 = arith.subf %gather3A_320, %scan3A_41 : vector<16xf32>
        %exp3A_322 = math.exp %sub3A_321 : vector<16xf32>
        %add3A_323 = arith.addf %add3A_311, %exp3A_322 : vector<16xf32>
        %mul3A_324 = arith.constant 25 : i32
        %mul3A_325 = arith.muli %scan3A_180, %mul3A_324 : i32
        %add3A_326 = arith.constant 12 : i32
        %add3A_327 = arith.addi %mul3A_325, %add3A_326 : i32
        %broadcast_in_dim3A_328 = arith.constant 0 : i32
        %broadcast_in_dim3A_329 = vector.broadcast %broadcast_in_dim3A_328 : i32 to vector<16xi32>
        %add3A_330 = vector.broadcast %add3A_327 : i32 to vector<16xi32>
        %add3A_331 = arith.addi %add3A_330, %broadcast_in_dim3A_329 : vector<16xi32>
        %gather3A_332 = tpu.vector_load_idx %arg7[%add3A_35, %add3A_331] : memref<32x1000xf32, #tpu.memory_space<vmem>>[vector<16xi32>, vector<16xi32>], vector<16xf32>,
        %sub3A_333 = arith.subf %gather3A_332, %scan3A_41 : vector<16xf32>
        %exp3A_334 = math.exp %sub3A_333 : vector<16xf32>
        %add3A_335 = arith.addf %add3A_323, %exp3A_334 : vector<16xf32>
        %mul3A_336 = arith.constant 25 : i32
        %mul3A_337 = arith.muli %scan3A_180, %mul3A_336 : i32
        %add3A_338 = arith.constant 13 : i32
        %add3A_339 = arith.addi %mul3A_337, %add3A_338 : i32
        %broadcast_in_dim3A_340 = arith.constant 0 : i32
        %broadcast_in_dim3A_341 = vector.broadcast %broadcast_in_dim3A_340 : i32 to vector<16xi32>
        %add3A_342 = vector.broadcast %add3A_339 : i32 to vector<16xi32>
        %add3A_343 = arith.addi %add3A_342, %broadcast_in_dim3A_341 : vector<16xi32>
        %gather3A_344 = tpu.vector_load_idx %arg7[%add3A_35, %add3A_343] : memref<32x1000xf32, #tpu.memory_space<vmem>>[vector<16xi32>, vector<16xi32>], vector<16xf32>,
        %sub3A_345 = arith.subf %gather3A_344, %scan3A_41 : vector<16xf32>
        %exp3A_346 = math.exp %sub3A_345 : vector<16xf32>
        %add3A_347 = arith.addf %add3A_335, %exp3A_346 : vector<16xf32>
        %mul3A_348 = arith.constant 25 : i32
        %mul3A_349 = arith.muli %scan3A_180, %mul3A_348 : i32
        %add3A_350 = arith.constant 14 : i32
        %add3A_351 = arith.addi %mul3A_349, %add3A_350 : i32
        %broadcast_in_dim3A_352 = arith.constant 0 : i32
        %broadcast_in_dim3A_353 = vector.broadcast %broadcast_in_dim3A_352 : i32 to vector<16xi32>
        %add3A_354 = vector.broadcast %add3A_351 : i32 to vector<16xi32>
        %add3A_355 = arith.addi %add3A_354, %broadcast_in_dim3A_353 : vector<16xi32>
        %gather3A_356 = tpu.vector_load_idx %arg7[%add3A_35, %add3A_355] : memref<32x1000xf32, #tpu.memory_space<vmem>>[vector<16xi32>, vector<16xi32>], vector<16xf32>,
        %sub3A_357 = arith.subf %gather3A_356, %scan3A_41 : vector<16xf32>
        %exp3A_358 = math.exp %sub3A_357 : vector<16xf32>
        %add3A_359 = arith.addf %add3A_347, %exp3A_358 : vector<16xf32>
        %mul3A_360 = arith.constant 25 : i32
        %mul3A_361 = arith.muli %scan3A_180, %mul3A_360 : i32
        %add3A_362 = arith.constant 15 : i32
        %add3A_363 = arith.addi %mul3A_361, %add3A_362 : i32
        %broadcast_in_dim3A_364 = arith.constant 0 : i32
        %broadcast_in_dim3A_365 = vector.broadcast %broadcast_in_dim3A_364 : i32 to vector<16xi32>
        %add3A_366 = vector.broadcast %add3A_363 : i32 to vector<16xi32>
        %add3A_367 = arith.addi %add3A_366, %broadcast_in_dim3A_365 : vector<16xi32>
        %gather3A_368 = tpu.vector_load_idx %arg7[%add3A_35, %add3A_367] : memref<32x1000xf32, #tpu.memory_space<vmem>>[vector<16xi32>, vector<16xi32>], vector<16xf32>,
        %sub3A_369 = arith.subf %gather3A_368, %scan3A_41 : vector<16xf32>
        %exp3A_370 = math.exp %sub3A_369 : vector<16xf32>
        %add3A_371 = arith.addf %add3A_359, %exp3A_370 : vector<16xf32>
        %mul3A_372 = arith.constant 25 : i32
        %mul3A_373 = arith.muli %scan3A_180, %mul3A_372 : i32
        %add3A_374 = arith.constant 16 : i32
        %add3A_375 = arith.addi %mul3A_373, %add3A_374 : i32
        %broadcast_in_dim3A_376 = arith.constant 0 : i32
        %broadcast_in_dim3A_377 = vector.broadcast %broadcast_in_dim3A_376 : i32 to vector<16xi32>
        %add3A_378 = vector.broadcast %add3A_375 : i32 to vector<16xi32>
        %add3A_379 = arith.addi %add3A_378, %broadcast_in_dim3A_377 : vector<16xi32>
        %gather3A_380 = tpu.vector_load_idx %arg7[%add3A_35, %add3A_379] : memref<32x1000xf32, #tpu.memory_space<vmem>>[vector<16xi32>, vector<16xi32>], vector<16xf32>,
        %sub3A_381 = arith.subf %gather3A_380, %scan3A_41 : vector<16xf32>
        %exp3A_382 = math.exp %sub3A_381 : vector<16xf32>
        %add3A_383 = arith.addf %add3A_371, %exp3A_382 : vector<16xf32>
        %mul3A_384 = arith.constant 25 : i32
        %mul3A_385 = arith.muli %scan3A_180, %mul3A_384 : i32
        %add3A_386 = arith.constant 17 : i32
        %add3A_387 = arith.addi %mul3A_385, %add3A_386 : i32
        %broadcast_in_dim3A_388 = arith.constant 0 : i32
        %broadcast_in_dim3A_389 = vector.broadcast %broadcast_in_dim3A_388 : i32 to vector<16xi32>
        %add3A_390 = vector.broadcast %add3A_387 : i32 to vector<16xi32>
        %add3A_391 = arith.addi %add3A_390, %broadcast_in_dim3A_389 : vector<16xi32>
        %gather3A_392 = tpu.vector_load_idx %arg7[%add3A_35, %add3A_391] : memref<32x1000xf32, #tpu.memory_space<vmem>>[vector<16xi32>, vector<16xi32>], vector<16xf32>,
        %sub3A_393 = arith.subf %gather3A_392, %scan3A_41 : vector<16xf32>
        %exp3A_394 = math.exp %sub3A_393 : vector<16xf32>
        %add3A_395 = arith.addf %add3A_383, %exp3A_394 : vector<16xf32>
        %mul3A_396 = arith.constant 25 : i32
        %mul3A_397 = arith.muli %scan3A_180, %mul3A_396 : i32
        %add3A_398 = arith.constant 18 : i32
        %add3A_399 = arith.addi %mul3A_397, %add3A_398 : i32
        %broadcast_in_dim3A_400 = arith.constant 0 : i32
        %broadcast_in_dim3A_401 = vector.broadcast %broadcast_in_dim3A_400 : i32 to vector<16xi32>
        %add3A_402 = vector.broadcast %add3A_399 : i32 to vector<16xi32>
        %add3A_403 = arith.addi %add3A_402, %broadcast_in_dim3A_401 : vector<16xi32>
        %gather3A_404 = tpu.vector_load_idx %arg7[%add3A_35, %add3A_403] : memref<32x1000xf32, #tpu.memory_space<vmem>>[vector<16xi32>, vector<16xi32>], vector<16xf32>,
        %sub3A_405 = arith.subf %gather3A_404, %scan3A_41 : vector<16xf32>
        %exp3A_406 = math.exp %sub3A_405 : vector<16xf32>
        %add3A_407 = arith.addf %add3A_395, %exp3A_406 : vector<16xf32>
        %mul3A_408 = arith.constant 25 : i32
        %mul3A_409 = arith.muli %scan3A_180, %mul3A_408 : i32
        %add3A_410 = arith.constant 19 : i32
        %add3A_411 = arith.addi %mul3A_409, %add3A_410 : i32
        %broadcast_in_dim3A_412 = arith.constant 0 : i32
        %broadcast_in_dim3A_413 = vector.broadcast %broadcast_in_dim3A_412 : i32 to vector<16xi32>
        %add3A_414 = vector.broadcast %add3A_411 : i32 to vector<16xi32>
        %add3A_415 = arith.addi %add3A_414, %broadcast_in_dim3A_413 : vector<16xi32>
        %gather3A_416 = tpu.vector_load_idx %arg7[%add3A_35, %add3A_415] : memref<32x1000xf32, #tpu.memory_space<vmem>>[vector<16xi32>, vector<16xi32>], vector<16xf32>,
        %sub3A_417 = arith.subf %gather3A_416, %scan3A_41 : vector<16xf32>
        %exp3A_418 = math.exp %sub3A_417 : vector<16xf32>
        %add3A_419 = arith.addf %add3A_407, %exp3A_418 : vector<16xf32>
        %mul3A_420 = arith.constant 25 : i32
        %mul3A_421 = arith.muli %scan3A_180, %mul3A_420 : i32
        %add3A_422 = arith.constant 20 : i32
        %add3A_423 = arith.addi %mul3A_421, %add3A_422 : i32
        %broadcast_in_dim3A_424 = arith.constant 0 : i32
        %broadcast_in_dim3A_425 = vector.broadcast %broadcast_in_dim3A_424 : i32 to vector<16xi32>
        %add3A_426 = vector.broadcast %add3A_423 : i32 to vector<16xi32>
        %add3A_427 = arith.addi %add3A_426, %broadcast_in_dim3A_425 : vector<16xi32>
        %gather3A_428 = tpu.vector_load_idx %arg7[%add3A_35, %add3A_427] : memref<32x1000xf32, #tpu.memory_space<vmem>>[vector<16xi32>, vector<16xi32>], vector<16xf32>,
        %sub3A_429 = arith.subf %gather3A_428, %scan3A_41 : vector<16xf32>
        %exp3A_430 = math.exp %sub3A_429 : vector<16xf32>
        %add3A_431 = arith.addf %add3A_419, %exp3A_430 : vector<16xf32>
        %mul3A_432 = arith.constant 25 : i32
        %mul3A_433 = arith.muli %scan3A_180, %mul3A_432 : i32
        %add3A_434 = arith.constant 21 : i32
        %add3A_435 = arith.addi %mul3A_433, %add3A_434 : i32
        %broadcast_in_dim3A_436 = arith.constant 0 : i32
        %broadcast_in_dim3A_437 = vector.broadcast %broadcast_in_dim3A_436 : i32 to vector<16xi32>
        %add3A_438 = vector.broadcast %add3A_435 : i32 to vector<16xi32>
        %add3A_439 = arith.addi %add3A_438, %broadcast_in_dim3A_437 : vector<16xi32>
        %gather3A_440 = tpu.vector_load_idx %arg7[%add3A_35, %add3A_439] : memref<32x1000xf32, #tpu.memory_space<vmem>>[vector<16xi32>, vector<16xi32>], vector<16xf32>,
        %sub3A_441 = arith.subf %gather3A_440, %scan3A_41 : vector<16xf32>
        %exp3A_442 = math.exp %sub3A_441 : vector<16xf32>
        %add3A_443 = arith.addf %add3A_431, %exp3A_442 : vector<16xf32>
        %mul3A_444 = arith.constant 25 : i32
        %mul3A_445 = arith.muli %scan3A_180, %mul3A_444 : i32
        %add3A_446 = arith.constant 22 : i32
        %add3A_447 = arith.addi %mul3A_445, %add3A_446 : i32
        %broadcast_in_dim3A_448 = arith.constant 0 : i32
        %broadcast_in_dim3A_449 = vector.broadcast %broadcast_in_dim3A_448 : i32 to vector<16xi32>
        %add3A_450 = vector.broadcast %add3A_447 : i32 to vector<16xi32>
        %add3A_451 = arith.addi %add3A_450, %broadcast_in_dim3A_449 : vector<16xi32>
        %gather3A_452 = tpu.vector_load_idx %arg7[%add3A_35, %add3A_451] : memref<32x1000xf32, #tpu.memory_space<vmem>>[vector<16xi32>, vector<16xi32>], vector<16xf32>,
        %sub3A_453 = arith.subf %gather3A_452, %scan3A_41 : vector<16xf32>
        %exp3A_454 = math.exp %sub3A_453 : vector<16xf32>
        %add3A_455 = arith.addf %add3A_443, %exp3A_454 : vector<16xf32>
        %mul3A_456 = arith.constant 25 : i32
        %mul3A_457 = arith.muli %scan3A_180, %mul3A_456 : i32
        %add3A_458 = arith.constant 23 : i32
        %add3A_459 = arith.addi %mul3A_457, %add3A_458 : i32
        %broadcast_in_dim3A_460 = arith.constant 0 : i32
        %broadcast_in_dim3A_461 = vector.broadcast %broadcast_in_dim3A_460 : i32 to vector<16xi32>
        %add3A_462 = vector.broadcast %add3A_459 : i32 to vector<16xi32>
        %add3A_463 = arith.addi %add3A_462, %broadcast_in_dim3A_461 : vector<16xi32>
        %gather3A_464 = tpu.vector_load_idx %arg7[%add3A_35, %add3A_463] : memref<32x1000xf32, #tpu.memory_space<vmem>>[vector<16xi32>, vector<16xi32>], vector<16xf32>,
        %sub3A_465 = arith.subf %gather3A_464, %scan3A_41 : vector<16xf32>
        %exp3A_466 = math.exp %sub3A_465 : vector<16xf32>
        %add3A_467 = arith.addf %add3A_455, %exp3A_466 : vector<16xf32>
        %mul3A_468 = arith.constant 25 : i32
        %mul3A_469 = arith.muli %scan3A_180, %mul3A_468 : i32
        %add3A_470 = arith.constant 24 : i32
        %add3A_471 = arith.addi %mul3A_469, %add3A_470 : i32
        %broadcast_in_dim3A_472 = arith.constant 0 : i32
        %broadcast_in_dim3A_473 = vector.broadcast %broadcast_in_dim3A_472 : i32 to vector<16xi32>
        %add3A_474 = vector.broadcast %add3A_471 : i32 to vector<16xi32>
        %add3A_475 = arith.addi %add3A_474, %broadcast_in_dim3A_473 : vector<16xi32>
        %gather3A_476 = tpu.vector_load_idx %arg7[%add3A_35, %add3A_475] : memref<32x1000xf32, #tpu.memory_space<vmem>>[vector<16xi32>, vector<16xi32>], vector<16xf32>,
        %sub3A_477 = arith.subf %gather3A_476, %scan3A_41 : vector<16xf32>
        %exp3A_478 = math.exp %sub3A_477 : vector<16xf32>
        %add3A_479 = arith.addf %add3A_467, %exp3A_478 : vector<16xf32>
        scf.yield %add3A_479 : vector<16xf32>
      }
      %scan3A_50 = arith.constant 40 : i32
      %mul3A_51 = arith.constant 32 : i32
      %mul3A_52 = arith.muli %mul3A_26, %mul3A_51 : i32
      %add3A_53 = arith.constant 0 : i32
      %add3A_54 = arith.addi %mul3A_52, %add3A_53 : i32
      %get3A = arith.index_cast %add3A_54 : i32 to index
      %get3A_55 = tpu.vector_load %arg9[%get3A] {strides = array<i32>} : memref<256xi32, #tpu.memory_space<vmem>>, vector<16xi32>,
      %gather3A = tpu.vector_load_idx %arg7[%add3A_35, %get3A_55] : memref<32x1000xf32, #tpu.memory_space<vmem>>[vector<16xi32>, vector<16xi32>], vector<16xf32>,
      %swap3A = arith.index_cast %add3A_54 : i32 to index
      %swap3A_56 = tpu.vector_load %arg10[%swap3A] {strides = array<i32>} : memref<256xf32, #tpu.memory_space<vmem>>, vector<16xf32>,
      tpu.vector_store %arg10[%swap3A], %scan3A_41 {strides = array<i32>} : memref<256xf32, #tpu.memory_space<vmem>>, vector<16xf32>,
      %swap3A_57 = arith.index_cast %add3A_54 : i32 to index
      %swap3A_58 = tpu.vector_load %arg11[%swap3A_57] {strides = array<i32>} : memref<256xf32, #tpu.memory_space<vmem>>, vector<16xf32>,
      tpu.vector_store %arg11[%swap3A_57], %scan3A_49 {strides = array<i32>} : memref<256xf32, #tpu.memory_space<vmem>>, vector<16xf32>,
      %swap3A_59 = arith.index_cast %add3A_54 : i32 to index
      %swap3A_60 = tpu.vector_load %arg12[%swap3A_59] {strides = array<i32>} : memref<256xf32, #tpu.memory_space<vmem>>, vector<16xf32>,
      tpu.vector_store %arg12[%swap3A_59], %gather3A {strides = array<i32>} : memref<256xf32, #tpu.memory_space<vmem>>, vector<16xf32>,
      %add3A_61 = arith.constant 16 : i32
      %add3A_62 = vector.broadcast %add3A_61 : i32 to vector<16xi32>
      %add3A_63 = arith.addi %iota3A, %add3A_62 : vector<16xi32>
      %broadcast_in_dim3A_64 = arith.constant 0xFF800000 : f32
      %broadcast_in_dim3A_65 = vector.broadcast %broadcast_in_dim3A_64 : f32 to vector<16xf32>
      %scan3A_66 = arith.constant 0 : i32
      %scan3A_67 = arith.constant 40 : i32
      %scan3A_68 = arith.addi %scan3A_66, %scan3A_67 : i32
      %scan3A_69 = arith.constant 1 : i32
      %scan3A_70 = scf.for %scan3A_180 = %scan3A_66 to %scan3A_68 step %scan3A_69 iter_args(%scan3A_181 = %broadcast_in_dim3A_65) -> (vector<16xf32>)  : i32 {
        %mul3A_182 = arith.constant 25 : i32
        %mul3A_183 = arith.muli %scan3A_180, %mul3A_182 : i32
        %add3A_184 = arith.constant 0 : i32
        %add3A_185 = arith.addi %mul3A_183, %add3A_184 : i32
        %broadcast_in_dim3A_186 = arith.constant 0 : i32
        %broadcast_in_dim3A_187 = vector.broadcast %broadcast_in_dim3A_186 : i32 to vector<16xi32>
        %add3A_188 = vector.broadcast %add3A_185 : i32 to vector<16xi32>
        %add3A_189 = arith.addi %add3A_188, %broadcast_in_dim3A_187 : vector<16xi32>
        %gather3A_190 = tpu.vector_load_idx %arg7[%add3A_63, %add3A_189] : memref<32x1000xf32, #tpu.memory_space<vmem>>[vector<16xi32>, vector<16xi32>], vector<16xf32>,
        %max3A = arith.maximumf %scan3A_181, %gather3A_190 : vector<16xf32>
        %mul3A_191 = arith.constant 25 : i32
        %mul3A_192 = arith.muli %scan3A_180, %mul3A_191 : i32
        %add3A_193 = arith.constant 1 : i32
        %add3A_194 = arith.addi %mul3A_192, %add3A_193 : i32
        %broadcast_in_dim3A_195 = arith.constant 0 : i32
        %broadcast_in_dim3A_196 = vector.broadcast %broadcast_in_dim3A_195 : i32 to vector<16xi32>
        %add3A_197 = vector.broadcast %add3A_194 : i32 to vector<16xi32>
        %add3A_198 = arith.addi %add3A_197, %broadcast_in_dim3A_196 : vector<16xi32>
        %gather3A_199 = tpu.vector_load_idx %arg7[%add3A_63, %add3A_198] : memref<32x1000xf32, #tpu.memory_space<vmem>>[vector<16xi32>, vector<16xi32>], vector<16xf32>,
        %max3A_200 = arith.maximumf %max3A, %gather3A_199 : vector<16xf32>
        %mul3A_201 = arith.constant 25 : i32
        %mul3A_202 = arith.muli %scan3A_180, %mul3A_201 : i32
        %add3A_203 = arith.constant 2 : i32
        %add3A_204 = arith.addi %mul3A_202, %add3A_203 : i32
        %broadcast_in_dim3A_205 = arith.constant 0 : i32
        %broadcast_in_dim3A_206 = vector.broadcast %broadcast_in_dim3A_205 : i32 to vector<16xi32>
        %add3A_207 = vector.broadcast %add3A_204 : i32 to vector<16xi32>
        %add3A_208 = arith.addi %add3A_207, %broadcast_in_dim3A_206 : vector<16xi32>
        %gather3A_209 = tpu.vector_load_idx %arg7[%add3A_63, %add3A_208] : memref<32x1000xf32, #tpu.memory_space<vmem>>[vector<16xi32>, vector<16xi32>], vector<16xf32>,
        %max3A_210 = arith.maximumf %max3A_200, %gather3A_209 : vector<16xf32>
        %mul3A_211 = arith.constant 25 : i32
        %mul3A_212 = arith.muli %scan3A_180, %mul3A_211 : i32
        %add3A_213 = arith.constant 3 : i32
        %add3A_214 = arith.addi %mul3A_212, %add3A_213 : i32
        %broadcast_in_dim3A_215 = arith.constant 0 : i32
        %broadcast_in_dim3A_216 = vector.broadcast %broadcast_in_dim3A_215 : i32 to vector<16xi32>
        %add3A_217 = vector.broadcast %add3A_214 : i32 to vector<16xi32>
        %add3A_218 = arith.addi %add3A_217, %broadcast_in_dim3A_216 : vector<16xi32>
        %gather3A_219 = tpu.vector_load_idx %arg7[%add3A_63, %add3A_218] : memref<32x1000xf32, #tpu.memory_space<vmem>>[vector<16xi32>, vector<16xi32>], vector<16xf32>,
        %max3A_220 = arith.maximumf %max3A_210, %gather3A_219 : vector<16xf32>
        %mul3A_221 = arith.constant 25 : i32
        %mul3A_222 = arith.muli %scan3A_180, %mul3A_221 : i32
        %add3A_223 = arith.constant 4 : i32
        %add3A_224 = arith.addi %mul3A_222, %add3A_223 : i32
        %broadcast_in_dim3A_225 = arith.constant 0 : i32
        %broadcast_in_dim3A_226 = vector.broadcast %broadcast_in_dim3A_225 : i32 to vector<16xi32>
        %add3A_227 = vector.broadcast %add3A_224 : i32 to vector<16xi32>
        %add3A_228 = arith.addi %add3A_227, %broadcast_in_dim3A_226 : vector<16xi32>
        %gather3A_229 = tpu.vector_load_idx %arg7[%add3A_63, %add3A_228] : memref<32x1000xf32, #tpu.memory_space<vmem>>[vector<16xi32>, vector<16xi32>], vector<16xf32>,
        %max3A_230 = arith.maximumf %max3A_220, %gather3A_229 : vector<16xf32>
        %mul3A_231 = arith.constant 25 : i32
        %mul3A_232 = arith.muli %scan3A_180, %mul3A_231 : i32
        %add3A_233 = arith.constant 5 : i32
        %add3A_234 = arith.addi %mul3A_232, %add3A_233 : i32
        %broadcast_in_dim3A_235 = arith.constant 0 : i32
        %broadcast_in_dim3A_236 = vector.broadcast %broadcast_in_dim3A_235 : i32 to vector<16xi32>
        %add3A_237 = vector.broadcast %add3A_234 : i32 to vector<16xi32>
        %add3A_238 = arith.addi %add3A_237, %broadcast_in_dim3A_236 : vector<16xi32>
        %gather3A_239 = tpu.vector_load_idx %arg7[%add3A_63, %add3A_238] : memref<32x1000xf32, #tpu.memory_space<vmem>>[vector<16xi32>, vector<16xi32>], vector<16xf32>,
        %max3A_240 = arith.maximumf %max3A_230, %gather3A_239 : vector<16xf32>
        %mul3A_241 = arith.constant 25 : i32
        %mul3A_242 = arith.muli %scan3A_180, %mul3A_241 : i32
        %add3A_243 = arith.constant 6 : i32
        %add3A_244 = arith.addi %mul3A_242, %add3A_243 : i32
        %broadcast_in_dim3A_245 = arith.constant 0 : i32
        %broadcast_in_dim3A_246 = vector.broadcast %broadcast_in_dim3A_245 : i32 to vector<16xi32>
        %add3A_247 = vector.broadcast %add3A_244 : i32 to vector<16xi32>
        %add3A_248 = arith.addi %add3A_247, %broadcast_in_dim3A_246 : vector<16xi32>
        %gather3A_249 = tpu.vector_load_idx %arg7[%add3A_63, %add3A_248] : memref<32x1000xf32, #tpu.memory_space<vmem>>[vector<16xi32>, vector<16xi32>], vector<16xf32>,
        %max3A_250 = arith.maximumf %max3A_240, %gather3A_249 : vector<16xf32>
        %mul3A_251 = arith.constant 25 : i32
        %mul3A_252 = arith.muli %scan3A_180, %mul3A_251 : i32
        %add3A_253 = arith.constant 7 : i32
        %add3A_254 = arith.addi %mul3A_252, %add3A_253 : i32
        %broadcast_in_dim3A_255 = arith.constant 0 : i32
        %broadcast_in_dim3A_256 = vector.broadcast %broadcast_in_dim3A_255 : i32 to vector<16xi32>
        %add3A_257 = vector.broadcast %add3A_254 : i32 to vector<16xi32>
        %add3A_258 = arith.addi %add3A_257, %broadcast_in_dim3A_256 : vector<16xi32>
        %gather3A_259 = tpu.vector_load_idx %arg7[%add3A_63, %add3A_258] : memref<32x1000xf32, #tpu.memory_space<vmem>>[vector<16xi32>, vector<16xi32>], vector<16xf32>,
        %max3A_260 = arith.maximumf %max3A_250, %gather3A_259 : vector<16xf32>
        %mul3A_261 = arith.constant 25 : i32
        %mul3A_262 = arith.muli %scan3A_180, %mul3A_261 : i32
        %add3A_263 = arith.constant 8 : i32
        %add3A_264 = arith.addi %mul3A_262, %add3A_263 : i32
        %broadcast_in_dim3A_265 = arith.constant 0 : i32
        %broadcast_in_dim3A_266 = vector.broadcast %broadcast_in_dim3A_265 : i32 to vector<16xi32>
        %add3A_267 = vector.broadcast %add3A_264 : i32 to vector<16xi32>
        %add3A_268 = arith.addi %add3A_267, %broadcast_in_dim3A_266 : vector<16xi32>
        %gather3A_269 = tpu.vector_load_idx %arg7[%add3A_63, %add3A_268] : memref<32x1000xf32, #tpu.memory_space<vmem>>[vector<16xi32>, vector<16xi32>], vector<16xf32>,
        %max3A_270 = arith.maximumf %max3A_260, %gather3A_269 : vector<16xf32>
        %mul3A_271 = arith.constant 25 : i32
        %mul3A_272 = arith.muli %scan3A_180, %mul3A_271 : i32
        %add3A_273 = arith.constant 9 : i32
        %add3A_274 = arith.addi %mul3A_272, %add3A_273 : i32
        %broadcast_in_dim3A_275 = arith.constant 0 : i32
        %broadcast_in_dim3A_276 = vector.broadcast %broadcast_in_dim3A_275 : i32 to vector<16xi32>
        %add3A_277 = vector.broadcast %add3A_274 : i32 to vector<16xi32>
        %add3A_278 = arith.addi %add3A_277, %broadcast_in_dim3A_276 : vector<16xi32>
        %gather3A_279 = tpu.vector_load_idx %arg7[%add3A_63, %add3A_278] : memref<32x1000xf32, #tpu.memory_space<vmem>>[vector<16xi32>, vector<16xi32>], vector<16xf32>,
        %max3A_280 = arith.maximumf %max3A_270, %gather3A_279 : vector<16xf32>
        %mul3A_281 = arith.constant 25 : i32
        %mul3A_282 = arith.muli %scan3A_180, %mul3A_281 : i32
        %add3A_283 = arith.constant 10 : i32
        %add3A_284 = arith.addi %mul3A_282, %add3A_283 : i32
        %broadcast_in_dim3A_285 = arith.constant 0 : i32
        %broadcast_in_dim3A_286 = vector.broadcast %broadcast_in_dim3A_285 : i32 to vector<16xi32>
        %add3A_287 = vector.broadcast %add3A_284 : i32 to vector<16xi32>
        %add3A_288 = arith.addi %add3A_287, %broadcast_in_dim3A_286 : vector<16xi32>
        %gather3A_289 = tpu.vector_load_idx %arg7[%add3A_63, %add3A_288] : memref<32x1000xf32, #tpu.memory_space<vmem>>[vector<16xi32>, vector<16xi32>], vector<16xf32>,
        %max3A_290 = arith.maximumf %max3A_280, %gather3A_289 : vector<16xf32>
        %mul3A_291 = arith.constant 25 : i32
        %mul3A_292 = arith.muli %scan3A_180, %mul3A_291 : i32
        %add3A_293 = arith.constant 11 : i32
        %add3A_294 = arith.addi %mul3A_292, %add3A_293 : i32
        %broadcast_in_dim3A_295 = arith.constant 0 : i32
        %broadcast_in_dim3A_296 = vector.broadcast %broadcast_in_dim3A_295 : i32 to vector<16xi32>
        %add3A_297 = vector.broadcast %add3A_294 : i32 to vector<16xi32>
        %add3A_298 = arith.addi %add3A_297, %broadcast_in_dim3A_296 : vector<16xi32>
        %gather3A_299 = tpu.vector_load_idx %arg7[%add3A_63, %add3A_298] : memref<32x1000xf32, #tpu.memory_space<vmem>>[vector<16xi32>, vector<16xi32>], vector<16xf32>,
        %max3A_300 = arith.maximumf %max3A_290, %gather3A_299 : vector<16xf32>
        %mul3A_301 = arith.constant 25 : i32
        %mul3A_302 = arith.muli %scan3A_180, %mul3A_301 : i32
        %add3A_303 = arith.constant 12 : i32
        %add3A_304 = arith.addi %mul3A_302, %add3A_303 : i32
        %broadcast_in_dim3A_305 = arith.constant 0 : i32
        %broadcast_in_dim3A_306 = vector.broadcast %broadcast_in_dim3A_305 : i32 to vector<16xi32>
        %add3A_307 = vector.broadcast %add3A_304 : i32 to vector<16xi32>
        %add3A_308 = arith.addi %add3A_307, %broadcast_in_dim3A_306 : vector<16xi32>
        %gather3A_309 = tpu.vector_load_idx %arg7[%add3A_63, %add3A_308] : memref<32x1000xf32, #tpu.memory_space<vmem>>[vector<16xi32>, vector<16xi32>], vector<16xf32>,
        %max3A_310 = arith.maximumf %max3A_300, %gather3A_309 : vector<16xf32>
        %mul3A_311 = arith.constant 25 : i32
        %mul3A_312 = arith.muli %scan3A_180, %mul3A_311 : i32
        %add3A_313 = arith.constant 13 : i32
        %add3A_314 = arith.addi %mul3A_312, %add3A_313 : i32
        %broadcast_in_dim3A_315 = arith.constant 0 : i32
        %broadcast_in_dim3A_316 = vector.broadcast %broadcast_in_dim3A_315 : i32 to vector<16xi32>
        %add3A_317 = vector.broadcast %add3A_314 : i32 to vector<16xi32>
        %add3A_318 = arith.addi %add3A_317, %broadcast_in_dim3A_316 : vector<16xi32>
        %gather3A_319 = tpu.vector_load_idx %arg7[%add3A_63, %add3A_318] : memref<32x1000xf32, #tpu.memory_space<vmem>>[vector<16xi32>, vector<16xi32>], vector<16xf32>,
        %max3A_320 = arith.maximumf %max3A_310, %gather3A_319 : vector<16xf32>
        %mul3A_321 = arith.constant 25 : i32
        %mul3A_322 = arith.muli %scan3A_180, %mul3A_321 : i32
        %add3A_323 = arith.constant 14 : i32
        %add3A_324 = arith.addi %mul3A_322, %add3A_323 : i32
        %broadcast_in_dim3A_325 = arith.constant 0 : i32
        %broadcast_in_dim3A_326 = vector.broadcast %broadcast_in_dim3A_325 : i32 to vector<16xi32>
        %add3A_327 = vector.broadcast %add3A_324 : i32 to vector<16xi32>
        %add3A_328 = arith.addi %add3A_327, %broadcast_in_dim3A_326 : vector<16xi32>
        %gather3A_329 = tpu.vector_load_idx %arg7[%add3A_63, %add3A_328] : memref<32x1000xf32, #tpu.memory_space<vmem>>[vector<16xi32>, vector<16xi32>], vector<16xf32>,
        %max3A_330 = arith.maximumf %max3A_320, %gather3A_329 : vector<16xf32>
        %mul3A_331 = arith.constant 25 : i32
        %mul3A_332 = arith.muli %scan3A_180, %mul3A_331 : i32
        %add3A_333 = arith.constant 15 : i32
        %add3A_334 = arith.addi %mul3A_332, %add3A_333 : i32
        %broadcast_in_dim3A_335 = arith.constant 0 : i32
        %broadcast_in_dim3A_336 = vector.broadcast %broadcast_in_dim3A_335 : i32 to vector<16xi32>
        %add3A_337 = vector.broadcast %add3A_334 : i32 to vector<16xi32>
        %add3A_338 = arith.addi %add3A_337, %broadcast_in_dim3A_336 : vector<16xi32>
        %gather3A_339 = tpu.vector_load_idx %arg7[%add3A_63, %add3A_338] : memref<32x1000xf32, #tpu.memory_space<vmem>>[vector<16xi32>, vector<16xi32>], vector<16xf32>,
        %max3A_340 = arith.maximumf %max3A_330, %gather3A_339 : vector<16xf32>
        %mul3A_341 = arith.constant 25 : i32
        %mul3A_342 = arith.muli %scan3A_180, %mul3A_341 : i32
        %add3A_343 = arith.constant 16 : i32
        %add3A_344 = arith.addi %mul3A_342, %add3A_343 : i32
        %broadcast_in_dim3A_345 = arith.constant 0 : i32
        %broadcast_in_dim3A_346 = vector.broadcast %broadcast_in_dim3A_345 : i32 to vector<16xi32>
        %add3A_347 = vector.broadcast %add3A_344 : i32 to vector<16xi32>
        %add3A_348 = arith.addi %add3A_347, %broadcast_in_dim3A_346 : vector<16xi32>
        %gather3A_349 = tpu.vector_load_idx %arg7[%add3A_63, %add3A_348] : memref<32x1000xf32, #tpu.memory_space<vmem>>[vector<16xi32>, vector<16xi32>], vector<16xf32>,
        %max3A_350 = arith.maximumf %max3A_340, %gather3A_349 : vector<16xf32>
        %mul3A_351 = arith.constant 25 : i32
        %mul3A_352 = arith.muli %scan3A_180, %mul3A_351 : i32
        %add3A_353 = arith.constant 17 : i32
        %add3A_354 = arith.addi %mul3A_352, %add3A_353 : i32
        %broadcast_in_dim3A_355 = arith.constant 0 : i32
        %broadcast_in_dim3A_356 = vector.broadcast %broadcast_in_dim3A_355 : i32 to vector<16xi32>
        %add3A_357 = vector.broadcast %add3A_354 : i32 to vector<16xi32>
        %add3A_358 = arith.addi %add3A_357, %broadcast_in_dim3A_356 : vector<16xi32>
        %gather3A_359 = tpu.vector_load_idx %arg7[%add3A_63, %add3A_358] : memref<32x1000xf32, #tpu.memory_space<vmem>>[vector<16xi32>, vector<16xi32>], vector<16xf32>,
        %max3A_360 = arith.maximumf %max3A_350, %gather3A_359 : vector<16xf32>
        %mul3A_361 = arith.constant 25 : i32
        %mul3A_362 = arith.muli %scan3A_180, %mul3A_361 : i32
        %add3A_363 = arith.constant 18 : i32
        %add3A_364 = arith.addi %mul3A_362, %add3A_363 : i32
        %broadcast_in_dim3A_365 = arith.constant 0 : i32
        %broadcast_in_dim3A_366 = vector.broadcast %broadcast_in_dim3A_365 : i32 to vector<16xi32>
        %add3A_367 = vector.broadcast %add3A_364 : i32 to vector<16xi32>
        %add3A_368 = arith.addi %add3A_367, %broadcast_in_dim3A_366 : vector<16xi32>
        %gather3A_369 = tpu.vector_load_idx %arg7[%add3A_63, %add3A_368] : memref<32x1000xf32, #tpu.memory_space<vmem>>[vector<16xi32>, vector<16xi32>], vector<16xf32>,
        %max3A_370 = arith.maximumf %max3A_360, %gather3A_369 : vector<16xf32>
        %mul3A_371 = arith.constant 25 : i32
        %mul3A_372 = arith.muli %scan3A_180, %mul3A_371 : i32
        %add3A_373 = arith.constant 19 : i32
        %add3A_374 = arith.addi %mul3A_372, %add3A_373 : i32
        %broadcast_in_dim3A_375 = arith.constant 0 : i32
        %broadcast_in_dim3A_376 = vector.broadcast %broadcast_in_dim3A_375 : i32 to vector<16xi32>
        %add3A_377 = vector.broadcast %add3A_374 : i32 to vector<16xi32>
        %add3A_378 = arith.addi %add3A_377, %broadcast_in_dim3A_376 : vector<16xi32>
        %gather3A_379 = tpu.vector_load_idx %arg7[%add3A_63, %add3A_378] : memref<32x1000xf32, #tpu.memory_space<vmem>>[vector<16xi32>, vector<16xi32>], vector<16xf32>,
        %max3A_380 = arith.maximumf %max3A_370, %gather3A_379 : vector<16xf32>
        %mul3A_381 = arith.constant 25 : i32
        %mul3A_382 = arith.muli %scan3A_180, %mul3A_381 : i32
        %add3A_383 = arith.constant 20 : i32
        %add3A_384 = arith.addi %mul3A_382, %add3A_383 : i32
        %broadcast_in_dim3A_385 = arith.constant 0 : i32
        %broadcast_in_dim3A_386 = vector.broadcast %broadcast_in_dim3A_385 : i32 to vector<16xi32>
        %add3A_387 = vector.broadcast %add3A_384 : i32 to vector<16xi32>
        %add3A_388 = arith.addi %add3A_387, %broadcast_in_dim3A_386 : vector<16xi32>
        %gather3A_389 = tpu.vector_load_idx %arg7[%add3A_63, %add3A_388] : memref<32x1000xf32, #tpu.memory_space<vmem>>[vector<16xi32>, vector<16xi32>], vector<16xf32>,
        %max3A_390 = arith.maximumf %max3A_380, %gather3A_389 : vector<16xf32>
        %mul3A_391 = arith.constant 25 : i32
        %mul3A_392 = arith.muli %scan3A_180, %mul3A_391 : i32
        %add3A_393 = arith.constant 21 : i32
        %add3A_394 = arith.addi %mul3A_392, %add3A_393 : i32
        %broadcast_in_dim3A_395 = arith.constant 0 : i32
        %broadcast_in_dim3A_396 = vector.broadcast %broadcast_in_dim3A_395 : i32 to vector<16xi32>
        %add3A_397 = vector.broadcast %add3A_394 : i32 to vector<16xi32>
        %add3A_398 = arith.addi %add3A_397, %broadcast_in_dim3A_396 : vector<16xi32>
        %gather3A_399 = tpu.vector_load_idx %arg7[%add3A_63, %add3A_398] : memref<32x1000xf32, #tpu.memory_space<vmem>>[vector<16xi32>, vector<16xi32>], vector<16xf32>,
        %max3A_400 = arith.maximumf %max3A_390, %gather3A_399 : vector<16xf32>
        %mul3A_401 = arith.constant 25 : i32
        %mul3A_402 = arith.muli %scan3A_180, %mul3A_401 : i32
        %add3A_403 = arith.constant 22 : i32
        %add3A_404 = arith.addi %mul3A_402, %add3A_403 : i32
        %broadcast_in_dim3A_405 = arith.constant 0 : i32
        %broadcast_in_dim3A_406 = vector.broadcast %broadcast_in_dim3A_405 : i32 to vector<16xi32>
        %add3A_407 = vector.broadcast %add3A_404 : i32 to vector<16xi32>
        %add3A_408 = arith.addi %add3A_407, %broadcast_in_dim3A_406 : vector<16xi32>
        %gather3A_409 = tpu.vector_load_idx %arg7[%add3A_63, %add3A_408] : memref<32x1000xf32, #tpu.memory_space<vmem>>[vector<16xi32>, vector<16xi32>], vector<16xf32>,
        %max3A_410 = arith.maximumf %max3A_400, %gather3A_409 : vector<16xf32>
        %mul3A_411 = arith.constant 25 : i32
        %mul3A_412 = arith.muli %scan3A_180, %mul3A_411 : i32
        %add3A_413 = arith.constant 23 : i32
        %add3A_414 = arith.addi %mul3A_412, %add3A_413 : i32
        %broadcast_in_dim3A_415 = arith.constant 0 : i32
        %broadcast_in_dim3A_416 = vector.broadcast %broadcast_in_dim3A_415 : i32 to vector<16xi32>
        %add3A_417 = vector.broadcast %add3A_414 : i32 to vector<16xi32>
        %add3A_418 = arith.addi %add3A_417, %broadcast_in_dim3A_416 : vector<16xi32>
        %gather3A_419 = tpu.vector_load_idx %arg7[%add3A_63, %add3A_418] : memref<32x1000xf32, #tpu.memory_space<vmem>>[vector<16xi32>, vector<16xi32>], vector<16xf32>,
        %max3A_420 = arith.maximumf %max3A_410, %gather3A_419 : vector<16xf32>
        %mul3A_421 = arith.constant 25 : i32
        %mul3A_422 = arith.muli %scan3A_180, %mul3A_421 : i32
        %add3A_423 = arith.constant 24 : i32
        %add3A_424 = arith.addi %mul3A_422, %add3A_423 : i32
        %broadcast_in_dim3A_425 = arith.constant 0 : i32
        %broadcast_in_dim3A_426 = vector.broadcast %broadcast_in_dim3A_425 : i32 to vector<16xi32>
        %add3A_427 = vector.broadcast %add3A_424 : i32 to vector<16xi32>
        %add3A_428 = arith.addi %add3A_427, %broadcast_in_dim3A_426 : vector<16xi32>
        %gather3A_429 = tpu.vector_load_idx %arg7[%add3A_63, %add3A_428] : memref<32x1000xf32, #tpu.memory_space<vmem>>[vector<16xi32>, vector<16xi32>], vector<16xf32>,
        %max3A_430 = arith.maximumf %max3A_420, %gather3A_429 : vector<16xf32>
        scf.yield %max3A_430 : vector<16xf32>
      }
      %scan3A_71 = arith.constant 40 : i32
      %broadcast_in_dim3A_72 = arith.constant 0.000000e+00 : f32
      %broadcast_in_dim3A_73 = vector.broadcast %broadcast_in_dim3A_72 : f32 to vector<16xf32>
      %scan3A_74 = arith.constant 0 : i32
      %scan3A_75 = arith.constant 40 : i32
      %scan3A_76 = arith.addi %scan3A_74, %scan3A_75 : i32
      %scan3A_77 = arith.constant 1 : i32
      %scan3A_78 = scf.for %scan3A_180 = %scan3A_74 to %scan3A_76 step %scan3A_77 iter_args(%scan3A_181 = %broadcast_in_dim3A_73) -> (vector<16xf32>)  : i32 {
        %mul3A_182 = arith.constant 25 : i32
        %mul3A_183 = arith.muli %scan3A_180, %mul3A_182 : i32
        %add3A_184 = arith.constant 0 : i32
        %add3A_185 = arith.addi %mul3A_183, %add3A_184 : i32
        %broadcast_in_dim3A_186 = arith.constant 0 : i32
        %broadcast_in_dim3A_187 = vector.broadcast %broadcast_in_dim3A_186 : i32 to vector<16xi32>
        %add3A_188 = vector.broadcast %add3A_185 : i32 to vector<16xi32>
        %add3A_189 = arith.addi %add3A_188, %broadcast_in_dim3A_187 : vector<16xi32>
        %gather3A_190 = tpu.vector_load_idx %arg7[%add3A_63, %add3A_189] : memref<32x1000xf32, #tpu.memory_space<vmem>>[vector<16xi32>, vector<16xi32>], vector<16xf32>,
        %sub3A = arith.subf %gather3A_190, %scan3A_70 : vector<16xf32>
        %exp3A = math.exp %sub3A : vector<16xf32>
        %add3A_191 = arith.addf %scan3A_181, %exp3A : vector<16xf32>
        %mul3A_192 = arith.constant 25 : i32
        %mul3A_193 = arith.muli %scan3A_180, %mul3A_192 : i32
        %add3A_194 = arith.constant 1 : i32
        %add3A_195 = arith.addi %mul3A_193, %add3A_194 : i32
        %broadcast_in_dim3A_196 = arith.constant 0 : i32
        %broadcast_in_dim3A_197 = vector.broadcast %broadcast_in_dim3A_196 : i32 to vector<16xi32>
        %add3A_198 = vector.broadcast %add3A_195 : i32 to vector<16xi32>
        %add3A_199 = arith.addi %add3A_198, %broadcast_in_dim3A_197 : vector<16xi32>
        %gather3A_200 = tpu.vector_load_idx %arg7[%add3A_63, %add3A_199] : memref<32x1000xf32, #tpu.memory_space<vmem>>[vector<16xi32>, vector<16xi32>], vector<16xf32>,
        %sub3A_201 = arith.subf %gather3A_200, %scan3A_70 : vector<16xf32>
        %exp3A_202 = math.exp %sub3A_201 : vector<16xf32>
        %add3A_203 = arith.addf %add3A_191, %exp3A_202 : vector<16xf32>
        %mul3A_204 = arith.constant 25 : i32
        %mul3A_205 = arith.muli %scan3A_180, %mul3A_204 : i32
        %add3A_206 = arith.constant 2 : i32
        %add3A_207 = arith.addi %mul3A_205, %add3A_206 : i32
        %broadcast_in_dim3A_208 = arith.constant 0 : i32
        %broadcast_in_dim3A_209 = vector.broadcast %broadcast_in_dim3A_208 : i32 to vector<16xi32>
        %add3A_210 = vector.broadcast %add3A_207 : i32 to vector<16xi32>
        %add3A_211 = arith.addi %add3A_210, %broadcast_in_dim3A_209 : vector<16xi32>
        %gather3A_212 = tpu.vector_load_idx %arg7[%add3A_63, %add3A_211] : memref<32x1000xf32, #tpu.memory_space<vmem>>[vector<16xi32>, vector<16xi32>], vector<16xf32>,
        %sub3A_213 = arith.subf %gather3A_212, %scan3A_70 : vector<16xf32>
        %exp3A_214 = math.exp %sub3A_213 : vector<16xf32>
        %add3A_215 = arith.addf %add3A_203, %exp3A_214 : vector<16xf32>
        %mul3A_216 = arith.constant 25 : i32
        %mul3A_217 = arith.muli %scan3A_180, %mul3A_216 : i32
        %add3A_218 = arith.constant 3 : i32
        %add3A_219 = arith.addi %mul3A_217, %add3A_218 : i32
        %broadcast_in_dim3A_220 = arith.constant 0 : i32
        %broadcast_in_dim3A_221 = vector.broadcast %broadcast_in_dim3A_220 : i32 to vector<16xi32>
        %add3A_222 = vector.broadcast %add3A_219 : i32 to vector<16xi32>
        %add3A_223 = arith.addi %add3A_222, %broadcast_in_dim3A_221 : vector<16xi32>
        %gather3A_224 = tpu.vector_load_idx %arg7[%add3A_63, %add3A_223] : memref<32x1000xf32, #tpu.memory_space<vmem>>[vector<16xi32>, vector<16xi32>], vector<16xf32>,
        %sub3A_225 = arith.subf %gather3A_224, %scan3A_70 : vector<16xf32>
        %exp3A_226 = math.exp %sub3A_225 : vector<16xf32>
        %add3A_227 = arith.addf %add3A_215, %exp3A_226 : vector<16xf32>
        %mul3A_228 = arith.constant 25 : i32
        %mul3A_229 = arith.muli %scan3A_180, %mul3A_228 : i32
        %add3A_230 = arith.constant 4 : i32
        %add3A_231 = arith.addi %mul3A_229, %add3A_230 : i32
        %broadcast_in_dim3A_232 = arith.constant 0 : i32
        %broadcast_in_dim3A_233 = vector.broadcast %broadcast_in_dim3A_232 : i32 to vector<16xi32>
        %add3A_234 = vector.broadcast %add3A_231 : i32 to vector<16xi32>
        %add3A_235 = arith.addi %add3A_234, %broadcast_in_dim3A_233 : vector<16xi32>
        %gather3A_236 = tpu.vector_load_idx %arg7[%add3A_63, %add3A_235] : memref<32x1000xf32, #tpu.memory_space<vmem>>[vector<16xi32>, vector<16xi32>], vector<16xf32>,
        %sub3A_237 = arith.subf %gather3A_236, %scan3A_70 : vector<16xf32>
        %exp3A_238 = math.exp %sub3A_237 : vector<16xf32>
        %add3A_239 = arith.addf %add3A_227, %exp3A_238 : vector<16xf32>
        %mul3A_240 = arith.constant 25 : i32
        %mul3A_241 = arith.muli %scan3A_180, %mul3A_240 : i32
        %add3A_242 = arith.constant 5 : i32
        %add3A_243 = arith.addi %mul3A_241, %add3A_242 : i32
        %broadcast_in_dim3A_244 = arith.constant 0 : i32
        %broadcast_in_dim3A_245 = vector.broadcast %broadcast_in_dim3A_244 : i32 to vector<16xi32>
        %add3A_246 = vector.broadcast %add3A_243 : i32 to vector<16xi32>
        %add3A_247 = arith.addi %add3A_246, %broadcast_in_dim3A_245 : vector<16xi32>
        %gather3A_248 = tpu.vector_load_idx %arg7[%add3A_63, %add3A_247] : memref<32x1000xf32, #tpu.memory_space<vmem>>[vector<16xi32>, vector<16xi32>], vector<16xf32>,
        %sub3A_249 = arith.subf %gather3A_248, %scan3A_70 : vector<16xf32>
        %exp3A_250 = math.exp %sub3A_249 : vector<16xf32>
        %add3A_251 = arith.addf %add3A_239, %exp3A_250 : vector<16xf32>
        %mul3A_252 = arith.constant 25 : i32
        %mul3A_253 = arith.muli %scan3A_180, %mul3A_252 : i32
        %add3A_254 = arith.constant 6 : i32
        %add3A_255 = arith.addi %mul3A_253, %add3A_254 : i32
        %broadcast_in_dim3A_256 = arith.constant 0 : i32
        %broadcast_in_dim3A_257 = vector.broadcast %broadcast_in_dim3A_256 : i32 to vector<16xi32>
        %add3A_258 = vector.broadcast %add3A_255 : i32 to vector<16xi32>
        %add3A_259 = arith.addi %add3A_258, %broadcast_in_dim3A_257 : vector<16xi32>
        %gather3A_260 = tpu.vector_load_idx %arg7[%add3A_63, %add3A_259] : memref<32x1000xf32, #tpu.memory_space<vmem>>[vector<16xi32>, vector<16xi32>], vector<16xf32>,
        %sub3A_261 = arith.subf %gather3A_260, %scan3A_70 : vector<16xf32>
        %exp3A_262 = math.exp %sub3A_261 : vector<16xf32>
        %add3A_263 = arith.addf %add3A_251, %exp3A_262 : vector<16xf32>
        %mul3A_264 = arith.constant 25 : i32
        %mul3A_265 = arith.muli %scan3A_180, %mul3A_264 : i32
        %add3A_266 = arith.constant 7 : i32
        %add3A_267 = arith.addi %mul3A_265, %add3A_266 : i32
        %broadcast_in_dim3A_268 = arith.constant 0 : i32
        %broadcast_in_dim3A_269 = vector.broadcast %broadcast_in_dim3A_268 : i32 to vector<16xi32>
        %add3A_270 = vector.broadcast %add3A_267 : i32 to vector<16xi32>
        %add3A_271 = arith.addi %add3A_270, %broadcast_in_dim3A_269 : vector<16xi32>
        %gather3A_272 = tpu.vector_load_idx %arg7[%add3A_63, %add3A_271] : memref<32x1000xf32, #tpu.memory_space<vmem>>[vector<16xi32>, vector<16xi32>], vector<16xf32>,
        %sub3A_273 = arith.subf %gather3A_272, %scan3A_70 : vector<16xf32>
        %exp3A_274 = math.exp %sub3A_273 : vector<16xf32>
        %add3A_275 = arith.addf %add3A_263, %exp3A_274 : vector<16xf32>
        %mul3A_276 = arith.constant 25 : i32
        %mul3A_277 = arith.muli %scan3A_180, %mul3A_276 : i32
        %add3A_278 = arith.constant 8 : i32
        %add3A_279 = arith.addi %mul3A_277, %add3A_278 : i32
        %broadcast_in_dim3A_280 = arith.constant 0 : i32
        %broadcast_in_dim3A_281 = vector.broadcast %broadcast_in_dim3A_280 : i32 to vector<16xi32>
        %add3A_282 = vector.broadcast %add3A_279 : i32 to vector<16xi32>
        %add3A_283 = arith.addi %add3A_282, %broadcast_in_dim3A_281 : vector<16xi32>
        %gather3A_284 = tpu.vector_load_idx %arg7[%add3A_63, %add3A_283] : memref<32x1000xf32, #tpu.memory_space<vmem>>[vector<16xi32>, vector<16xi32>], vector<16xf32>,
        %sub3A_285 = arith.subf %gather3A_284, %scan3A_70 : vector<16xf32>
        %exp3A_286 = math.exp %sub3A_285 : vector<16xf32>
        %add3A_287 = arith.addf %add3A_275, %exp3A_286 : vector<16xf32>
        %mul3A_288 = arith.constant 25 : i32
        %mul3A_289 = arith.muli %scan3A_180, %mul3A_288 : i32
        %add3A_290 = arith.constant 9 : i32
        %add3A_291 = arith.addi %mul3A_289, %add3A_290 : i32
        %broadcast_in_dim3A_292 = arith.constant 0 : i32
        %broadcast_in_dim3A_293 = vector.broadcast %broadcast_in_dim3A_292 : i32 to vector<16xi32>
        %add3A_294 = vector.broadcast %add3A_291 : i32 to vector<16xi32>
        %add3A_295 = arith.addi %add3A_294, %broadcast_in_dim3A_293 : vector<16xi32>
        %gather3A_296 = tpu.vector_load_idx %arg7[%add3A_63, %add3A_295] : memref<32x1000xf32, #tpu.memory_space<vmem>>[vector<16xi32>, vector<16xi32>], vector<16xf32>,
        %sub3A_297 = arith.subf %gather3A_296, %scan3A_70 : vector<16xf32>
        %exp3A_298 = math.exp %sub3A_297 : vector<16xf32>
        %add3A_299 = arith.addf %add3A_287, %exp3A_298 : vector<16xf32>
        %mul3A_300 = arith.constant 25 : i32
        %mul3A_301 = arith.muli %scan3A_180, %mul3A_300 : i32
        %add3A_302 = arith.constant 10 : i32
        %add3A_303 = arith.addi %mul3A_301, %add3A_302 : i32
        %broadcast_in_dim3A_304 = arith.constant 0 : i32
        %broadcast_in_dim3A_305 = vector.broadcast %broadcast_in_dim3A_304 : i32 to vector<16xi32>
        %add3A_306 = vector.broadcast %add3A_303 : i32 to vector<16xi32>
        %add3A_307 = arith.addi %add3A_306, %broadcast_in_dim3A_305 : vector<16xi32>
        %gather3A_308 = tpu.vector_load_idx %arg7[%add3A_63, %add3A_307] : memref<32x1000xf32, #tpu.memory_space<vmem>>[vector<16xi32>, vector<16xi32>], vector<16xf32>,
        %sub3A_309 = arith.subf %gather3A_308, %scan3A_70 : vector<16xf32>
        %exp3A_310 = math.exp %sub3A_309 : vector<16xf32>
        %add3A_311 = arith.addf %add3A_299, %exp3A_310 : vector<16xf32>
        %mul3A_312 = arith.constant 25 : i32
        %mul3A_313 = arith.muli %scan3A_180, %mul3A_312 : i32
        %add3A_314 = arith.constant 11 : i32
        %add3A_315 = arith.addi %mul3A_313, %add3A_314 : i32
        %broadcast_in_dim3A_316 = arith.constant 0 : i32
        %broadcast_in_dim3A_317 = vector.broadcast %broadcast_in_dim3A_316 : i32 to vector<16xi32>
        %add3A_318 = vector.broadcast %add3A_315 : i32 to vector<16xi32>
        %add3A_319 = arith.addi %add3A_318, %broadcast_in_dim3A_317 : vector<16xi32>
        %gather3A_320 = tpu.vector_load_idx %arg7[%add3A_63, %add3A_319] : memref<32x1000xf32, #tpu.memory_space<vmem>>[vector<16xi32>, vector<16xi32>], vector<16xf32>,
        %sub3A_321 = arith.subf %gather3A_320, %scan3A_70 : vector<16xf32>
        %exp3A_322 = math.exp %sub3A_321 : vector<16xf32>
        %add3A_323 = arith.addf %add3A_311, %exp3A_322 : vector<16xf32>
        %mul3A_324 = arith.constant 25 : i32
        %mul3A_325 = arith.muli %scan3A_180, %mul3A_324 : i32
        %add3A_326 = arith.constant 12 : i32
        %add3A_327 = arith.addi %mul3A_325, %add3A_326 : i32
        %broadcast_in_dim3A_328 = arith.constant 0 : i32
        %broadcast_in_dim3A_329 = vector.broadcast %broadcast_in_dim3A_328 : i32 to vector<16xi32>
        %add3A_330 = vector.broadcast %add3A_327 : i32 to vector<16xi32>
        %add3A_331 = arith.addi %add3A_330, %broadcast_in_dim3A_329 : vector<16xi32>
        %gather3A_332 = tpu.vector_load_idx %arg7[%add3A_63, %add3A_331] : memref<32x1000xf32, #tpu.memory_space<vmem>>[vector<16xi32>, vector<16xi32>], vector<16xf32>,
        %sub3A_333 = arith.subf %gather3A_332, %scan3A_70 : vector<16xf32>
        %exp3A_334 = math.exp %sub3A_333 : vector<16xf32>
        %add3A_335 = arith.addf %add3A_323, %exp3A_334 : vector<16xf32>
        %mul3A_336 = arith.constant 25 : i32
        %mul3A_337 = arith.muli %scan3A_180, %mul3A_336 : i32
        %add3A_338 = arith.constant 13 : i32
        %add3A_339 = arith.addi %mul3A_337, %add3A_338 : i32
        %broadcast_in_dim3A_340 = arith.constant 0 : i32
        %broadcast_in_dim3A_341 = vector.broadcast %broadcast_in_dim3A_340 : i32 to vector<16xi32>
        %add3A_342 = vector.broadcast %add3A_339 : i32 to vector<16xi32>
        %add3A_343 = arith.addi %add3A_342, %broadcast_in_dim3A_341 : vector<16xi32>
        %gather3A_344 = tpu.vector_load_idx %arg7[%add3A_63, %add3A_343] : memref<32x1000xf32, #tpu.memory_space<vmem>>[vector<16xi32>, vector<16xi32>], vector<16xf32>,
        %sub3A_345 = arith.subf %gather3A_344, %scan3A_70 : vector<16xf32>
        %exp3A_346 = math.exp %sub3A_345 : vector<16xf32>
        %add3A_347 = arith.addf %add3A_335, %exp3A_346 : vector<16xf32>
        %mul3A_348 = arith.constant 25 : i32
        %mul3A_349 = arith.muli %scan3A_180, %mul3A_348 : i32
        %add3A_350 = arith.constant 14 : i32
        %add3A_351 = arith.addi %mul3A_349, %add3A_350 : i32
        %broadcast_in_dim3A_352 = arith.constant 0 : i32
        %broadcast_in_dim3A_353 = vector.broadcast %broadcast_in_dim3A_352 : i32 to vector<16xi32>
        %add3A_354 = vector.broadcast %add3A_351 : i32 to vector<16xi32>
        %add3A_355 = arith.addi %add3A_354, %broadcast_in_dim3A_353 : vector<16xi32>
        %gather3A_356 = tpu.vector_load_idx %arg7[%add3A_63, %add3A_355] : memref<32x1000xf32, #tpu.memory_space<vmem>>[vector<16xi32>, vector<16xi32>], vector<16xf32>,
        %sub3A_357 = arith.subf %gather3A_356, %scan3A_70 : vector<16xf32>
        %exp3A_358 = math.exp %sub3A_357 : vector<16xf32>
        %add3A_359 = arith.addf %add3A_347, %exp3A_358 : vector<16xf32>
        %mul3A_360 = arith.constant 25 : i32
        %mul3A_361 = arith.muli %scan3A_180, %mul3A_360 : i32
        %add3A_362 = arith.constant 15 : i32
        %add3A_363 = arith.addi %mul3A_361, %add3A_362 : i32
        %broadcast_in_dim3A_364 = arith.constant 0 : i32
        %broadcast_in_dim3A_365 = vector.broadcast %broadcast_in_dim3A_364 : i32 to vector<16xi32>
        %add3A_366 = vector.broadcast %add3A_363 : i32 to vector<16xi32>
        %add3A_367 = arith.addi %add3A_366, %broadcast_in_dim3A_365 : vector<16xi32>
        %gather3A_368 = tpu.vector_load_idx %arg7[%add3A_63, %add3A_367] : memref<32x1000xf32, #tpu.memory_space<vmem>>[vector<16xi32>, vector<16xi32>], vector<16xf32>,
        %sub3A_369 = arith.subf %gather3A_368, %scan3A_70 : vector<16xf32>
        %exp3A_370 = math.exp %sub3A_369 : vector<16xf32>
        %add3A_371 = arith.addf %add3A_359, %exp3A_370 : vector<16xf32>
        %mul3A_372 = arith.constant 25 : i32
        %mul3A_373 = arith.muli %scan3A_180, %mul3A_372 : i32
        %add3A_374 = arith.constant 16 : i32
        %add3A_375 = arith.addi %mul3A_373, %add3A_374 : i32
        %broadcast_in_dim3A_376 = arith.constant 0 : i32
        %broadcast_in_dim3A_377 = vector.broadcast %broadcast_in_dim3A_376 : i32 to vector<16xi32>
        %add3A_378 = vector.broadcast %add3A_375 : i32 to vector<16xi32>
        %add3A_379 = arith.addi %add3A_378, %broadcast_in_dim3A_377 : vector<16xi32>
        %gather3A_380 = tpu.vector_load_idx %arg7[%add3A_63, %add3A_379] : memref<32x1000xf32, #tpu.memory_space<vmem>>[vector<16xi32>, vector<16xi32>], vector<16xf32>,
        %sub3A_381 = arith.subf %gather3A_380, %scan3A_70 : vector<16xf32>
        %exp3A_382 = math.exp %sub3A_381 : vector<16xf32>
        %add3A_383 = arith.addf %add3A_371, %exp3A_382 : vector<16xf32>
        %mul3A_384 = arith.constant 25 : i32
        %mul3A_385 = arith.muli %scan3A_180, %mul3A_384 : i32
        %add3A_386 = arith.constant 17 : i32
        %add3A_387 = arith.addi %mul3A_385, %add3A_386 : i32
        %broadcast_in_dim3A_388 = arith.constant 0 : i32
        %broadcast_in_dim3A_389 = vector.broadcast %broadcast_in_dim3A_388 : i32 to vector<16xi32>
        %add3A_390 = vector.broadcast %add3A_387 : i32 to vector<16xi32>
        %add3A_391 = arith.addi %add3A_390, %broadcast_in_dim3A_389 : vector<16xi32>
        %gather3A_392 = tpu.vector_load_idx %arg7[%add3A_63, %add3A_391] : memref<32x1000xf32, #tpu.memory_space<vmem>>[vector<16xi32>, vector<16xi32>], vector<16xf32>,
        %sub3A_393 = arith.subf %gather3A_392, %scan3A_70 : vector<16xf32>
        %exp3A_394 = math.exp %sub3A_393 : vector<16xf32>
        %add3A_395 = arith.addf %add3A_383, %exp3A_394 : vector<16xf32>
        %mul3A_396 = arith.constant 25 : i32
        %mul3A_397 = arith.muli %scan3A_180, %mul3A_396 : i32
        %add3A_398 = arith.constant 18 : i32
        %add3A_399 = arith.addi %mul3A_397, %add3A_398 : i32
        %broadcast_in_dim3A_400 = arith.constant 0 : i32
        %broadcast_in_dim3A_401 = vector.broadcast %broadcast_in_dim3A_400 : i32 to vector<16xi32>
        %add3A_402 = vector.broadcast %add3A_399 : i32 to vector<16xi32>
        %add3A_403 = arith.addi %add3A_402, %broadcast_in_dim3A_401 : vector<16xi32>
        %gather3A_404 = tpu.vector_load_idx %arg7[%add3A_63, %add3A_403] : memref<32x1000xf32, #tpu.memory_space<vmem>>[vector<16xi32>, vector<16xi32>], vector<16xf32>,
        %sub3A_405 = arith.subf %gather3A_404, %scan3A_70 : vector<16xf32>
        %exp3A_406 = math.exp %sub3A_405 : vector<16xf32>
        %add3A_407 = arith.addf %add3A_395, %exp3A_406 : vector<16xf32>
        %mul3A_408 = arith.constant 25 : i32
        %mul3A_409 = arith.muli %scan3A_180, %mul3A_408 : i32
        %add3A_410 = arith.constant 19 : i32
        %add3A_411 = arith.addi %mul3A_409, %add3A_410 : i32
        %broadcast_in_dim3A_412 = arith.constant 0 : i32
        %broadcast_in_dim3A_413 = vector.broadcast %broadcast_in_dim3A_412 : i32 to vector<16xi32>
        %add3A_414 = vector.broadcast %add3A_411 : i32 to vector<16xi32>
        %add3A_415 = arith.addi %add3A_414, %broadcast_in_dim3A_413 : vector<16xi32>
        %gather3A_416 = tpu.vector_load_idx %arg7[%add3A_63, %add3A_415] : memref<32x1000xf32, #tpu.memory_space<vmem>>[vector<16xi32>, vector<16xi32>], vector<16xf32>,
        %sub3A_417 = arith.subf %gather3A_416, %scan3A_70 : vector<16xf32>
        %exp3A_418 = math.exp %sub3A_417 : vector<16xf32>
        %add3A_419 = arith.addf %add3A_407, %exp3A_418 : vector<16xf32>
        %mul3A_420 = arith.constant 25 : i32
        %mul3A_421 = arith.muli %scan3A_180, %mul3A_420 : i32
        %add3A_422 = arith.constant 20 : i32
        %add3A_423 = arith.addi %mul3A_421, %add3A_422 : i32
        %broadcast_in_dim3A_424 = arith.constant 0 : i32
        %broadcast_in_dim3A_425 = vector.broadcast %broadcast_in_dim3A_424 : i32 to vector<16xi32>
        %add3A_426 = vector.broadcast %add3A_423 : i32 to vector<16xi32>
        %add3A_427 = arith.addi %add3A_426, %broadcast_in_dim3A_425 : vector<16xi32>
        %gather3A_428 = tpu.vector_load_idx %arg7[%add3A_63, %add3A_427] : memref<32x1000xf32, #tpu.memory_space<vmem>>[vector<16xi32>, vector<16xi32>], vector<16xf32>,
        %sub3A_429 = arith.subf %gather3A_428, %scan3A_70 : vector<16xf32>
        %exp3A_430 = math.exp %sub3A_429 : vector<16xf32>
        %add3A_431 = arith.addf %add3A_419, %exp3A_430 : vector<16xf32>
        %mul3A_432 = arith.constant 25 : i32
        %mul3A_433 = arith.muli %scan3A_180, %mul3A_432 : i32
        %add3A_434 = arith.constant 21 : i32
        %add3A_435 = arith.addi %mul3A_433, %add3A_434 : i32
        %broadcast_in_dim3A_436 = arith.constant 0 : i32
        %broadcast_in_dim3A_437 = vector.broadcast %broadcast_in_dim3A_436 : i32 to vector<16xi32>
        %add3A_438 = vector.broadcast %add3A_435 : i32 to vector<16xi32>
        %add3A_439 = arith.addi %add3A_438, %broadcast_in_dim3A_437 : vector<16xi32>
        %gather3A_440 = tpu.vector_load_idx %arg7[%add3A_63, %add3A_439] : memref<32x1000xf32, #tpu.memory_space<vmem>>[vector<16xi32>, vector<16xi32>], vector<16xf32>,
        %sub3A_441 = arith.subf %gather3A_440, %scan3A_70 : vector<16xf32>
        %exp3A_442 = math.exp %sub3A_441 : vector<16xf32>
        %add3A_443 = arith.addf %add3A_431, %exp3A_442 : vector<16xf32>
        %mul3A_444 = arith.constant 25 : i32
        %mul3A_445 = arith.muli %scan3A_180, %mul3A_444 : i32
        %add3A_446 = arith.constant 22 : i32
        %add3A_447 = arith.addi %mul3A_445, %add3A_446 : i32
        %broadcast_in_dim3A_448 = arith.constant 0 : i32
        %broadcast_in_dim3A_449 = vector.broadcast %broadcast_in_dim3A_448 : i32 to vector<16xi32>
        %add3A_450 = vector.broadcast %add3A_447 : i32 to vector<16xi32>
        %add3A_451 = arith.addi %add3A_450, %broadcast_in_dim3A_449 : vector<16xi32>
        %gather3A_452 = tpu.vector_load_idx %arg7[%add3A_63, %add3A_451] : memref<32x1000xf32, #tpu.memory_space<vmem>>[vector<16xi32>, vector<16xi32>], vector<16xf32>,
        %sub3A_453 = arith.subf %gather3A_452, %scan3A_70 : vector<16xf32>
        %exp3A_454 = math.exp %sub3A_453 : vector<16xf32>
        %add3A_455 = arith.addf %add3A_443, %exp3A_454 : vector<16xf32>
        %mul3A_456 = arith.constant 25 : i32
        %mul3A_457 = arith.muli %scan3A_180, %mul3A_456 : i32
        %add3A_458 = arith.constant 23 : i32
        %add3A_459 = arith.addi %mul3A_457, %add3A_458 : i32
        %broadcast_in_dim3A_460 = arith.constant 0 : i32
        %broadcast_in_dim3A_461 = vector.broadcast %broadcast_in_dim3A_460 : i32 to vector<16xi32>
        %add3A_462 = vector.broadcast %add3A_459 : i32 to vector<16xi32>
        %add3A_463 = arith.addi %add3A_462, %broadcast_in_dim3A_461 : vector<16xi32>
        %gather3A_464 = tpu.vector_load_idx %arg7[%add3A_63, %add3A_463] : memref<32x1000xf32, #tpu.memory_space<vmem>>[vector<16xi32>, vector<16xi32>], vector<16xf32>,
        %sub3A_465 = arith.subf %gather3A_464, %scan3A_70 : vector<16xf32>
        %exp3A_466 = math.exp %sub3A_465 : vector<16xf32>
        %add3A_467 = arith.addf %add3A_455, %exp3A_466 : vector<16xf32>
        %mul3A_468 = arith.constant 25 : i32
        %mul3A_469 = arith.muli %scan3A_180, %mul3A_468 : i32
        %add3A_470 = arith.constant 24 : i32
        %add3A_471 = arith.addi %mul3A_469, %add3A_470 : i32
        %broadcast_in_dim3A_472 = arith.constant 0 : i32
        %broadcast_in_dim3A_473 = vector.broadcast %broadcast_in_dim3A_472 : i32 to vector<16xi32>
        %add3A_474 = vector.broadcast %add3A_471 : i32 to vector<16xi32>
        %add3A_475 = arith.addi %add3A_474, %broadcast_in_dim3A_473 : vector<16xi32>
        %gather3A_476 = tpu.vector_load_idx %arg7[%add3A_63, %add3A_475] : memref<32x1000xf32, #tpu.memory_space<vmem>>[vector<16xi32>, vector<16xi32>], vector<16xf32>,
        %sub3A_477 = arith.subf %gather3A_476, %scan3A_70 : vector<16xf32>
        %exp3A_478 = math.exp %sub3A_477 : vector<16xf32>
        %add3A_479 = arith.addf %add3A_467, %exp3A_478 : vector<16xf32>
        scf.yield %add3A_479 : vector<16xf32>
      }
      %scan3A_79 = arith.constant 40 : i32
      %mul3A_80 = arith.constant 32 : i32
      %mul3A_81 = arith.muli %mul3A_26, %mul3A_80 : i32
      %add3A_82 = arith.constant 16 : i32
      %add3A_83 = arith.addi %mul3A_81, %add3A_82 : i32
      %get3A_84 = arith.index_cast %add3A_83 : i32 to index
      %get3A_85 = tpu.vector_load %arg9[%get3A_84] {strides = array<i32>} : memref<256xi32, #tpu.memory_space<vmem>>, vector<16xi32>,
      %gather3A_86 = tpu.vector_load_idx %arg7[%add3A_63, %get3A_85] : memref<32x1000xf32, #tpu.memory_space<vmem>>[vector<16xi32>, vector<16xi32>], vector<16xf32>,
      %swap3A_87 = arith.index_cast %add3A_83 : i32 to index
      %swap3A_88 = tpu.vector_load %arg10[%swap3A_87] {strides = array<i32>} : memref<256xf32, #tpu.memory_space<vmem>>, vector<16xf32>,
      tpu.vector_store %arg10[%swap3A_87], %scan3A_70 {strides = array<i32>} : memref<256xf32, #tpu.memory_space<vmem>>, vector<16xf32>,
      %swap3A_89 = arith.index_cast %add3A_83 : i32 to index
      %swap3A_90 = tpu.vector_load %arg11[%swap3A_89] {strides = array<i32>} : memref<256xf32, #tpu.memory_space<vmem>>, vector<16xf32>,
      tpu.vector_store %arg11[%swap3A_89], %scan3A_78 {strides = array<i32>} : memref<256xf32, #tpu.memory_space<vmem>>, vector<16xf32>,
      %swap3A_91 = arith.index_cast %add3A_83 : i32 to index
      %swap3A_92 = tpu.vector_load %arg12[%swap3A_91] {strides = array<i32>} : memref<256xf32, #tpu.memory_space<vmem>>, vector<16xf32>,
      tpu.vector_store %arg12[%swap3A_91], %gather3A_86 {strides = array<i32>} : memref<256xf32, #tpu.memory_space<vmem>>, vector<16xf32>,
      %add3A_93 = arith.constant 2 : i32
      %add3A_94 = arith.addi %mul3A_26, %add3A_93 : i32
      %lt3A = arith.constant 8 : i32
      %lt3A_95 = arith.cmpi slt, %add3A_94, %lt3A : i32
      %convert_element_type3A = arith.extui %lt3A_95 : i1 to i32
      %cond3A = arith.constant 0 : i32
      %cond3A_96 = arith.cmpi ne, %convert_element_type3A, %cond3A : i32
      scf.if %cond3A_96 {
        %add3A_180 = arith.constant 2 : i32
        %add3A_181 = arith.addi %mul3A_26, %add3A_180 : i32
        %mul3A_182 = arith.constant 32 : i32
        %mul3A_183 = arith.muli %add3A_181, %mul3A_182 : i32
        %add3A_184 = arith.addi %mul3A_2, %mul3A_183 : i32
        %dma_start3A_185 = arith.constant 0 : i32
        %dma_start3A_186 = tpu.memref_slice %arg2[%add3A_184, %dma_start3A_185] : memref<16384x1000xf32, #tpu.memory_space<hbm>> -> memref<32x1000xf32, #tpu.memory_space<hbm>>
        %dma_start3A_187 = arith.constant 0 : i32
        %dma_start3A_188 = tpu.memref_slice %arg2[%add3A_184, %dma_start3A_187] : memref<16384x1000xf32, #tpu.memory_space<hbm>> -> memref<32x1000xf32, #tpu.memory_space<hbm>>
        tpu.enqueue_dma source(%dma_start3A_188 : memref<32x1000xf32, #tpu.memory_space<hbm>>) target(%arg7 : memref<32x1000xf32, #tpu.memory_space<vmem>>) target_semaphore(%arg13 : memref<!tpu.dma_semaphore, #tpu.memory_space<semaphore_mem>>)
      } else {
      }
      %add3A_97 = arith.constant 1 : i32
      %add3A_98 = arith.addi %mul3A_26, %add3A_97 : i32
      %mul3A_99 = arith.constant 32 : i32
      %mul3A_100 = arith.muli %add3A_98, %mul3A_99 : i32
      %add3A_101 = arith.addi %mul3A_2, %mul3A_100 : i32
      %dma_wait3A_102 = arith.constant 0 : i32
      %dma_wait3A_103 = tpu.memref_slice %arg2[%add3A_101, %dma_wait3A_102] : memref<16384x1000xf32, #tpu.memory_space<hbm>> -> memref<32x1000xf32, #tpu.memory_space<hbm>>
      %dma_wait3A_104 = arith.constant 0 : i32
      %dma_wait3A_105 = tpu.memref_slice %arg2[%add3A_101, %dma_wait3A_104] : memref<16384x1000xf32, #tpu.memory_space<hbm>> -> memref<32x1000xf32, #tpu.memory_space<hbm>>
      tpu.wait_dma2 semaphore(%arg14 : memref<!tpu.dma_semaphore, #tpu.memory_space<semaphore_mem>>) src(%dma_wait3A_105 : memref<32x1000xf32, #tpu.memory_space<hbm>>) dst(%arg8 : memref<32x1000xf32, #tpu.memory_space<vmem>>)
      %add3A_106 = arith.constant 1 : i32
      %add3A_107 = arith.addi %mul3A_26, %add3A_106 : i32
      %add3A_108 = arith.constant 0 : i32
      %add3A_109 = vector.broadcast %add3A_108 : i32 to vector<16xi32>
      %add3A_110 = arith.addi %iota3A, %add3A_109 : vector<16xi32>
      %broadcast_in_dim3A_111 = arith.constant 0xFF800000 : f32
      %broadcast_in_dim3A_112 = vector.broadcast %broadcast_in_dim3A_111 : f32 to vector<16xf32>
      %scan3A_113 = arith.constant 0 : i32
      %scan3A_114 = arith.constant 40 : i32
      %scan3A_115 = arith.addi %scan3A_113, %scan3A_114 : i32
      %scan3A_116 = arith.constant 1 : i32
      %scan3A_117 = scf.for %scan3A_180 = %scan3A_113 to %scan3A_115 step %scan3A_116 iter_args(%scan3A_181 = %broadcast_in_dim3A_112) -> (vector<16xf32>)  : i32 {
        %mul3A_182 = arith.constant 25 : i32
        %mul3A_183 = arith.muli %scan3A_180, %mul3A_182 : i32
        %add3A_184 = arith.constant 0 : i32
        %add3A_185 = arith.addi %mul3A_183, %add3A_184 : i32
        %broadcast_in_dim3A_186 = arith.constant 0 : i32
        %broadcast_in_dim3A_187 = vector.broadcast %broadcast_in_dim3A_186 : i32 to vector<16xi32>
        %add3A_188 = vector.broadcast %add3A_185 : i32 to vector<16xi32>
        %add3A_189 = arith.addi %add3A_188, %broadcast_in_dim3A_187 : vector<16xi32>
        %gather3A_190 = tpu.vector_load_idx %arg8[%add3A_110, %add3A_189] : memref<32x1000xf32, #tpu.memory_space<vmem>>[vector<16xi32>, vector<16xi32>], vector<16xf32>,
        %max3A = arith.maximumf %scan3A_181, %gather3A_190 : vector<16xf32>
        %mul3A_191 = arith.constant 25 : i32
        %mul3A_192 = arith.muli %scan3A_180, %mul3A_191 : i32
        %add3A_193 = arith.constant 1 : i32
        %add3A_194 = arith.addi %mul3A_192, %add3A_193 : i32
        %broadcast_in_dim3A_195 = arith.constant 0 : i32
        %broadcast_in_dim3A_196 = vector.broadcast %broadcast_in_dim3A_195 : i32 to vector<16xi32>
        %add3A_197 = vector.broadcast %add3A_194 : i32 to vector<16xi32>
        %add3A_198 = arith.addi %add3A_197, %broadcast_in_dim3A_196 : vector<16xi32>
        %gather3A_199 = tpu.vector_load_idx %arg8[%add3A_110, %add3A_198] : memref<32x1000xf32, #tpu.memory_space<vmem>>[vector<16xi32>, vector<16xi32>], vector<16xf32>,
        %max3A_200 = arith.maximumf %max3A, %gather3A_199 : vector<16xf32>
        %mul3A_201 = arith.constant 25 : i32
        %mul3A_202 = arith.muli %scan3A_180, %mul3A_201 : i32
        %add3A_203 = arith.constant 2 : i32
        %add3A_204 = arith.addi %mul3A_202, %add3A_203 : i32
        %broadcast_in_dim3A_205 = arith.constant 0 : i32
        %broadcast_in_dim3A_206 = vector.broadcast %broadcast_in_dim3A_205 : i32 to vector<16xi32>
        %add3A_207 = vector.broadcast %add3A_204 : i32 to vector<16xi32>
        %add3A_208 = arith.addi %add3A_207, %broadcast_in_dim3A_206 : vector<16xi32>
        %gather3A_209 = tpu.vector_load_idx %arg8[%add3A_110, %add3A_208] : memref<32x1000xf32, #tpu.memory_space<vmem>>[vector<16xi32>, vector<16xi32>], vector<16xf32>,
        %max3A_210 = arith.maximumf %max3A_200, %gather3A_209 : vector<16xf32>
        %mul3A_211 = arith.constant 25 : i32
        %mul3A_212 = arith.muli %scan3A_180, %mul3A_211 : i32
        %add3A_213 = arith.constant 3 : i32
        %add3A_214 = arith.addi %mul3A_212, %add3A_213 : i32
        %broadcast_in_dim3A_215 = arith.constant 0 : i32
        %broadcast_in_dim3A_216 = vector.broadcast %broadcast_in_dim3A_215 : i32 to vector<16xi32>
        %add3A_217 = vector.broadcast %add3A_214 : i32 to vector<16xi32>
        %add3A_218 = arith.addi %add3A_217, %broadcast_in_dim3A_216 : vector<16xi32>
        %gather3A_219 = tpu.vector_load_idx %arg8[%add3A_110, %add3A_218] : memref<32x1000xf32, #tpu.memory_space<vmem>>[vector<16xi32>, vector<16xi32>], vector<16xf32>,
        %max3A_220 = arith.maximumf %max3A_210, %gather3A_219 : vector<16xf32>
        %mul3A_221 = arith.constant 25 : i32
        %mul3A_222 = arith.muli %scan3A_180, %mul3A_221 : i32
        %add3A_223 = arith.constant 4 : i32
        %add3A_224 = arith.addi %mul3A_222, %add3A_223 : i32
        %broadcast_in_dim3A_225 = arith.constant 0 : i32
        %broadcast_in_dim3A_226 = vector.broadcast %broadcast_in_dim3A_225 : i32 to vector<16xi32>
        %add3A_227 = vector.broadcast %add3A_224 : i32 to vector<16xi32>
        %add3A_228 = arith.addi %add3A_227, %broadcast_in_dim3A_226 : vector<16xi32>
        %gather3A_229 = tpu.vector_load_idx %arg8[%add3A_110, %add3A_228] : memref<32x1000xf32, #tpu.memory_space<vmem>>[vector<16xi32>, vector<16xi32>], vector<16xf32>,
        %max3A_230 = arith.maximumf %max3A_220, %gather3A_229 : vector<16xf32>
        %mul3A_231 = arith.constant 25 : i32
        %mul3A_232 = arith.muli %scan3A_180, %mul3A_231 : i32
        %add3A_233 = arith.constant 5 : i32
        %add3A_234 = arith.addi %mul3A_232, %add3A_233 : i32
        %broadcast_in_dim3A_235 = arith.constant 0 : i32
        %broadcast_in_dim3A_236 = vector.broadcast %broadcast_in_dim3A_235 : i32 to vector<16xi32>
        %add3A_237 = vector.broadcast %add3A_234 : i32 to vector<16xi32>
        %add3A_238 = arith.addi %add3A_237, %broadcast_in_dim3A_236 : vector<16xi32>
        %gather3A_239 = tpu.vector_load_idx %arg8[%add3A_110, %add3A_238] : memref<32x1000xf32, #tpu.memory_space<vmem>>[vector<16xi32>, vector<16xi32>], vector<16xf32>,
        %max3A_240 = arith.maximumf %max3A_230, %gather3A_239 : vector<16xf32>
        %mul3A_241 = arith.constant 25 : i32
        %mul3A_242 = arith.muli %scan3A_180, %mul3A_241 : i32
        %add3A_243 = arith.constant 6 : i32
        %add3A_244 = arith.addi %mul3A_242, %add3A_243 : i32
        %broadcast_in_dim3A_245 = arith.constant 0 : i32
        %broadcast_in_dim3A_246 = vector.broadcast %broadcast_in_dim3A_245 : i32 to vector<16xi32>
        %add3A_247 = vector.broadcast %add3A_244 : i32 to vector<16xi32>
        %add3A_248 = arith.addi %add3A_247, %broadcast_in_dim3A_246 : vector<16xi32>
        %gather3A_249 = tpu.vector_load_idx %arg8[%add3A_110, %add3A_248] : memref<32x1000xf32, #tpu.memory_space<vmem>>[vector<16xi32>, vector<16xi32>], vector<16xf32>,
        %max3A_250 = arith.maximumf %max3A_240, %gather3A_249 : vector<16xf32>
        %mul3A_251 = arith.constant 25 : i32
        %mul3A_252 = arith.muli %scan3A_180, %mul3A_251 : i32
        %add3A_253 = arith.constant 7 : i32
        %add3A_254 = arith.addi %mul3A_252, %add3A_253 : i32
        %broadcast_in_dim3A_255 = arith.constant 0 : i32
        %broadcast_in_dim3A_256 = vector.broadcast %broadcast_in_dim3A_255 : i32 to vector<16xi32>
        %add3A_257 = vector.broadcast %add3A_254 : i32 to vector<16xi32>
        %add3A_258 = arith.addi %add3A_257, %broadcast_in_dim3A_256 : vector<16xi32>
        %gather3A_259 = tpu.vector_load_idx %arg8[%add3A_110, %add3A_258] : memref<32x1000xf32, #tpu.memory_space<vmem>>[vector<16xi32>, vector<16xi32>], vector<16xf32>,
        %max3A_260 = arith.maximumf %max3A_250, %gather3A_259 : vector<16xf32>
        %mul3A_261 = arith.constant 25 : i32
        %mul3A_262 = arith.muli %scan3A_180, %mul3A_261 : i32
        %add3A_263 = arith.constant 8 : i32
        %add3A_264 = arith.addi %mul3A_262, %add3A_263 : i32
        %broadcast_in_dim3A_265 = arith.constant 0 : i32
        %broadcast_in_dim3A_266 = vector.broadcast %broadcast_in_dim3A_265 : i32 to vector<16xi32>
        %add3A_267 = vector.broadcast %add3A_264 : i32 to vector<16xi32>
        %add3A_268 = arith.addi %add3A_267, %broadcast_in_dim3A_266 : vector<16xi32>
        %gather3A_269 = tpu.vector_load_idx %arg8[%add3A_110, %add3A_268] : memref<32x1000xf32, #tpu.memory_space<vmem>>[vector<16xi32>, vector<16xi32>], vector<16xf32>,
        %max3A_270 = arith.maximumf %max3A_260, %gather3A_269 : vector<16xf32>
        %mul3A_271 = arith.constant 25 : i32
        %mul3A_272 = arith.muli %scan3A_180, %mul3A_271 : i32
        %add3A_273 = arith.constant 9 : i32
        %add3A_274 = arith.addi %mul3A_272, %add3A_273 : i32
        %broadcast_in_dim3A_275 = arith.constant 0 : i32
        %broadcast_in_dim3A_276 = vector.broadcast %broadcast_in_dim3A_275 : i32 to vector<16xi32>
        %add3A_277 = vector.broadcast %add3A_274 : i32 to vector<16xi32>
        %add3A_278 = arith.addi %add3A_277, %broadcast_in_dim3A_276 : vector<16xi32>
        %gather3A_279 = tpu.vector_load_idx %arg8[%add3A_110, %add3A_278] : memref<32x1000xf32, #tpu.memory_space<vmem>>[vector<16xi32>, vector<16xi32>], vector<16xf32>,
        %max3A_280 = arith.maximumf %max3A_270, %gather3A_279 : vector<16xf32>
        %mul3A_281 = arith.constant 25 : i32
        %mul3A_282 = arith.muli %scan3A_180, %mul3A_281 : i32
        %add3A_283 = arith.constant 10 : i32
        %add3A_284 = arith.addi %mul3A_282, %add3A_283 : i32
        %broadcast_in_dim3A_285 = arith.constant 0 : i32
        %broadcast_in_dim3A_286 = vector.broadcast %broadcast_in_dim3A_285 : i32 to vector<16xi32>
        %add3A_287 = vector.broadcast %add3A_284 : i32 to vector<16xi32>
        %add3A_288 = arith.addi %add3A_287, %broadcast_in_dim3A_286 : vector<16xi32>
        %gather3A_289 = tpu.vector_load_idx %arg8[%add3A_110, %add3A_288] : memref<32x1000xf32, #tpu.memory_space<vmem>>[vector<16xi32>, vector<16xi32>], vector<16xf32>,
        %max3A_290 = arith.maximumf %max3A_280, %gather3A_289 : vector<16xf32>
        %mul3A_291 = arith.constant 25 : i32
        %mul3A_292 = arith.muli %scan3A_180, %mul3A_291 : i32
        %add3A_293 = arith.constant 11 : i32
        %add3A_294 = arith.addi %mul3A_292, %add3A_293 : i32
        %broadcast_in_dim3A_295 = arith.constant 0 : i32
        %broadcast_in_dim3A_296 = vector.broadcast %broadcast_in_dim3A_295 : i32 to vector<16xi32>
        %add3A_297 = vector.broadcast %add3A_294 : i32 to vector<16xi32>
        %add3A_298 = arith.addi %add3A_297, %broadcast_in_dim3A_296 : vector<16xi32>
        %gather3A_299 = tpu.vector_load_idx %arg8[%add3A_110, %add3A_298] : memref<32x1000xf32, #tpu.memory_space<vmem>>[vector<16xi32>, vector<16xi32>], vector<16xf32>,
        %max3A_300 = arith.maximumf %max3A_290, %gather3A_299 : vector<16xf32>
        %mul3A_301 = arith.constant 25 : i32
        %mul3A_302 = arith.muli %scan3A_180, %mul3A_301 : i32
        %add3A_303 = arith.constant 12 : i32
        %add3A_304 = arith.addi %mul3A_302, %add3A_303 : i32
        %broadcast_in_dim3A_305 = arith.constant 0 : i32
        %broadcast_in_dim3A_306 = vector.broadcast %broadcast_in_dim3A_305 : i32 to vector<16xi32>
        %add3A_307 = vector.broadcast %add3A_304 : i32 to vector<16xi32>
        %add3A_308 = arith.addi %add3A_307, %broadcast_in_dim3A_306 : vector<16xi32>
        %gather3A_309 = tpu.vector_load_idx %arg8[%add3A_110, %add3A_308] : memref<32x1000xf32, #tpu.memory_space<vmem>>[vector<16xi32>, vector<16xi32>], vector<16xf32>,
        %max3A_310 = arith.maximumf %max3A_300, %gather3A_309 : vector<16xf32>
        %mul3A_311 = arith.constant 25 : i32
        %mul3A_312 = arith.muli %scan3A_180, %mul3A_311 : i32
        %add3A_313 = arith.constant 13 : i32
        %add3A_314 = arith.addi %mul3A_312, %add3A_313 : i32
        %broadcast_in_dim3A_315 = arith.constant 0 : i32
        %broadcast_in_dim3A_316 = vector.broadcast %broadcast_in_dim3A_315 : i32 to vector<16xi32>
        %add3A_317 = vector.broadcast %add3A_314 : i32 to vector<16xi32>
        %add3A_318 = arith.addi %add3A_317, %broadcast_in_dim3A_316 : vector<16xi32>
        %gather3A_319 = tpu.vector_load_idx %arg8[%add3A_110, %add3A_318] : memref<32x1000xf32, #tpu.memory_space<vmem>>[vector<16xi32>, vector<16xi32>], vector<16xf32>,
        %max3A_320 = arith.maximumf %max3A_310, %gather3A_319 : vector<16xf32>
        %mul3A_321 = arith.constant 25 : i32
        %mul3A_322 = arith.muli %scan3A_180, %mul3A_321 : i32
        %add3A_323 = arith.constant 14 : i32
        %add3A_324 = arith.addi %mul3A_322, %add3A_323 : i32
        %broadcast_in_dim3A_325 = arith.constant 0 : i32
        %broadcast_in_dim3A_326 = vector.broadcast %broadcast_in_dim3A_325 : i32 to vector<16xi32>
        %add3A_327 = vector.broadcast %add3A_324 : i32 to vector<16xi32>
        %add3A_328 = arith.addi %add3A_327, %broadcast_in_dim3A_326 : vector<16xi32>
        %gather3A_329 = tpu.vector_load_idx %arg8[%add3A_110, %add3A_328] : memref<32x1000xf32, #tpu.memory_space<vmem>>[vector<16xi32>, vector<16xi32>], vector<16xf32>,
        %max3A_330 = arith.maximumf %max3A_320, %gather3A_329 : vector<16xf32>
        %mul3A_331 = arith.constant 25 : i32
        %mul3A_332 = arith.muli %scan3A_180, %mul3A_331 : i32
        %add3A_333 = arith.constant 15 : i32
        %add3A_334 = arith.addi %mul3A_332, %add3A_333 : i32
        %broadcast_in_dim3A_335 = arith.constant 0 : i32
        %broadcast_in_dim3A_336 = vector.broadcast %broadcast_in_dim3A_335 : i32 to vector<16xi32>
        %add3A_337 = vector.broadcast %add3A_334 : i32 to vector<16xi32>
        %add3A_338 = arith.addi %add3A_337, %broadcast_in_dim3A_336 : vector<16xi32>
        %gather3A_339 = tpu.vector_load_idx %arg8[%add3A_110, %add3A_338] : memref<32x1000xf32, #tpu.memory_space<vmem>>[vector<16xi32>, vector<16xi32>], vector<16xf32>,
        %max3A_340 = arith.maximumf %max3A_330, %gather3A_339 : vector<16xf32>
        %mul3A_341 = arith.constant 25 : i32
        %mul3A_342 = arith.muli %scan3A_180, %mul3A_341 : i32
        %add3A_343 = arith.constant 16 : i32
        %add3A_344 = arith.addi %mul3A_342, %add3A_343 : i32
        %broadcast_in_dim3A_345 = arith.constant 0 : i32
        %broadcast_in_dim3A_346 = vector.broadcast %broadcast_in_dim3A_345 : i32 to vector<16xi32>
        %add3A_347 = vector.broadcast %add3A_344 : i32 to vector<16xi32>
        %add3A_348 = arith.addi %add3A_347, %broadcast_in_dim3A_346 : vector<16xi32>
        %gather3A_349 = tpu.vector_load_idx %arg8[%add3A_110, %add3A_348] : memref<32x1000xf32, #tpu.memory_space<vmem>>[vector<16xi32>, vector<16xi32>], vector<16xf32>,
        %max3A_350 = arith.maximumf %max3A_340, %gather3A_349 : vector<16xf32>
        %mul3A_351 = arith.constant 25 : i32
        %mul3A_352 = arith.muli %scan3A_180, %mul3A_351 : i32
        %add3A_353 = arith.constant 17 : i32
        %add3A_354 = arith.addi %mul3A_352, %add3A_353 : i32
        %broadcast_in_dim3A_355 = arith.constant 0 : i32
        %broadcast_in_dim3A_356 = vector.broadcast %broadcast_in_dim3A_355 : i32 to vector<16xi32>
        %add3A_357 = vector.broadcast %add3A_354 : i32 to vector<16xi32>
        %add3A_358 = arith.addi %add3A_357, %broadcast_in_dim3A_356 : vector<16xi32>
        %gather3A_359 = tpu.vector_load_idx %arg8[%add3A_110, %add3A_358] : memref<32x1000xf32, #tpu.memory_space<vmem>>[vector<16xi32>, vector<16xi32>], vector<16xf32>,
        %max3A_360 = arith.maximumf %max3A_350, %gather3A_359 : vector<16xf32>
        %mul3A_361 = arith.constant 25 : i32
        %mul3A_362 = arith.muli %scan3A_180, %mul3A_361 : i32
        %add3A_363 = arith.constant 18 : i32
        %add3A_364 = arith.addi %mul3A_362, %add3A_363 : i32
        %broadcast_in_dim3A_365 = arith.constant 0 : i32
        %broadcast_in_dim3A_366 = vector.broadcast %broadcast_in_dim3A_365 : i32 to vector<16xi32>
        %add3A_367 = vector.broadcast %add3A_364 : i32 to vector<16xi32>
        %add3A_368 = arith.addi %add3A_367, %broadcast_in_dim3A_366 : vector<16xi32>
        %gather3A_369 = tpu.vector_load_idx %arg8[%add3A_110, %add3A_368] : memref<32x1000xf32, #tpu.memory_space<vmem>>[vector<16xi32>, vector<16xi32>], vector<16xf32>,
        %max3A_370 = arith.maximumf %max3A_360, %gather3A_369 : vector<16xf32>
        %mul3A_371 = arith.constant 25 : i32
        %mul3A_372 = arith.muli %scan3A_180, %mul3A_371 : i32
        %add3A_373 = arith.constant 19 : i32
        %add3A_374 = arith.addi %mul3A_372, %add3A_373 : i32
        %broadcast_in_dim3A_375 = arith.constant 0 : i32
        %broadcast_in_dim3A_376 = vector.broadcast %broadcast_in_dim3A_375 : i32 to vector<16xi32>
        %add3A_377 = vector.broadcast %add3A_374 : i32 to vector<16xi32>
        %add3A_378 = arith.addi %add3A_377, %broadcast_in_dim3A_376 : vector<16xi32>
        %gather3A_379 = tpu.vector_load_idx %arg8[%add3A_110, %add3A_378] : memref<32x1000xf32, #tpu.memory_space<vmem>>[vector<16xi32>, vector<16xi32>], vector<16xf32>,
        %max3A_380 = arith.maximumf %max3A_370, %gather3A_379 : vector<16xf32>
        %mul3A_381 = arith.constant 25 : i32
        %mul3A_382 = arith.muli %scan3A_180, %mul3A_381 : i32
        %add3A_383 = arith.constant 20 : i32
        %add3A_384 = arith.addi %mul3A_382, %add3A_383 : i32
        %broadcast_in_dim3A_385 = arith.constant 0 : i32
        %broadcast_in_dim3A_386 = vector.broadcast %broadcast_in_dim3A_385 : i32 to vector<16xi32>
        %add3A_387 = vector.broadcast %add3A_384 : i32 to vector<16xi32>
        %add3A_388 = arith.addi %add3A_387, %broadcast_in_dim3A_386 : vector<16xi32>
        %gather3A_389 = tpu.vector_load_idx %arg8[%add3A_110, %add3A_388] : memref<32x1000xf32, #tpu.memory_space<vmem>>[vector<16xi32>, vector<16xi32>], vector<16xf32>,
        %max3A_390 = arith.maximumf %max3A_380, %gather3A_389 : vector<16xf32>
        %mul3A_391 = arith.constant 25 : i32
        %mul3A_392 = arith.muli %scan3A_180, %mul3A_391 : i32
        %add3A_393 = arith.constant 21 : i32
        %add3A_394 = arith.addi %mul3A_392, %add3A_393 : i32
        %broadcast_in_dim3A_395 = arith.constant 0 : i32
        %broadcast_in_dim3A_396 = vector.broadcast %broadcast_in_dim3A_395 : i32 to vector<16xi32>
        %add3A_397 = vector.broadcast %add3A_394 : i32 to vector<16xi32>
        %add3A_398 = arith.addi %add3A_397, %broadcast_in_dim3A_396 : vector<16xi32>
        %gather3A_399 = tpu.vector_load_idx %arg8[%add3A_110, %add3A_398] : memref<32x1000xf32, #tpu.memory_space<vmem>>[vector<16xi32>, vector<16xi32>], vector<16xf32>,
        %max3A_400 = arith.maximumf %max3A_390, %gather3A_399 : vector<16xf32>
        %mul3A_401 = arith.constant 25 : i32
        %mul3A_402 = arith.muli %scan3A_180, %mul3A_401 : i32
        %add3A_403 = arith.constant 22 : i32
        %add3A_404 = arith.addi %mul3A_402, %add3A_403 : i32
        %broadcast_in_dim3A_405 = arith.constant 0 : i32
        %broadcast_in_dim3A_406 = vector.broadcast %broadcast_in_dim3A_405 : i32 to vector<16xi32>
        %add3A_407 = vector.broadcast %add3A_404 : i32 to vector<16xi32>
        %add3A_408 = arith.addi %add3A_407, %broadcast_in_dim3A_406 : vector<16xi32>
        %gather3A_409 = tpu.vector_load_idx %arg8[%add3A_110, %add3A_408] : memref<32x1000xf32, #tpu.memory_space<vmem>>[vector<16xi32>, vector<16xi32>], vector<16xf32>,
        %max3A_410 = arith.maximumf %max3A_400, %gather3A_409 : vector<16xf32>
        %mul3A_411 = arith.constant 25 : i32
        %mul3A_412 = arith.muli %scan3A_180, %mul3A_411 : i32
        %add3A_413 = arith.constant 23 : i32
        %add3A_414 = arith.addi %mul3A_412, %add3A_413 : i32
        %broadcast_in_dim3A_415 = arith.constant 0 : i32
        %broadcast_in_dim3A_416 = vector.broadcast %broadcast_in_dim3A_415 : i32 to vector<16xi32>
        %add3A_417 = vector.broadcast %add3A_414 : i32 to vector<16xi32>
        %add3A_418 = arith.addi %add3A_417, %broadcast_in_dim3A_416 : vector<16xi32>
        %gather3A_419 = tpu.vector_load_idx %arg8[%add3A_110, %add3A_418] : memref<32x1000xf32, #tpu.memory_space<vmem>>[vector<16xi32>, vector<16xi32>], vector<16xf32>,
        %max3A_420 = arith.maximumf %max3A_410, %gather3A_419 : vector<16xf32>
        %mul3A_421 = arith.constant 25 : i32
        %mul3A_422 = arith.muli %scan3A_180, %mul3A_421 : i32
        %add3A_423 = arith.constant 24 : i32
        %add3A_424 = arith.addi %mul3A_422, %add3A_423 : i32
        %broadcast_in_dim3A_425 = arith.constant 0 : i32
        %broadcast_in_dim3A_426 = vector.broadcast %broadcast_in_dim3A_425 : i32 to vector<16xi32>
        %add3A_427 = vector.broadcast %add3A_424 : i32 to vector<16xi32>
        %add3A_428 = arith.addi %add3A_427, %broadcast_in_dim3A_426 : vector<16xi32>
        %gather3A_429 = tpu.vector_load_idx %arg8[%add3A_110, %add3A_428] : memref<32x1000xf32, #tpu.memory_space<vmem>>[vector<16xi32>, vector<16xi32>], vector<16xf32>,
        %max3A_430 = arith.maximumf %max3A_420, %gather3A_429 : vector<16xf32>
        scf.yield %max3A_430 : vector<16xf32>
      }
      %scan3A_118 = arith.constant 40 : i32
      %broadcast_in_dim3A_119 = arith.constant 0.000000e+00 : f32
      %broadcast_in_dim3A_120 = vector.broadcast %broadcast_in_dim3A_119 : f32 to vector<16xf32>
      %scan3A_121 = arith.constant 0 : i32
      %scan3A_122 = arith.constant 40 : i32
      %scan3A_123 = arith.addi %scan3A_121, %scan3A_122 : i32
      %scan3A_124 = arith.constant 1 : i32
      %scan3A_125 = scf.for %scan3A_180 = %scan3A_121 to %scan3A_123 step %scan3A_124 iter_args(%scan3A_181 = %broadcast_in_dim3A_120) -> (vector<16xf32>)  : i32 {
        %mul3A_182 = arith.constant 25 : i32
        %mul3A_183 = arith.muli %scan3A_180, %mul3A_182 : i32
        %add3A_184 = arith.constant 0 : i32
        %add3A_185 = arith.addi %mul3A_183, %add3A_184 : i32
        %broadcast_in_dim3A_186 = arith.constant 0 : i32
        %broadcast_in_dim3A_187 = vector.broadcast %broadcast_in_dim3A_186 : i32 to vector<16xi32>
        %add3A_188 = vector.broadcast %add3A_185 : i32 to vector<16xi32>
        %add3A_189 = arith.addi %add3A_188, %broadcast_in_dim3A_187 : vector<16xi32>
        %gather3A_190 = tpu.vector_load_idx %arg8[%add3A_110, %add3A_189] : memref<32x1000xf32, #tpu.memory_space<vmem>>[vector<16xi32>, vector<16xi32>], vector<16xf32>,
        %sub3A = arith.subf %gather3A_190, %scan3A_117 : vector<16xf32>
        %exp3A = math.exp %sub3A : vector<16xf32>
        %add3A_191 = arith.addf %scan3A_181, %exp3A : vector<16xf32>
        %mul3A_192 = arith.constant 25 : i32
        %mul3A_193 = arith.muli %scan3A_180, %mul3A_192 : i32
        %add3A_194 = arith.constant 1 : i32
        %add3A_195 = arith.addi %mul3A_193, %add3A_194 : i32
        %broadcast_in_dim3A_196 = arith.constant 0 : i32
        %broadcast_in_dim3A_197 = vector.broadcast %broadcast_in_dim3A_196 : i32 to vector<16xi32>
        %add3A_198 = vector.broadcast %add3A_195 : i32 to vector<16xi32>
        %add3A_199 = arith.addi %add3A_198, %broadcast_in_dim3A_197 : vector<16xi32>
        %gather3A_200 = tpu.vector_load_idx %arg8[%add3A_110, %add3A_199] : memref<32x1000xf32, #tpu.memory_space<vmem>>[vector<16xi32>, vector<16xi32>], vector<16xf32>,
        %sub3A_201 = arith.subf %gather3A_200, %scan3A_117 : vector<16xf32>
        %exp3A_202 = math.exp %sub3A_201 : vector<16xf32>
        %add3A_203 = arith.addf %add3A_191, %exp3A_202 : vector<16xf32>
        %mul3A_204 = arith.constant 25 : i32
        %mul3A_205 = arith.muli %scan3A_180, %mul3A_204 : i32
        %add3A_206 = arith.constant 2 : i32
        %add3A_207 = arith.addi %mul3A_205, %add3A_206 : i32
        %broadcast_in_dim3A_208 = arith.constant 0 : i32
        %broadcast_in_dim3A_209 = vector.broadcast %broadcast_in_dim3A_208 : i32 to vector<16xi32>
        %add3A_210 = vector.broadcast %add3A_207 : i32 to vector<16xi32>
        %add3A_211 = arith.addi %add3A_210, %broadcast_in_dim3A_209 : vector<16xi32>
        %gather3A_212 = tpu.vector_load_idx %arg8[%add3A_110, %add3A_211] : memref<32x1000xf32, #tpu.memory_space<vmem>>[vector<16xi32>, vector<16xi32>], vector<16xf32>,
        %sub3A_213 = arith.subf %gather3A_212, %scan3A_117 : vector<16xf32>
        %exp3A_214 = math.exp %sub3A_213 : vector<16xf32>
        %add3A_215 = arith.addf %add3A_203, %exp3A_214 : vector<16xf32>
        %mul3A_216 = arith.constant 25 : i32
        %mul3A_217 = arith.muli %scan3A_180, %mul3A_216 : i32
        %add3A_218 = arith.constant 3 : i32
        %add3A_219 = arith.addi %mul3A_217, %add3A_218 : i32
        %broadcast_in_dim3A_220 = arith.constant 0 : i32
        %broadcast_in_dim3A_221 = vector.broadcast %broadcast_in_dim3A_220 : i32 to vector<16xi32>
        %add3A_222 = vector.broadcast %add3A_219 : i32 to vector<16xi32>
        %add3A_223 = arith.addi %add3A_222, %broadcast_in_dim3A_221 : vector<16xi32>
        %gather3A_224 = tpu.vector_load_idx %arg8[%add3A_110, %add3A_223] : memref<32x1000xf32, #tpu.memory_space<vmem>>[vector<16xi32>, vector<16xi32>], vector<16xf32>,
        %sub3A_225 = arith.subf %gather3A_224, %scan3A_117 : vector<16xf32>
        %exp3A_226 = math.exp %sub3A_225 : vector<16xf32>
        %add3A_227 = arith.addf %add3A_215, %exp3A_226 : vector<16xf32>
        %mul3A_228 = arith.constant 25 : i32
        %mul3A_229 = arith.muli %scan3A_180, %mul3A_228 : i32
        %add3A_230 = arith.constant 4 : i32
        %add3A_231 = arith.addi %mul3A_229, %add3A_230 : i32
        %broadcast_in_dim3A_232 = arith.constant 0 : i32
        %broadcast_in_dim3A_233 = vector.broadcast %broadcast_in_dim3A_232 : i32 to vector<16xi32>
        %add3A_234 = vector.broadcast %add3A_231 : i32 to vector<16xi32>
        %add3A_235 = arith.addi %add3A_234, %broadcast_in_dim3A_233 : vector<16xi32>
        %gather3A_236 = tpu.vector_load_idx %arg8[%add3A_110, %add3A_235] : memref<32x1000xf32, #tpu.memory_space<vmem>>[vector<16xi32>, vector<16xi32>], vector<16xf32>,
        %sub3A_237 = arith.subf %gather3A_236, %scan3A_117 : vector<16xf32>
        %exp3A_238 = math.exp %sub3A_237 : vector<16xf32>
        %add3A_239 = arith.addf %add3A_227, %exp3A_238 : vector<16xf32>
        %mul3A_240 = arith.constant 25 : i32
        %mul3A_241 = arith.muli %scan3A_180, %mul3A_240 : i32
        %add3A_242 = arith.constant 5 : i32
        %add3A_243 = arith.addi %mul3A_241, %add3A_242 : i32
        %broadcast_in_dim3A_244 = arith.constant 0 : i32
        %broadcast_in_dim3A_245 = vector.broadcast %broadcast_in_dim3A_244 : i32 to vector<16xi32>
        %add3A_246 = vector.broadcast %add3A_243 : i32 to vector<16xi32>
        %add3A_247 = arith.addi %add3A_246, %broadcast_in_dim3A_245 : vector<16xi32>
        %gather3A_248 = tpu.vector_load_idx %arg8[%add3A_110, %add3A_247] : memref<32x1000xf32, #tpu.memory_space<vmem>>[vector<16xi32>, vector<16xi32>], vector<16xf32>,
        %sub3A_249 = arith.subf %gather3A_248, %scan3A_117 : vector<16xf32>
        %exp3A_250 = math.exp %sub3A_249 : vector<16xf32>
        %add3A_251 = arith.addf %add3A_239, %exp3A_250 : vector<16xf32>
        %mul3A_252 = arith.constant 25 : i32
        %mul3A_253 = arith.muli %scan3A_180, %mul3A_252 : i32
        %add3A_254 = arith.constant 6 : i32
        %add3A_255 = arith.addi %mul3A_253, %add3A_254 : i32
        %broadcast_in_dim3A_256 = arith.constant 0 : i32
        %broadcast_in_dim3A_257 = vector.broadcast %broadcast_in_dim3A_256 : i32 to vector<16xi32>
        %add3A_258 = vector.broadcast %add3A_255 : i32 to vector<16xi32>
        %add3A_259 = arith.addi %add3A_258, %broadcast_in_dim3A_257 : vector<16xi32>
        %gather3A_260 = tpu.vector_load_idx %arg8[%add3A_110, %add3A_259] : memref<32x1000xf32, #tpu.memory_space<vmem>>[vector<16xi32>, vector<16xi32>], vector<16xf32>,
        %sub3A_261 = arith.subf %gather3A_260, %scan3A_117 : vector<16xf32>
        %exp3A_262 = math.exp %sub3A_261 : vector<16xf32>
        %add3A_263 = arith.addf %add3A_251, %exp3A_262 : vector<16xf32>
        %mul3A_264 = arith.constant 25 : i32
        %mul3A_265 = arith.muli %scan3A_180, %mul3A_264 : i32
        %add3A_266 = arith.constant 7 : i32
        %add3A_267 = arith.addi %mul3A_265, %add3A_266 : i32
        %broadcast_in_dim3A_268 = arith.constant 0 : i32
        %broadcast_in_dim3A_269 = vector.broadcast %broadcast_in_dim3A_268 : i32 to vector<16xi32>
        %add3A_270 = vector.broadcast %add3A_267 : i32 to vector<16xi32>
        %add3A_271 = arith.addi %add3A_270, %broadcast_in_dim3A_269 : vector<16xi32>
        %gather3A_272 = tpu.vector_load_idx %arg8[%add3A_110, %add3A_271] : memref<32x1000xf32, #tpu.memory_space<vmem>>[vector<16xi32>, vector<16xi32>], vector<16xf32>,
        %sub3A_273 = arith.subf %gather3A_272, %scan3A_117 : vector<16xf32>
        %exp3A_274 = math.exp %sub3A_273 : vector<16xf32>
        %add3A_275 = arith.addf %add3A_263, %exp3A_274 : vector<16xf32>
        %mul3A_276 = arith.constant 25 : i32
        %mul3A_277 = arith.muli %scan3A_180, %mul3A_276 : i32
        %add3A_278 = arith.constant 8 : i32
        %add3A_279 = arith.addi %mul3A_277, %add3A_278 : i32
        %broadcast_in_dim3A_280 = arith.constant 0 : i32
        %broadcast_in_dim3A_281 = vector.broadcast %broadcast_in_dim3A_280 : i32 to vector<16xi32>
        %add3A_282 = vector.broadcast %add3A_279 : i32 to vector<16xi32>
        %add3A_283 = arith.addi %add3A_282, %broadcast_in_dim3A_281 : vector<16xi32>
        %gather3A_284 = tpu.vector_load_idx %arg8[%add3A_110, %add3A_283] : memref<32x1000xf32, #tpu.memory_space<vmem>>[vector<16xi32>, vector<16xi32>], vector<16xf32>,
        %sub3A_285 = arith.subf %gather3A_284, %scan3A_117 : vector<16xf32>
        %exp3A_286 = math.exp %sub3A_285 : vector<16xf32>
        %add3A_287 = arith.addf %add3A_275, %exp3A_286 : vector<16xf32>
        %mul3A_288 = arith.constant 25 : i32
        %mul3A_289 = arith.muli %scan3A_180, %mul3A_288 : i32
        %add3A_290 = arith.constant 9 : i32
        %add3A_291 = arith.addi %mul3A_289, %add3A_290 : i32
        %broadcast_in_dim3A_292 = arith.constant 0 : i32
        %broadcast_in_dim3A_293 = vector.broadcast %broadcast_in_dim3A_292 : i32 to vector<16xi32>
        %add3A_294 = vector.broadcast %add3A_291 : i32 to vector<16xi32>
        %add3A_295 = arith.addi %add3A_294, %broadcast_in_dim3A_293 : vector<16xi32>
        %gather3A_296 = tpu.vector_load_idx %arg8[%add3A_110, %add3A_295] : memref<32x1000xf32, #tpu.memory_space<vmem>>[vector<16xi32>, vector<16xi32>], vector<16xf32>,
        %sub3A_297 = arith.subf %gather3A_296, %scan3A_117 : vector<16xf32>
        %exp3A_298 = math.exp %sub3A_297 : vector<16xf32>
        %add3A_299 = arith.addf %add3A_287, %exp3A_298 : vector<16xf32>
        %mul3A_300 = arith.constant 25 : i32
        %mul3A_301 = arith.muli %scan3A_180, %mul3A_300 : i32
        %add3A_302 = arith.constant 10 : i32
        %add3A_303 = arith.addi %mul3A_301, %add3A_302 : i32
        %broadcast_in_dim3A_304 = arith.constant 0 : i32
        %broadcast_in_dim3A_305 = vector.broadcast %broadcast_in_dim3A_304 : i32 to vector<16xi32>
        %add3A_306 = vector.broadcast %add3A_303 : i32 to vector<16xi32>
        %add3A_307 = arith.addi %add3A_306, %broadcast_in_dim3A_305 : vector<16xi32>
        %gather3A_308 = tpu.vector_load_idx %arg8[%add3A_110, %add3A_307] : memref<32x1000xf32, #tpu.memory_space<vmem>>[vector<16xi32>, vector<16xi32>], vector<16xf32>,
        %sub3A_309 = arith.subf %gather3A_308, %scan3A_117 : vector<16xf32>
        %exp3A_310 = math.exp %sub3A_309 : vector<16xf32>
        %add3A_311 = arith.addf %add3A_299, %exp3A_310 : vector<16xf32>
        %mul3A_312 = arith.constant 25 : i32
        %mul3A_313 = arith.muli %scan3A_180, %mul3A_312 : i32
        %add3A_314 = arith.constant 11 : i32
        %add3A_315 = arith.addi %mul3A_313, %add3A_314 : i32
        %broadcast_in_dim3A_316 = arith.constant 0 : i32
        %broadcast_in_dim3A_317 = vector.broadcast %broadcast_in_dim3A_316 : i32 to vector<16xi32>
        %add3A_318 = vector.broadcast %add3A_315 : i32 to vector<16xi32>
        %add3A_319 = arith.addi %add3A_318, %broadcast_in_dim3A_317 : vector<16xi32>
        %gather3A_320 = tpu.vector_load_idx %arg8[%add3A_110, %add3A_319] : memref<32x1000xf32, #tpu.memory_space<vmem>>[vector<16xi32>, vector<16xi32>], vector<16xf32>,
        %sub3A_321 = arith.subf %gather3A_320, %scan3A_117 : vector<16xf32>
        %exp3A_322 = math.exp %sub3A_321 : vector<16xf32>
        %add3A_323 = arith.addf %add3A_311, %exp3A_322 : vector<16xf32>
        %mul3A_324 = arith.constant 25 : i32
        %mul3A_325 = arith.muli %scan3A_180, %mul3A_324 : i32
        %add3A_326 = arith.constant 12 : i32
        %add3A_327 = arith.addi %mul3A_325, %add3A_326 : i32
        %broadcast_in_dim3A_328 = arith.constant 0 : i32
        %broadcast_in_dim3A_329 = vector.broadcast %broadcast_in_dim3A_328 : i32 to vector<16xi32>
        %add3A_330 = vector.broadcast %add3A_327 : i32 to vector<16xi32>
        %add3A_331 = arith.addi %add3A_330, %broadcast_in_dim3A_329 : vector<16xi32>
        %gather3A_332 = tpu.vector_load_idx %arg8[%add3A_110, %add3A_331] : memref<32x1000xf32, #tpu.memory_space<vmem>>[vector<16xi32>, vector<16xi32>], vector<16xf32>,
        %sub3A_333 = arith.subf %gather3A_332, %scan3A_117 : vector<16xf32>
        %exp3A_334 = math.exp %sub3A_333 : vector<16xf32>
        %add3A_335 = arith.addf %add3A_323, %exp3A_334 : vector<16xf32>
        %mul3A_336 = arith.constant 25 : i32
        %mul3A_337 = arith.muli %scan3A_180, %mul3A_336 : i32
        %add3A_338 = arith.constant 13 : i32
        %add3A_339 = arith.addi %mul3A_337, %add3A_338 : i32
        %broadcast_in_dim3A_340 = arith.constant 0 : i32
        %broadcast_in_dim3A_341 = vector.broadcast %broadcast_in_dim3A_340 : i32 to vector<16xi32>
        %add3A_342 = vector.broadcast %add3A_339 : i32 to vector<16xi32>
        %add3A_343 = arith.addi %add3A_342, %broadcast_in_dim3A_341 : vector<16xi32>
        %gather3A_344 = tpu.vector_load_idx %arg8[%add3A_110, %add3A_343] : memref<32x1000xf32, #tpu.memory_space<vmem>>[vector<16xi32>, vector<16xi32>], vector<16xf32>,
        %sub3A_345 = arith.subf %gather3A_344, %scan3A_117 : vector<16xf32>
        %exp3A_346 = math.exp %sub3A_345 : vector<16xf32>
        %add3A_347 = arith.addf %add3A_335, %exp3A_346 : vector<16xf32>
        %mul3A_348 = arith.constant 25 : i32
        %mul3A_349 = arith.muli %scan3A_180, %mul3A_348 : i32
        %add3A_350 = arith.constant 14 : i32
        %add3A_351 = arith.addi %mul3A_349, %add3A_350 : i32
        %broadcast_in_dim3A_352 = arith.constant 0 : i32
        %broadcast_in_dim3A_353 = vector.broadcast %broadcast_in_dim3A_352 : i32 to vector<16xi32>
        %add3A_354 = vector.broadcast %add3A_351 : i32 to vector<16xi32>
        %add3A_355 = arith.addi %add3A_354, %broadcast_in_dim3A_353 : vector<16xi32>
        %gather3A_356 = tpu.vector_load_idx %arg8[%add3A_110, %add3A_355] : memref<32x1000xf32, #tpu.memory_space<vmem>>[vector<16xi32>, vector<16xi32>], vector<16xf32>,
        %sub3A_357 = arith.subf %gather3A_356, %scan3A_117 : vector<16xf32>
        %exp3A_358 = math.exp %sub3A_357 : vector<16xf32>
        %add3A_359 = arith.addf %add3A_347, %exp3A_358 : vector<16xf32>
        %mul3A_360 = arith.constant 25 : i32
        %mul3A_361 = arith.muli %scan3A_180, %mul3A_360 : i32
        %add3A_362 = arith.constant 15 : i32
        %add3A_363 = arith.addi %mul3A_361, %add3A_362 : i32
        %broadcast_in_dim3A_364 = arith.constant 0 : i32
        %broadcast_in_dim3A_365 = vector.broadcast %broadcast_in_dim3A_364 : i32 to vector<16xi32>
        %add3A_366 = vector.broadcast %add3A_363 : i32 to vector<16xi32>
        %add3A_367 = arith.addi %add3A_366, %broadcast_in_dim3A_365 : vector<16xi32>
        %gather3A_368 = tpu.vector_load_idx %arg8[%add3A_110, %add3A_367] : memref<32x1000xf32, #tpu.memory_space<vmem>>[vector<16xi32>, vector<16xi32>], vector<16xf32>,
        %sub3A_369 = arith.subf %gather3A_368, %scan3A_117 : vector<16xf32>
        %exp3A_370 = math.exp %sub3A_369 : vector<16xf32>
        %add3A_371 = arith.addf %add3A_359, %exp3A_370 : vector<16xf32>
        %mul3A_372 = arith.constant 25 : i32
        %mul3A_373 = arith.muli %scan3A_180, %mul3A_372 : i32
        %add3A_374 = arith.constant 16 : i32
        %add3A_375 = arith.addi %mul3A_373, %add3A_374 : i32
        %broadcast_in_dim3A_376 = arith.constant 0 : i32
        %broadcast_in_dim3A_377 = vector.broadcast %broadcast_in_dim3A_376 : i32 to vector<16xi32>
        %add3A_378 = vector.broadcast %add3A_375 : i32 to vector<16xi32>
        %add3A_379 = arith.addi %add3A_378, %broadcast_in_dim3A_377 : vector<16xi32>
        %gather3A_380 = tpu.vector_load_idx %arg8[%add3A_110, %add3A_379] : memref<32x1000xf32, #tpu.memory_space<vmem>>[vector<16xi32>, vector<16xi32>], vector<16xf32>,
        %sub3A_381 = arith.subf %gather3A_380, %scan3A_117 : vector<16xf32>
        %exp3A_382 = math.exp %sub3A_381 : vector<16xf32>
        %add3A_383 = arith.addf %add3A_371, %exp3A_382 : vector<16xf32>
        %mul3A_384 = arith.constant 25 : i32
        %mul3A_385 = arith.muli %scan3A_180, %mul3A_384 : i32
        %add3A_386 = arith.constant 17 : i32
        %add3A_387 = arith.addi %mul3A_385, %add3A_386 : i32
        %broadcast_in_dim3A_388 = arith.constant 0 : i32
        %broadcast_in_dim3A_389 = vector.broadcast %broadcast_in_dim3A_388 : i32 to vector<16xi32>
        %add3A_390 = vector.broadcast %add3A_387 : i32 to vector<16xi32>
        %add3A_391 = arith.addi %add3A_390, %broadcast_in_dim3A_389 : vector<16xi32>
        %gather3A_392 = tpu.vector_load_idx %arg8[%add3A_110, %add3A_391] : memref<32x1000xf32, #tpu.memory_space<vmem>>[vector<16xi32>, vector<16xi32>], vector<16xf32>,
        %sub3A_393 = arith.subf %gather3A_392, %scan3A_117 : vector<16xf32>
        %exp3A_394 = math.exp %sub3A_393 : vector<16xf32>
        %add3A_395 = arith.addf %add3A_383, %exp3A_394 : vector<16xf32>
        %mul3A_396 = arith.constant 25 : i32
        %mul3A_397 = arith.muli %scan3A_180, %mul3A_396 : i32
        %add3A_398 = arith.constant 18 : i32
        %add3A_399 = arith.addi %mul3A_397, %add3A_398 : i32
        %broadcast_in_dim3A_400 = arith.constant 0 : i32
        %broadcast_in_dim3A_401 = vector.broadcast %broadcast_in_dim3A_400 : i32 to vector<16xi32>
        %add3A_402 = vector.broadcast %add3A_399 : i32 to vector<16xi32>
        %add3A_403 = arith.addi %add3A_402, %broadcast_in_dim3A_401 : vector<16xi32>
        %gather3A_404 = tpu.vector_load_idx %arg8[%add3A_110, %add3A_403] : memref<32x1000xf32, #tpu.memory_space<vmem>>[vector<16xi32>, vector<16xi32>], vector<16xf32>,
        %sub3A_405 = arith.subf %gather3A_404, %scan3A_117 : vector<16xf32>
        %exp3A_406 = math.exp %sub3A_405 : vector<16xf32>
        %add3A_407 = arith.addf %add3A_395, %exp3A_406 : vector<16xf32>
        %mul3A_408 = arith.constant 25 : i32
        %mul3A_409 = arith.muli %scan3A_180, %mul3A_408 : i32
        %add3A_410 = arith.constant 19 : i32
        %add3A_411 = arith.addi %mul3A_409, %add3A_410 : i32
        %broadcast_in_dim3A_412 = arith.constant 0 : i32
        %broadcast_in_dim3A_413 = vector.broadcast %broadcast_in_dim3A_412 : i32 to vector<16xi32>
        %add3A_414 = vector.broadcast %add3A_411 : i32 to vector<16xi32>
        %add3A_415 = arith.addi %add3A_414, %broadcast_in_dim3A_413 : vector<16xi32>
        %gather3A_416 = tpu.vector_load_idx %arg8[%add3A_110, %add3A_415] : memref<32x1000xf32, #tpu.memory_space<vmem>>[vector<16xi32>, vector<16xi32>], vector<16xf32>,
        %sub3A_417 = arith.subf %gather3A_416, %scan3A_117 : vector<16xf32>
        %exp3A_418 = math.exp %sub3A_417 : vector<16xf32>
        %add3A_419 = arith.addf %add3A_407, %exp3A_418 : vector<16xf32>
        %mul3A_420 = arith.constant 25 : i32
        %mul3A_421 = arith.muli %scan3A_180, %mul3A_420 : i32
        %add3A_422 = arith.constant 20 : i32
        %add3A_423 = arith.addi %mul3A_421, %add3A_422 : i32
        %broadcast_in_dim3A_424 = arith.constant 0 : i32
        %broadcast_in_dim3A_425 = vector.broadcast %broadcast_in_dim3A_424 : i32 to vector<16xi32>
        %add3A_426 = vector.broadcast %add3A_423 : i32 to vector<16xi32>
        %add3A_427 = arith.addi %add3A_426, %broadcast_in_dim3A_425 : vector<16xi32>
        %gather3A_428 = tpu.vector_load_idx %arg8[%add3A_110, %add3A_427] : memref<32x1000xf32, #tpu.memory_space<vmem>>[vector<16xi32>, vector<16xi32>], vector<16xf32>,
        %sub3A_429 = arith.subf %gather3A_428, %scan3A_117 : vector<16xf32>
        %exp3A_430 = math.exp %sub3A_429 : vector<16xf32>
        %add3A_431 = arith.addf %add3A_419, %exp3A_430 : vector<16xf32>
        %mul3A_432 = arith.constant 25 : i32
        %mul3A_433 = arith.muli %scan3A_180, %mul3A_432 : i32
        %add3A_434 = arith.constant 21 : i32
        %add3A_435 = arith.addi %mul3A_433, %add3A_434 : i32
        %broadcast_in_dim3A_436 = arith.constant 0 : i32
        %broadcast_in_dim3A_437 = vector.broadcast %broadcast_in_dim3A_436 : i32 to vector<16xi32>
        %add3A_438 = vector.broadcast %add3A_435 : i32 to vector<16xi32>
        %add3A_439 = arith.addi %add3A_438, %broadcast_in_dim3A_437 : vector<16xi32>
        %gather3A_440 = tpu.vector_load_idx %arg8[%add3A_110, %add3A_439] : memref<32x1000xf32, #tpu.memory_space<vmem>>[vector<16xi32>, vector<16xi32>], vector<16xf32>,
        %sub3A_441 = arith.subf %gather3A_440, %scan3A_117 : vector<16xf32>
        %exp3A_442 = math.exp %sub3A_441 : vector<16xf32>
        %add3A_443 = arith.addf %add3A_431, %exp3A_442 : vector<16xf32>
        %mul3A_444 = arith.constant 25 : i32
        %mul3A_445 = arith.muli %scan3A_180, %mul3A_444 : i32
        %add3A_446 = arith.constant 22 : i32
        %add3A_447 = arith.addi %mul3A_445, %add3A_446 : i32
        %broadcast_in_dim3A_448 = arith.constant 0 : i32
        %broadcast_in_dim3A_449 = vector.broadcast %broadcast_in_dim3A_448 : i32 to vector<16xi32>
        %add3A_450 = vector.broadcast %add3A_447 : i32 to vector<16xi32>
        %add3A_451 = arith.addi %add3A_450, %broadcast_in_dim3A_449 : vector<16xi32>
        %gather3A_452 = tpu.vector_load_idx %arg8[%add3A_110, %add3A_451] : memref<32x1000xf32, #tpu.memory_space<vmem>>[vector<16xi32>, vector<16xi32>], vector<16xf32>,
        %sub3A_453 = arith.subf %gather3A_452, %scan3A_117 : vector<16xf32>
        %exp3A_454 = math.exp %sub3A_453 : vector<16xf32>
        %add3A_455 = arith.addf %add3A_443, %exp3A_454 : vector<16xf32>
        %mul3A_456 = arith.constant 25 : i32
        %mul3A_457 = arith.muli %scan3A_180, %mul3A_456 : i32
        %add3A_458 = arith.constant 23 : i32
        %add3A_459 = arith.addi %mul3A_457, %add3A_458 : i32
        %broadcast_in_dim3A_460 = arith.constant 0 : i32
        %broadcast_in_dim3A_461 = vector.broadcast %broadcast_in_dim3A_460 : i32 to vector<16xi32>
        %add3A_462 = vector.broadcast %add3A_459 : i32 to vector<16xi32>
        %add3A_463 = arith.addi %add3A_462, %broadcast_in_dim3A_461 : vector<16xi32>
        %gather3A_464 = tpu.vector_load_idx %arg8[%add3A_110, %add3A_463] : memref<32x1000xf32, #tpu.memory_space<vmem>>[vector<16xi32>, vector<16xi32>], vector<16xf32>,
        %sub3A_465 = arith.subf %gather3A_464, %scan3A_117 : vector<16xf32>
        %exp3A_466 = math.exp %sub3A_465 : vector<16xf32>
        %add3A_467 = arith.addf %add3A_455, %exp3A_466 : vector<16xf32>
        %mul3A_468 = arith.constant 25 : i32
        %mul3A_469 = arith.muli %scan3A_180, %mul3A_468 : i32
        %add3A_470 = arith.constant 24 : i32
        %add3A_471 = arith.addi %mul3A_469, %add3A_470 : i32
        %broadcast_in_dim3A_472 = arith.constant 0 : i32
        %broadcast_in_dim3A_473 = vector.broadcast %broadcast_in_dim3A_472 : i32 to vector<16xi32>
        %add3A_474 = vector.broadcast %add3A_471 : i32 to vector<16xi32>
        %add3A_475 = arith.addi %add3A_474, %broadcast_in_dim3A_473 : vector<16xi32>
        %gather3A_476 = tpu.vector_load_idx %arg8[%add3A_110, %add3A_475] : memref<32x1000xf32, #tpu.memory_space<vmem>>[vector<16xi32>, vector<16xi32>], vector<16xf32>,
        %sub3A_477 = arith.subf %gather3A_476, %scan3A_117 : vector<16xf32>
        %exp3A_478 = math.exp %sub3A_477 : vector<16xf32>
        %add3A_479 = arith.addf %add3A_467, %exp3A_478 : vector<16xf32>
        scf.yield %add3A_479 : vector<16xf32>
      }
      %scan3A_126 = arith.constant 40 : i32
      %mul3A_127 = arith.constant 32 : i32
      %mul3A_128 = arith.muli %add3A_107, %mul3A_127 : i32
      %add3A_129 = arith.constant 0 : i32
      %add3A_130 = arith.addi %mul3A_128, %add3A_129 : i32
      %get3A_131 = arith.index_cast %add3A_130 : i32 to index
      %get3A_132 = tpu.vector_load %arg9[%get3A_131] {strides = array<i32>} : memref<256xi32, #tpu.memory_space<vmem>>, vector<16xi32>,
      %gather3A_133 = tpu.vector_load_idx %arg8[%add3A_110, %get3A_132] : memref<32x1000xf32, #tpu.memory_space<vmem>>[vector<16xi32>, vector<16xi32>], vector<16xf32>,
      %swap3A_134 = arith.index_cast %add3A_130 : i32 to index
      %swap3A_135 = tpu.vector_load %arg10[%swap3A_134] {strides = array<i32>} : memref<256xf32, #tpu.memory_space<vmem>>, vector<16xf32>,
      tpu.vector_store %arg10[%swap3A_134], %scan3A_117 {strides = array<i32>} : memref<256xf32, #tpu.memory_space<vmem>>, vector<16xf32>,
      %swap3A_136 = arith.index_cast %add3A_130 : i32 to index
      %swap3A_137 = tpu.vector_load %arg11[%swap3A_136] {strides = array<i32>} : memref<256xf32, #tpu.memory_space<vmem>>, vector<16xf32>,
      tpu.vector_store %arg11[%swap3A_136], %scan3A_125 {strides = array<i32>} : memref<256xf32, #tpu.memory_space<vmem>>, vector<16xf32>,
      %swap3A_138 = arith.index_cast %add3A_130 : i32 to index
      %swap3A_139 = tpu.vector_load %arg12[%swap3A_138] {strides = array<i32>} : memref<256xf32, #tpu.memory_space<vmem>>, vector<16xf32>,
      tpu.vector_store %arg12[%swap3A_138], %gather3A_133 {strides = array<i32>} : memref<256xf32, #tpu.memory_space<vmem>>, vector<16xf32>,
      %add3A_140 = arith.constant 16 : i32
      %add3A_141 = vector.broadcast %add3A_140 : i32 to vector<16xi32>
      %add3A_142 = arith.addi %iota3A, %add3A_141 : vector<16xi32>
      %broadcast_in_dim3A_143 = arith.constant 0xFF800000 : f32
      %broadcast_in_dim3A_144 = vector.broadcast %broadcast_in_dim3A_143 : f32 to vector<16xf32>
      %scan3A_145 = arith.constant 0 : i32
      %scan3A_146 = arith.constant 40 : i32
      %scan3A_147 = arith.addi %scan3A_145, %scan3A_146 : i32
      %scan3A_148 = arith.constant 1 : i32
      %scan3A_149 = scf.for %scan3A_180 = %scan3A_145 to %scan3A_147 step %scan3A_148 iter_args(%scan3A_181 = %broadcast_in_dim3A_144) -> (vector<16xf32>)  : i32 {
        %mul3A_182 = arith.constant 25 : i32
        %mul3A_183 = arith.muli %scan3A_180, %mul3A_182 : i32
        %add3A_184 = arith.constant 0 : i32
        %add3A_185 = arith.addi %mul3A_183, %add3A_184 : i32
        %broadcast_in_dim3A_186 = arith.constant 0 : i32
        %broadcast_in_dim3A_187 = vector.broadcast %broadcast_in_dim3A_186 : i32 to vector<16xi32>
        %add3A_188 = vector.broadcast %add3A_185 : i32 to vector<16xi32>
        %add3A_189 = arith.addi %add3A_188, %broadcast_in_dim3A_187 : vector<16xi32>
        %gather3A_190 = tpu.vector_load_idx %arg8[%add3A_142, %add3A_189] : memref<32x1000xf32, #tpu.memory_space<vmem>>[vector<16xi32>, vector<16xi32>], vector<16xf32>,
        %max3A = arith.maximumf %scan3A_181, %gather3A_190 : vector<16xf32>
        %mul3A_191 = arith.constant 25 : i32
        %mul3A_192 = arith.muli %scan3A_180, %mul3A_191 : i32
        %add3A_193 = arith.constant 1 : i32
        %add3A_194 = arith.addi %mul3A_192, %add3A_193 : i32
        %broadcast_in_dim3A_195 = arith.constant 0 : i32
        %broadcast_in_dim3A_196 = vector.broadcast %broadcast_in_dim3A_195 : i32 to vector<16xi32>
        %add3A_197 = vector.broadcast %add3A_194 : i32 to vector<16xi32>
        %add3A_198 = arith.addi %add3A_197, %broadcast_in_dim3A_196 : vector<16xi32>
        %gather3A_199 = tpu.vector_load_idx %arg8[%add3A_142, %add3A_198] : memref<32x1000xf32, #tpu.memory_space<vmem>>[vector<16xi32>, vector<16xi32>], vector<16xf32>,
        %max3A_200 = arith.maximumf %max3A, %gather3A_199 : vector<16xf32>
        %mul3A_201 = arith.constant 25 : i32
        %mul3A_202 = arith.muli %scan3A_180, %mul3A_201 : i32
        %add3A_203 = arith.constant 2 : i32
        %add3A_204 = arith.addi %mul3A_202, %add3A_203 : i32
        %broadcast_in_dim3A_205 = arith.constant 0 : i32
        %broadcast_in_dim3A_206 = vector.broadcast %broadcast_in_dim3A_205 : i32 to vector<16xi32>
        %add3A_207 = vector.broadcast %add3A_204 : i32 to vector<16xi32>
        %add3A_208 = arith.addi %add3A_207, %broadcast_in_dim3A_206 : vector<16xi32>
        %gather3A_209 = tpu.vector_load_idx %arg8[%add3A_142, %add3A_208] : memref<32x1000xf32, #tpu.memory_space<vmem>>[vector<16xi32>, vector<16xi32>], vector<16xf32>,
        %max3A_210 = arith.maximumf %max3A_200, %gather3A_209 : vector<16xf32>
        %mul3A_211 = arith.constant 25 : i32
        %mul3A_212 = arith.muli %scan3A_180, %mul3A_211 : i32
        %add3A_213 = arith.constant 3 : i32
        %add3A_214 = arith.addi %mul3A_212, %add3A_213 : i32
        %broadcast_in_dim3A_215 = arith.constant 0 : i32
        %broadcast_in_dim3A_216 = vector.broadcast %broadcast_in_dim3A_215 : i32 to vector<16xi32>
        %add3A_217 = vector.broadcast %add3A_214 : i32 to vector<16xi32>
        %add3A_218 = arith.addi %add3A_217, %broadcast_in_dim3A_216 : vector<16xi32>
        %gather3A_219 = tpu.vector_load_idx %arg8[%add3A_142, %add3A_218] : memref<32x1000xf32, #tpu.memory_space<vmem>>[vector<16xi32>, vector<16xi32>], vector<16xf32>,
        %max3A_220 = arith.maximumf %max3A_210, %gather3A_219 : vector<16xf32>
        %mul3A_221 = arith.constant 25 : i32
        %mul3A_222 = arith.muli %scan3A_180, %mul3A_221 : i32
        %add3A_223 = arith.constant 4 : i32
        %add3A_224 = arith.addi %mul3A_222, %add3A_223 : i32
        %broadcast_in_dim3A_225 = arith.constant 0 : i32
        %broadcast_in_dim3A_226 = vector.broadcast %broadcast_in_dim3A_225 : i32 to vector<16xi32>
        %add3A_227 = vector.broadcast %add3A_224 : i32 to vector<16xi32>
        %add3A_228 = arith.addi %add3A_227, %broadcast_in_dim3A_226 : vector<16xi32>
        %gather3A_229 = tpu.vector_load_idx %arg8[%add3A_142, %add3A_228] : memref<32x1000xf32, #tpu.memory_space<vmem>>[vector<16xi32>, vector<16xi32>], vector<16xf32>,
        %max3A_230 = arith.maximumf %max3A_220, %gather3A_229 : vector<16xf32>
        %mul3A_231 = arith.constant 25 : i32
        %mul3A_232 = arith.muli %scan3A_180, %mul3A_231 : i32
        %add3A_233 = arith.constant 5 : i32
        %add3A_234 = arith.addi %mul3A_232, %add3A_233 : i32
        %broadcast_in_dim3A_235 = arith.constant 0 : i32
        %broadcast_in_dim3A_236 = vector.broadcast %broadcast_in_dim3A_235 : i32 to vector<16xi32>
        %add3A_237 = vector.broadcast %add3A_234 : i32 to vector<16xi32>
        %add3A_238 = arith.addi %add3A_237, %broadcast_in_dim3A_236 : vector<16xi32>
        %gather3A_239 = tpu.vector_load_idx %arg8[%add3A_142, %add3A_238] : memref<32x1000xf32, #tpu.memory_space<vmem>>[vector<16xi32>, vector<16xi32>], vector<16xf32>,
        %max3A_240 = arith.maximumf %max3A_230, %gather3A_239 : vector<16xf32>
        %mul3A_241 = arith.constant 25 : i32
        %mul3A_242 = arith.muli %scan3A_180, %mul3A_241 : i32
        %add3A_243 = arith.constant 6 : i32
        %add3A_244 = arith.addi %mul3A_242, %add3A_243 : i32
        %broadcast_in_dim3A_245 = arith.constant 0 : i32
        %broadcast_in_dim3A_246 = vector.broadcast %broadcast_in_dim3A_245 : i32 to vector<16xi32>
        %add3A_247 = vector.broadcast %add3A_244 : i32 to vector<16xi32>
        %add3A_248 = arith.addi %add3A_247, %broadcast_in_dim3A_246 : vector<16xi32>
        %gather3A_249 = tpu.vector_load_idx %arg8[%add3A_142, %add3A_248] : memref<32x1000xf32, #tpu.memory_space<vmem>>[vector<16xi32>, vector<16xi32>], vector<16xf32>,
        %max3A_250 = arith.maximumf %max3A_240, %gather3A_249 : vector<16xf32>
        %mul3A_251 = arith.constant 25 : i32
        %mul3A_252 = arith.muli %scan3A_180, %mul3A_251 : i32
        %add3A_253 = arith.constant 7 : i32
        %add3A_254 = arith.addi %mul3A_252, %add3A_253 : i32
        %broadcast_in_dim3A_255 = arith.constant 0 : i32
        %broadcast_in_dim3A_256 = vector.broadcast %broadcast_in_dim3A_255 : i32 to vector<16xi32>
        %add3A_257 = vector.broadcast %add3A_254 : i32 to vector<16xi32>
        %add3A_258 = arith.addi %add3A_257, %broadcast_in_dim3A_256 : vector<16xi32>
        %gather3A_259 = tpu.vector_load_idx %arg8[%add3A_142, %add3A_258] : memref<32x1000xf32, #tpu.memory_space<vmem>>[vector<16xi32>, vector<16xi32>], vector<16xf32>,
        %max3A_260 = arith.maximumf %max3A_250, %gather3A_259 : vector<16xf32>
        %mul3A_261 = arith.constant 25 : i32
        %mul3A_262 = arith.muli %scan3A_180, %mul3A_261 : i32
        %add3A_263 = arith.constant 8 : i32
        %add3A_264 = arith.addi %mul3A_262, %add3A_263 : i32
        %broadcast_in_dim3A_265 = arith.constant 0 : i32
        %broadcast_in_dim3A_266 = vector.broadcast %broadcast_in_dim3A_265 : i32 to vector<16xi32>
        %add3A_267 = vector.broadcast %add3A_264 : i32 to vector<16xi32>
        %add3A_268 = arith.addi %add3A_267, %broadcast_in_dim3A_266 : vector<16xi32>
        %gather3A_269 = tpu.vector_load_idx %arg8[%add3A_142, %add3A_268] : memref<32x1000xf32, #tpu.memory_space<vmem>>[vector<16xi32>, vector<16xi32>], vector<16xf32>,
        %max3A_270 = arith.maximumf %max3A_260, %gather3A_269 : vector<16xf32>
        %mul3A_271 = arith.constant 25 : i32
        %mul3A_272 = arith.muli %scan3A_180, %mul3A_271 : i32
        %add3A_273 = arith.constant 9 : i32
        %add3A_274 = arith.addi %mul3A_272, %add3A_273 : i32
        %broadcast_in_dim3A_275 = arith.constant 0 : i32
        %broadcast_in_dim3A_276 = vector.broadcast %broadcast_in_dim3A_275 : i32 to vector<16xi32>
        %add3A_277 = vector.broadcast %add3A_274 : i32 to vector<16xi32>
        %add3A_278 = arith.addi %add3A_277, %broadcast_in_dim3A_276 : vector<16xi32>
        %gather3A_279 = tpu.vector_load_idx %arg8[%add3A_142, %add3A_278] : memref<32x1000xf32, #tpu.memory_space<vmem>>[vector<16xi32>, vector<16xi32>], vector<16xf32>,
        %max3A_280 = arith.maximumf %max3A_270, %gather3A_279 : vector<16xf32>
        %mul3A_281 = arith.constant 25 : i32
        %mul3A_282 = arith.muli %scan3A_180, %mul3A_281 : i32
        %add3A_283 = arith.constant 10 : i32
        %add3A_284 = arith.addi %mul3A_282, %add3A_283 : i32
        %broadcast_in_dim3A_285 = arith.constant 0 : i32
        %broadcast_in_dim3A_286 = vector.broadcast %broadcast_in_dim3A_285 : i32 to vector<16xi32>
        %add3A_287 = vector.broadcast %add3A_284 : i32 to vector<16xi32>
        %add3A_288 = arith.addi %add3A_287, %broadcast_in_dim3A_286 : vector<16xi32>
        %gather3A_289 = tpu.vector_load_idx %arg8[%add3A_142, %add3A_288] : memref<32x1000xf32, #tpu.memory_space<vmem>>[vector<16xi32>, vector<16xi32>], vector<16xf32>,
        %max3A_290 = arith.maximumf %max3A_280, %gather3A_289 : vector<16xf32>
        %mul3A_291 = arith.constant 25 : i32
        %mul3A_292 = arith.muli %scan3A_180, %mul3A_291 : i32
        %add3A_293 = arith.constant 11 : i32
        %add3A_294 = arith.addi %mul3A_292, %add3A_293 : i32
        %broadcast_in_dim3A_295 = arith.constant 0 : i32
        %broadcast_in_dim3A_296 = vector.broadcast %broadcast_in_dim3A_295 : i32 to vector<16xi32>
        %add3A_297 = vector.broadcast %add3A_294 : i32 to vector<16xi32>
        %add3A_298 = arith.addi %add3A_297, %broadcast_in_dim3A_296 : vector<16xi32>
        %gather3A_299 = tpu.vector_load_idx %arg8[%add3A_142, %add3A_298] : memref<32x1000xf32, #tpu.memory_space<vmem>>[vector<16xi32>, vector<16xi32>], vector<16xf32>,
        %max3A_300 = arith.maximumf %max3A_290, %gather3A_299 : vector<16xf32>
        %mul3A_301 = arith.constant 25 : i32
        %mul3A_302 = arith.muli %scan3A_180, %mul3A_301 : i32
        %add3A_303 = arith.constant 12 : i32
        %add3A_304 = arith.addi %mul3A_302, %add3A_303 : i32
        %broadcast_in_dim3A_305 = arith.constant 0 : i32
        %broadcast_in_dim3A_306 = vector.broadcast %broadcast_in_dim3A_305 : i32 to vector<16xi32>
        %add3A_307 = vector.broadcast %add3A_304 : i32 to vector<16xi32>
        %add3A_308 = arith.addi %add3A_307, %broadcast_in_dim3A_306 : vector<16xi32>
        %gather3A_309 = tpu.vector_load_idx %arg8[%add3A_142, %add3A_308] : memref<32x1000xf32, #tpu.memory_space<vmem>>[vector<16xi32>, vector<16xi32>], vector<16xf32>,
        %max3A_310 = arith.maximumf %max3A_300, %gather3A_309 : vector<16xf32>
        %mul3A_311 = arith.constant 25 : i32
        %mul3A_312 = arith.muli %scan3A_180, %mul3A_311 : i32
        %add3A_313 = arith.constant 13 : i32
        %add3A_314 = arith.addi %mul3A_312, %add3A_313 : i32
        %broadcast_in_dim3A_315 = arith.constant 0 : i32
        %broadcast_in_dim3A_316 = vector.broadcast %broadcast_in_dim3A_315 : i32 to vector<16xi32>
        %add3A_317 = vector.broadcast %add3A_314 : i32 to vector<16xi32>
        %add3A_318 = arith.addi %add3A_317, %broadcast_in_dim3A_316 : vector<16xi32>
        %gather3A_319 = tpu.vector_load_idx %arg8[%add3A_142, %add3A_318] : memref<32x1000xf32, #tpu.memory_space<vmem>>[vector<16xi32>, vector<16xi32>], vector<16xf32>,
        %max3A_320 = arith.maximumf %max3A_310, %gather3A_319 : vector<16xf32>
        %mul3A_321 = arith.constant 25 : i32
        %mul3A_322 = arith.muli %scan3A_180, %mul3A_321 : i32
        %add3A_323 = arith.constant 14 : i32
        %add3A_324 = arith.addi %mul3A_322, %add3A_323 : i32
        %broadcast_in_dim3A_325 = arith.constant 0 : i32
        %broadcast_in_dim3A_326 = vector.broadcast %broadcast_in_dim3A_325 : i32 to vector<16xi32>
        %add3A_327 = vector.broadcast %add3A_324 : i32 to vector<16xi32>
        %add3A_328 = arith.addi %add3A_327, %broadcast_in_dim3A_326 : vector<16xi32>
        %gather3A_329 = tpu.vector_load_idx %arg8[%add3A_142, %add3A_328] : memref<32x1000xf32, #tpu.memory_space<vmem>>[vector<16xi32>, vector<16xi32>], vector<16xf32>,
        %max3A_330 = arith.maximumf %max3A_320, %gather3A_329 : vector<16xf32>
        %mul3A_331 = arith.constant 25 : i32
        %mul3A_332 = arith.muli %scan3A_180, %mul3A_331 : i32
        %add3A_333 = arith.constant 15 : i32
        %add3A_334 = arith.addi %mul3A_332, %add3A_333 : i32
        %broadcast_in_dim3A_335 = arith.constant 0 : i32
        %broadcast_in_dim3A_336 = vector.broadcast %broadcast_in_dim3A_335 : i32 to vector<16xi32>
        %add3A_337 = vector.broadcast %add3A_334 : i32 to vector<16xi32>
        %add3A_338 = arith.addi %add3A_337, %broadcast_in_dim3A_336 : vector<16xi32>
        %gather3A_339 = tpu.vector_load_idx %arg8[%add3A_142, %add3A_338] : memref<32x1000xf32, #tpu.memory_space<vmem>>[vector<16xi32>, vector<16xi32>], vector<16xf32>,
        %max3A_340 = arith.maximumf %max3A_330, %gather3A_339 : vector<16xf32>
        %mul3A_341 = arith.constant 25 : i32
        %mul3A_342 = arith.muli %scan3A_180, %mul3A_341 : i32
        %add3A_343 = arith.constant 16 : i32
        %add3A_344 = arith.addi %mul3A_342, %add3A_343 : i32
        %broadcast_in_dim3A_345 = arith.constant 0 : i32
        %broadcast_in_dim3A_346 = vector.broadcast %broadcast_in_dim3A_345 : i32 to vector<16xi32>
        %add3A_347 = vector.broadcast %add3A_344 : i32 to vector<16xi32>
        %add3A_348 = arith.addi %add3A_347, %broadcast_in_dim3A_346 : vector<16xi32>
        %gather3A_349 = tpu.vector_load_idx %arg8[%add3A_142, %add3A_348] : memref<32x1000xf32, #tpu.memory_space<vmem>>[vector<16xi32>, vector<16xi32>], vector<16xf32>,
        %max3A_350 = arith.maximumf %max3A_340, %gather3A_349 : vector<16xf32>
        %mul3A_351 = arith.constant 25 : i32
        %mul3A_352 = arith.muli %scan3A_180, %mul3A_351 : i32
        %add3A_353 = arith.constant 17 : i32
        %add3A_354 = arith.addi %mul3A_352, %add3A_353 : i32
        %broadcast_in_dim3A_355 = arith.constant 0 : i32
        %broadcast_in_dim3A_356 = vector.broadcast %broadcast_in_dim3A_355 : i32 to vector<16xi32>
        %add3A_357 = vector.broadcast %add3A_354 : i32 to vector<16xi32>
        %add3A_358 = arith.addi %add3A_357, %broadcast_in_dim3A_356 : vector<16xi32>
        %gather3A_359 = tpu.vector_load_idx %arg8[%add3A_142, %add3A_358] : memref<32x1000xf32, #tpu.memory_space<vmem>>[vector<16xi32>, vector<16xi32>], vector<16xf32>,
        %max3A_360 = arith.maximumf %max3A_350, %gather3A_359 : vector<16xf32>
        %mul3A_361 = arith.constant 25 : i32
        %mul3A_362 = arith.muli %scan3A_180, %mul3A_361 : i32
        %add3A_363 = arith.constant 18 : i32
        %add3A_364 = arith.addi %mul3A_362, %add3A_363 : i32
        %broadcast_in_dim3A_365 = arith.constant 0 : i32
        %broadcast_in_dim3A_366 = vector.broadcast %broadcast_in_dim3A_365 : i32 to vector<16xi32>
        %add3A_367 = vector.broadcast %add3A_364 : i32 to vector<16xi32>
        %add3A_368 = arith.addi %add3A_367, %broadcast_in_dim3A_366 : vector<16xi32>
        %gather3A_369 = tpu.vector_load_idx %arg8[%add3A_142, %add3A_368] : memref<32x1000xf32, #tpu.memory_space<vmem>>[vector<16xi32>, vector<16xi32>], vector<16xf32>,
        %max3A_370 = arith.maximumf %max3A_360, %gather3A_369 : vector<16xf32>
        %mul3A_371 = arith.constant 25 : i32
        %mul3A_372 = arith.muli %scan3A_180, %mul3A_371 : i32
        %add3A_373 = arith.constant 19 : i32
        %add3A_374 = arith.addi %mul3A_372, %add3A_373 : i32
        %broadcast_in_dim3A_375 = arith.constant 0 : i32
        %broadcast_in_dim3A_376 = vector.broadcast %broadcast_in_dim3A_375 : i32 to vector<16xi32>
        %add3A_377 = vector.broadcast %add3A_374 : i32 to vector<16xi32>
        %add3A_378 = arith.addi %add3A_377, %broadcast_in_dim3A_376 : vector<16xi32>
        %gather3A_379 = tpu.vector_load_idx %arg8[%add3A_142, %add3A_378] : memref<32x1000xf32, #tpu.memory_space<vmem>>[vector<16xi32>, vector<16xi32>], vector<16xf32>,
        %max3A_380 = arith.maximumf %max3A_370, %gather3A_379 : vector<16xf32>
        %mul3A_381 = arith.constant 25 : i32
        %mul3A_382 = arith.muli %scan3A_180, %mul3A_381 : i32
        %add3A_383 = arith.constant 20 : i32
        %add3A_384 = arith.addi %mul3A_382, %add3A_383 : i32
        %broadcast_in_dim3A_385 = arith.constant 0 : i32
        %broadcast_in_dim3A_386 = vector.broadcast %broadcast_in_dim3A_385 : i32 to vector<16xi32>
        %add3A_387 = vector.broadcast %add3A_384 : i32 to vector<16xi32>
        %add3A_388 = arith.addi %add3A_387, %broadcast_in_dim3A_386 : vector<16xi32>
        %gather3A_389 = tpu.vector_load_idx %arg8[%add3A_142, %add3A_388] : memref<32x1000xf32, #tpu.memory_space<vmem>>[vector<16xi32>, vector<16xi32>], vector<16xf32>,
        %max3A_390 = arith.maximumf %max3A_380, %gather3A_389 : vector<16xf32>
        %mul3A_391 = arith.constant 25 : i32
        %mul3A_392 = arith.muli %scan3A_180, %mul3A_391 : i32
        %add3A_393 = arith.constant 21 : i32
        %add3A_394 = arith.addi %mul3A_392, %add3A_393 : i32
        %broadcast_in_dim3A_395 = arith.constant 0 : i32
        %broadcast_in_dim3A_396 = vector.broadcast %broadcast_in_dim3A_395 : i32 to vector<16xi32>
        %add3A_397 = vector.broadcast %add3A_394 : i32 to vector<16xi32>
        %add3A_398 = arith.addi %add3A_397, %broadcast_in_dim3A_396 : vector<16xi32>
        %gather3A_399 = tpu.vector_load_idx %arg8[%add3A_142, %add3A_398] : memref<32x1000xf32, #tpu.memory_space<vmem>>[vector<16xi32>, vector<16xi32>], vector<16xf32>,
        %max3A_400 = arith.maximumf %max3A_390, %gather3A_399 : vector<16xf32>
        %mul3A_401 = arith.constant 25 : i32
        %mul3A_402 = arith.muli %scan3A_180, %mul3A_401 : i32
        %add3A_403 = arith.constant 22 : i32
        %add3A_404 = arith.addi %mul3A_402, %add3A_403 : i32
        %broadcast_in_dim3A_405 = arith.constant 0 : i32
        %broadcast_in_dim3A_406 = vector.broadcast %broadcast_in_dim3A_405 : i32 to vector<16xi32>
        %add3A_407 = vector.broadcast %add3A_404 : i32 to vector<16xi32>
        %add3A_408 = arith.addi %add3A_407, %broadcast_in_dim3A_406 : vector<16xi32>
        %gather3A_409 = tpu.vector_load_idx %arg8[%add3A_142, %add3A_408] : memref<32x1000xf32, #tpu.memory_space<vmem>>[vector<16xi32>, vector<16xi32>], vector<16xf32>,
        %max3A_410 = arith.maximumf %max3A_400, %gather3A_409 : vector<16xf32>
        %mul3A_411 = arith.constant 25 : i32
        %mul3A_412 = arith.muli %scan3A_180, %mul3A_411 : i32
        %add3A_413 = arith.constant 23 : i32
        %add3A_414 = arith.addi %mul3A_412, %add3A_413 : i32
        %broadcast_in_dim3A_415 = arith.constant 0 : i32
        %broadcast_in_dim3A_416 = vector.broadcast %broadcast_in_dim3A_415 : i32 to vector<16xi32>
        %add3A_417 = vector.broadcast %add3A_414 : i32 to vector<16xi32>
        %add3A_418 = arith.addi %add3A_417, %broadcast_in_dim3A_416 : vector<16xi32>
        %gather3A_419 = tpu.vector_load_idx %arg8[%add3A_142, %add3A_418] : memref<32x1000xf32, #tpu.memory_space<vmem>>[vector<16xi32>, vector<16xi32>], vector<16xf32>,
        %max3A_420 = arith.maximumf %max3A_410, %gather3A_419 : vector<16xf32>
        %mul3A_421 = arith.constant 25 : i32
        %mul3A_422 = arith.muli %scan3A_180, %mul3A_421 : i32
        %add3A_423 = arith.constant 24 : i32
        %add3A_424 = arith.addi %mul3A_422, %add3A_423 : i32
        %broadcast_in_dim3A_425 = arith.constant 0 : i32
        %broadcast_in_dim3A_426 = vector.broadcast %broadcast_in_dim3A_425 : i32 to vector<16xi32>
        %add3A_427 = vector.broadcast %add3A_424 : i32 to vector<16xi32>
        %add3A_428 = arith.addi %add3A_427, %broadcast_in_dim3A_426 : vector<16xi32>
        %gather3A_429 = tpu.vector_load_idx %arg8[%add3A_142, %add3A_428] : memref<32x1000xf32, #tpu.memory_space<vmem>>[vector<16xi32>, vector<16xi32>], vector<16xf32>,
        %max3A_430 = arith.maximumf %max3A_420, %gather3A_429 : vector<16xf32>
        scf.yield %max3A_430 : vector<16xf32>
      }
      %scan3A_150 = arith.constant 40 : i32
      %broadcast_in_dim3A_151 = arith.constant 0.000000e+00 : f32
      %broadcast_in_dim3A_152 = vector.broadcast %broadcast_in_dim3A_151 : f32 to vector<16xf32>
      %scan3A_153 = arith.constant 0 : i32
      %scan3A_154 = arith.constant 40 : i32
      %scan3A_155 = arith.addi %scan3A_153, %scan3A_154 : i32
      %scan3A_156 = arith.constant 1 : i32
      %scan3A_157 = scf.for %scan3A_180 = %scan3A_153 to %scan3A_155 step %scan3A_156 iter_args(%scan3A_181 = %broadcast_in_dim3A_152) -> (vector<16xf32>)  : i32 {
        %mul3A_182 = arith.constant 25 : i32
        %mul3A_183 = arith.muli %scan3A_180, %mul3A_182 : i32
        %add3A_184 = arith.constant 0 : i32
        %add3A_185 = arith.addi %mul3A_183, %add3A_184 : i32
        %broadcast_in_dim3A_186 = arith.constant 0 : i32
        %broadcast_in_dim3A_187 = vector.broadcast %broadcast_in_dim3A_186 : i32 to vector<16xi32>
        %add3A_188 = vector.broadcast %add3A_185 : i32 to vector<16xi32>
        %add3A_189 = arith.addi %add3A_188, %broadcast_in_dim3A_187 : vector<16xi32>
        %gather3A_190 = tpu.vector_load_idx %arg8[%add3A_142, %add3A_189] : memref<32x1000xf32, #tpu.memory_space<vmem>>[vector<16xi32>, vector<16xi32>], vector<16xf32>,
        %sub3A = arith.subf %gather3A_190, %scan3A_149 : vector<16xf32>
        %exp3A = math.exp %sub3A : vector<16xf32>
        %add3A_191 = arith.addf %scan3A_181, %exp3A : vector<16xf32>
        %mul3A_192 = arith.constant 25 : i32
        %mul3A_193 = arith.muli %scan3A_180, %mul3A_192 : i32
        %add3A_194 = arith.constant 1 : i32
        %add3A_195 = arith.addi %mul3A_193, %add3A_194 : i32
        %broadcast_in_dim3A_196 = arith.constant 0 : i32
        %broadcast_in_dim3A_197 = vector.broadcast %broadcast_in_dim3A_196 : i32 to vector<16xi32>
        %add3A_198 = vector.broadcast %add3A_195 : i32 to vector<16xi32>
        %add3A_199 = arith.addi %add3A_198, %broadcast_in_dim3A_197 : vector<16xi32>
        %gather3A_200 = tpu.vector_load_idx %arg8[%add3A_142, %add3A_199] : memref<32x1000xf32, #tpu.memory_space<vmem>>[vector<16xi32>, vector<16xi32>], vector<16xf32>,
        %sub3A_201 = arith.subf %gather3A_200, %scan3A_149 : vector<16xf32>
        %exp3A_202 = math.exp %sub3A_201 : vector<16xf32>
        %add3A_203 = arith.addf %add3A_191, %exp3A_202 : vector<16xf32>
        %mul3A_204 = arith.constant 25 : i32
        %mul3A_205 = arith.muli %scan3A_180, %mul3A_204 : i32
        %add3A_206 = arith.constant 2 : i32
        %add3A_207 = arith.addi %mul3A_205, %add3A_206 : i32
        %broadcast_in_dim3A_208 = arith.constant 0 : i32
        %broadcast_in_dim3A_209 = vector.broadcast %broadcast_in_dim3A_208 : i32 to vector<16xi32>
        %add3A_210 = vector.broadcast %add3A_207 : i32 to vector<16xi32>
        %add3A_211 = arith.addi %add3A_210, %broadcast_in_dim3A_209 : vector<16xi32>
        %gather3A_212 = tpu.vector_load_idx %arg8[%add3A_142, %add3A_211] : memref<32x1000xf32, #tpu.memory_space<vmem>>[vector<16xi32>, vector<16xi32>], vector<16xf32>,
        %sub3A_213 = arith.subf %gather3A_212, %scan3A_149 : vector<16xf32>
        %exp3A_214 = math.exp %sub3A_213 : vector<16xf32>
        %add3A_215 = arith.addf %add3A_203, %exp3A_214 : vector<16xf32>
        %mul3A_216 = arith.constant 25 : i32
        %mul3A_217 = arith.muli %scan3A_180, %mul3A_216 : i32
        %add3A_218 = arith.constant 3 : i32
        %add3A_219 = arith.addi %mul3A_217, %add3A_218 : i32
        %broadcast_in_dim3A_220 = arith.constant 0 : i32
        %broadcast_in_dim3A_221 = vector.broadcast %broadcast_in_dim3A_220 : i32 to vector<16xi32>
        %add3A_222 = vector.broadcast %add3A_219 : i32 to vector<16xi32>
        %add3A_223 = arith.addi %add3A_222, %broadcast_in_dim3A_221 : vector<16xi32>
        %gather3A_224 = tpu.vector_load_idx %arg8[%add3A_142, %add3A_223] : memref<32x1000xf32, #tpu.memory_space<vmem>>[vector<16xi32>, vector<16xi32>], vector<16xf32>,
        %sub3A_225 = arith.subf %gather3A_224, %scan3A_149 : vector<16xf32>
        %exp3A_226 = math.exp %sub3A_225 : vector<16xf32>
        %add3A_227 = arith.addf %add3A_215, %exp3A_226 : vector<16xf32>
        %mul3A_228 = arith.constant 25 : i32
        %mul3A_229 = arith.muli %scan3A_180, %mul3A_228 : i32
        %add3A_230 = arith.constant 4 : i32
        %add3A_231 = arith.addi %mul3A_229, %add3A_230 : i32
        %broadcast_in_dim3A_232 = arith.constant 0 : i32
        %broadcast_in_dim3A_233 = vector.broadcast %broadcast_in_dim3A_232 : i32 to vector<16xi32>
        %add3A_234 = vector.broadcast %add3A_231 : i32 to vector<16xi32>
        %add3A_235 = arith.addi %add3A_234, %broadcast_in_dim3A_233 : vector<16xi32>
        %gather3A_236 = tpu.vector_load_idx %arg8[%add3A_142, %add3A_235] : memref<32x1000xf32, #tpu.memory_space<vmem>>[vector<16xi32>, vector<16xi32>], vector<16xf32>,
        %sub3A_237 = arith.subf %gather3A_236, %scan3A_149 : vector<16xf32>
        %exp3A_238 = math.exp %sub3A_237 : vector<16xf32>
        %add3A_239 = arith.addf %add3A_227, %exp3A_238 : vector<16xf32>
        %mul3A_240 = arith.constant 25 : i32
        %mul3A_241 = arith.muli %scan3A_180, %mul3A_240 : i32
        %add3A_242 = arith.constant 5 : i32
        %add3A_243 = arith.addi %mul3A_241, %add3A_242 : i32
        %broadcast_in_dim3A_244 = arith.constant 0 : i32
        %broadcast_in_dim3A_245 = vector.broadcast %broadcast_in_dim3A_244 : i32 to vector<16xi32>
        %add3A_246 = vector.broadcast %add3A_243 : i32 to vector<16xi32>
        %add3A_247 = arith.addi %add3A_246, %broadcast_in_dim3A_245 : vector<16xi32>
        %gather3A_248 = tpu.vector_load_idx %arg8[%add3A_142, %add3A_247] : memref<32x1000xf32, #tpu.memory_space<vmem>>[vector<16xi32>, vector<16xi32>], vector<16xf32>,
        %sub3A_249 = arith.subf %gather3A_248, %scan3A_149 : vector<16xf32>
        %exp3A_250 = math.exp %sub3A_249 : vector<16xf32>
        %add3A_251 = arith.addf %add3A_239, %exp3A_250 : vector<16xf32>
        %mul3A_252 = arith.constant 25 : i32
        %mul3A_253 = arith.muli %scan3A_180, %mul3A_252 : i32
        %add3A_254 = arith.constant 6 : i32
        %add3A_255 = arith.addi %mul3A_253, %add3A_254 : i32
        %broadcast_in_dim3A_256 = arith.constant 0 : i32
        %broadcast_in_dim3A_257 = vector.broadcast %broadcast_in_dim3A_256 : i32 to vector<16xi32>
        %add3A_258 = vector.broadcast %add3A_255 : i32 to vector<16xi32>
        %add3A_259 = arith.addi %add3A_258, %broadcast_in_dim3A_257 : vector<16xi32>
        %gather3A_260 = tpu.vector_load_idx %arg8[%add3A_142, %add3A_259] : memref<32x1000xf32, #tpu.memory_space<vmem>>[vector<16xi32>, vector<16xi32>], vector<16xf32>,
        %sub3A_261 = arith.subf %gather3A_260, %scan3A_149 : vector<16xf32>
        %exp3A_262 = math.exp %sub3A_261 : vector<16xf32>
        %add3A_263 = arith.addf %add3A_251, %exp3A_262 : vector<16xf32>
        %mul3A_264 = arith.constant 25 : i32
        %mul3A_265 = arith.muli %scan3A_180, %mul3A_264 : i32
        %add3A_266 = arith.constant 7 : i32
        %add3A_267 = arith.addi %mul3A_265, %add3A_266 : i32
        %broadcast_in_dim3A_268 = arith.constant 0 : i32
        %broadcast_in_dim3A_269 = vector.broadcast %broadcast_in_dim3A_268 : i32 to vector<16xi32>
        %add3A_270 = vector.broadcast %add3A_267 : i32 to vector<16xi32>
        %add3A_271 = arith.addi %add3A_270, %broadcast_in_dim3A_269 : vector<16xi32>
        %gather3A_272 = tpu.vector_load_idx %arg8[%add3A_142, %add3A_271] : memref<32x1000xf32, #tpu.memory_space<vmem>>[vector<16xi32>, vector<16xi32>], vector<16xf32>,
        %sub3A_273 = arith.subf %gather3A_272, %scan3A_149 : vector<16xf32>
        %exp3A_274 = math.exp %sub3A_273 : vector<16xf32>
        %add3A_275 = arith.addf %add3A_263, %exp3A_274 : vector<16xf32>
        %mul3A_276 = arith.constant 25 : i32
        %mul3A_277 = arith.muli %scan3A_180, %mul3A_276 : i32
        %add3A_278 = arith.constant 8 : i32
        %add3A_279 = arith.addi %mul3A_277, %add3A_278 : i32
        %broadcast_in_dim3A_280 = arith.constant 0 : i32
        %broadcast_in_dim3A_281 = vector.broadcast %broadcast_in_dim3A_280 : i32 to vector<16xi32>
        %add3A_282 = vector.broadcast %add3A_279 : i32 to vector<16xi32>
        %add3A_283 = arith.addi %add3A_282, %broadcast_in_dim3A_281 : vector<16xi32>
        %gather3A_284 = tpu.vector_load_idx %arg8[%add3A_142, %add3A_283] : memref<32x1000xf32, #tpu.memory_space<vmem>>[vector<16xi32>, vector<16xi32>], vector<16xf32>,
        %sub3A_285 = arith.subf %gather3A_284, %scan3A_149 : vector<16xf32>
        %exp3A_286 = math.exp %sub3A_285 : vector<16xf32>
        %add3A_287 = arith.addf %add3A_275, %exp3A_286 : vector<16xf32>
        %mul3A_288 = arith.constant 25 : i32
        %mul3A_289 = arith.muli %scan3A_180, %mul3A_288 : i32
        %add3A_290 = arith.constant 9 : i32
        %add3A_291 = arith.addi %mul3A_289, %add3A_290 : i32
        %broadcast_in_dim3A_292 = arith.constant 0 : i32
        %broadcast_in_dim3A_293 = vector.broadcast %broadcast_in_dim3A_292 : i32 to vector<16xi32>
        %add3A_294 = vector.broadcast %add3A_291 : i32 to vector<16xi32>
        %add3A_295 = arith.addi %add3A_294, %broadcast_in_dim3A_293 : vector<16xi32>
        %gather3A_296 = tpu.vector_load_idx %arg8[%add3A_142, %add3A_295] : memref<32x1000xf32, #tpu.memory_space<vmem>>[vector<16xi32>, vector<16xi32>], vector<16xf32>,
        %sub3A_297 = arith.subf %gather3A_296, %scan3A_149 : vector<16xf32>
        %exp3A_298 = math.exp %sub3A_297 : vector<16xf32>
        %add3A_299 = arith.addf %add3A_287, %exp3A_298 : vector<16xf32>
        %mul3A_300 = arith.constant 25 : i32
        %mul3A_301 = arith.muli %scan3A_180, %mul3A_300 : i32
        %add3A_302 = arith.constant 10 : i32
        %add3A_303 = arith.addi %mul3A_301, %add3A_302 : i32
        %broadcast_in_dim3A_304 = arith.constant 0 : i32
        %broadcast_in_dim3A_305 = vector.broadcast %broadcast_in_dim3A_304 : i32 to vector<16xi32>
        %add3A_306 = vector.broadcast %add3A_303 : i32 to vector<16xi32>
        %add3A_307 = arith.addi %add3A_306, %broadcast_in_dim3A_305 : vector<16xi32>
        %gather3A_308 = tpu.vector_load_idx %arg8[%add3A_142, %add3A_307] : memref<32x1000xf32, #tpu.memory_space<vmem>>[vector<16xi32>, vector<16xi32>], vector<16xf32>,
        %sub3A_309 = arith.subf %gather3A_308, %scan3A_149 : vector<16xf32>
        %exp3A_310 = math.exp %sub3A_309 : vector<16xf32>
        %add3A_311 = arith.addf %add3A_299, %exp3A_310 : vector<16xf32>
        %mul3A_312 = arith.constant 25 : i32
        %mul3A_313 = arith.muli %scan3A_180, %mul3A_312 : i32
        %add3A_314 = arith.constant 11 : i32
        %add3A_315 = arith.addi %mul3A_313, %add3A_314 : i32
        %broadcast_in_dim3A_316 = arith.constant 0 : i32
        %broadcast_in_dim3A_317 = vector.broadcast %broadcast_in_dim3A_316 : i32 to vector<16xi32>
        %add3A_318 = vector.broadcast %add3A_315 : i32 to vector<16xi32>
        %add3A_319 = arith.addi %add3A_318, %broadcast_in_dim3A_317 : vector<16xi32>
        %gather3A_320 = tpu.vector_load_idx %arg8[%add3A_142, %add3A_319] : memref<32x1000xf32, #tpu.memory_space<vmem>>[vector<16xi32>, vector<16xi32>], vector<16xf32>,
        %sub3A_321 = arith.subf %gather3A_320, %scan3A_149 : vector<16xf32>
        %exp3A_322 = math.exp %sub3A_321 : vector<16xf32>
        %add3A_323 = arith.addf %add3A_311, %exp3A_322 : vector<16xf32>
        %mul3A_324 = arith.constant 25 : i32
        %mul3A_325 = arith.muli %scan3A_180, %mul3A_324 : i32
        %add3A_326 = arith.constant 12 : i32
        %add3A_327 = arith.addi %mul3A_325, %add3A_326 : i32
        %broadcast_in_dim3A_328 = arith.constant 0 : i32
        %broadcast_in_dim3A_329 = vector.broadcast %broadcast_in_dim3A_328 : i32 to vector<16xi32>
        %add3A_330 = vector.broadcast %add3A_327 : i32 to vector<16xi32>
        %add3A_331 = arith.addi %add3A_330, %broadcast_in_dim3A_329 : vector<16xi32>
        %gather3A_332 = tpu.vector_load_idx %arg8[%add3A_142, %add3A_331] : memref<32x1000xf32, #tpu.memory_space<vmem>>[vector<16xi32>, vector<16xi32>], vector<16xf32>,
        %sub3A_333 = arith.subf %gather3A_332, %scan3A_149 : vector<16xf32>
        %exp3A_334 = math.exp %sub3A_333 : vector<16xf32>
        %add3A_335 = arith.addf %add3A_323, %exp3A_334 : vector<16xf32>
        %mul3A_336 = arith.constant 25 : i32
        %mul3A_337 = arith.muli %scan3A_180, %mul3A_336 : i32
        %add3A_338 = arith.constant 13 : i32
        %add3A_339 = arith.addi %mul3A_337, %add3A_338 : i32
        %broadcast_in_dim3A_340 = arith.constant 0 : i32
        %broadcast_in_dim3A_341 = vector.broadcast %broadcast_in_dim3A_340 : i32 to vector<16xi32>
        %add3A_342 = vector.broadcast %add3A_339 : i32 to vector<16xi32>
        %add3A_343 = arith.addi %add3A_342, %broadcast_in_dim3A_341 : vector<16xi32>
        %gather3A_344 = tpu.vector_load_idx %arg8[%add3A_142, %add3A_343] : memref<32x1000xf32, #tpu.memory_space<vmem>>[vector<16xi32>, vector<16xi32>], vector<16xf32>,
        %sub3A_345 = arith.subf %gather3A_344, %scan3A_149 : vector<16xf32>
        %exp3A_346 = math.exp %sub3A_345 : vector<16xf32>
        %add3A_347 = arith.addf %add3A_335, %exp3A_346 : vector<16xf32>
        %mul3A_348 = arith.constant 25 : i32
        %mul3A_349 = arith.muli %scan3A_180, %mul3A_348 : i32
        %add3A_350 = arith.constant 14 : i32
        %add3A_351 = arith.addi %mul3A_349, %add3A_350 : i32
        %broadcast_in_dim3A_352 = arith.constant 0 : i32
        %broadcast_in_dim3A_353 = vector.broadcast %broadcast_in_dim3A_352 : i32 to vector<16xi32>
        %add3A_354 = vector.broadcast %add3A_351 : i32 to vector<16xi32>
        %add3A_355 = arith.addi %add3A_354, %broadcast_in_dim3A_353 : vector<16xi32>
        %gather3A_356 = tpu.vector_load_idx %arg8[%add3A_142, %add3A_355] : memref<32x1000xf32, #tpu.memory_space<vmem>>[vector<16xi32>, vector<16xi32>], vector<16xf32>,
        %sub3A_357 = arith.subf %gather3A_356, %scan3A_149 : vector<16xf32>
        %exp3A_358 = math.exp %sub3A_357 : vector<16xf32>
        %add3A_359 = arith.addf %add3A_347, %exp3A_358 : vector<16xf32>
        %mul3A_360 = arith.constant 25 : i32
        %mul3A_361 = arith.muli %scan3A_180, %mul3A_360 : i32
        %add3A_362 = arith.constant 15 : i32
        %add3A_363 = arith.addi %mul3A_361, %add3A_362 : i32
        %broadcast_in_dim3A_364 = arith.constant 0 : i32
        %broadcast_in_dim3A_365 = vector.broadcast %broadcast_in_dim3A_364 : i32 to vector<16xi32>
        %add3A_366 = vector.broadcast %add3A_363 : i32 to vector<16xi32>
        %add3A_367 = arith.addi %add3A_366, %broadcast_in_dim3A_365 : vector<16xi32>
        %gather3A_368 = tpu.vector_load_idx %arg8[%add3A_142, %add3A_367] : memref<32x1000xf32, #tpu.memory_space<vmem>>[vector<16xi32>, vector<16xi32>], vector<16xf32>,
        %sub3A_369 = arith.subf %gather3A_368, %scan3A_149 : vector<16xf32>
        %exp3A_370 = math.exp %sub3A_369 : vector<16xf32>
        %add3A_371 = arith.addf %add3A_359, %exp3A_370 : vector<16xf32>
        %mul3A_372 = arith.constant 25 : i32
        %mul3A_373 = arith.muli %scan3A_180, %mul3A_372 : i32
        %add3A_374 = arith.constant 16 : i32
        %add3A_375 = arith.addi %mul3A_373, %add3A_374 : i32
        %broadcast_in_dim3A_376 = arith.constant 0 : i32
        %broadcast_in_dim3A_377 = vector.broadcast %broadcast_in_dim3A_376 : i32 to vector<16xi32>
        %add3A_378 = vector.broadcast %add3A_375 : i32 to vector<16xi32>
        %add3A_379 = arith.addi %add3A_378, %broadcast_in_dim3A_377 : vector<16xi32>
        %gather3A_380 = tpu.vector_load_idx %arg8[%add3A_142, %add3A_379] : memref<32x1000xf32, #tpu.memory_space<vmem>>[vector<16xi32>, vector<16xi32>], vector<16xf32>,
        %sub3A_381 = arith.subf %gather3A_380, %scan3A_149 : vector<16xf32>
        %exp3A_382 = math.exp %sub3A_381 : vector<16xf32>
        %add3A_383 = arith.addf %add3A_371, %exp3A_382 : vector<16xf32>
        %mul3A_384 = arith.constant 25 : i32
        %mul3A_385 = arith.muli %scan3A_180, %mul3A_384 : i32
        %add3A_386 = arith.constant 17 : i32
        %add3A_387 = arith.addi %mul3A_385, %add3A_386 : i32
        %broadcast_in_dim3A_388 = arith.constant 0 : i32
        %broadcast_in_dim3A_389 = vector.broadcast %broadcast_in_dim3A_388 : i32 to vector<16xi32>
        %add3A_390 = vector.broadcast %add3A_387 : i32 to vector<16xi32>
        %add3A_391 = arith.addi %add3A_390, %broadcast_in_dim3A_389 : vector<16xi32>
        %gather3A_392 = tpu.vector_load_idx %arg8[%add3A_142, %add3A_391] : memref<32x1000xf32, #tpu.memory_space<vmem>>[vector<16xi32>, vector<16xi32>], vector<16xf32>,
        %sub3A_393 = arith.subf %gather3A_392, %scan3A_149 : vector<16xf32>
        %exp3A_394 = math.exp %sub3A_393 : vector<16xf32>
        %add3A_395 = arith.addf %add3A_383, %exp3A_394 : vector<16xf32>
        %mul3A_396 = arith.constant 25 : i32
        %mul3A_397 = arith.muli %scan3A_180, %mul3A_396 : i32
        %add3A_398 = arith.constant 18 : i32
        %add3A_399 = arith.addi %mul3A_397, %add3A_398 : i32
        %broadcast_in_dim3A_400 = arith.constant 0 : i32
        %broadcast_in_dim3A_401 = vector.broadcast %broadcast_in_dim3A_400 : i32 to vector<16xi32>
        %add3A_402 = vector.broadcast %add3A_399 : i32 to vector<16xi32>
        %add3A_403 = arith.addi %add3A_402, %broadcast_in_dim3A_401 : vector<16xi32>
        %gather3A_404 = tpu.vector_load_idx %arg8[%add3A_142, %add3A_403] : memref<32x1000xf32, #tpu.memory_space<vmem>>[vector<16xi32>, vector<16xi32>], vector<16xf32>,
        %sub3A_405 = arith.subf %gather3A_404, %scan3A_149 : vector<16xf32>
        %exp3A_406 = math.exp %sub3A_405 : vector<16xf32>
        %add3A_407 = arith.addf %add3A_395, %exp3A_406 : vector<16xf32>
        %mul3A_408 = arith.constant 25 : i32
        %mul3A_409 = arith.muli %scan3A_180, %mul3A_408 : i32
        %add3A_410 = arith.constant 19 : i32
        %add3A_411 = arith.addi %mul3A_409, %add3A_410 : i32
        %broadcast_in_dim3A_412 = arith.constant 0 : i32
        %broadcast_in_dim3A_413 = vector.broadcast %broadcast_in_dim3A_412 : i32 to vector<16xi32>
        %add3A_414 = vector.broadcast %add3A_411 : i32 to vector<16xi32>
        %add3A_415 = arith.addi %add3A_414, %broadcast_in_dim3A_413 : vector<16xi32>
        %gather3A_416 = tpu.vector_load_idx %arg8[%add3A_142, %add3A_415] : memref<32x1000xf32, #tpu.memory_space<vmem>>[vector<16xi32>, vector<16xi32>], vector<16xf32>,
        %sub3A_417 = arith.subf %gather3A_416, %scan3A_149 : vector<16xf32>
        %exp3A_418 = math.exp %sub3A_417 : vector<16xf32>
        %add3A_419 = arith.addf %add3A_407, %exp3A_418 : vector<16xf32>
        %mul3A_420 = arith.constant 25 : i32
        %mul3A_421 = arith.muli %scan3A_180, %mul3A_420 : i32
        %add3A_422 = arith.constant 20 : i32
        %add3A_423 = arith.addi %mul3A_421, %add3A_422 : i32
        %broadcast_in_dim3A_424 = arith.constant 0 : i32
        %broadcast_in_dim3A_425 = vector.broadcast %broadcast_in_dim3A_424 : i32 to vector<16xi32>
        %add3A_426 = vector.broadcast %add3A_423 : i32 to vector<16xi32>
        %add3A_427 = arith.addi %add3A_426, %broadcast_in_dim3A_425 : vector<16xi32>
        %gather3A_428 = tpu.vector_load_idx %arg8[%add3A_142, %add3A_427] : memref<32x1000xf32, #tpu.memory_space<vmem>>[vector<16xi32>, vector<16xi32>], vector<16xf32>,
        %sub3A_429 = arith.subf %gather3A_428, %scan3A_149 : vector<16xf32>
        %exp3A_430 = math.exp %sub3A_429 : vector<16xf32>
        %add3A_431 = arith.addf %add3A_419, %exp3A_430 : vector<16xf32>
        %mul3A_432 = arith.constant 25 : i32
        %mul3A_433 = arith.muli %scan3A_180, %mul3A_432 : i32
        %add3A_434 = arith.constant 21 : i32
        %add3A_435 = arith.addi %mul3A_433, %add3A_434 : i32
        %broadcast_in_dim3A_436 = arith.constant 0 : i32
        %broadcast_in_dim3A_437 = vector.broadcast %broadcast_in_dim3A_436 : i32 to vector<16xi32>
        %add3A_438 = vector.broadcast %add3A_435 : i32 to vector<16xi32>
        %add3A_439 = arith.addi %add3A_438, %broadcast_in_dim3A_437 : vector<16xi32>
        %gather3A_440 = tpu.vector_load_idx %arg8[%add3A_142, %add3A_439] : memref<32x1000xf32, #tpu.memory_space<vmem>>[vector<16xi32>, vector<16xi32>], vector<16xf32>,
        %sub3A_441 = arith.subf %gather3A_440, %scan3A_149 : vector<16xf32>
        %exp3A_442 = math.exp %sub3A_441 : vector<16xf32>
        %add3A_443 = arith.addf %add3A_431, %exp3A_442 : vector<16xf32>
        %mul3A_444 = arith.constant 25 : i32
        %mul3A_445 = arith.muli %scan3A_180, %mul3A_444 : i32
        %add3A_446 = arith.constant 22 : i32
        %add3A_447 = arith.addi %mul3A_445, %add3A_446 : i32
        %broadcast_in_dim3A_448 = arith.constant 0 : i32
        %broadcast_in_dim3A_449 = vector.broadcast %broadcast_in_dim3A_448 : i32 to vector<16xi32>
        %add3A_450 = vector.broadcast %add3A_447 : i32 to vector<16xi32>
        %add3A_451 = arith.addi %add3A_450, %broadcast_in_dim3A_449 : vector<16xi32>
        %gather3A_452 = tpu.vector_load_idx %arg8[%add3A_142, %add3A_451] : memref<32x1000xf32, #tpu.memory_space<vmem>>[vector<16xi32>, vector<16xi32>], vector<16xf32>,
        %sub3A_453 = arith.subf %gather3A_452, %scan3A_149 : vector<16xf32>
        %exp3A_454 = math.exp %sub3A_453 : vector<16xf32>
        %add3A_455 = arith.addf %add3A_443, %exp3A_454 : vector<16xf32>
        %mul3A_456 = arith.constant 25 : i32
        %mul3A_457 = arith.muli %scan3A_180, %mul3A_456 : i32
        %add3A_458 = arith.constant 23 : i32
        %add3A_459 = arith.addi %mul3A_457, %add3A_458 : i32
        %broadcast_in_dim3A_460 = arith.constant 0 : i32
        %broadcast_in_dim3A_461 = vector.broadcast %broadcast_in_dim3A_460 : i32 to vector<16xi32>
        %add3A_462 = vector.broadcast %add3A_459 : i32 to vector<16xi32>
        %add3A_463 = arith.addi %add3A_462, %broadcast_in_dim3A_461 : vector<16xi32>
        %gather3A_464 = tpu.vector_load_idx %arg8[%add3A_142, %add3A_463] : memref<32x1000xf32, #tpu.memory_space<vmem>>[vector<16xi32>, vector<16xi32>], vector<16xf32>,
        %sub3A_465 = arith.subf %gather3A_464, %scan3A_149 : vector<16xf32>
        %exp3A_466 = math.exp %sub3A_465 : vector<16xf32>
        %add3A_467 = arith.addf %add3A_455, %exp3A_466 : vector<16xf32>
        %mul3A_468 = arith.constant 25 : i32
        %mul3A_469 = arith.muli %scan3A_180, %mul3A_468 : i32
        %add3A_470 = arith.constant 24 : i32
        %add3A_471 = arith.addi %mul3A_469, %add3A_470 : i32
        %broadcast_in_dim3A_472 = arith.constant 0 : i32
        %broadcast_in_dim3A_473 = vector.broadcast %broadcast_in_dim3A_472 : i32 to vector<16xi32>
        %add3A_474 = vector.broadcast %add3A_471 : i32 to vector<16xi32>
        %add3A_475 = arith.addi %add3A_474, %broadcast_in_dim3A_473 : vector<16xi32>
        %gather3A_476 = tpu.vector_load_idx %arg8[%add3A_142, %add3A_475] : memref<32x1000xf32, #tpu.memory_space<vmem>>[vector<16xi32>, vector<16xi32>], vector<16xf32>,
        %sub3A_477 = arith.subf %gather3A_476, %scan3A_149 : vector<16xf32>
        %exp3A_478 = math.exp %sub3A_477 : vector<16xf32>
        %add3A_479 = arith.addf %add3A_467, %exp3A_478 : vector<16xf32>
        scf.yield %add3A_479 : vector<16xf32>
      }
      %scan3A_158 = arith.constant 40 : i32
      %mul3A_159 = arith.constant 32 : i32
      %mul3A_160 = arith.muli %add3A_107, %mul3A_159 : i32
      %add3A_161 = arith.constant 16 : i32
      %add3A_162 = arith.addi %mul3A_160, %add3A_161 : i32
      %get3A_163 = arith.index_cast %add3A_162 : i32 to index
      %get3A_164 = tpu.vector_load %arg9[%get3A_163] {strides = array<i32>} : memref<256xi32, #tpu.memory_space<vmem>>, vector<16xi32>,
      %gather3A_165 = tpu.vector_load_idx %arg8[%add3A_142, %get3A_164] : memref<32x1000xf32, #tpu.memory_space<vmem>>[vector<16xi32>, vector<16xi32>], vector<16xf32>,
      %swap3A_166 = arith.index_cast %add3A_162 : i32 to index
      %swap3A_167 = tpu.vector_load %arg10[%swap3A_166] {strides = array<i32>} : memref<256xf32, #tpu.memory_space<vmem>>, vector<16xf32>,
      tpu.vector_store %arg10[%swap3A_166], %scan3A_149 {strides = array<i32>} : memref<256xf32, #tpu.memory_space<vmem>>, vector<16xf32>,
      %swap3A_168 = arith.index_cast %add3A_162 : i32 to index
      %swap3A_169 = tpu.vector_load %arg11[%swap3A_168] {strides = array<i32>} : memref<256xf32, #tpu.memory_space<vmem>>, vector<16xf32>,
      tpu.vector_store %arg11[%swap3A_168], %scan3A_157 {strides = array<i32>} : memref<256xf32, #tpu.memory_space<vmem>>, vector<16xf32>,
      %swap3A_170 = arith.index_cast %add3A_162 : i32 to index
      %swap3A_171 = tpu.vector_load %arg12[%swap3A_170] {strides = array<i32>} : memref<256xf32, #tpu.memory_space<vmem>>, vector<16xf32>,
      tpu.vector_store %arg12[%swap3A_170], %gather3A_165 {strides = array<i32>} : memref<256xf32, #tpu.memory_space<vmem>>, vector<16xf32>,
      %add3A_172 = arith.constant 3 : i32
      %add3A_173 = arith.addi %mul3A_26, %add3A_172 : i32
      %lt3A_174 = arith.constant 8 : i32
      %lt3A_175 = arith.cmpi slt, %add3A_173, %lt3A_174 : i32
      %convert_element_type3A_176 = arith.extui %lt3A_175 : i1 to i32
      %cond3A_177 = arith.constant 0 : i32
      %cond3A_178 = arith.cmpi ne, %convert_element_type3A_176, %cond3A_177 : i32
      scf.if %cond3A_178 {
        %add3A_180 = arith.constant 3 : i32
        %add3A_181 = arith.addi %mul3A_26, %add3A_180 : i32
        %mul3A_182 = arith.constant 32 : i32
        %mul3A_183 = arith.muli %add3A_181, %mul3A_182 : i32
        %add3A_184 = arith.addi %mul3A_2, %mul3A_183 : i32
        %dma_start3A_185 = arith.constant 0 : i32
        %dma_start3A_186 = tpu.memref_slice %arg2[%add3A_184, %dma_start3A_185] : memref<16384x1000xf32, #tpu.memory_space<hbm>> -> memref<32x1000xf32, #tpu.memory_space<hbm>>
        %dma_start3A_187 = arith.constant 0 : i32
        %dma_start3A_188 = tpu.memref_slice %arg2[%add3A_184, %dma_start3A_187] : memref<16384x1000xf32, #tpu.memory_space<hbm>> -> memref<32x1000xf32, #tpu.memory_space<hbm>>
        tpu.enqueue_dma source(%dma_start3A_188 : memref<32x1000xf32, #tpu.memory_space<hbm>>) target(%arg8 : memref<32x1000xf32, #tpu.memory_space<vmem>>) target_semaphore(%arg14 : memref<!tpu.dma_semaphore, #tpu.memory_space<semaphore_mem>>)
      } else {
      }
      %scan3A_179 = arith.constant 0 : i32
      scf.yield %scan3A_179 : i32
    }
    %scan3A_22 = arith.constant 4 : i32
    "tpu.region"() ({
      %run_scoped3A = tpu.sem_alloc : memref<!tpu.dma_semaphore, #tpu.memory_space<semaphore_mem>>
      %dma_start3A_23 = tpu.memref_slice %arg4[%mul3A_2] : memref<8192xf32, #tpu.memory_space<hbm>> -> memref<256xf32, #tpu.memory_space<hbm>>
      %dma_start3A_24 = tpu.memref_slice %arg4[%mul3A_2] : memref<8192xf32, #tpu.memory_space<hbm>> -> memref<256xf32, #tpu.memory_space<hbm>>
      tpu.enqueue_dma source(%arg10 : memref<256xf32, #tpu.memory_space<vmem>>) target(%dma_start3A_24 : memref<256xf32, #tpu.memory_space<hbm>>) target_semaphore(%run_scoped3A : memref<!tpu.dma_semaphore, #tpu.memory_space<semaphore_mem>>)
      %dma_wait3A = tpu.memref_slice %arg4[%mul3A_2] : memref<8192xf32, #tpu.memory_space<hbm>> -> memref<256xf32, #tpu.memory_space<hbm>>
      %dma_wait3A_25 = tpu.memref_slice %arg4[%mul3A_2] : memref<8192xf32, #tpu.memory_space<hbm>> -> memref<256xf32, #tpu.memory_space<hbm>>
      tpu.wait_dma2 semaphore(%run_scoped3A : memref<!tpu.dma_semaphore, #tpu.memory_space<semaphore_mem>>) src(%arg10 : memref<256xf32, #tpu.memory_space<vmem>>) dst(%dma_wait3A_25 : memref<256xf32, #tpu.memory_space<hbm>>)
      tpu.yield
    }) : () -> ()
    "tpu.region"() ({
      %run_scoped3A = tpu.sem_alloc : memref<!tpu.dma_semaphore, #tpu.memory_space<semaphore_mem>>
      %dma_start3A_23 = tpu.memref_slice %arg5[%mul3A_2] : memref<8192xf32, #tpu.memory_space<hbm>> -> memref<256xf32, #tpu.memory_space<hbm>>
      %dma_start3A_24 = tpu.memref_slice %arg5[%mul3A_2] : memref<8192xf32, #tpu.memory_space<hbm>> -> memref<256xf32, #tpu.memory_space<hbm>>
      tpu.enqueue_dma source(%arg11 : memref<256xf32, #tpu.memory_space<vmem>>) target(%dma_start3A_24 : memref<256xf32, #tpu.memory_space<hbm>>) target_semaphore(%run_scoped3A : memref<!tpu.dma_semaphore, #tpu.memory_space<semaphore_mem>>)
      %dma_wait3A = tpu.memref_slice %arg5[%mul3A_2] : memref<8192xf32, #tpu.memory_space<hbm>> -> memref<256xf32, #tpu.memory_space<hbm>>
      %dma_wait3A_25 = tpu.memref_slice %arg5[%mul3A_2] : memref<8192xf32, #tpu.memory_space<hbm>> -> memref<256xf32, #tpu.memory_space<hbm>>
      tpu.wait_dma2 semaphore(%run_scoped3A : memref<!tpu.dma_semaphore, #tpu.memory_space<semaphore_mem>>) src(%arg11 : memref<256xf32, #tpu.memory_space<vmem>>) dst(%dma_wait3A_25 : memref<256xf32, #tpu.memory_space<hbm>>)
      tpu.yield
    }) : () -> ()
    "tpu.region"() ({
      %run_scoped3A = tpu.sem_alloc : memref<!tpu.dma_semaphore, #tpu.memory_space<semaphore_mem>>
      %dma_start3A_23 = tpu.memref_slice %arg6[%mul3A_2] : memref<8192xf32, #tpu.memory_space<hbm>> -> memref<256xf32, #tpu.memory_space<hbm>>
      %dma_start3A_24 = tpu.memref_slice %arg6[%mul3A_2] : memref<8192xf32, #tpu.memory_space<hbm>> -> memref<256xf32, #tpu.memory_space<hbm>>
      tpu.enqueue_dma source(%arg12 : memref<256xf32, #tpu.memory_space<vmem>>) target(%dma_start3A_24 : memref<256xf32, #tpu.memory_space<hbm>>) target_semaphore(%run_scoped3A : memref<!tpu.dma_semaphore, #tpu.memory_space<semaphore_mem>>)
      %dma_wait3A = tpu.memref_slice %arg6[%mul3A_2] : memref<8192xf32, #tpu.memory_space<hbm>> -> memref<256xf32, #tpu.memory_space<hbm>>
      %dma_wait3A_25 = tpu.memref_slice %arg6[%mul3A_2] : memref<8192xf32, #tpu.memory_space<hbm>> -> memref<256xf32, #tpu.memory_space<hbm>>
      tpu.wait_dma2 semaphore(%run_scoped3A : memref<!tpu.dma_semaphore, #tpu.memory_space<semaphore_mem>>) src(%arg12 : memref<256xf32, #tpu.memory_space<vmem>>) dst(%dma_wait3A_25 : memref<256xf32, #tpu.memory_space<hbm>>)
      tpu.yield
    }) : () -> ()
    return
  }
}

module attributes {stable_mosaic.version = 14 : i64} {
  func.func @_tc_loss_body(%arg0: i32, %arg1: memref<2048x1000xf32, #tpu.memory_space<vmem>>, %arg2: memref<1x1x2048xi32, #tpu.memory_space<vmem>>, %arg3: memref<1x1x2048xf32, #tpu.memory_space<vmem>>) attributes {dimension_semantics = [#tpu.dimension_semantics<arbitrary>], iteration_bounds = array<i64: 4>, scalar_prefetch = 0 : i64, scratch_operands = 0 : i64, tpu.core_type = #tpu.core_type<tc>, window_params = [{transform_indices = @transform_0, window_bounds = array<i64: 2048, 1000>}, {transform_indices = @transform_1, window_bounds = array<i64: 1, 1, 2048>}, {transform_indices = @transform_2, window_bounds = array<i64: 1, 1, 2048>}]} {
    %get3A = arith.constant 0 : index
    %get3A_0 = arith.constant 0 : index
    %get3A_1 = vector.load %arg1[%get3A, %get3A_0] : memref<2048x1000xf32, #tpu.memory_space<vmem>>, vector<2048x1000xf32>
    %reduce_max3A = arith.constant dense<0xFF800000> : vector<2048xf32>
    %reduce_max3A_2 = vector.multi_reduction <maximumf>, %get3A_1, %reduce_max3A [1] : vector<2048x1000xf32> to vector<2048xf32>
    %broadcast_in_dim3A = vector.shape_cast %reduce_max3A_2 : vector<2048xf32> to vector<2048x1xf32>
    %sub3A = vector.broadcast %broadcast_in_dim3A : vector<2048x1xf32> to vector<2048x1000xf32>
    %sub3A_3 = arith.subf %get3A_1, %sub3A : vector<2048x1000xf32>
    %exp3A = math.exp %sub3A_3 : vector<2048x1000xf32>
    %reduce_sum3A = arith.constant dense<0.000000e+00> : vector<2048xf32>
    %reduce_sum3A_4 = vector.multi_reduction <add>, %exp3A, %reduce_sum3A [1] : vector<2048x1000xf32> to vector<2048xf32>
    %get3A_5 = arith.constant 0 : index
    %get3A_6 = arith.constant 0 : index
    %get3A_7 = arith.constant 0 : index
    %get3A_8 = vector.load %arg2[%get3A_5, %get3A_6, %get3A_7] : memref<1x1x2048xi32, #tpu.memory_space<vmem>>, vector<1x1x2048xi32>
    %get3A_9 = vector.shape_cast %get3A_8 : vector<1x1x2048xi32> to vector<2048xi32>
    %iota3A = tpu.iota {dimensions = array<i32: 1>} : vector<2048x1000xi32>
    %broadcast_in_dim3A_10 = vector.shape_cast %get3A_9 : vector<2048xi32> to vector<2048x1xi32>
    %eq3A = vector.broadcast %broadcast_in_dim3A_10 : vector<2048x1xi32> to vector<2048x1000xi32>
    %eq3A_11 = arith.cmpi eq, %iota3A, %eq3A : vector<2048x1000xi32>
    %jit3A = arith.constant 0.000000e+00 : f32
    %broadcast_in_dim3A_12 = vector.broadcast %jit3A : f32 to vector<2048x1000xf32>
    %select_n3A = arith.select %eq3A_11, %get3A_1, %broadcast_in_dim3A_12 : vector<2048x1000xi1>, vector<2048x1000xf32>
    %reduce_sum3A_13 = arith.constant dense<0.000000e+00> : vector<2048xf32>
    %reduce_sum3A_14 = vector.multi_reduction <add>, %select_n3A, %reduce_sum3A_13 [1] : vector<2048x1000xf32> to vector<2048xf32>
    %log3A = math.log %reduce_sum3A_4 : vector<2048xf32>
    %add3A = arith.addf %reduce_max3A_2, %log3A : vector<2048xf32>
    %sub3A_15 = arith.subf %add3A, %reduce_sum3A_14 : vector<2048xf32>
    %swap3A = arith.constant 0 : index
    %swap3A_16 = arith.constant 0 : index
    %swap3A_17 = arith.constant 0 : index
    %swap3A_18 = vector.load %arg3[%swap3A, %swap3A_16, %swap3A_17] : memref<1x1x2048xf32, #tpu.memory_space<vmem>>, vector<1x1x2048xf32>
    %swap3A_19 = vector.shape_cast %swap3A_18 : vector<1x1x2048xf32> to vector<2048xf32>
    %swap3A_20 = vector.shape_cast %sub3A_15 : vector<2048xf32> to vector<1x1x2048xf32>
    tpu.vector_store %arg3[%swap3A, %swap3A_16, %swap3A_17], %swap3A_20 {strides = array<i32>} : memref<1x1x2048xf32, #tpu.memory_space<vmem>>, vector<1x1x2048xf32>,
    return
  }
  func.func @transform_0(%arg0: i32) -> (i32, i32) {
    %add3A = arith.constant 4 : i32
    %add3A_0 = arith.addi %arg0, %add3A : i32
    %c0_i32 = arith.constant 0 : i32
    %c0_i32_1 = arith.constant 0 : i32
    return %add3A_0, %c0_i32 : i32, i32
  }
  func.func @transform_1(%arg0: i32) -> (i32, i32, i32) {
    %c0_i32 = arith.constant 0 : i32
    %c0_i32_0 = arith.constant 0 : i32
    %c0_i32_1 = arith.constant 0 : i32
    return %arg0, %c0_i32, %c0_i32_0 : i32, i32, i32
  }
  func.func @transform_2(%arg0: i32) -> (i32, i32, i32) {
    %c0_i32 = arith.constant 0 : i32
    %c0_i32_0 = arith.constant 0 : i32
    %c0_i32_1 = arith.constant 0 : i32
    return %arg0, %c0_i32, %c0_i32_0 : i32, i32, i32
  }
}

module attributes {stable_mosaic.version = 14 : i64} {
  func.func @_select_body(%arg0: memref<8192xf32, #tpu.memory_space<vmem>>, %arg1: memref<8192xf32, #tpu.memory_space<vmem>>, %arg2: memref<8192xf32, #tpu.memory_space<vmem>>, %arg3: memref<8192xf32, #tpu.memory_space<vmem>>, %arg4: memref<1x1xf32, #tpu.memory_space<smem>>) attributes {dimension_semantics = [], scalar_prefetch = 0 : i64, scratch_operands = 0 : i64, tpu.core_type = #tpu.core_type<tc>} {
    %get3A = arith.constant 0 : index
    %get3A_0 = vector.load %arg0[%get3A] : memref<8192xf32, #tpu.memory_space<vmem>>, vector<8192xf32>
    %get3A_1 = arith.constant 0 : index
    %get3A_2 = vector.load %arg1[%get3A_1] : memref<8192xf32, #tpu.memory_space<vmem>>, vector<8192xf32>
    %log3A = math.log %get3A_2 : vector<8192xf32>
    %add3A = arith.addf %get3A_0, %log3A : vector<8192xf32>
    %get3A_3 = arith.constant 0 : index
    %get3A_4 = vector.load %arg2[%get3A_3] : memref<8192xf32, #tpu.memory_space<vmem>>, vector<8192xf32>
    %sub3A = arith.subf %add3A, %get3A_4 : vector<8192xf32>
    %get3A_5 = arith.constant 0 : index
    %get3A_6 = vector.load %arg3[%get3A_5] : memref<8192xf32, #tpu.memory_space<vmem>>, vector<8192xf32>
    %concatenate3A = tpu.concatenate %sub3A, %get3A_6 in 0 : vector<8192xf32>, vector<8192xf32> -> vector<16384xf32>
    %bitcast_convert_type3A = tpu.bitcast %concatenate3A : vector<16384xf32> -> vector<16384xi32>
    %ge3A = arith.constant -2147483648 : i32
    %ge3A_7 = vector.broadcast %ge3A : i32 to vector<16384xi32>
    %ge3A_8 = arith.cmpi uge, %bitcast_convert_type3A, %ge3A_7 : vector<16384xi32>
    %jit3A = arith.constant -1 : i32
    %jit3A_9 = arith.constant -2147483648 : i32
    %broadcast_in_dim3A = vector.broadcast %jit3A : i32 to vector<16384xi32>
    %broadcast_in_dim3A_10 = vector.broadcast %jit3A_9 : i32 to vector<16384xi32>
    %select_n3A = arith.select %ge3A_8, %broadcast_in_dim3A, %broadcast_in_dim3A_10 : vector<16384xi1>, vector<16384xi32>
    %xor3A = arith.xori %bitcast_convert_type3A, %select_n3A : vector<16384xi32>
    %scan3A = arith.constant 0 : i32
    %scan3A_11 = arith.constant 0 : i32
    %scan3A_12 = arith.constant 32 : i32
    %scan3A_13 = arith.addi %scan3A_11, %scan3A_12 : i32
    %scan3A_14 = arith.constant 1 : i32
    %scan3A_15 = scf.for %scan3A_44 = %scan3A_11 to %scan3A_13 step %scan3A_14 iter_args(%scan3A_45 = %scan3A) -> (i32)  : i32 {
      %sub3A_46 = arith.constant 31 : i32
      %sub3A_47 = arith.subi %sub3A_46, %scan3A_44 : i32
      %shift_left3A = arith.constant 1 : i32
      %shift_left3A_48 = arith.shli %shift_left3A, %sub3A_47 : i32
      %or3A = arith.ori %scan3A_45, %shift_left3A_48 : i32
      %ge3A_49 = vector.broadcast %or3A : i32 to vector<16384xi32>
      %ge3A_50 = arith.cmpi uge, %xor3A, %ge3A_49 : vector<16384xi32>
      %convert_element_type3A_51 = arith.extui %ge3A_50 : vector<16384xi1> to vector<16384xi32>
      %reduce_sum3A_52 = vector.shape_cast %convert_element_type3A_51 : vector<16384xi32> to vector<1x16384xi32>
      %reduce_sum3A_53 = arith.constant dense<0> : vector<1xi32>
      %reduce_sum3A_54 = vector.multi_reduction <add>, %reduce_sum3A_52, %reduce_sum3A_53 [1] : vector<1x16384xi32> to vector<1xi32>
      %reduce_sum3A_55 = vector.shape_cast %reduce_sum3A_54 : vector<1xi32> to vector<1x1xi32>
      %reduce_sum3A_56 = vector.extract %reduce_sum3A_55[0, 0] : i32 from vector<1x1xi32>
      %ge3A_57 = arith.constant 11468 : i32
      %ge3A_58 = arith.cmpi sge, %reduce_sum3A_56, %ge3A_57 : i32
      %select_n3A_59 = arith.select %ge3A_58, %or3A, %scan3A_45 : i32
      scf.yield %select_n3A_59 : i32
    }
    %scan3A_16 = arith.constant 32 : i32
    %gt3A = vector.broadcast %scan3A_15 : i32 to vector<16384xi32>
    %gt3A_17 = arith.cmpi ugt, %xor3A, %gt3A : vector<16384xi32>
    %convert_element_type3A = arith.extui %gt3A_17 : vector<16384xi1> to vector<16384xi32>
    %reduce_sum3A = vector.shape_cast %convert_element_type3A : vector<16384xi32> to vector<1x16384xi32>
    %reduce_sum3A_18 = arith.constant dense<0> : vector<1xi32>
    %reduce_sum3A_19 = vector.multi_reduction <add>, %reduce_sum3A, %reduce_sum3A_18 [1] : vector<1x16384xi32> to vector<1xi32>
    %reduce_sum3A_20 = vector.shape_cast %reduce_sum3A_19 : vector<1xi32> to vector<1x1xi32>
    %reduce_sum3A_21 = vector.extract %reduce_sum3A_20[0, 0] : i32 from vector<1x1xi32>
    %jit3A_22 = arith.constant 0.000000e+00 : f32
    %broadcast_in_dim3A_23 = vector.broadcast %jit3A_22 : f32 to vector<16384xf32>
    %select_n3A_24 = arith.select %gt3A_17, %concatenate3A, %broadcast_in_dim3A_23 : vector<16384xi1>, vector<16384xf32>
    %reduce_sum3A_25 = vector.shape_cast %select_n3A_24 : vector<16384xf32> to vector<1x16384xf32>
    %reduce_sum3A_26 = arith.constant dense<0.000000e+00> : vector<1xf32>
    %reduce_sum3A_27 = vector.multi_reduction <add>, %reduce_sum3A_25, %reduce_sum3A_26 [1] : vector<1x16384xf32> to vector<1xf32>
    %reduce_sum3A_28 = vector.shape_cast %reduce_sum3A_27 : vector<1xf32> to vector<1x1xf32>
    %reduce_sum3A_29 = vector.extract %reduce_sum3A_28[0, 0] : f32 from vector<1x1xf32>
    %and3A = arith.constant -2147483648 : i32
    %and3A_30 = arith.andi %scan3A_15, %and3A : i32
    %ne3A = arith.constant 0 : i32
    %ne3A_31 = arith.cmpi ne, %and3A_30, %ne3A : i32
    %xor3A_32 = arith.constant -2147483648 : i32
    %xor3A_33 = arith.xori %scan3A_15, %xor3A_32 : i32
    %not3A = arith.constant -1 : i32
    %not3A_34 = arith.xori %scan3A_15, %not3A : i32
    %select_n3A_35 = arith.select %ne3A_31, %xor3A_33, %not3A_34 : i32
    %bitcast_convert_type3A_36 = arith.bitcast %select_n3A_35 : i32 to f32
    %sub3A_37 = arith.constant 11468 : i32
    %sub3A_38 = arith.subi %sub3A_37, %reduce_sum3A_21 : i32
    %convert_element_type3A_39 = arith.sitofp %sub3A_38 : i32 to f32
    %mul3A = arith.mulf %convert_element_type3A_39, %bitcast_convert_type3A_36 : f32
    %add3A_40 = arith.addf %reduce_sum3A_29, %mul3A : f32
    %div3A = arith.constant 1.146800e+04 : f32
    %div3A_41 = arith.divf %add3A_40, %div3A : f32
    %swap3A = arith.constant 0 : index
    %swap3A_42 = arith.constant 0 : index
    %swap3A_43 = memref.load %arg4[%swap3A, %swap3A_42] : memref<1x1xf32, #tpu.memory_space<smem>>
    memref.store %div3A_41, %arg4[%swap3A, %swap3A_42] : memref<1x1xf32, #tpu.memory_space<smem>>
    return
  }
}

</mosaic_0001>

<sc_bundles>
// kernel: kernel.5.cloned.1.call-start
scs
__scs_entry_jumppad:
0x0: {  	(pc) =	sbr.rel $0x88, $3  }
0x1: {  	(tag) =	ssettag $0x0;
	lr =	simm.s32 $0x1  }
0x2: {  	[smem:$0x3F9F] =	sst lr;
	_ =	strace $0xD0000000  }
0x3: {  	_ = 	snop  }
0x4: {  	_ = 	snop  }
0x5: {  	_ = 	snop  }
0x6: {  	_ = 	snop  }
0x7: {  	_ = 	snop  }
__scs_overlays_trampoline_lowered:
0x8: {  	[smem:$0x3FAE] =	sst s0  }
0x9: {  	[smem:$0x3FAF] =	sst s1  }
0xa: {  	[smem:$0x3FB0] =	sst s2  }
0xb: {  	[smem:$0x3FB1] =	sst s3  }
0xc: {  	[smem:$0x3FB2] =	sst s4  }
0xd: {  	[smem:$0x3FB3] =	sst s5  }
0xe: {  	[smem:$0x3FB4] =	sst s6  }
0xf: {  	[smem:$0x3FB5] =	sst s7  }
0x10: {  	[smem:$0x3FB6] =	sst s8  }
0x11: {  	[smem:$0x3FB7] =	sst s9;
	s0 =	simm.s32 @!p0 $0x0  }
0x12: {  	s1 =	sld [smem:$0x3F9D];
	s0 =	simm.s32 @p0 $0x1  }
0x13: {  	[smem:$0x3FB8] =	sst s0;
	s0 =	simm.s32 @!p1 $0x0  }
0x14: {  	s2 =	sld [smem:$0x3F9C];
	s0 =	simm.s32 @p1 $0x1  }
0x15: {  	[smem:$0x3FB9] =	sst s0;
	s0 =	simm.s32 @!p2 $0x0  }
0x16: {  	s3 =	sld [smem:$0x3FDB];
	s0 =	simm.s32 @p2 $0x1  }
0x17: {  	s4 =	simm.s32 $0x1BF5;
	[smem:$0x3FBB] =	sst s0  }
0x18: {  	s0 =	sld [smem:$0x3F9E];
	_ =	swait.ge [sflag:s4], $0x0  }
0x19: {  	s7 =	sld [smem:$0x3F9F]  }
0x1a: {  	s8 =	sadd.s32 $0xFFFFE003, lr  }
0x1b: {  	s9 =	sadd.s32 $0xFFFFFEF7, lr;
	s5 =	simm.s32 $0xFFFFFFFF;
	p2 =	slt.u32 s8, $0xFFFFF086  }
0x1c: {  	p1 =	slt.u32 s9, $0xF7A;
	s5 =	simm.s32 @!p2 $0x0  }
0x1d: {  	s5 =	simm.s32 @p1 $0x1;
	p0 =	seq.s32 s7, s2  }
0x1e: {  	s7 =	smul.u32 @!p0 $0xF7A, s2;
	p2 =	seq.s32 @!p0 s5, $0x0  }
0x1f: {  	s9 =	smul.u32 $0xF7A, s1;
	s8 =	simm.s32 @!p0 $0x1BF5;
	p2 =	por !p2, p0  }
0x20: {  	[sflag:s8] =	ssyncset.s32 @!p0 $0xFFFFF086;
	s6 =	sadd.s32 @!p0 s3, s7;
	s7 =	simm.s32 @!p0 $0x108  }
0x21: {  	s3 =	sadd.s32 s3, s9;
	s6 =	sadd.s32 @!p0 $0x88, s6;
	s7 =	simm.s32 @p2 $0x1082  }
0x22: {  	[simem:s7], [sflag:s8] =	dma.local @!p0 [hbm:s6], $0xF7A  }
0x23: {  	s9 =	sor.u32 $0xD0000000, s2;
	s6 =	simm.s32 $0x108;
	_ =	swait.ge @!p0 [sflag:s8], $0x0  }
0x24: {  	s3 =	sadd.s32 $0x88, s3;
	s6 =	simm.s32 @!p1 $0x1082;
	[sflag:s4] =	ssyncset.s32 $0xFFFFF086  }
0x25: {  	[simem:s6], [sflag:s4] =	dma.local [hbm:s3], $0xF7A  }
0x26: {  	[smem:$0x3F9F] =	sst s1;
	(tag) =	ssettag s2;
	_ =	strace s9  }
0x27: {  	s1 =	sld [smem:$0x3FAF]  }
0x28: {  	s2 =	sld [smem:$0x3FB0]  }
0x29: {  	s4 =	sld [smem:$0x3FB2]  }
0x2a: {  	p0 =	seq.s32 s5, $0x0;
	s5 =	sld [smem:$0x3FB3]  }
0x2b: {  	s6 =	sld [smem:$0x3FB4]  }
0x2c: {  	s7 =	sld [smem:$0x3FB5]  }
0x2d: {  	s3 =	simm.s32 $0x108;
	s8 =	sld [smem:$0x3FB6]  }
0x2e: {  	s3 =	simm.s32 @!p0 $0x1082;
	s9 =	sld [smem:$0x3FB7]  }
0x2f: {  	lr =	sadd.s32 s0, s3;
	s0 =	sld [smem:$0x3FAE]  }
0x30: {  	s3 =	sld [smem:$0x3FB1]  }
0x31: {  	[smem:$0x3FBA] =	sst s10  }
0x32: {  	s10 =	sld [smem:$0x3FB8];
	_ =	sdelay $0x3  }
0x33: {  	p0 =	seq.s32 s10, $0x1;
	s10 =	sld [smem:$0x3FBA];
	_ =	sdelay $0x3  }
0x34: {  	[smem:$0x3FBA] =	sst s10  }
0x35: {  	s10 =	sld [smem:$0x3FB9];
	_ =	sdelay $0x3  }
0x36: {  	p1 =	seq.s32 s10, $0x1;
	s10 =	sld [smem:$0x3FBA];
	_ =	sdelay $0x3  }
0x37: {  	[smem:$0x3FBA] =	sst s10  }
0x38: {  	s10 =	sld [smem:$0x3FBB]  }
0x39: {  	_ = 	snop;
	(pc) =	sbr.ind lr, $3  }
0x3a: {  	_ = 	snop  }
0x3b: {  	_ = 	snop  }
0x3c: {  	p2 =	seq.s32 s10, $0x1;
	s10 =	sld [smem:$0x3FBA]  }
0x3d: {  	_ =	shalt  }
0x3e: {  	_ =	shalt  }
0x3f: {  	_ =	shalt  }
0x40: {  	_ =	shalt  }
0x41: {  	_ =	shalt  }
0x42: {  	_ =	shalt  }
0x43: {  	_ =	shalt  }
0x44: {  	_ =	shalt  }
0x45: {  	_ =	shalt  }
0x46: {  	_ =	shalt  }
0x47: {  	_ =	shalt  }
0x48: {  	_ =	shalt  }
0x49: {  	_ =	shalt  }
0x4a: {  	_ =	shalt  }
0x4b: {  	_ =	shalt  }
0x4c: {  	_ =	shalt  }
0x4d: {  	_ =	shalt  }
0x4e: {  	_ =	shalt  }
0x4f: {  	_ =	shalt  }
0x50: {  	_ =	shalt  }
0x51: {  	_ =	shalt  }
0x52: {  	_ =	shalt  }
0x53: {  	_ =	shalt  }
0x54: {  	_ =	shalt  }
0x55: {  	_ =	shalt  }
0x56: {  	_ =	shalt  }
0x57: {  	_ =	shalt  }
0x58: {  	_ =	shalt  }
0x59: {  	_ =	shalt  }
0x5a: {  	_ =	shalt  }
0x5b: {  	_ =	shalt  }
0x5c: {  	_ =	shalt  }
0x5d: {  	_ =	shalt  }
0x5e: {  	_ =	shalt  }
0x5f: {  	_ =	shalt  }
0x60: {  	_ =	shalt  }
0x61: {  	_ =	shalt  }
0x62: {  	_ =	shalt  }
0x63: {  	_ =	shalt  }
0x64: {  	_ =	shalt  }
0x65: {  	_ =	shalt  }
0x66: {  	_ =	shalt  }
0x67: {  	_ =	shalt  }
0x68: {  	_ =	shalt  }
0x69: {  	_ =	shalt  }
0x6a: {  	_ =	shalt  }
0x6b: {  	_ =	shalt  }
0x6c: {  	_ =	shalt  }
0x6d: {  	_ =	shalt  }
0x6e: {  	_ =	shalt  }
0x6f: {  	_ =	shalt  }
0x70: {  	_ =	shalt  }
0x71: {  	_ =	shalt  }
0x72: {  	_ =	shalt  }
0x73: {  	_ =	shalt  }
0x74: {  	_ =	shalt  }
0x75: {  	_ =	shalt  }
0x76: {  	_ =	shalt  }
0x77: {  	_ =	shalt  }
0x78: {  	_ =	shalt  }
0x79: {  	_ =	shalt  }
0x7a: {  	_ =	shalt  }
0x7b: {  	_ =	shalt  }
0x7c: {  	_ =	shalt  }
0x7d: {  	_ =	shalt  }
0x7e: {  	_ =	shalt  }
0x7f: {  	_ =	shalt  }
0x80: {  	_ =	shalt  }
0x81: {  	_ =	shalt  }
0x82: {  	_ =	shalt  }
0x83: {  	_ =	shalt  }
0x84: {  	_ =	shalt  }
0x85: {  	_ =	shalt  }
0x86: {  	_ =	shalt  }
0x87: {  	_ =	shalt  }
.Lfunc_end0:
.L_simem_size_0:
called_computation_lowered:
.L_overlay_start_0:
0x88: {  	s2 =	sld [smem:$0x3FD9]  }
0x89: {  	s3 =	sld [smem:$0x3FFE];
	_ =	sdelay $0x1  }
0x8a: {  	s1 =	srdreg.scid  }
0x8b: {  	s0 =	sand.u32 $0x1, s1  }
0x8c: {  	s17 =	sshll.u32 s0, $0xA;
	s2 =	sadd.s32 s3, s2  }
0x8d: {  	s2 =	sadd.s32 s2, s17  }
0x8e: {  	[smem:$0x3FC6] =	sst s2  }
0x8f: {  	_ = 	snop  }
0x90: {  	s2 =	sld [smem:$0x3FC8];
	(tm) =	ssettm $0x1  }
0x91: {  	s18 =	sld [smem:$0x3FFB];
	_ =	sdelay $0x3  }
0x92: {  	_ =	strace s18  }
0x93: {  	s3 =	sld [smem:$0x3FFC];
	_ =	sdelay $0x3  }
0x94: {  	_ =	strace s3  }
0x95: {  	s3 =	sld [smem:$0x3FFD];
	_ =	sdelay $0x3  }
0x96: {  	_ =	strace s3  }
0x97: {  	_ =	strace $0x8FFFFFFF  }
0x98: {  	s19 =	sld [smem:$0x3FDB];
	_ =	sdelay $0x1  }
0x99: {  	s4 =	simm.s32 $_scs_section_size  }
0x9a: {  	s5 =	simm.s32 $_size__tile_overlayer_lowered;
	s6 =	simm.s32 $_tile_overlayer_lowered  }
0x9b: {  	s22 =	simm.s32 $0x1BFF;
	s21 =	sshll.u32 s6, $0x1;
	s3 =	sadd.s32 s4, s19  }
0x9c: {  	s7 =	simm.s32 $0x0;
	s20 =	sshll.u32 s5, $0x1;
	s5 =	sadd.s32 s21, s3  }
0x9d: {  	[timem:s7], [sflag:s22] =	dma.local [hbm:s5], s20  }
0x9e: {  	_ =	swait.ge [sflag:s22], s20  }
0x9f: {  	s4 =	ssub.s32 $0x0, s20;
	[sflag:s22] =	ssyncset.done $0x0  }
0xa0: {  	[sflag:s22] =	ssyncadd.s32 s4;
	_ =	sdelay $0x1  }
0xa1: {  	s23 =	simm.s32 $0x1B8B  }
0xa2: {  	_ =	swait.ge [sflag:s23], $0x1  }
0xa3: {  	[sflag:s23] =	ssyncset.done $0x0  }
0xa4: {  	s25 =	simm.s32 $0x1B8E;
	s24 =	sld [smem:$0x3FFE];
	[sflag:s23] =	ssyncadd.s32 $0xFFFFFFFF  }
0xa5: {  	s26 =	simm.s32 $execute0_lowered;
	[smem:$0x3FD2] =	sst s25  }
0xa6: {  	s5 =	sshll.u32 s26, $0x1;
	_ =	strace $0x80000046;
	[dreg:$0x1] =	wrdreg $0xFFFFFFFF  }
0xa7: {  	s28 =	simm.s32 $_size_execute0_lowered;
	s3 =	sadd.s32 s3, s5;
	[dreg:$0x0] =	wrdreg $0x0  }
0xa8: {  	s5 =	sshll.u32 s28, $0x1;
	[dreg:$0x2] =	wrdreg s3  }
0xa9: {  	[dreg:$0x3] =	wrdreg s5  }
0xaa: {  	[dreg:$0x4] =	wrdreg $0xC0  }
0xab: {  	_ =	task [dreg:s7], $0x5FFFF  }
0xac: {  	[dreg:$0x1] =	wrdreg $0xFFFFFFFF  }
0xad: {  	[dreg:$0x0] =	wrdreg $0x60  }
0xae: {  	[dreg:$0x2] =	wrdreg s24  }
0xaf: {  	[dreg:$0x3] =	wrdreg s2  }
0xb0: {  	[dreg:$0x4] =	wrdreg $0x9  }
0xb1: {  	_ =	task.clear_ibuf [dreg:s7], $0x5FFFF;
	_ =	strace $0x90000046  }
0xb2: {  	s29 =	simm.s32 $0x9;
	_ =	strace $0x80000048  }
0xb3: {  	_ =	swait.ge [sflag:s29], $0x1  }
0xb4: {  	[sflag:s29] =	ssyncadd.s32 $0xFFFFFFFF  }
0xb5: {  	_ =	strace $0x90000048  }
0xb6: {  	_ =	sfence  }
0xb7: {  	s30 =	sld [smem:$0x0];
	_ =	sdelay $0x2  }
0xb8: {  	s31 =	sshll.u32 s1, $0xD;
	s1 =	sshrl.u32 s1, $0x2  }
0xb9: {  	s3 =	sand.u32 $0x4000, s31;
	s1 =	sadd.s32 s1, s30  }
0xba: {  	s0 =	sor.u32 s3, s0;
	s1 =	sshll.u32 s1, $0x11  }
0xbb: {  	s0 =	sor.u32 s1, s0  }
0xbc: {  	s0 =	sadd.s32 $0x8F2B, s0  }
0xbd: {  	[sflag:s0] =	ssyncadd.remote.s32 $0x1  }
0xbe: {  	_ =	sfence.sel $0xFFFF  }
0xbf: {  	[dreg:$0x0] =	wrdreg $0xFFFFFFFF;
	(pc) =	sbr.abs _section_cstart, $3  }
0xc0: {  	[dreg:$0x1] =	wrdreg $0xFFFFFFFF  }
0xc1: {  	_ =	task.clear_ibuf [dreg:s7], $0x2FFFF;
	_ =	strace $0x9FFFFFFF  }
0xc2: {  	(tm) =	ssettm $0x7FFFFFFF  }
0xc3: {  	_ =	shalt  }
tec
execute0_lowered:
.L_overlay_start_1:
0x0: {  	(tag) =	ssettag $0x1  }
0x1: {  	v0 =	vimm.s32 $0x2380  }
0x2: {  	vm0 =	vcmask $0x300;
	v1 =	vimm.s32 $0x6380;
	vm1 =	vcmask $0x704  }
0x3: {  	vm15 =	vcmask $0xB08;
	v0 =	vsel vm0, $0x0, v0;
	v1 =	vsel vm0, $0x4000, v1  }
0x4: {  	s3 =	rddreg [dreg:$0x0];
	vm4 =	vcmask $0xF0C;
	v0 =	vsel vm1, $0x80, v0;
	v1 =	vsel vm1, $0x4080, v1  }
0x5: {  	s6 =	rddreg [dreg:$0x1];
	vm5 =	vcmask $0x1310;
	v0 =	vsel vm15, $0x100, v0;
	v1 =	vsel vm15, $0x4100, v1  }
0x6: {  	s0 =	rddreg [dreg:$0x2];
	s4 =	srdreg.scid;
	s2 =	simm.s32 $0x0;
	vm6 =	vcmask $0x1714;
	v0 =	vsel vm4, $0x180, v0;
	v1 =	vsel vm4, $0x4180, v1  }
0x7: {  	s1 =	stileid.u32;
	vm7 =	vcmask $0x1B18;
	s12 =	simm.s32 $0x10000;
	s13 =	simm.s32 $0x3;
	v0 =	vsel vm5, $0x200, v0;
	v1 =	vsel vm5, $0x4200, v1  }
0x8: {  	vm8 =	vcmask $0x1F1C;
	s14 =	simm.s32 $0x8000;
	s15 =	simm.s32 $0x1;
	s16 =	simm.s32 $0x2;
	v0 =	vsel vm6, $0x280, v0;
	v1 =	vsel vm6, $0x4280, v1  }
0x9: {  	vm9 =	vcmask $0x2320;
	s17 =	simm.s32 $0x10100;
	s18 =	simm.s32 $0x10200;
	s19 =	simm.s32 $0x10300;
	v0 =	vsel vm7, $0x300, v0;
	v1 =	vsel vm7, $0x4300, v1  }
0xa: {  	vm10 =	vcmask $0x2724;
	s20 =	simm.s32 $0x0;
	s4 =	sand.u32 $0x1, s4;
	[smem:$0x7FF] =	sst s2;
	v0 =	vsel vm8, $0x380, v0;
	v1 =	vsel vm8, $0x4380, v1  }
0xb: {  	vm11 =	vcmask $0x2B28;
	s5 =	sshll.u32 s1, $0x9;
	s7 =	sshll.u32 s4, $0x8;
	s4 =	ssub.s32 $0x2, s4;
	v0 =	vsel vm9, $0x2000, v0;
	v1 =	vsel vm9, $0x6000, v1  }
0xc: {  	vm12 =	vcmask $0x2F2C;
	_ =	strace $0x80000047;
	s5 =	sor.u32 s7, s5;
	s31 =	sshrl.u32 s4, $0x1;
	v0 =	vsel vm10, $0x2080, v0;
	v1 =	vsel vm10, $0x6080, v1  }
.Ltmp0:
0xd: {  	vm13 =	vcmask $0x3330;
	s7 =	sshll.u32 s5, $0x7;
	s8 =	sshrl.u32 s5, $0x3;
	v0 =	vsel vm11, $0x2100, v0;
	v1 =	vsel vm11, $0x6100, v1;
	(pc) =	sbr.rel .LBB2_1-.Ltmp0, $4  }
0xe: {  	vm14 =	vcmask $0x3734;
	s11 =	ssub.s32 s4, s31;
	s7 =	sadd.s32 s7, s3;
	s10 =	sadd.s32 s8, s3;
	v0 =	vsel vm12, $0x2180, v0;
	v1 =	vsel vm12, $0x6180, v1  }
0xf: {  	vm15 =	vcmask $0x3B38;
	s6 =	sadd.s32 s6, s8;
	s11 =	smax.u32 s11, $0x1;
	s3 =	sadd.s32 $0x1000, s7;
	v0 =	vsel vm13, $0x2200, v0;
	v1 =	vsel vm13, $0x6200, v1  }
0x10: {  	s4 =	sadd.s32 $0x2000, s7;
	s5 =	sadd.s32 $0x3000, s7;
	s8 =	sadd.s32 $0x201400, s10;
	v0 =	vsel vm14, $0x2280, v0;
	v1 =	vsel vm14, $0x6280, v1  }
0x11: {  	s7 =	sadd.s32 $0x4000, s7;
	s9 =	sadd.s32 $0x201000, s10;
	s10 =	sadd.s32 $0x201800, s10;
	v0 =	vsel vm15, $0x2300, v0;
	v1 =	vsel vm15, $0x6300, v1  }
.LBB2_20:
0x12: {  	[hbm4b:s9+s2] =	stream.linear.scatter [tilespmem:s17], [sflag:$0x3], $0x100, $0x38;
	[tilespmem:$0x10400] =	vst v63  }
0x13: {  	_ =	swait.ge [sflag:s13], $0x100  }
0x14: {  	[sflag:s13] =	ssyncset.done $0x0  }
0x15: {  	[sflag:s13] =	ssyncadd.s32 $0xFFFFFF00  }
0x16: {  	[hbm4b:s8+s2] =	stream.linear.scatter [tilespmem:s18], [sflag:$0x3], $0x100, $0x38;
	[tilespmem:$0x10400] =	vst v63  }
0x17: {  	s20 =	sadd.s32 $0x1, s20;
	_ =	swait.ge [sflag:s13], $0x100  }
0x18: {  	p0 =	sne.s32 s20, s11;
	[sflag:s13] =	ssyncset.done $0x0  }
.Ltmp1:
0x19: {  	[sflag:s13] =	ssyncadd.s32 $0xFFFFFF00;
	(pc) =	sbr.rel @!p0 .LBB2_21-.Ltmp1, $4  }
0x1a: {  	[hbm4b:s10+s2] =	stream.linear.scatter [tilespmem:s19], [sflag:$0x3], $0x100, $0x38;
	[tilespmem:$0x10400] =	vst v63  }
0x1b: {  	_ =	swait.ge [sflag:s13], $0x100  }
0x1c: {  	[sflag:s13] =	ssyncset.done $0x0  }
0x1d: {  	[sflag:s13] =	ssyncadd.s32 $0xFFFFFF00  }
.LBB2_1:
0x1e: {  	[tilespmem:s12], [sflag:$0x3] =	stream.linear.gather [hbm4b:s6+s2], $0x100, $0x38;
	[tilespmem:$0x10400] =	vst v63  }
0x1f: {  	_ =	swait.ge [sflag:s13], $0x100  }
0x20: {  	[sflag:s13] =	ssyncset.done $0x0  }
0x21: {  	[sflag:s13] =	ssyncadd.s32 $0xFFFFFF00  }
0x22: {  	[tilespmem:s2], [sflag:$0x1] =	stream.linear.gather [hbm4b:s3+s2], $0x8000, $0x38;
	[tilespmem:$0x10400] =	vst v63  }
0x23: {  	s21 =	simm.s32 $0x0  }
0x24: {  	[tilespmem:s14], [sflag:$0x2] =	stream.linear.gather [hbm4b:s4+s2], $0x8000, $0x38;
	[tilespmem:$0x10400] =	vst v63  }
.LBB2_2:
0x25: {  	s22 =	simm.s32 $0x18  }
0x26: {  	s29 =	simm.s32 $0x16;
	v2 =	vmov s22  }
0x27: {  	s23 =	simm.s32 $0x17;
	v7 =	vmov s29;
	[tilespmem:$0x1FE60] =	vst v2  }
0x28: {  	v37 =	vimm.f32 $-Inf;
	s24 =	simm.s32 $0x14;
	s25 =	simm.s32 $0x15;
	s30 =	simm.s32 $0x12;
	v16 =	vmov s23;
	[tilespmem:$0x1FE80] =	vst v7  }
0x29: {  	s31 =	simm.s32 $0x13;
	s26 =	simm.s32 $0x11;
	s28 =	simm.s32 $0xE;
	v18 =	vmov s24;
	v19 =	vmov s25;
	v14 =	vmov s30;
	[tilespmem:$0x1FE90] =	vst v16  }
0x2a: {  	s25 =	simm.s32 $0x10;
	v24 =	vmov s31;
	v22 =	vmov s26;
	v15 =	vmov s28;
	[tilespmem:$0x1FEA0] =	vst v19  }
0x2b: {  	s29 =	simm.s32 $0xF;
	s30 =	simm.s32 $0xC;
	s31 =	simm.s32 $0xD;
	v30 =	vand.u32 $0x7F, v2;
	v4 =	vshll.u32 v2, $0x3;
	v6 =	vmov s25;
	[tilespmem:$0x1FEB0] =	vst v24  }
0x2c: {  	s23 =	simm.s32 $0xA;
	s26 =	simm.s32 $0xB;
	s28 =	simm.s32 $0x8;
	v25 =	vmov s29;
	v20 =	vmov s30;
	v21 =	vmov s31;
	[tilespmem:$0x1FEC0] =	vst v18  }
0x2d: {  	v10 =	vmov s23;
	v23 =	vmov s26;
	v17 =	vmov s28;
	[tilespmem:$0x1FED0] =	vst v14  }
0x2e: {  	v33 =	vand.u32 $0x7F, v7;
	v32 =	vand.u32 $0x7F, v16;
	v34 =	vand.u32 $0x7F, v19;
	[tilespmem:$0x1FEF0] =	vst v22  }
0x2f: {  	v36 =	vand.u32 $0x7F, v24;
	v35 =	vand.u32 $0x7F, v18;
	v46 =	vshll.u32 v19, $0x3;
	[tilespmem:$0x1FF20] =	vst v15  }
0x30: {  	v38 =	vand.u32 $0x7F, v14;
	v49 =	vshll.u32 v24, $0x3;
	v48 =	vshll.u32 v18, $0x3;
	[tilespmem:$0x1FE70] =	vst v4  }
0x31: {  	s29 =	simm.s32 $0x9;
	v39 =	vand.u32 $0x7F, v22;
	v51 =	vshll.u32 v14, $0x3;
	v54 =	vshll.u32 v22, $0x3;
	[tilespmem:$0x1FEE0] =	vst v6  }
0x32: {  	s30 =	simm.s32 $0x6;
	s31 =	simm.s32 $0x7;
	s25 =	simm.s32 $0x3;
	v44 =	vand.u32 $0x7F, v15;
	v63 =	vshll.u32 v15, $0x3;
	v26 =	vmov s29;
	[tilespmem:$0x1FF00] =	vst v25  }
0x33: {  	s26 =	simm.s32 $0x5;
	s28 =	simm.s32 $0x2;
	v9 =	vmov s30;
	v11 =	vmov s31;
	v2 =	vmov s25;
	[tilespmem:$0x1FF10] =	vst v21  }
0x34: {  	v12 =	vmov s26;
	v3 =	vmov s28;
	v31 =	vand.u32 $0x7C00, v4;
	[tilespmem:$0x1FF30] =	vst v20  }
0x35: {  	v4 =	vshll.u32 v7, $0x3;
	v7 =	vshll.u32 v16, $0x3;
	v40 =	vand.u32 $0x7F, v6;
	[tilespmem:$0x1FF40] =	vst v10  }
0x36: {  	v41 =	vand.u32 $0x7F, v25;
	v56 =	vshll.u32 v6, $0x3;
	v45 =	vand.u32 $0x7F, v21;
	[tilespmem:$0x1FF50] =	vst v23  }
0x37: {  	v59 =	vshll.u32 v25, $0x3;
	v47 =	vand.u32 $0x7F, v20;
	v60 =	vshll.u32 v21, $0x3;
	[tilespmem:$0x1FF80] =	vst v17  }
0x38: {  	v53 =	vand.u32 $0x7F, v10;
	v52 =	vand.u32 $0x7F, v23;
	v50 =	vshll.u32 v20, $0x3;
	[tilespmem:$0x1FF60] =	vst v26  }
0x39: {  	s29 =	simm.s32 $0x4;
	s30 =	simm.s32 $0x0;
	v57 =	vshll.u32 v10, $0x3;
	v55 =	vshll.u32 v23, $0x3;
	v62 =	vand.u32 $0x7F, v17;
	[tilespmem:$0x1FF70] =	vst v11  }
0x3a: {  	s31 =	simm.s32 $0x1;
	v6 =	vshll.u32 v17, $0x3;
	v5 =	vmov s29;
	v13 =	vmov s30;
	[tilespmem:$0x1FF90] =	vst v9  }
0x3b: {  	v8 =	vmov s31;
	v58 =	vand.u32 $0x7F, v26;
	v16 =	vand.u32 $0x7F, v11;
	[tilespmem:$0x1FFA0] =	vst v5  }
0x3c: {  	v61 =	vshll.u32 v26, $0x3;
	v21 =	vand.u32 $0x7F, v9;
	v20 =	vshll.u32 v11, $0x3;
	_ =	swait.ge [sflag:s15], $0x8000  }
0x3d: {  	v14 =	vand.u32 $0x7F, v12;
	v15 =	vshll.u32 v9, $0x3;
	v19 =	vand.u32 $0x7F, v2;
	[tilespmem:$0x1FFB0] =	vst v2  }
0x3e: {  	v18 =	vshll.u32 v12, $0x3;
	v23 =	vand.u32 $0x7F, v3;
	v24 =	vshll.u32 v2, $0x3;
	[tilespmem:$0x1FFC0] =	vst v8  }
0x3f: {  	v26 =	vshll.u32 v3, $0x3;
	v43 =	vand.u32 $0x7C00, v4;
	v42 =	vand.u32 $0x7C00, v7;
	[tilespmem:$0x1FFD0] =	vst v3  }
0x40: {  	v17 =	vand.u32 $0x7F, v5;
	v22 =	vshll.u32 v5, $0x3;
	v25 =	vand.u32 $0x7F, v8;
	[sflag:s15] =	ssyncset.done $0x0;
	[tilespmem:$0x1FFE0] =	vst v4  }
0x41: {  	s22 =	simm.s32 $0x31;
	v27 =	vand.u32 $0x7F, v13;
	v28 =	vshll.u32 v8, $0x3;
	v29 =	vshll.u32 v13, $0x3;
	[tilespmem:$0x1FFF0] =	vst v7;
	[sflag:s15] =	ssyncadd.s32 $0xFFFF8000  }
.LBB2_3:
0x42: {  	p0 =	sne.s32 s22, $0x3E7;
	v49 =	vand.u32 $0x7C00, v49;
	v48 =	vand.u32 $0x7C00, v48;
	v46 =	vand.u32 $0x7C00, v46  }
0x43: {  	v56 =	vand.u32 $0x7C00, v56;
	v54 =	vand.u32 $0x7C00, v54;
	v51 =	vand.u32 $0x7C00, v51  }
0x44: {  	v29 =	vand.u32 $0x3C00, v29;
	v63 =	vand.u32 $0x7C00, v63;
	v59 =	vand.u32 $0x7C00, v59  }
0x45: {  	v28 =	vand.u32 $0x7C00, v28;
	v27 =	vor.u32 v27, v29;
	v29 =	vand.u32 $0x7C00, v60  }
0x46: {  	v26 =	vand.u32 $0x7C00, v26;
	v25 =	vor.u32 v25, v28;
	v27 =	vadd.s32 v0, v27  }
0x47: {  	v24 =	vand.u32 $0x7C00, v24;
	v23 =	vor.u32 v23, v26;
	v25 =	vadd.s32 v0, v25  }
0x48: {  	v22 =	vand.u32 $0x7C00, v22;
	v19 =	vor.u32 v19, v24;
	v23 =	vadd.s32 v0, v23  }
0x49: {  	v18 =	vand.u32 $0x7C00, v18;
	v17 =	vor.u32 v17, v22;
	v19 =	vadd.s32 v0, v19  }
0x4a: {  	v15 =	vand.u32 $0x7C00, v15;
	v14 =	vor.u32 v14, v18;
	v17 =	vadd.s32 v0, v17  }
0x4b: {  	v20 =	vand.u32 $0x7C00, v20;
	v15 =	vor.u32 v21, v15;
	v14 =	vadd.s32 v0, v14;
	v18 =	vld.idx.msk [tilespmem:v27+s2+$0x0], $0xffff  }
0x4c: {  	v6 =	vand.u32 $0x7C00, v6;
	v16 =	vor.u32 v16, v20;
	v15 =	vadd.s32 v0, v15;
	v21 =	vld.idx.msk [tilespmem:v25+s2+$0x0], $0xffff  }
0x4d: {  	v6 =	vor.u32 v62, v6;
	v22 =	vand.u32 $0x7C00, v61;
	v16 =	vadd.s32 v0, v16;
	v20 =	vld.idx.msk [tilespmem:v23+s2+$0x0], $0xffff  }
0x4e: {  	v6 =	vadd.s32 v0, v6;
	v22 =	vor.u32 v58, v22;
	v23 =	vand.u32 $0x7C00, v57;
	v19 =	vld.idx.msk [tilespmem:v19+s2+$0x0], $0xffff  }
0x4f: {  	v24 =	vand.u32 $0x7C00, v55;
	v22 =	vadd.s32 v0, v22;
	v23 =	vor.u32 v53, v23;
	v17 =	vld.idx.msk [tilespmem:v17+s2+$0x0], $0xffff  }
0x50: {  	v24 =	vor.u32 v52, v24;
	v25 =	vand.u32 $0x7C00, v50;
	v23 =	vadd.s32 v0, v23;
	v14 =	vld.idx.msk [tilespmem:v14+s2+$0x0], $0xffff  }
0x51: {  	v24 =	vadd.s32 v0, v24;
	v25 =	vor.u32 v47, v25;
	v18 =	vmax.f32 v37, v18;
	v15 =	vld.idx.msk [tilespmem:v15+s2+$0x0], $0xffff  }
0x52: {  	v18 =	vmax.f32 v18, v21;
	v21 =	vadd.s32 v0, v25;
	v25 =	vor.u32 v45, v29;
	v16 =	vld.idx.msk [tilespmem:v16+s2+$0x0], $0xffff  }
0x53: {  	v18 =	vmax.f32 v18, v20;
	v20 =	vadd.s32 v0, v25;
	v25 =	vor.u32 v44, v63;
	v6 =	vld.idx.msk [tilespmem:v6+s2+$0x0], $0xffff  }
0x54: {  	v18 =	vmax.f32 v18, v19;
	v19 =	vld.idx.msk [tilespmem:v22+s2+$0x0], $0xffff;
	v22 =	vadd.s32 v0, v25;
	v25 =	vor.u32 v41, v59  }
0x55: {  	v17 =	vmax.f32 v18, v17;
	v18 =	vld.idx.msk [tilespmem:v23+s2+$0x0], $0xffff;
	v23 =	vadd.s32 v0, v25;
	v25 =	vor.u32 v40, v56  }
0x56: {  	v14 =	vmax.f32 v17, v14;
	v17 =	vld.idx.msk [tilespmem:v24+s2+$0x0], $0xffff;
	v24 =	vadd.s32 v0, v25;
	v25 =	vor.u32 v39, v54  }
0x57: {  	v14 =	vmax.f32 v14, v15;
	v15 =	vld.idx.msk [tilespmem:v21+s2+$0x0], $0xffff;
	v21 =	vadd.s32 v0, v25;
	v25 =	vor.u32 v38, v51  }
0x58: {  	v14 =	vmax.f32 v14, v16;
	v16 =	vld.idx.msk [tilespmem:v20+s2+$0x0], $0xffff;
	v20 =	vadd.s32 v0, v25;
	v25 =	vor.u32 v36, v49  }
0x59: {  	v6 =	vmax.f32 v14, v6;
	v14 =	vld.idx.msk [tilespmem:v22+s2+$0x0], $0xffff;
	v22 =	vadd.s32 v0, v25;
	v25 =	vor.u32 v35, v48  }
0x5a: {  	v6 =	vmax.f32 v6, v19;
	v19 =	vld.idx.msk [tilespmem:v23+s2+$0x0], $0xffff;
	v23 =	vadd.s32 v0, v25;
	v25 =	vor.u32 v34, v46  }
0x5b: {  	v6 =	vmax.f32 v6, v18;
	v18 =	vld.idx.msk [tilespmem:v24+s2+$0x0], $0xffff;
	v24 =	vadd.s32 v0, v25;
	v25 =	vor.u32 v33, v43  }
0x5c: {  	v6 =	vmax.f32 v6, v17;
	v17 =	vld.idx.msk [tilespmem:v21+s2+$0x0], $0xffff;
	v21 =	vadd.s32 v0, v25;
	v25 =	vor.u32 v32, v42  }
0x5d: {  	v2 =	vor.u32 v30, v31;
	v6 =	vmax.f32 v6, v15;
	v15 =	vld.idx.msk [tilespmem:v20+s2+$0x0], $0xffff;
	v20 =	vadd.s32 v0, v25  }
0x5e: {  	v6 =	vmax.f32 v6, v16;
	v16 =	vld.idx.msk [tilespmem:v22+s2+$0x0], $0xffff;
	v22 =	vadd.s32 v0, v2  }
0x5f: {  	v25 =	vmov s22;
	v6 =	vmax.f32 v6, v14;
	v14 =	vld.idx.msk [tilespmem:v23+s2+$0x0], $0xffff  }
0x60: {  	s23 =	sadd.s32 $0xFFFFFFFE, s22;
	s24 =	sadd.s32 $0xFFFFFFFF, s22;
	v11 =	vand.u32 $0x7F, v25;
	v23 =	vshll.u32 v25, $0x3;
	v6 =	vmax.f32 v6, v19;
	v19 =	vld.idx.msk [tilespmem:v24+s2+$0x0], $0xffff  }
0x61: {  	s25 =	sadd.s32 $0xFFFFFFFC, s22;
	s26 =	sadd.s32 $0xFFFFFFFD, s22;
	v25 =	vmov s24;
	v24 =	vmov s23;
	v6 =	vmax.f32 v6, v18;
	v18 =	vld.idx.msk [tilespmem:v21+s2+$0x0], $0xffff  }
0x62: {  	v26 =	vmov s26;
	s24 =	sadd.s32 $0xFFFFFFFB, s22;
	s23 =	sadd.s32 $0xFFFFFFFA, s22;
	v21 =	vmov s25;
	v6 =	vmax.f32 v6, v17;
	v17 =	vld.idx.msk [tilespmem:v20+s2+$0x0], $0xffff  }
0x63: {  	s26 =	sadd.s32 $0xFFFFFFF9, s22;
	v27 =	vmov s24;
	s25 =	sadd.s32 $0xFFFFFFF8, s22;
	v20 =	vmov s23;
	v6 =	vmax.f32 v6, v15;
	v15 =	vld.idx.msk [tilespmem:v22+s2+$0x0], $0xffff  }
0x64: {  	v28 =	vmov s26;
	s24 =	sadd.s32 $0xFFFFFFF7, s22;
	s23 =	sadd.s32 $0xFFFFFFF6, s22;
	v22 =	vmov s25;
	v6 =	vmax.f32 v6, v16  }
0x65: {  	s26 =	sadd.s32 $0xFFFFFFF5, s22;
	v29 =	vmov s24;
	s25 =	sadd.s32 $0xFFFFFFF4, s22;
	v16 =	vmov s23;
	v6 =	vmax.f32 v6, v14  }
0x66: {  	v42 =	vmov s26;
	s24 =	sadd.s32 $0xFFFFFFF3, s22;
	s23 =	sadd.s32 $0xFFFFFFF2, s22;
	v14 =	vmov s25;
	v6 =	vmax.f32 v6, v19  }
0x67: {  	s26 =	sadd.s32 $0xFFFFFFF1, s22;
	v43 =	vmov s24;
	s25 =	sadd.s32 $0xFFFFFFF0, s22;
	v19 =	vmov s23;
	v6 =	vmax.f32 v6, v18  }
0x68: {  	v61 =	vmov s26;
	s24 =	sadd.s32 $0xFFFFFFEF, s22;
	s23 =	sadd.s32 $0xFFFFFFEE, s22;
	v18 =	vmov s25;
	v6 =	vmax.f32 v6, v17  }
0x69: {  	s28 =	sadd.s32 $0xFFFFFFED, s22;
	s26 =	sadd.s32 $0xFFFFFFEC, s22;
	s25 =	sadd.s32 $0xFFFFFFEB, s22;
	v30 =	vmov s23;
	v17 =	vmov s24;
	v37 =	vmax.f32 v6, v15  }
0x6a: {  	s29 =	sadd.s32 $0xFFFFFFEA, s22;
	v3 =	vmov s28;
	v8 =	vmov s26;
	s23 =	sadd.s32 $0xFFFFFFE8, s22;
	s24 =	sadd.s32 $0xFFFFFFE9, s22;
	v5 =	vmov s25  }
0x6b: {  	v7 =	vmov s29;
	v4 =	vmov s23;
	v2 =	vmov s24  }
0x6c: {  	v32 =	vand.u32 $0x7F, v25;
	v31 =	vand.u32 $0x7C00, v23;
	v33 =	vand.u32 $0x7F, v24  }
0x6d: {  	v34 =	vand.u32 $0x7F, v26;
	v10 =	vshll.u32 v25, $0x3;
	v9 =	vshll.u32 v24, $0x3  }
0x6e: {  	v46 =	vshll.u32 v26, $0x3;
	v36 =	vand.u32 $0x7F, v27;
	v35 =	vand.u32 $0x7F, v21  }
0x6f: {  	v49 =	vshll.u32 v27, $0x3;
	v48 =	vshll.u32 v21, $0x3;
	v38 =	vand.u32 $0x7F, v20  }
0x70: {  	v39 =	vand.u32 $0x7F, v28;
	v51 =	vshll.u32 v20, $0x3;
	v40 =	vand.u32 $0x7F, v22  }
0x71: {  	v54 =	vshll.u32 v28, $0x3;
	v41 =	vand.u32 $0x7F, v29;
	v56 =	vshll.u32 v22, $0x3  }
0x72: {  	v45 =	vand.u32 $0x7F, v42;
	v59 =	vshll.u32 v29, $0x3;
	v44 =	vand.u32 $0x7F, v16  }
0x73: {  	v60 =	vshll.u32 v42, $0x3;
	v63 =	vshll.u32 v16, $0x3;
	v47 =	vand.u32 $0x7F, v14  }
0x74: {  	v52 =	vand.u32 $0x7F, v43;
	v50 =	vshll.u32 v14, $0x3;
	v53 =	vand.u32 $0x7F, v19  }
0x75: {  	v58 =	vand.u32 $0x7F, v61;
	v55 =	vshll.u32 v43, $0x3;
	v57 =	vshll.u32 v19, $0x3  }
0x76: {  	v61 =	vshll.u32 v61, $0x3;
	v62 =	vand.u32 $0x7F, v18;
	v16 =	vand.u32 $0x7F, v17  }
0x77: {  	v21 =	vand.u32 $0x7F, v30;
	v20 =	vshll.u32 v17, $0x3;
	v6 =	vshll.u32 v18, $0x3  }
.Ltmp2:
0x78: {  	v14 =	vand.u32 $0x7F, v3;
	v17 =	vand.u32 $0x7F, v8;
	v15 =	vshll.u32 v30, $0x3;
	v30 =	vmovc v11;
	(pc) =	sbr.rel @p0 .LBB2_3-.Ltmp2, $4  }
0x79: {  	v22 =	vshll.u32 v8, $0x3;
	v19 =	vand.u32 $0x7F, v5;
	v18 =	vshll.u32 v3, $0x3  }
0x7a: {  	v23 =	vand.u32 $0x7F, v7;
	v24 =	vshll.u32 v5, $0x3;
	v25 =	vand.u32 $0x7F, v2  }
0x7b: {  	v26 =	vshll.u32 v7, $0x3;
	v27 =	vand.u32 $0x7F, v4;
	v28 =	vshll.u32 v2, $0x3  }
0x7c: {  	v42 =	vand.u32 $0x7C00, v10;
	v43 =	vand.u32 $0x7C00, v9;
	s22 =	sadd.s32 $0x19, s22;
	v29 =	vshll.u32 v4, $0x3  }
0x7d: {  	v2 =	vand.u32 $0x3C00, v29;
	v3 =	vand.u32 $0x7C00, v28  }
0x7e: {  	v4 =	vand.u32 $0x7C00, v26;
	v5 =	vand.u32 $0x7C00, v24;
	v2 =	vor.u32 v27, v2  }
0x7f: {  	v7 =	vand.u32 $0x7C00, v22;
	v3 =	vor.u32 v25, v3;
	v2 =	vadd.s32 v0, v2  }
0x80: {  	v8 =	vand.u32 $0x7C00, v18;
	v9 =	vand.u32 $0x7C00, v15;
	v3 =	vadd.s32 v0, v3  }
0x81: {  	v10 =	vand.u32 $0x7C00, v20;
	v6 =	vand.u32 $0x7C00, v6;
	v4 =	vor.u32 v23, v4  }
0x82: {  	v15 =	vand.u32 $0x7C00, v57;
	v5 =	vor.u32 v19, v5;
	v4 =	vadd.s32 v0, v4  }
0x83: {  	v18 =	vand.u32 $0x7C00, v63;
	v7 =	vor.u32 v17, v7;
	v5 =	vadd.s32 v0, v5  }
0x84: {  	v8 =	vor.u32 v14, v8;
	v9 =	vor.u32 v21, v9;
	v7 =	vadd.s32 v0, v7;
	v2 =	vld.idx.msk [tilespmem:v2+s2+$0x0], $0xffff  }
0x85: {  	v10 =	vor.u32 v16, v10;
	v6 =	vor.u32 v62, v6;
	v8 =	vadd.s32 v0, v8;
	v3 =	vld.idx.msk [tilespmem:v3+s2+$0x0], $0xffff  }
0x86: {  	v14 =	vand.u32 $0x7C00, v61;
	v16 =	vand.u32 $0x7C00, v55;
	v15 =	vor.u32 v53, v15  }
0x87: {  	v17 =	vand.u32 $0x7C00, v50;
	v14 =	vor.u32 v58, v14;
	v9 =	vadd.s32 v0, v9;
	v4 =	vld.idx.msk [tilespmem:v4+s2+$0x0], $0xffff  }
0x88: {  	v16 =	vor.u32 v52, v16;
	v10 =	vadd.s32 v0, v10;
	v17 =	vor.u32 v47, v17;
	v5 =	vld.idx.msk [tilespmem:v5+s2+$0x0], $0xffff  }
0x89: {  	v6 =	vadd.s32 v0, v6;
	v15 =	vadd.s32 v0, v15;
	v7 =	vld.idx.msk [tilespmem:v7+s2+$0x0], $0xffff;
	v2 =	vmax.f32 v37, v2  }
0x8a: {  	v14 =	vadd.s32 v0, v14;
	v8 =	vld.idx.msk [tilespmem:v8+s2+$0x0], $0xffff;
	v2 =	vmax.f32 v2, v3;
	v3 =	vand.u32 $0x7C00, v60  }
0x8b: {  	v16 =	vadd.s32 v0, v16;
	v17 =	vadd.s32 v0, v17;
	v3 =	vor.u32 v45, v3  }
0x8c: {  	v9 =	vld.idx.msk [tilespmem:v9+s2+$0x0], $0xffff;
	v2 =	vmax.f32 v2, v4;
	v4 =	vor.u32 v44, v18;
	v18 =	vand.u32 $0x7C00, v56  }
0x8d: {  	v10 =	vld.idx.msk [tilespmem:v10+s2+$0x0], $0xffff;
	v2 =	vmax.f32 v2, v5;
	v5 =	vand.u32 $0x7C00, v59;
	v3 =	vadd.s32 v0, v3  }
0x8e: {  	v6 =	vld.idx.msk [tilespmem:v6+s2+$0x0], $0xffff;
	v4 =	vadd.s32 v0, v4;
	v5 =	vor.u32 v41, v5;
	v2 =	vmax.f32 v2, v7  }
0x8f: {  	v14 =	vld.idx.msk [tilespmem:v14+s2+$0x0], $0xffff;
	v7 =	vor.u32 v40, v18;
	v18 =	vand.u32 $0x7C00, v51;
	v2 =	vmax.f32 v2, v8  }
0x90: {  	v15 =	vld.idx.msk [tilespmem:v15+s2+$0x0], $0xffff;
	v8 =	vand.u32 $0x7C00, v54;
	v5 =	vadd.s32 v0, v5;
	v7 =	vadd.s32 v0, v7  }
0x91: {  	v16 =	vld.idx.msk [tilespmem:v16+s2+$0x0], $0xffff;
	v8 =	vor.u32 v39, v8;
	v2 =	vmax.f32 v2, v9;
	v9 =	vor.u32 v38, v18  }
0x92: {  	v17 =	vld.idx.msk [tilespmem:v17+s2+$0x0], $0xffff;
	v2 =	vmax.f32 v2, v10;
	v10 =	vand.u32 $0x7C00, v49;
	v8 =	vadd.s32 v0, v8  }
0x93: {  	v9 =	vadd.s32 v0, v9;
	v10 =	vor.u32 v36, v10;
	v2 =	vmax.f32 v2, v6;
	v3 =	vld.idx.msk [tilespmem:v3+s2+$0x0], $0xffff  }
0x94: {  	v18 =	vand.u32 $0x7C00, v48;
	v4 =	vld.idx.msk [tilespmem:v4+s2+$0x0], $0xffff;
	v2 =	vmax.f32 v2, v14;
	v10 =	vadd.s32 v0, v10  }
0x95: {  	v6 =	vor.u32 v35, v18;
	v14 =	vand.u32 $0x7C00, v46;
	v2 =	vmax.f32 v2, v15;
	v5 =	vld.idx.msk [tilespmem:v5+s2+$0x0], $0xffff  }
0x96: {  	v6 =	vadd.s32 v0, v6;
	v14 =	vor.u32 v34, v14;
	v7 =	vld.idx.msk [tilespmem:v7+s2+$0x0], $0xffff;
	v2 =	vmax.f32 v2, v16  }
0x97: {  	v15 =	vor.u32 v33, v43;
	v14 =	vadd.s32 v0, v14;
	v8 =	vld.idx.msk [tilespmem:v8+s2+$0x0], $0xffff;
	v2 =	vmax.f32 v2, v17  }
0x98: {  	v15 =	vadd.s32 v0, v15;
	v9 =	vld.idx.msk [tilespmem:v9+s2+$0x0], $0xffff;
	v2 =	vmax.f32 v2, v3  }
0x99: {  	v3 =	vld.idx.msk [tilespmem:v10+s2+$0x0], $0xffff;
	v2 =	vmax.f32 v2, v4  }
0x9a: {  	v2 =	vmax.f32 v2, v5  }
0x9b: {  	v4 =	vld.idx.msk [tilespmem:v6+s2+$0x0], $0xffff;
	v2 =	vmax.f32 v2, v7  }
0x9c: {  	v5 =	vld.idx.msk [tilespmem:v14+s2+$0x0], $0xffff;
	v2 =	vmax.f32 v2, v8  }
0x9d: {  	v6 =	vld.idx.msk [tilespmem:v15+s2+$0x0], $0xffff;
	v2 =	vmax.f32 v2, v9  }
0x9e: {  	v2 =	vmax.f32 v2, v3;
	v3 =	vld [tilespmem:$0x1FE60];
	_ =	sdelay $0x2  }
0x9f: {  	v16 =	vor.u32 v32, v42;
	v2 =	vmax.f32 v2, v4  }
0xa0: {  	v16 =	vadd.s32 v0, v16;
	v2 =	vmax.f32 v2, v5  }
0xa1: {  	v2 =	vmax.f32 v2, v6;
	v6 =	vand.u32 $0x7F, v3;
	v3 =	vld [tilespmem:$0x1FE70];
	_ =	sdelay $0x3  }
0xa2: {  	v7 =	vld.idx.msk [tilespmem:v16+s2+$0x0], $0xffff  }
0xa3: {  	v16 =	vand.u32 $0x7C00, v3;
	v3 =	vld [tilespmem:$0x1FE80];
	_ =	sdelay $0x4  }
0xa4: {  	v17 =	vor.u32 v30, v31;
	v31 =	vand.u32 $0x7F, v3;
	v3 =	vld [tilespmem:$0x1FE90];
	_ =	sdelay $0x4  }
0xa5: {  	v20 =	vand.u32 $0x7F, v3;
	v3 =	vld [tilespmem:$0x1FEC0];
	_ =	sdelay $0x4  }
0xa6: {  	v32 =	vand.u32 $0x7F, v3;
	v41 =	vshll.u32 v3, $0x3;
	v3 =	vld [tilespmem:$0x1FEB0];
	_ =	sdelay $0x3  }
0xa7: {  	v4 =	vld [tilespmem:$0x1FEA0]  }
0xa8: {  	v22 =	vand.u32 $0x7F, v3;
	v40 =	vshll.u32 v3, $0x3;
	v3 =	vld [tilespmem:$0x1FED0];
	_ =	sdelay $0x3  }
0xa9: {  	v21 =	vand.u32 $0x7F, v4;
	v42 =	vshll.u32 v4, $0x3;
	v4 =	vld [tilespmem:$0x1FEF0]  }
0xaa: {  	v23 =	vand.u32 $0x7F, v3;
	v39 =	vshll.u32 v3, $0x3;
	v3 =	vld [tilespmem:$0x1FEE0];
	_ =	sdelay $0x3  }
0xab: {  	v28 =	vand.u32 $0x7F, v4;
	v44 =	vshll.u32 v4, $0x3;
	v4 =	vld [tilespmem:$0x1FF00]  }
0xac: {  	v10 =	vadd.s32 v0, v17;
	v17 =	vand.u32 $0x7F, v3;
	v43 =	vshll.u32 v3, $0x3;
	v3 =	vld [tilespmem:$0x1FF20];
	_ =	sdelay $0x3  }
0xad: {  	v26 =	vand.u32 $0x7F, v4;
	v38 =	vshll.u32 v4, $0x3;
	v4 =	vld [tilespmem:$0x1FF10]  }
0xae: {  	v14 =	vand.u32 $0x7F, v3;
	v18 =	vshll.u32 v3, $0x3;
	v3 =	vld [tilespmem:$0x1FF30];
	_ =	sdelay $0x2  }
0xaf: {  	v11 =	vld [tilespmem:$0x1FF70]  }
0xb0: {  	v29 =	vand.u32 $0x7F, v4;
	v24 =	vshll.u32 v4, $0x3;
	v4 =	vld [tilespmem:$0x1FF50]  }
0xb1: {  	v34 =	vand.u32 $0x7F, v3;
	v35 =	vshll.u32 v3, $0x3;
	v3 =	vld [tilespmem:$0x1FF40]  }
0xb2: {  	v50 =	vld [tilespmem:$0x1FFD0]  }
0xb3: {  	v53 =	vld [tilespmem:$0x1FFC0]  }
0xb4: {  	v8 =	vld.idx.msk [tilespmem:v10+s2+$0x0], $0xffff  }
0xb5: {  	v25 =	vand.u32 $0x7F, v4;
	v27 =	vshll.u32 v4, $0x3;
	v4 =	vld [tilespmem:$0x1FF60]  }
0xb6: {  	v36 =	vand.u32 $0x7F, v3;
	v15 =	vshll.u32 v3, $0x3;
	v3 =	vld [tilespmem:$0x1FF80]  }
0xb7: {  	v54 =	vld [tilespmem:$0x1FF90]  }
0xb8: {  	v52 =	vld [tilespmem:$0x1FFF0]  }
0xb9: {  	v45 =	vand.u32 $0x7F, v11;
	v48 =	vld [tilespmem:$0x1FFA0];
	v2 =	vmax.f32 v2, v7  }
0xba: {  	v51 =	vld [tilespmem:$0x1FFE0];
	v33 =	vimm.f32 $0.0e+00;
	v2 =	vmax.f32 v2, v8;
	v37 =	vand.u32 $0x7F, v4  }
0xbb: {  	s22 =	simm.s32 $0x31;
	v49 =	vld [tilespmem:$0x1FFB0];
	v46 =	vshll.u32 v4, $0x3;
	v30 =	vand.u32 $0x7F, v3;
	v19 =	vshll.u32 v3, $0x3  }
.LBB2_5:
0xbc: {  	p0 =	sne.s32 s22, $0x3E7;
	v9 =	vand.u32 $0x7F, v54;
	v10 =	vshll.u32 v54, $0x3;
	v11 =	vshll.u32 v11, $0x3  }
0xbd: {  	v3 =	vshll.u32 v13, $0x3;
	v47 =	vand.u32 $0x7F, v12;
	v12 =	vshll.u32 v12, $0x3  }
0xbe: {  	v4 =	vand.u32 $0x7F, v13;
	v13 =	vand.u32 $0x7F, v48;
	v3 =	vand.u32 $0x3C00, v3  }
0xbf: {  	v8 =	vshll.u32 v48, $0x3;
	v3 =	vor.u32 v4, v3;
	v4 =	vshll.u32 v53, $0x3  }
0xc0: {  	v5 =	vadd.s32 v0, v3;
	v3 =	vand.u32 $0x7F, v53;
	v4 =	vand.u32 $0x7C00, v4  }
0xc1: {  	v7 =	vand.u32 $0x7F, v49;
	v3 =	vor.u32 v3, v4;
	v4 =	vshll.u32 v50, $0x3  }
0xc2: {  	v48 =	vadd.s32 v0, v3;
	v3 =	vand.u32 $0x7F, v50;
	v4 =	vand.u32 $0x7C00, v4  }
0xc3: {  	v49 =	vshll.u32 v49, $0x3;
	v4 =	vor.u32 v3, v4;
	v3 =	vand.u32 $0x7C00, v52  }
0xc4: {  	v49 =	vand.u32 $0x7C00, v49;
	v50 =	vadd.s32 v0, v4;
	v4 =	vand.u32 $0x7C00, v51  }
0xc5: {  	v49 =	vor.u32 v7, v49;
	v7 =	vand.u32 $0x7C00, v41;
	v51 =	vld.idx.msk [tilespmem:v5+s2+$0x0], $0xffff;
	v5 =	vand.u32 $0x7C00, v42  }
0xc6: {  	v41 =	vadd.s32 v0, v49;
	v42 =	vand.u32 $0x7C00, v8;
	v8 =	vand.u32 $0x7C00, v40  }
0xc7: {  	v39 =	vand.u32 $0x7C00, v39;
	v13 =	vor.u32 v13, v42;
	v42 =	vand.u32 $0x7C00, v44;
	v40 =	vld.idx.msk [tilespmem:v48+s2+$0x0], $0xffff  }
0xc8: {  	v43 =	vand.u32 $0x7C00, v43;
	v12 =	vand.u32 $0x7C00, v12;
	v13 =	vadd.s32 v0, v13  }
0xc9: {  	v46 =	vand.u32 $0x7C00, v46;
	v38 =	vand.u32 $0x7C00, v38;
	v12 =	vor.u32 v47, v12;
	v44 =	vld.idx.msk [tilespmem:v50+s2+$0x0], $0xffff  }
0xca: {  	v19 =	vand.u32 $0x7C00, v19;
	v10 =	vand.u32 $0x7C00, v10;
	v12 =	vadd.s32 v0, v12  }
0xcb: {  	v9 =	vor.u32 v9, v10;
	v10 =	vand.u32 $0x7C00, v11;
	v47 =	vsub.f32 v51, v2;
	v41 =	vld.idx.msk [tilespmem:v41+s2+$0x0], $0xffff  }
0xcc: {  	v11 =	vor.u32 v30, v19;
	v9 =	vadd.s32 v0, v9;
	v10 =	vor.u32 v45, v10  }
0xcd: {  	v10 =	vadd.s32 v0, v10;
	v19 =	vmul.f32 $1.442695020e+00, v47;
	v30 =	vsub.f32 v40, v2;
	v13 =	vld.idx.msk [tilespmem:v13+s2+$0x0], $0xffff  }
0xce: {  	v15 =	vand.u32 $0x7C00, v15;
	v37 =	vor.u32 v37, v46;
	v11 =	vadd.s32 v0, v11  }
0xcf: {  	v30 =	vmul.f32 $1.442695020e+00, v30;
	v40 =	vsub.f32 v44, v2;
	v12 =	vld.idx.msk [tilespmem:v12+s2+$0x0], $0xffff;
	(erf) = vpow2.f32 v19  }
0xd0: {  	v27 =	vand.u32 $0x7C00, v27;
	v15 =	vor.u32 v36, v15;
	v19 =	vadd.s32 v0, v37  }
0xd1: {  	v36 =	vmul.f32 $1.442695020e+00, v40;
	v37 =	vsub.f32 v41, v2;
	v9 =	vld.idx.msk [tilespmem:v9+s2+$0x0], $0xffff;
	(erf) = vpow2.f32 v30  }
0xd2: {  	v25 =	vor.u32 v25, v27;
	v27 =	vand.u32 $0x7C00, v35;
	v15 =	vadd.s32 v0, v15;
	v10 =	vld.idx.msk [tilespmem:v10+s2+$0x0], $0xffff  }
0xd3: {  	v30 =	vmul.f32 $1.442695020e+00, v37;
	v13 =	vsub.f32 v13, v2;
	(erf) = vpow2.f32 v36  }
0xd4: {  	v24 =	vand.u32 $0x7C00, v24;
	v25 =	vadd.s32 v0, v25;
	v27 =	vor.u32 v34, v27;
	v11 =	vld.idx.msk [tilespmem:v11+s2+$0x0], $0xffff  }
0xd5: {  	v13 =	vmul.f32 $1.442695020e+00, v13;
	v12 =	vsub.f32 v12, v2;
	(erf) = vpow2.f32 v30  }
0xd6: {  	v24 =	vor.u32 v29, v24;
	v29 =	vand.u32 $0x7C00, v18;
	v27 =	vadd.s32 v0, v27;
	v19 =	vld.idx.msk [tilespmem:v19+s2+$0x0], $0xffff  }
0xd7: {  	v12 =	vmul.f32 $1.442695020e+00, v12;
	v9 =	vsub.f32 v9, v2;
	(erf) = vpow2.f32 v13  }
0xd8: {  	v14 =	vor.u32 v14, v29;
	v10 =	vsub.f32 v10, v2;
	v13 =	vld.idx.msk [tilespmem:v15+s2+$0x0], $0xffff;
	v15 =	vadd.s32 v0, v24;
	v18 =	vpop (erf)  }
0xd9: {  	v9 =	vmul.f32 $1.442695020e+00, v9;
	v18 =	vadd.f32 v18, v33;
	(erf) = vpow2.f32 v12  }
0xda: {  	v14 =	vadd.s32 v0, v14;
	v24 =	vor.u32 v26, v38;
	v11 =	vsub.f32 v11, v2;
	v12 =	vld.idx.msk [tilespmem:v25+s2+$0x0], $0xffff;
	v25 =	vpop (erf)  }
0xdb: {  	v10 =	vmul.f32 $1.442695020e+00, v10;
	v18 =	vadd.f32 v25, v18;
	(erf) = vpow2.f32 v9  }
0xdc: {  	v17 =	vor.u32 v17, v43;
	v24 =	vadd.s32 v0, v24;
	v9 =	vsub.f32 v19, v2;
	v19 =	vld.idx.msk [tilespmem:v27+s2+$0x0], $0xffff;
	v25 =	vpop (erf)  }
0xdd: {  	v11 =	vmul.f32 $1.442695020e+00, v11;
	v18 =	vadd.f32 v25, v18;
	(erf) = vpow2.f32 v10  }
0xde: {  	v10 =	vsub.f32 v13, v2;
	v13 =	vld.idx.msk [tilespmem:v15+s2+$0x0], $0xffff;
	v15 =	vadd.s32 v0, v17;
	v17 =	vor.u32 v28, v42;
	v25 =	vpop (erf)  }
0xdf: {  	v9 =	vmul.f32 $1.442695020e+00, v9;
	v18 =	vadd.f32 v25, v18;
	(erf) = vpow2.f32 v11  }
0xe0: {  	v11 =	vsub.f32 v12, v2;
	v12 =	vld.idx.msk [tilespmem:v14+s2+$0x0], $0xffff;
	v14 =	vadd.s32 v0, v17;
	v17 =	vor.u32 v23, v39;
	v23 =	vpop (erf)  }
0xe1: {  	v10 =	vmul.f32 $1.442695020e+00, v10;
	v18 =	vadd.f32 v23, v18;
	(erf) = vpow2.f32 v9  }
0xe2: {  	v8 =	vor.u32 v22, v8;
	v9 =	vsub.f32 v19, v2;
	v17 =	vadd.s32 v0, v17;
	v19 =	vld.idx.msk [tilespmem:v24+s2+$0x0], $0xffff;
	v22 =	vpop (erf)  }
0xe3: {  	v11 =	vmul.f32 $1.442695020e+00, v11;
	v18 =	vadd.f32 v22, v18;
	(erf) = vpow2.f32 v10  }
0xe4: {  	v7 =	vor.u32 v32, v7;
	v8 =	vadd.s32 v0, v8;
	v10 =	vsub.f32 v13, v2;
	v13 =	vld.idx.msk [tilespmem:v15+s2+$0x0], $0xffff;
	v15 =	vpop (erf)  }
0xe5: {  	v9 =	vmul.f32 $1.442695020e+00, v9;
	v15 =	vadd.f32 v15, v18;
	(erf) = vpow2.f32 v11  }
0xe6: {  	v7 =	vadd.s32 v0, v7;
	v5 =	vor.u32 v21, v5;
	v11 =	vsub.f32 v12, v2;
	v12 =	vld.idx.msk [tilespmem:v14+s2+$0x0], $0xffff;
	v14 =	vpop (erf)  }
0xe7: {  	v10 =	vmul.f32 $1.442695020e+00, v10;
	v14 =	vadd.f32 v14, v15;
	(erf) = vpow2.f32 v9  }
0xe8: {  	v4 =	vor.u32 v31, v4;
	v5 =	vadd.s32 v0, v5;
	v9 =	vsub.f32 v19, v2;
	v15 =	vld.idx.msk [tilespmem:v17+s2+$0x0], $0xffff;
	v17 =	vpop (erf)  }
0xe9: {  	v11 =	vmul.f32 $1.442695020e+00, v11;
	v14 =	vadd.f32 v17, v14;
	(erf) = vpow2.f32 v10  }
0xea: {  	v3 =	vor.u32 v20, v3;
	v4 =	vadd.s32 v0, v4;
	v10 =	vsub.f32 v13, v2;
	v8 =	vld.idx.msk [tilespmem:v8+s2+$0x0], $0xffff;
	v13 =	vpop (erf)  }
0xeb: {  	v9 =	vmul.f32 $1.442695020e+00, v9;
	v13 =	vadd.f32 v13, v14;
	(erf) = vpow2.f32 v11  }
0xec: {  	v3 =	vadd.s32 v0, v3;
	v11 =	vsub.f32 v12, v2;
	v14 =	vor.u32 v6, v16;
	v7 =	vld.idx.msk [tilespmem:v7+s2+$0x0], $0xffff;
	v12 =	vpop (erf)  }
0xed: {  	v10 =	vmul.f32 $1.442695020e+00, v10;
	v16 =	vadd.f32 v12, v13;
	(erf) = vpow2.f32 v9  }
0xee: {  	v9 =	vsub.f32 v15, v2;
	v13 =	vadd.s32 v0, v14;
	v5 =	vld.idx.msk [tilespmem:v5+s2+$0x0], $0xffff;
	v6 =	vpop (erf)  }
0xef: {  	v14 =	vmul.f32 $1.442695020e+00, v11;
	v6 =	vadd.f32 v6, v16;
	(erf) = vpow2.f32 v10  }
0xf0: {  	v10 =	vmov s22;
	v8 =	vsub.f32 v8, v2;
	v4 =	vld.idx.msk [tilespmem:v4+s2+$0x0], $0xffff;
	v12 =	vpop (erf)  }
0xf1: {  	v9 =	vmul.f32 $1.442695020e+00, v9;
	v12 =	vadd.f32 v12, v6;
	(erf) = vpow2.f32 v14  }
0xf2: {  	v6 =	vand.u32 $0x7F, v10;
	v10 =	vshll.u32 v10, $0x3;
	v7 =	vsub.f32 v7, v2;
	v3 =	vld.idx.msk [tilespmem:v3+s2+$0x0], $0xffff;
	v11 =	vpop (erf)  }
0xf3: {  	s23 =	sadd.s32 $0xFFFFFFFE, s22;
	s24 =	sadd.s32 $0xFFFFFFFF, s22;
	v8 =	vmul.f32 $1.442695020e+00, v8;
	v11 =	vadd.f32 v11, v12;
	(erf) = vpow2.f32 v9  }
0xf4: {  	v14 =	vmov s24;
	v9 =	vmov s23;
	v5 =	vsub.f32 v5, v2;
	v12 =	vld.idx.msk [tilespmem:v13+s2+$0x0], $0xffff;
	v13 =	vpop (erf)  }
0xf5: {  	s24 =	sadd.s32 $0xFFFFFFFD, s22;
	s23 =	sadd.s32 $0xFFFFFFFC, s22;
	v7 =	vmul.f32 $1.442695020e+00, v7;
	v11 =	vadd.f32 v13, v11;
	(erf) = vpow2.f32 v8  }
0xf6: {  	v15 =	vmov s24;
	v8 =	vmov s23;
	v4 =	vsub.f32 v4, v2;
	v13 =	vpop (erf)  }
0xf7: {  	s24 =	sadd.s32 $0xFFFFFFFB, s22;
	s23 =	sadd.s32 $0xFFFFFFFA, s22;
	v5 =	vmul.f32 $1.442695020e+00, v5;
	v11 =	vadd.f32 v13, v11;
	(erf) = vpow2.f32 v7  }
0xf8: {  	v17 =	vmov s24;
	v7 =	vmov s23;
	v3 =	vsub.f32 v3, v2;
	v13 =	vpop (erf)  }
0xf9: {  	s24 =	sadd.s32 $0xFFFFFFF9, s22;
	s23 =	sadd.s32 $0xFFFFFFF8, s22;
	v4 =	vmul.f32 $1.442695020e+00, v4;
	v11 =	vadd.f32 v13, v11;
	(erf) = vpow2.f32 v5  }
0xfa: {  	v18 =	vmov s24;
	v5 =	vmov s23;
	v12 =	vsub.f32 v12, v2;
	v13 =	vpop (erf)  }
0xfb: {  	s25 =	sadd.s32 $0xFFFFFFF7, s22;
	s24 =	sadd.s32 $0xFFFFFFF6, s22;
	s23 =	sadd.s32 $0xFFFFFFF5, s22;
	v3 =	vmul.f32 $1.442695020e+00, v3;
	v11 =	vadd.f32 v13, v11;
	(erf) = vpow2.f32 v4  }
0xfc: {  	v24 =	vmov s25;
	v19 =	vmov s24;
	v4 =	vmov s23;
	v13 =	vpop (erf)  }
0xfd: {  	s25 =	sadd.s32 $0xFFFFFFF4, s22;
	s24 =	sadd.s32 $0xFFFFFFF3, s22;
	s23 =	sadd.s32 $0xFFFFFFF2, s22;
	v12 =	vmul.f32 $1.442695020e+00, v12;
	v11 =	vadd.f32 v13, v11;
	(erf) = vpow2.f32 v3  }
0xfe: {  	s26 =	sadd.s32 $0xFFFFFFF1, s22;
	v25 =	vmov s25;
	v27 =	vmov s24;
	v3 =	vmov s23;
	v13 =	vpop (erf)  }
0xff: {  	v30 =	vmov s26;
	s25 =	sadd.s32 $0xFFFFFFF0, s22;
	s24 =	sadd.s32 $0xFFFFFFEF, s22;
	s23 =	sadd.s32 $0xFFFFFFEE, s22;
	v13 =	vadd.f32 v13, v11;
	(erf) = vpow2.f32 v12  }
0x100: {  	s28 =	sadd.s32 $0xFFFFFFED, s22;
	s26 =	sadd.s32 $0xFFFFFFEC, s22;
	v47 =	vmov s25;
	v54 =	vmov s23;
	v11 =	vmov s24;
	v16 =	vpop (erf)  }
0x101: {  	v48 =	vmov s26;
	s25 =	sadd.s32 $0xFFFFFFEB, s22;
	s23 =	sadd.s32 $0xFFFFFFE9, s22;
	s24 =	sadd.s32 $0xFFFFFFEA, s22;
	v12 =	vmov s28;
	v20 =	vadd.f32 v16, v13  }
0x102: {  	s26 =	sadd.s32 $0xFFFFFFE8, s22;
	v49 =	vmov s25;
	v53 =	vmov s23;
	v50 =	vmov s24;
	v21 =	vpop (erf)  }
0x103: {  	v13 =	vmov s26;
	v16 =	vand.u32 $0x7C00, v10;
	v10 =	vadd.f32 v21, v20  }
0x104: {  	v52 =	vshll.u32 v14, $0x3;
	v31 =	vand.u32 $0x7F, v9;
	v20 =	vand.u32 $0x7F, v14;
	v14 =	vpop (erf)  }
0x105: {  	v51 =	vshll.u32 v9, $0x3;
	v21 =	vand.u32 $0x7F, v15;
	v9 =	vadd.f32 v14, v10  }
0x106: {  	v42 =	vshll.u32 v15, $0x3;
	v32 =	vand.u32 $0x7F, v8;
	v41 =	vshll.u32 v8, $0x3;
	v8 =	vpop (erf)  }
0x107: {  	v22 =	vand.u32 $0x7F, v17;
	v40 =	vshll.u32 v17, $0x3;
	v8 =	vadd.f32 v8, v9  }
0x108: {  	v28 =	vand.u32 $0x7F, v18;
	v23 =	vand.u32 $0x7F, v7;
	v39 =	vshll.u32 v7, $0x3;
	v7 =	vpop (erf)  }
0x109: {  	v44 =	vshll.u32 v18, $0x3;
	v17 =	vand.u32 $0x7F, v5;
	v33 =	vadd.f32 v7, v8  }
0x10a: {  	v26 =	vand.u32 $0x7F, v24;
	v38 =	vshll.u32 v24, $0x3;
	v43 =	vshll.u32 v5, $0x3  }
.Ltmp3:
0x10b: {  	v18 =	vshll.u32 v19, $0x3;
	v29 =	vand.u32 $0x7F, v4;
	v14 =	vand.u32 $0x7F, v19;
	(pc) =	sbr.rel @p0 .LBB2_5-.Ltmp3, $4  }
0x10c: {  	v34 =	vand.u32 $0x7F, v25;
	v35 =	vshll.u32 v25, $0x3;
	v24 =	vshll.u32 v4, $0x3  }
0x10d: {  	v25 =	vand.u32 $0x7F, v27;
	v27 =	vshll.u32 v27, $0x3;
	v36 =	vand.u32 $0x7F, v3  }
0x10e: {  	v37 =	vand.u32 $0x7F, v30;
	v46 =	vshll.u32 v30, $0x3;
	v15 =	vshll.u32 v3, $0x3  }
0x10f: {  	v30 =	vand.u32 $0x7F, v47;
	s22 =	sadd.s32 $0x19, s22;
	v45 =	vand.u32 $0x7F, v11;
	v19 =	vshll.u32 v47, $0x3  }
0x110: {  	v5 =	vand.u32 $0x7F, v54;
	v7 =	vshll.u32 v54, $0x3;
	v8 =	vshll.u32 v11, $0x3  }
0x111: {  	v3 =	vshll.u32 v13, $0x3;
	v9 =	vand.u32 $0x7F, v12;
	v10 =	vshll.u32 v12, $0x3  }
0x112: {  	v4 =	vand.u32 $0x7F, v13;
	v11 =	vand.u32 $0x7F, v48;
	v12 =	vshll.u32 v53, $0x3  }
0x113: {  	v58 =	vand.u32 $0x7F, v53;
	v13 =	vshll.u32 v48, $0x3;
	v59 =	vshll.u32 v50, $0x3  }
0x114: {  	v61 =	vshll.u32 v49, $0x3;
	v63 =	vand.u32 $0x7C00, v51;
	v41 =	vand.u32 $0x7C00, v41  }
0x115: {  	v42 =	vand.u32 $0x7C00, v42;
	v40 =	vand.u32 $0x7C00, v40;
	v6 =	vor.u32 v6, v16  }
0x116: {  	v3 =	vand.u32 $0x3C00, v3;
	v12 =	vand.u32 $0x7C00, v12;
	v13 =	vand.u32 $0x7C00, v13  }
0x117: {  	v10 =	vand.u32 $0x7C00, v10;
	v6 =	vadd.s32 v0, v6;
	v3 =	vor.u32 v4, v3  }
0x118: {  	v7 =	vand.u32 $0x7C00, v7;
	v11 =	vor.u32 v11, v13;
	v47 =	vadd.s32 v0, v3  }
0x119: {  	v8 =	vand.u32 $0x7C00, v8;
	v9 =	vor.u32 v9, v10;
	v11 =	vadd.s32 v0, v11  }
0x11a: {  	s22 =	sshll.u32 s21, $0x6;
	v4 =	vand.u32 $0x7C00, v59;
	v5 =	vor.u32 v5, v7;
	v9 =	vadd.s32 v0, v9  }
0x11b: {  	v7 =	vand.u32 $0x7C00, v19;
	v3 =	vor.u32 v58, v12;
	v5 =	vadd.s32 v0, v5;
	v58 =	vld [tilespmem:s22+$0x10000]  }
0x11c: {  	v8 =	vor.u32 v45, v8;
	v60 =	vadd.s32 v0, v3;
	v3 =	vand.u32 $0x7F, v50;
	v6 =	vld.idx.msk [tilespmem:v6+s2+$0x0], $0xffff  }
0x11d: {  	v12 =	vand.u32 $0x7F, v49;
	v8 =	vadd.s32 v0, v8;
	v4 =	vor.u32 v3, v4;
	v47 =	vld.idx.msk [tilespmem:v47+s2+$0x0], $0xffff  }
0x11e: {  	v49 =	vand.u32 $0x7C00, v61;
	v7 =	vor.u32 v30, v7;
	v62 =	vadd.s32 v0, v4;
	v11 =	vld.idx.msk [tilespmem:v11+s2+$0x0], $0xffff  }
0x11f: {  	v44 =	vand.u32 $0x7C00, v44;
	v12 =	vor.u32 v12, v49;
	v7 =	vadd.s32 v0, v7;
	v9 =	vld.idx.msk [tilespmem:v9+s2+$0x0], $0xffff  }
0x120: {  	v39 =	vand.u32 $0x7C00, v39;
	v43 =	vand.u32 $0x7C00, v43;
	v12 =	vadd.s32 v0, v12;
	v5 =	vld.idx.msk [tilespmem:v5+s2+$0x0], $0xffff  }
0x121: {  	v46 =	vand.u32 $0x7C00, v46;
	v38 =	vand.u32 $0x7C00, v38;
	v15 =	vand.u32 $0x7C00, v15;
	s28 =	simm.s32 $0x12;
	v13 =	vld.idx.msk [tilespmem:v60+s2+$0x0], $0xffff  }
0x122: {  	v16 =	vmov s28;
	v30 =	vor.u32 v37, v46;
	v3 =	vand.u32 $0x7C00, v52;
	v8 =	vld.idx.msk [tilespmem:v8+s2+$0x0], $0xffff  }
0x123: {  	s25 =	simm.s32 $0x14;
	v4 =	vor.u32 v31, v63;
	v3 =	vor.u32 v20, v3;
	v10 =	vld.idx.msk [tilespmem:v62+s2+$0x0], $0xffff;
	v47 =	vsub.f32 v47, v2  }
0x124: {  	v20 =	vmov s25;
	v4 =	vadd.s32 v0, v4;
	v3 =	vadd.s32 v0, v3;
	v7 =	vld.idx.msk [tilespmem:v7+s2+$0x0], $0xffff  }
0x125: {  	v12 =	vld.idx.msk [tilespmem:v12+s2+$0x0], $0xffff;
	v6 =	vsub.f32 v6, v2;
	v11 =	vsub.f32 v11, v2;
	v19 =	vmul.f32 $1.442695020e+00, v47  }
0x126: {  	v48 =	vshll.u32 v20, $0x3;
	v9 =	vsub.f32 v9, v2;
	v13 =	vsub.f32 v13, v2  }
0x127: {  	v5 =	vsub.f32 v5, v2;
	v8 =	vsub.f32 v8, v2;
	(erf) = vpow2.f32 v19  }
0x128: {  	v56 =	vmul.f32 $1.442695020e+00, v6;
	v13 =	vmul.f32 $1.442695020e+00, v13;
	v10 =	vsub.f32 v10, v2  }
0x129: {  	v6 =	vshll.u32 v58, $0x3;
	v7 =	vsub.f32 v7, v2;
	v11 =	vmul.f32 $1.442695020e+00, v11  }
0x12a: {  	v12 =	vsub.f32 v12, v2;
	v10 =	vmul.f32 $1.442695020e+00, v10;
	(erf) = vpow2.f32 v13  }
0x12b: {  	v9 =	vmul.f32 $1.442695020e+00, v9;
	v5 =	vmul.f32 $1.442695020e+00, v5;
	v19 =	vadd.s32 v0, v30  }
0x12c: {  	v62 =	vand.u32 $0xFFFFFC00, v6;
	v12 =	vmul.f32 $1.442695020e+00, v12;
	(erf) = vpow2.f32 v10  }
0x12d: {  	v4 =	vld.idx.msk [tilespmem:v4+s2+$0x0], $0xffff;
	v13 =	vor.u32 v36, v15;
	v15 =	vand.u32 $0x7C00, v27;
	v27 =	vand.u32 $0x7C00, v35  }
0x12e: {  	v3 =	vld.idx.msk [tilespmem:v3+s2+$0x0], $0xffff;
	v10 =	vadd.s32 v0, v13;
	v13 =	vor.u32 v25, v15;
	(erf) = vpow2.f32 v12  }
0x12f: {  	v15 =	vor.u32 v34, v27;
	v12 =	vadd.s32 v0, v13;
	v13 =	vand.u32 $0x7C00, v24  }
0x130: {  	v19 =	vld.idx.msk [tilespmem:v19+s2+$0x0], $0xffff;
	(erf) = vpow2.f32 v11;
	v11 =	vor.u32 v29, v13;
	v13 =	vand.u32 $0x7C00, v18;
	v18 =	vpop (erf)  }
0x131: {  	v8 =	vmul.f32 $1.442695020e+00, v8;
	v15 =	vadd.s32 v0, v15;
	v18 =	vadd.f32 v18, v33  }
0x132: {  	v7 =	vmul.f32 $1.442695020e+00, v7;
	v4 =	vsub.f32 v4, v2;
	(erf) = vpow2.f32 v9  }
0x133: {  	v3 =	vsub.f32 v3, v2;
	v10 =	vld.idx.msk [tilespmem:v10+s2+$0x0], $0xffff;
	v9 =	vadd.s32 v0, v11;
	v11 =	vor.u32 v14, v13;
	v13 =	vpop (erf)  }
0x134: {  	v36 =	vand.u32 $0x7F, v20;
	(erf) = vpow2.f32 v5;
	v13 =	vadd.f32 v13, v18  }
0x135: {  	v4 =	vmul.f32 $1.442695020e+00, v4;
	v12 =	vld.idx.msk [tilespmem:v12+s2+$0x0], $0xffff;
	v51 =	vadd.s32 v0, v11;
	v14 =	vsub.f32 v19, v2;
	v18 =	vpop (erf)  }
0x136: {  	v15 =	vld.idx.msk [tilespmem:v15+s2+$0x0], $0xffff;
	v11 =	vor.u32 v26, v38;
	(erf) = vpow2.f32 v8;
	v13 =	vadd.f32 v18, v13  }
0x137: {  	v14 =	vmul.f32 $1.442695020e+00, v14;
	v8 =	vadd.s32 v0, v11;
	v11 =	vor.u32 v17, v43;
	v17 =	vpop (erf)  }
0x138: {  	v10 =	vsub.f32 v10, v2;
	(erf) = vpow2.f32 v7;
	v13 =	vadd.f32 v17, v13  }
0x139: {  	v3 =	vmul.f32 $1.442695020e+00, v3;
	v9 =	vld.idx.msk [tilespmem:v9+s2+$0x0], $0xffff;
	v7 =	vadd.s32 v0, v11;
	v11 =	vor.u32 v28, v44;
	v17 =	vpop (erf)  }
0x13a: {  	v5 =	vld.idx.msk [tilespmem:v51+s2+$0x0], $0xffff;
	v10 =	vmul.f32 $1.442695020e+00, v10;
	(erf) = vpow2.f32 v14;
	v13 =	vadd.f32 v17, v13  }
0x13b: {  	v12 =	vsub.f32 v12, v2;
	v15 =	vsub.f32 v15, v2;
	v11 =	vadd.s32 v0, v11;
	v17 =	vpop (erf)  }
0x13c: {  	v14 =	vor.u32 v23, v39;
	(erf) = vpow2.f32 v10;
	v13 =	vadd.f32 v17, v13  }
0x13d: {  	v12 =	vmul.f32 $1.442695020e+00, v12;
	v15 =	vmul.f32 $1.442695020e+00, v15;
	v10 =	vadd.s32 v0, v14;
	v17 =	vpop (erf)  }
0x13e: {  	v8 =	vld.idx.msk [tilespmem:v8+s2+$0x0], $0xffff;
	v14 =	vor.u32 v22, v40;
	v9 =	vsub.f32 v9, v2;
	v13 =	vadd.f32 v17, v13  }
0x13f: {  	v5 =	vsub.f32 v5, v2;
	(erf) = vpow2.f32 v12;
	v12 =	vadd.s32 v0, v14;
	v17 =	vpop (erf)  }
0x140: {  	s29 =	simm.s32 $0x13;
	v11 =	vld.idx.msk [tilespmem:v11+s2+$0x0], $0xffff;
	(erf) = vpow2.f32 v15;
	v15 =	vor.u32 v21, v42;
	v13 =	vadd.f32 v17, v13  }
0x141: {  	v27 =	vmov s29;
	v7 =	vld.idx.msk [tilespmem:v7+s2+$0x0], $0xffff;
	v14 =	vor.u32 v32, v41;
	v9 =	vmul.f32 $1.442695020e+00, v9;
	v17 =	vpop (erf)  }
0x142: {  	v14 =	vadd.s32 v0, v14;
	v5 =	vmul.f32 $1.442695020e+00, v5;
	v13 =	vadd.f32 v17, v13  }
0x143: {  	v8 =	vsub.f32 v8, v2;
	v10 =	vld.idx.msk [tilespmem:v10+s2+$0x0], $0xffff;
	(erf) = vpow2.f32 v9;
	v9 =	vadd.s32 v0, v15;
	v15 =	vpop (erf)  }
0x144: {  	v37 =	vand.u32 $0x7F, v27;
	v49 =	vshll.u32 v27, $0x3;
	v13 =	vadd.f32 v15, v13  }
0x145: {  	s24 =	simm.s32 $0x17;
	v12 =	vld.idx.msk [tilespmem:v12+s2+$0x0], $0xffff;
	v8 =	vmul.f32 $1.442695020e+00, v8;
	(erf) = vpow2.f32 v5;
	v52 =	vsub.f32 v11, v2;
	v11 =	vpop (erf)  }
0x146: {  	v19 =	vmov s24;
	v7 =	vsub.f32 v7, v2;
	v11 =	vadd.f32 v11, v13  }
0x147: {  	s29 =	simm.s32 $0xF;
	v38 =	vimm.f32 $-Inf;
	v33 =	vand.u32 $0x7F, v19;
	(erf) = vpow2.f32 v8  }
0x148: {  	v28 =	vmov s29;
	s29 =	simm.s32 $0xB;
	v14 =	vld.idx.msk [tilespmem:v14+s2+$0x0], $0xffff;
	v7 =	vmul.f32 $1.442695020e+00, v7;
	v8 =	vsub.f32 v10, v2;
	v10 =	vpop (erf)  }
0x149: {  	v51 =	vshll.u32 v16, $0x3;
	v25 =	vmov s29;
	v9 =	vld.idx.msk [tilespmem:v9+s2+$0x0], $0xffff;
	v10 =	vadd.f32 v10, v11  }
0x14a: {  	v5 =	vmul.f32 $1.442695020e+00, v52;
	(erf) = vpow2.f32 v7;
	v7 =	vsub.f32 v12, v2;
	v11 =	vpop (erf)  }
0x14b: {  	s26 =	simm.s32 $0x15;
	v39 =	vand.u32 $0x7F, v16;
	v8 =	vmul.f32 $1.442695020e+00, v8;
	v10 =	vadd.f32 v11, v10  }
0x14c: {  	v21 =	vmov s26;
	v7 =	vmul.f32 $1.442695020e+00, v7;
	(erf) = vpow2.f32 v5;
	v11 =	vpop (erf)  }
0x14d: {  	v42 =	vand.u32 $0x7F, v28;
	v35 =	vand.u32 $0x7F, v21;
	v10 =	vadd.f32 v11, v10  }
0x14e: {  	s28 =	simm.s32 $0xE;
	v53 =	vsub.f32 v14, v2;
	(erf) = vpow2.f32 v8;
	v8 =	vsub.f32 v9, v2;
	v9 =	vpop (erf)  }
0x14f: {  	[tilespmem:$0x1FD40] =	vst v16;
	v46 =	vshll.u32 v21, $0x3;
	v17 =	vmov s28;
	v9 =	vadd.f32 v9, v10  }
0x150: {  	[tilespmem:$0x1FD30] =	vst v20;
	s28 =	simm.s32 $0xA;
	v44 =	vand.u32 $0x7F, v17;
	v5 =	vmul.f32 $1.442695020e+00, v53;
	(erf) = vpow2.f32 v7;
	v7 =	vpop (erf)  }
0x151: {  	s30 =	simm.s32 $0x10;
	[tilespmem:$0x1FD20] =	vst v27;
	v52 =	vand.u32 $0x7F, v25;
	v15 =	vmov s28;
	v7 =	vadd.f32 v7, v9  }
0x152: {  	[tilespmem:$0x1FD00] =	vst v19;
	s28 =	simm.s32 $0x5;
	v14 =	vmov s30;
	s30 =	simm.s32 $0xC;
	v8 =	vmul.f32 $1.442695020e+00, v8;
	(erf) = vpow2.f32 v5  }
0x153: {  	[tilespmem:$0x1FD70] =	vst v28;
	v12 =	vmov s28;
	v22 =	vmov s30;
	s30 =	simm.s32 $0x8;
	v41 =	vand.u32 $0x7F, v14;
	v54 =	vpop (erf)  }
0x154: {  	[tilespmem:$0x1FDC0] =	vst v25;
	v18 =	vmov s30;
	s30 =	simm.s32 $0x0;
	(erf) = vpow2.f32 v8;
	v5 =	vadd.f32 v54, v7  }
0x155: {  	s29 =	simm.s32 $0x7;
	[tilespmem:$0x1FD10] =	vst v21;
	v47 =	vand.u32 $0x7F, v22;
	v50 =	vshll.u32 v22, $0x3;
	v13 =	vmov s30;
	v7 =	vpop (erf)  }
0x156: {  	[tilespmem:$0x1FD90] =	vst v17;
	v11 =	vmov s29;
	(erf) = vpow2.f32 v4;
	v5 =	vadd.f32 v7, v5  }
0x157: {  	s24 =	simm.s32 $0x6;
	[tilespmem:$0x1FDB0] =	vst v15;
	v53 =	vand.u32 $0x7F, v15;
	v27 =	vand.u32 $0x7F, v13;
	v16 =	vand.u32 $0x7F, v11;
	v55 =	vpop (erf)  }
0x158: {  	s31 =	simm.s32 $0x16;
	[tilespmem:$0x1FD50] =	vst v14;
	v10 =	vmov s24;
	(erf) = vpow2.f32 v3;
	v4 =	vadd.f32 v55, v5  }
0x159: {  	[tilespmem:$0x1FDA0] =	vst v22;
	v20 =	vshll.u32 v11, $0x3;
	v21 =	vand.u32 $0x7F, v10;
	v7 =	vmov s31;
	s31 =	simm.s32 $0x11;
	v3 =	vpop (erf)  }
0x15a: {  	[tilespmem:$0x1FDE0] =	vst v18;
	(erf) = vpow2.f32 v56;
	v24 =	vmov s31;
	v3 =	vadd.f32 v3, v4  }
0x15b: {  	[tilespmem:$0x1FDF0] =	vst v10;
	s31 =	simm.s32 $0xD;
	v34 =	vand.u32 $0x7F, v7;
	v56 =	vshll.u32 v14, $0x3;
	v14 =	vand.u32 $0x7F, v12;
	v57 =	vpop (erf)  }
0x15c: {  	[tilespmem:$0x1FCF0] =	vst v7;
	v23 =	vmov s31;
	v5 =	vshll.u32 v7, $0x3;
	v3 =	vadd.f32 v57, v3  }
0x15d: {  	v7 =	vshll.u32 v19, $0x3;
	v40 =	vand.u32 $0x7F, v24;
	[tilespmem:$0x1FD60] =	vst v24;
	v59 =	vpop (erf);
	v4 =	vand.u32 $0x7F, v58  }
0x15e: {  	s31 =	simm.s32 $0x9;
	v54 =	vshll.u32 v24, $0x3;
	[tilespmem:$0x1FD80] =	vst v23;
	v4 =	vor.u32 v4, v62;
	v3 =	vadd.f32 v59, v3  }
0x15f: {  	v55 =	vshll.u32 v25, $0x3;
	v29 =	vmov s31;
	[tilespmem:$0x1FE40] =	vst v5;
	v8 =	vadd.s32 v0, v4;
	v60 =	vpop (erf)  }
0x160: {  	s31 =	simm.s32 $0x1;
	v45 =	vand.u32 $0x7F, v23;
	v43 =	vand.u32 $0x7C00, v5;
	[tilespmem:$0x1FE50] =	vst v7;
	v3 =	vadd.f32 v60, v3  }
0x161: {  	s29 =	simm.s32 $0x2;
	v9 =	vmov s31;
	v58 =	vand.u32 $0x7F, v29;
	[tilespmem:$0x1FDD0] =	vst v29;
	v62 =	vand.u32 $0x7F, v18;
	v61 =	vpop (erf)  }
0x162: {  	v25 =	vand.u32 $0x7F, v9;
	[tilespmem:$0x1FE20] =	vst v9;
	v4 =	vmov s29;
	v3 =	vadd.f32 v61, v3  }
0x163: {  	s23 =	simm.s32 $0x18;
	v57 =	vshll.u32 v15, $0x3;
	v15 =	vshll.u32 v10, $0x3;
	[tilespmem:$0x1FE30] =	vst v4;
	v59 =	vshll.u32 v28, $0x3;
	v6 =	vpop (erf)  }
0x164: {  	s26 =	simm.s32 $0x4;
	v61 =	vshll.u32 v29, $0x3;
	v29 =	vld.idx.msk [tilespmem:v8+s2+$0x0], $0xffff;
	[tilespmem:s22+$0x10100] =	vst v2;
	v26 =	vadd.f32 v6, v3;
	v3 =	vmov s23  }
0x165: {  	v28 =	vshll.u32 v9, $0x3;
	v60 =	vshll.u32 v23, $0x3;
	v6 =	vmov s26;
	[tilespmem:$0x1FCD0] =	vst v3  }
0x166: {  	s25 =	simm.s32 $0x3;
	v23 =	vand.u32 $0x7F, v4;
	v8 =	vshll.u32 v18, $0x3;
	v63 =	vshll.u32 v3, $0x3;
	[tilespmem:$0x1FE00] =	vst v6  }
0x167: {  	v18 =	vshll.u32 v12, $0x3;
	v30 =	vand.u32 $0x7F, v3;
	v3 =	vmov s25;
	[tilespmem:$0x1FCE0] =	vst v63  }
0x168: {  	v2 =	vand.u32 $0x7C00, v7;
	v22 =	vshll.u32 v6, $0x3;
	v32 =	vand.u32 $0x7C00, v63;
	[tilespmem:$0x1FE10] =	vst v3  }
0x169: {  	v63 =	vshll.u32 v17, $0x3;
	v17 =	vand.u32 $0x7F, v6;
	v19 =	vand.u32 $0x7F, v3;
	[tilespmem:s22+$0x10200] =	vst v26  }
0x16a: {  	s23 =	simm.s32 $0x31;
	v24 =	vshll.u32 v3, $0x3;
	v26 =	vshll.u32 v4, $0x3;
	[tilespmem:s22+$0x10300] =	vst v29;
	v29 =	vshll.u32 v13, $0x3  }
.LBB2_7:
0x16b: {  	p0 =	sne.s32 s23, $0x3E7;
	v49 =	vand.u32 $0x7C00, v49;
	v48 =	vand.u32 $0x7C00, v48;
	v46 =	vand.u32 $0x7C00, v46  }
0x16c: {  	v56 =	vand.u32 $0x7C00, v56;
	v54 =	vand.u32 $0x7C00, v54;
	v51 =	vand.u32 $0x7C00, v51  }
0x16d: {  	v29 =	vand.u32 $0x3C00, v29;
	v63 =	vand.u32 $0x7C00, v63;
	v59 =	vand.u32 $0x7C00, v59  }
0x16e: {  	v28 =	vand.u32 $0x7C00, v28;
	v27 =	vor.u32 v27, v29;
	v29 =	vand.u32 $0x7C00, v60  }
0x16f: {  	v26 =	vand.u32 $0x7C00, v26;
	v25 =	vor.u32 v25, v28;
	v27 =	vadd.s32 v1, v27  }
0x170: {  	v24 =	vand.u32 $0x7C00, v24;
	v23 =	vor.u32 v23, v26;
	v25 =	vadd.s32 v1, v25  }
0x171: {  	v22 =	vand.u32 $0x7C00, v22;
	v19 =	vor.u32 v19, v24;
	v23 =	vadd.s32 v1, v23  }
0x172: {  	v18 =	vand.u32 $0x7C00, v18;
	v17 =	vor.u32 v17, v22;
	v19 =	vadd.s32 v1, v19  }
0x173: {  	v15 =	vand.u32 $0x7C00, v15;
	v14 =	vor.u32 v14, v18;
	v17 =	vadd.s32 v1, v17  }
0x174: {  	v20 =	vand.u32 $0x7C00, v20;
	v15 =	vor.u32 v21, v15;
	v14 =	vadd.s32 v1, v14;
	v18 =	vld.idx.msk [tilespmem:v27+s2+$0x0], $0xffff  }
0x175: {  	v8 =	vand.u32 $0x7C00, v8;
	v16 =	vor.u32 v16, v20;
	v15 =	vadd.s32 v1, v15;
	v21 =	vld.idx.msk [tilespmem:v25+s2+$0x0], $0xffff  }
0x176: {  	v8 =	vor.u32 v62, v8;
	v22 =	vand.u32 $0x7C00, v61;
	v16 =	vadd.s32 v1, v16;
	v20 =	vld.idx.msk [tilespmem:v23+s2+$0x0], $0xffff  }
0x177: {  	v8 =	vadd.s32 v1, v8;
	v22 =	vor.u32 v58, v22;
	v23 =	vand.u32 $0x7C00, v57;
	v19 =	vld.idx.msk [tilespmem:v19+s2+$0x0], $0xffff  }
0x178: {  	v24 =	vand.u32 $0x7C00, v55;
	v22 =	vadd.s32 v1, v22;
	v23 =	vor.u32 v53, v23;
	v17 =	vld.idx.msk [tilespmem:v17+s2+$0x0], $0xffff  }
0x179: {  	v24 =	vor.u32 v52, v24;
	v25 =	vand.u32 $0x7C00, v50;
	v23 =	vadd.s32 v1, v23;
	v14 =	vld.idx.msk [tilespmem:v14+s2+$0x0], $0xffff  }
0x17a: {  	v24 =	vadd.s32 v1, v24;
	v25 =	vor.u32 v47, v25;
	v18 =	vmax.f32 v38, v18;
	v15 =	vld.idx.msk [tilespmem:v15+s2+$0x0], $0xffff  }
0x17b: {  	v18 =	vmax.f32 v18, v21;
	v21 =	vadd.s32 v1, v25;
	v25 =	vor.u32 v45, v29;
	v16 =	vld.idx.msk [tilespmem:v16+s2+$0x0], $0xffff  }
0x17c: {  	v18 =	vmax.f32 v18, v20;
	v20 =	vadd.s32 v1, v25;
	v25 =	vor.u32 v44, v63;
	v8 =	vld.idx.msk [tilespmem:v8+s2+$0x0], $0xffff  }
0x17d: {  	v18 =	vmax.f32 v18, v19;
	v19 =	vld.idx.msk [tilespmem:v22+s2+$0x0], $0xffff;
	v22 =	vadd.s32 v1, v25;
	v25 =	vor.u32 v42, v59  }
0x17e: {  	v17 =	vmax.f32 v18, v17;
	v18 =	vld.idx.msk [tilespmem:v23+s2+$0x0], $0xffff;
	v23 =	vadd.s32 v1, v25;
	v25 =	vor.u32 v41, v56  }
0x17f: {  	v14 =	vmax.f32 v17, v14;
	v17 =	vld.idx.msk [tilespmem:v24+s2+$0x0], $0xffff;
	v24 =	vadd.s32 v1, v25;
	v25 =	vor.u32 v40, v54  }
0x180: {  	v14 =	vmax.f32 v14, v15;
	v15 =	vld.idx.msk [tilespmem:v21+s2+$0x0], $0xffff;
	v21 =	vadd.s32 v1, v25;
	v25 =	vor.u32 v39, v51  }
0x181: {  	v14 =	vmax.f32 v14, v16;
	v16 =	vld.idx.msk [tilespmem:v20+s2+$0x0], $0xffff;
	v20 =	vadd.s32 v1, v25;
	v25 =	vor.u32 v37, v49  }
0x182: {  	v8 =	vmax.f32 v14, v8;
	v14 =	vld.idx.msk [tilespmem:v22+s2+$0x0], $0xffff;
	v22 =	vadd.s32 v1, v25;
	v25 =	vor.u32 v36, v48  }
0x183: {  	v8 =	vmax.f32 v8, v19;
	v19 =	vld.idx.msk [tilespmem:v23+s2+$0x0], $0xffff;
	v23 =	vadd.s32 v1, v25;
	v25 =	vor.u32 v35, v46  }
0x184: {  	v8 =	vmax.f32 v8, v18;
	v18 =	vld.idx.msk [tilespmem:v24+s2+$0x0], $0xffff;
	v24 =	vadd.s32 v1, v25;
	v25 =	vor.u32 v34, v43  }
0x185: {  	v2 =	vor.u32 v33, v2;
	v8 =	vmax.f32 v8, v17;
	v17 =	vld.idx.msk [tilespmem:v21+s2+$0x0], $0xffff;
	v21 =	vadd.s32 v1, v25  }
0x186: {  	v2 =	vadd.s32 v1, v2;
	v8 =	vmax.f32 v8, v15;
	v15 =	vld.idx.msk [tilespmem:v20+s2+$0x0], $0xffff;
	v20 =	vor.u32 v30, v32  }
0x187: {  	v8 =	vmax.f32 v8, v16;
	v16 =	vld.idx.msk [tilespmem:v22+s2+$0x0], $0xffff;
	v20 =	vadd.s32 v1, v20  }
0x188: {  	v22 =	vmov s23;
	v8 =	vmax.f32 v8, v14;
	v14 =	vld.idx.msk [tilespmem:v23+s2+$0x0], $0xffff  }
0x189: {  	s24 =	sadd.s32 $0xFFFFFFFE, s23;
	s25 =	sadd.s32 $0xFFFFFFFF, s23;
	v10 =	vand.u32 $0x7F, v22;
	v22 =	vshll.u32 v22, $0x3;
	v8 =	vmax.f32 v8, v19;
	v19 =	vld.idx.msk [tilespmem:v24+s2+$0x0], $0xffff  }
0x18a: {  	s26 =	sadd.s32 $0xFFFFFFFC, s23;
	s28 =	sadd.s32 $0xFFFFFFFD, s23;
	v23 =	vmov s24;
	v24 =	vmov s25;
	v8 =	vmax.f32 v8, v18;
	v18 =	vld.idx.msk [tilespmem:v21+s2+$0x0], $0xffff  }
0x18b: {  	v25 =	vmov s28;
	s24 =	sadd.s32 $0xFFFFFFFA, s23;
	s25 =	sadd.s32 $0xFFFFFFFB, s23;
	v21 =	vmov s26;
	v8 =	vmax.f32 v8, v17;
	v2 =	vld.idx.msk [tilespmem:v2+s2+$0x0], $0xffff  }
0x18c: {  	s28 =	sadd.s32 $0xFFFFFFF9, s23;
	s26 =	sadd.s32 $0xFFFFFFF8, s23;
	v17 =	vmov s24;
	v26 =	vmov s25;
	v8 =	vmax.f32 v8, v15;
	v15 =	vld.idx.msk [tilespmem:v20+s2+$0x0], $0xffff  }
0x18d: {  	v27 =	vmov s28;
	s24 =	sadd.s32 $0xFFFFFFF6, s23;
	s25 =	sadd.s32 $0xFFFFFFF7, s23;
	v20 =	vmov s26;
	v8 =	vmax.f32 v8, v16  }
0x18e: {  	s28 =	sadd.s32 $0xFFFFFFF5, s23;
	v28 =	vmov s25;
	s26 =	sadd.s32 $0xFFFFFFF4, s23;
	v16 =	vmov s24;
	v8 =	vmax.f32 v8, v14  }
0x18f: {  	v29 =	vmov s28;
	s25 =	sadd.s32 $0xFFFFFFF3, s23;
	s24 =	sadd.s32 $0xFFFFFFF2, s23;
	v14 =	vmov s26;
	v8 =	vmax.f32 v8, v19  }
0x190: {  	s28 =	sadd.s32 $0xFFFFFFF1, s23;
	v43 =	vmov s25;
	s26 =	sadd.s32 $0xFFFFFFF0, s23;
	v19 =	vmov s24;
	v8 =	vmax.f32 v8, v18  }
0x191: {  	v61 =	vmov s28;
	s25 =	sadd.s32 $0xFFFFFFEF, s23;
	s24 =	sadd.s32 $0xFFFFFFEE, s23;
	v18 =	vmov s26;
	v2 =	vmax.f32 v8, v2  }
0x192: {  	s29 =	sadd.s32 $0xFFFFFFED, s23;
	s28 =	sadd.s32 $0xFFFFFFEC, s23;
	s26 =	sadd.s32 $0xFFFFFFEB, s23;
	v30 =	vmov s24;
	v8 =	vmov s25;
	v38 =	vmax.f32 v2, v15  }
0x193: {  	s30 =	sadd.s32 $0xFFFFFFEA, s23;
	v7 =	vmov s29;
	v5 =	vmov s28;
	s24 =	sadd.s32 $0xFFFFFFE8, s23;
	s25 =	sadd.s32 $0xFFFFFFE9, s23;
	v2 =	vmov s26  }
0x194: {  	v31 =	vmov s30;
	v3 =	vmov s24;
	v4 =	vmov s25  }
0x195: {  	v34 =	vand.u32 $0x7F, v23;
	v32 =	vand.u32 $0x7C00, v22;
	v33 =	vand.u32 $0x7F, v24  }
0x196: {  	v35 =	vand.u32 $0x7F, v25;
	v6 =	vshll.u32 v23, $0x3;
	v9 =	vshll.u32 v24, $0x3  }
0x197: {  	v46 =	vshll.u32 v25, $0x3;
	v37 =	vand.u32 $0x7F, v26;
	v36 =	vand.u32 $0x7F, v21  }
0x198: {  	v39 =	vand.u32 $0x7F, v17;
	v49 =	vshll.u32 v26, $0x3;
	v48 =	vshll.u32 v21, $0x3  }
0x199: {  	v40 =	vand.u32 $0x7F, v27;
	v51 =	vshll.u32 v17, $0x3;
	v41 =	vand.u32 $0x7F, v20  }
0x19a: {  	v54 =	vshll.u32 v27, $0x3;
	v42 =	vand.u32 $0x7F, v28;
	v56 =	vshll.u32 v20, $0x3  }
0x19b: {  	v45 =	vand.u32 $0x7F, v29;
	v59 =	vshll.u32 v28, $0x3;
	v44 =	vand.u32 $0x7F, v16  }
0x19c: {  	v60 =	vshll.u32 v29, $0x3;
	v63 =	vshll.u32 v16, $0x3;
	v47 =	vand.u32 $0x7F, v14  }
0x19d: {  	v52 =	vand.u32 $0x7F, v43;
	v50 =	vshll.u32 v14, $0x3;
	v53 =	vand.u32 $0x7F, v19  }
0x19e: {  	v58 =	vand.u32 $0x7F, v61;
	v55 =	vshll.u32 v43, $0x3;
	v57 =	vshll.u32 v19, $0x3  }
0x19f: {  	v61 =	vshll.u32 v61, $0x3;
	v62 =	vand.u32 $0x7F, v18;
	v16 =	vand.u32 $0x7F, v8  }
0x1a0: {  	v21 =	vand.u32 $0x7F, v30;
	v20 =	vshll.u32 v8, $0x3;
	v8 =	vshll.u32 v18, $0x3  }
.Ltmp4:
0x1a1: {  	v17 =	vand.u32 $0x7F, v5;
	v14 =	vand.u32 $0x7F, v7;
	v15 =	vshll.u32 v30, $0x3;
	v30 =	vmovc v10;
	(pc) =	sbr.rel @p0 .LBB2_7-.Ltmp4, $4  }
0x1a2: {  	v22 =	vshll.u32 v5, $0x3;
	v18 =	vshll.u32 v7, $0x3;
	v19 =	vand.u32 $0x7F, v2  }
0x1a3: {  	v23 =	vand.u32 $0x7F, v31;
	v25 =	vand.u32 $0x7F, v4;
	v24 =	vshll.u32 v2, $0x3  }
0x1a4: {  	v26 =	vshll.u32 v31, $0x3;
	v27 =	vand.u32 $0x7F, v3;
	v28 =	vshll.u32 v4, $0x3  }
0x1a5: {  	v43 =	vand.u32 $0x7C00, v6;
	s23 =	sadd.s32 $0x19, s23;
	v29 =	vshll.u32 v3, $0x3;
	v2 =	vand.u32 $0x7C00, v9  }
0x1a6: {  	v3 =	vand.u32 $0x3C00, v29  }
0x1a7: {  	v4 =	vand.u32 $0x7C00, v28;
	v5 =	vand.u32 $0x7C00, v26;
	v6 =	vand.u32 $0x7C00, v24  }
0x1a8: {  	v7 =	vand.u32 $0x7C00, v22;
	v9 =	vand.u32 $0x7C00, v18;
	v3 =	vor.u32 v27, v3  }
0x1a9: {  	v15 =	vand.u32 $0x7C00, v15;
	v4 =	vor.u32 v25, v4;
	v3 =	vadd.s32 v1, v3  }
0x1aa: {  	v8 =	vand.u32 $0x7C00, v8;
	v5 =	vor.u32 v23, v5;
	v4 =	vadd.s32 v1, v4  }
0x1ab: {  	v18 =	vand.u32 $0x7C00, v55;
	v6 =	vor.u32 v19, v6;
	v5 =	vadd.s32 v1, v5  }
0x1ac: {  	v7 =	vor.u32 v17, v7;
	v9 =	vor.u32 v14, v9;
	v6 =	vadd.s32 v1, v6  }
0x1ad: {  	v14 =	vor.u32 v21, v15;
	v15 =	vand.u32 $0x7C00, v20;
	v8 =	vor.u32 v62, v8  }
0x1ae: {  	v17 =	vand.u32 $0x7C00, v57;
	v18 =	vor.u32 v52, v18;
	v7 =	vadd.s32 v1, v7;
	v3 =	vld.idx.msk [tilespmem:v3+s2+$0x0], $0xffff  }
0x1af: {  	v19 =	vand.u32 $0x7C00, v50;
	v20 =	vand.u32 $0x7C00, v63;
	v9 =	vadd.s32 v1, v9;
	v4 =	vld.idx.msk [tilespmem:v4+s2+$0x0], $0xffff  }
0x1b0: {  	v15 =	vor.u32 v16, v15;
	v16 =	vand.u32 $0x7C00, v61;
	v14 =	vadd.s32 v1, v14;
	v5 =	vld.idx.msk [tilespmem:v5+s2+$0x0], $0xffff  }
0x1b1: {  	v17 =	vor.u32 v53, v17;
	v19 =	vor.u32 v47, v19;
	v15 =	vadd.s32 v1, v15;
	v6 =	vld.idx.msk [tilespmem:v6+s2+$0x0], $0xffff  }
0x1b2: {  	v53 =	vand.u32 $0x7C00, v60;
	v8 =	vadd.s32 v1, v8;
	v55 =	vor.u32 v44, v20  }
0x1b3: {  	v20 =	vand.u32 $0x7C00, v56;
	v16 =	vor.u32 v58, v16;
	v7 =	vld.idx.msk [tilespmem:v7+s2+$0x0], $0xffff;
	v3 =	vmax.f32 v38, v3  }
0x1b4: {  	v18 =	vadd.s32 v1, v18;
	v16 =	vadd.s32 v1, v16;
	v9 =	vld.idx.msk [tilespmem:v9+s2+$0x0], $0xffff;
	v3 =	vmax.f32 v3, v4  }
0x1b5: {  	v17 =	vadd.s32 v1, v17;
	v19 =	vadd.s32 v1, v19;
	v14 =	vld.idx.msk [tilespmem:v14+s2+$0x0], $0xffff;
	v3 =	vmax.f32 v3, v5  }
0x1b6: {  	v15 =	vld.idx.msk [tilespmem:v15+s2+$0x0], $0xffff;
	v4 =	vor.u32 v45, v53;
	v3 =	vmax.f32 v3, v6;
	v6 =	vand.u32 $0x7C00, v59  }
0x1b7: {  	v4 =	vadd.s32 v1, v4;
	v5 =	vadd.s32 v1, v55;
	v6 =	vor.u32 v42, v6  }
0x1b8: {  	v8 =	vld.idx.msk [tilespmem:v8+s2+$0x0], $0xffff;
	v3 =	vmax.f32 v3, v7;
	v7 =	vor.u32 v41, v20;
	v20 =	vand.u32 $0x7C00, v51  }
0x1b9: {  	v16 =	vld.idx.msk [tilespmem:v16+s2+$0x0], $0xffff;
	v3 =	vmax.f32 v3, v9;
	v9 =	vand.u32 $0x7C00, v54;
	v6 =	vadd.s32 v1, v6  }
0x1ba: {  	v17 =	vld.idx.msk [tilespmem:v17+s2+$0x0], $0xffff;
	v7 =	vadd.s32 v1, v7;
	v9 =	vor.u32 v40, v9;
	v3 =	vmax.f32 v3, v14  }
0x1bb: {  	v18 =	vld.idx.msk [tilespmem:v18+s2+$0x0], $0xffff;
	v14 =	vor.u32 v39, v20;
	v20 =	vand.u32 $0x7C00, v48;
	v3 =	vmax.f32 v3, v15  }
0x1bc: {  	v19 =	vld.idx.msk [tilespmem:v19+s2+$0x0], $0xffff;
	v15 =	vand.u32 $0x7C00, v49;
	v9 =	vadd.s32 v1, v9;
	v14 =	vadd.s32 v1, v14  }
0x1bd: {  	v4 =	vld.idx.msk [tilespmem:v4+s2+$0x0], $0xffff;
	v15 =	vor.u32 v37, v15;
	v3 =	vmax.f32 v3, v8;
	v8 =	vor.u32 v36, v20  }
0x1be: {  	v5 =	vld.idx.msk [tilespmem:v5+s2+$0x0], $0xffff;
	v3 =	vmax.f32 v3, v16;
	v16 =	vand.u32 $0x7C00, v46;
	v15 =	vadd.s32 v1, v15  }
0x1bf: {  	v8 =	vadd.s32 v1, v8;
	v16 =	vor.u32 v35, v16;
	v3 =	vmax.f32 v3, v17;
	v6 =	vld.idx.msk [tilespmem:v6+s2+$0x0], $0xffff  }
0x1c0: {  	v17 =	vor.u32 v34, v43;
	v7 =	vld.idx.msk [tilespmem:v7+s2+$0x0], $0xffff;
	v16 =	vadd.s32 v1, v16;
	v3 =	vmax.f32 v3, v18  }
0x1c1: {  	v2 =	vor.u32 v33, v2;
	v17 =	vadd.s32 v1, v17;
	v9 =	vld.idx.msk [tilespmem:v9+s2+$0x0], $0xffff;
	v3 =	vmax.f32 v3, v19  }
0x1c2: {  	v2 =	vadd.s32 v1, v2;
	v14 =	vld.idx.msk [tilespmem:v14+s2+$0x0], $0xffff;
	v3 =	vmax.f32 v3, v4  }
0x1c3: {  	v56 =	vld.idx.msk [tilespmem:v15+s2+$0x0], $0xffff;
	v3 =	vmax.f32 v3, v5  }
0x1c4: {  	v57 =	vld.idx.msk [tilespmem:v8+s2+$0x0], $0xffff;
	v3 =	vmax.f32 v3, v6  }
0x1c5: {  	v18 =	vor.u32 v30, v32;
	v6 =	vld.idx.msk [tilespmem:v16+s2+$0x0], $0xffff;
	v3 =	vmax.f32 v3, v7  }
0x1c6: {  	v15 =	vadd.s32 v1, v18;
	v7 =	vld.idx.msk [tilespmem:v17+s2+$0x0], $0xffff;
	v3 =	vmax.f32 v3, v9  }
0x1c7: {  	v2 =	vld.idx.msk [tilespmem:v2+s2+$0x0], $0xffff;
	v3 =	vmax.f32 v3, v14  }
0x1c8: {  	v3 =	vmax.f32 v3, v56  }
0x1c9: {  	v3 =	vmax.f32 v3, v57  }
0x1ca: {  	v3 =	vmax.f32 v3, v6  }
0x1cb: {  	v8 =	vld.idx.msk [tilespmem:v15+s2+$0x0], $0xffff;
	v3 =	vmax.f32 v3, v7  }
0x1cc: {  	v2 =	vmax.f32 v3, v2;
	v3 =	vld [tilespmem:$0x1FCD0];
	_ =	sdelay $0x4  }
0x1cd: {  	v2 =	vmax.f32 v2, v8;
	v8 =	vand.u32 $0x7F, v3;
	v3 =	vld [tilespmem:$0x1FCE0];
	_ =	sdelay $0x4  }
0x1ce: {  	v16 =	vand.u32 $0x7C00, v3;
	v3 =	vld [tilespmem:$0x1FCF0];
	_ =	sdelay $0x4  }
0x1cf: {  	v31 =	vand.u32 $0x7F, v3;
	v3 =	vld [tilespmem:$0x1FD00];
	_ =	sdelay $0x4  }
0x1d0: {  	v20 =	vand.u32 $0x7F, v3;
	v3 =	vld [tilespmem:$0x1FD30];
	_ =	sdelay $0x4  }
0x1d1: {  	v32 =	vand.u32 $0x7F, v3;
	v41 =	vshll.u32 v3, $0x3;
	v3 =	vld [tilespmem:$0x1FD20];
	_ =	sdelay $0x4  }
0x1d2: {  	v22 =	vand.u32 $0x7F, v3;
	v40 =	vshll.u32 v3, $0x3;
	v3 =	vld [tilespmem:$0x1FD40];
	_ =	sdelay $0x4  }
0x1d3: {  	v23 =	vand.u32 $0x7F, v3;
	v39 =	vshll.u32 v3, $0x3;
	v3 =	vld [tilespmem:$0x1FD50];
	_ =	sdelay $0x4  }
0x1d4: {  	v17 =	vand.u32 $0x7F, v3;
	v43 =	vshll.u32 v3, $0x3;
	v3 =	vld [tilespmem:$0x1FD90];
	_ =	sdelay $0x4  }
0x1d5: {  	v14 =	vand.u32 $0x7F, v3;
	v18 =	vshll.u32 v3, $0x3;
	v3 =	vld [tilespmem:$0x1FDA0]  }
0x1d6: {  	v10 =	vld [tilespmem:$0x1FDF0]  }
0x1d7: {  	v62 =	vld [tilespmem:$0x1FDC0]  }
0x1d8: {  	v63 =	vld [tilespmem:$0x1FDD0]  }
0x1d9: {  	v60 =	vld [tilespmem:$0x1FD70]  }
0x1da: {  	v34 =	vand.u32 $0x7F, v3;
	v35 =	vshll.u32 v3, $0x3;
	v3 =	vld [tilespmem:$0x1FDB0]  }
0x1db: {  	v61 =	vld [tilespmem:$0x1FD80]  }
0x1dc: {  	v58 =	vld [tilespmem:$0x1FD10]  }
0x1dd: {  	v50 =	vld [tilespmem:$0x1FE30]  }
0x1de: {  	v59 =	vld [tilespmem:$0x1FD60]  }
0x1df: {  	v33 =	vimm.f32 $0.0e+00;
	v36 =	vand.u32 $0x7F, v3;
	v15 =	vshll.u32 v3, $0x3;
	v3 =	vld [tilespmem:$0x1FDE0]  }
0x1e0: {  	v52 =	vld [tilespmem:$0x1FE50];
	v25 =	vand.u32 $0x7F, v62;
	v27 =	vshll.u32 v62, $0x3;
	v26 =	vand.u32 $0x7F, v60  }
0x1e1: {  	v29 =	vand.u32 $0x7F, v61;
	v24 =	vshll.u32 v61, $0x3;
	v21 =	vand.u32 $0x7F, v58;
	v53 =	vld [tilespmem:$0x1FE20]  }
0x1e2: {  	v38 =	vshll.u32 v60, $0x3;
	v45 =	vand.u32 $0x7F, v11;
	v42 =	vshll.u32 v58, $0x3;
	v48 =	vld [tilespmem:$0x1FE00]  }
0x1e3: {  	v51 =	vld [tilespmem:$0x1FE40];
	v28 =	vand.u32 $0x7F, v59;
	v44 =	vshll.u32 v59, $0x3;
	v37 =	vand.u32 $0x7F, v63  }
0x1e4: {  	s23 =	simm.s32 $0x31;
	v49 =	vld [tilespmem:$0x1FE10];
	v46 =	vshll.u32 v63, $0x3;
	v30 =	vand.u32 $0x7F, v3;
	v19 =	vshll.u32 v3, $0x3  }
.LBB2_9:
0x1e5: {  	p0 =	sne.s32 s23, $0x3E7;
	v9 =	vand.u32 $0x7F, v10;
	v10 =	vshll.u32 v10, $0x3;
	v11 =	vshll.u32 v11, $0x3  }
0x1e6: {  	v3 =	vshll.u32 v13, $0x3;
	v47 =	vand.u32 $0x7F, v12;
	v12 =	vshll.u32 v12, $0x3  }
0x1e7: {  	v4 =	vand.u32 $0x7F, v13;
	v13 =	vand.u32 $0x7F, v48;
	v3 =	vand.u32 $0x3C00, v3  }
0x1e8: {  	v7 =	vshll.u32 v48, $0x3;
	v3 =	vor.u32 v4, v3;
	v4 =	vshll.u32 v53, $0x3  }
0x1e9: {  	v5 =	vadd.s32 v1, v3;
	v3 =	vand.u32 $0x7F, v53;
	v4 =	vand.u32 $0x7C00, v4  }
0x1ea: {  	v6 =	vand.u32 $0x7F, v49;
	v3 =	vor.u32 v3, v4;
	v4 =	vshll.u32 v50, $0x3  }
0x1eb: {  	v48 =	vadd.s32 v1, v3;
	v3 =	vand.u32 $0x7F, v50;
	v4 =	vand.u32 $0x7C00, v4  }
0x1ec: {  	v49 =	vshll.u32 v49, $0x3;
	v4 =	vor.u32 v3, v4;
	v3 =	vand.u32 $0x7C00, v52  }
0x1ed: {  	v49 =	vand.u32 $0x7C00, v49;
	v50 =	vadd.s32 v1, v4;
	v4 =	vand.u32 $0x7C00, v51  }
0x1ee: {  	v49 =	vor.u32 v6, v49;
	v6 =	vand.u32 $0x7C00, v41;
	v51 =	vld.idx.msk [tilespmem:v5+s2+$0x0], $0xffff;
	v5 =	vand.u32 $0x7C00, v42  }
0x1ef: {  	v41 =	vadd.s32 v1, v49;
	v42 =	vand.u32 $0x7C00, v7;
	v7 =	vand.u32 $0x7C00, v40  }
0x1f0: {  	v39 =	vand.u32 $0x7C00, v39;
	v13 =	vor.u32 v13, v42;
	v42 =	vand.u32 $0x7C00, v44;
	v40 =	vld.idx.msk [tilespmem:v48+s2+$0x0], $0xffff  }
0x1f1: {  	v43 =	vand.u32 $0x7C00, v43;
	v12 =	vand.u32 $0x7C00, v12;
	v13 =	vadd.s32 v1, v13  }
0x1f2: {  	v46 =	vand.u32 $0x7C00, v46;
	v38 =	vand.u32 $0x7C00, v38;
	v12 =	vor.u32 v47, v12;
	v44 =	vld.idx.msk [tilespmem:v50+s2+$0x0], $0xffff  }
0x1f3: {  	v19 =	vand.u32 $0x7C00, v19;
	v10 =	vand.u32 $0x7C00, v10;
	v12 =	vadd.s32 v1, v12  }
0x1f4: {  	v9 =	vor.u32 v9, v10;
	v10 =	vand.u32 $0x7C00, v11;
	v47 =	vsub.f32 v51, v2;
	v41 =	vld.idx.msk [tilespmem:v41+s2+$0x0], $0xffff  }
0x1f5: {  	v11 =	vor.u32 v30, v19;
	v9 =	vadd.s32 v1, v9;
	v10 =	vor.u32 v45, v10  }
0x1f6: {  	v10 =	vadd.s32 v1, v10;
	v19 =	vmul.f32 $1.442695020e+00, v47;
	v30 =	vsub.f32 v40, v2;
	v13 =	vld.idx.msk [tilespmem:v13+s2+$0x0], $0xffff  }
0x1f7: {  	v15 =	vand.u32 $0x7C00, v15;
	v37 =	vor.u32 v37, v46;
	v11 =	vadd.s32 v1, v11  }
0x1f8: {  	v30 =	vmul.f32 $1.442695020e+00, v30;
	v40 =	vsub.f32 v44, v2;
	v12 =	vld.idx.msk [tilespmem:v12+s2+$0x0], $0xffff;
	(erf) = vpow2.f32 v19  }
0x1f9: {  	v27 =	vand.u32 $0x7C00, v27;
	v15 =	vor.u32 v36, v15;
	v19 =	vadd.s32 v1, v37  }
0x1fa: {  	v36 =	vmul.f32 $1.442695020e+00, v40;
	v37 =	vsub.f32 v41, v2;
	v9 =	vld.idx.msk [tilespmem:v9+s2+$0x0], $0xffff;
	(erf) = vpow2.f32 v30  }
0x1fb: {  	v25 =	vor.u32 v25, v27;
	v27 =	vand.u32 $0x7C00, v35;
	v15 =	vadd.s32 v1, v15;
	v10 =	vld.idx.msk [tilespmem:v10+s2+$0x0], $0xffff  }
0x1fc: {  	v30 =	vmul.f32 $1.442695020e+00, v37;
	v13 =	vsub.f32 v13, v2;
	(erf) = vpow2.f32 v36  }
0x1fd: {  	v24 =	vand.u32 $0x7C00, v24;
	v25 =	vadd.s32 v1, v25;
	v27 =	vor.u32 v34, v27;
	v11 =	vld.idx.msk [tilespmem:v11+s2+$0x0], $0xffff  }
0x1fe: {  	v13 =	vmul.f32 $1.442695020e+00, v13;
	v12 =	vsub.f32 v12, v2;
	(erf) = vpow2.f32 v30  }
0x1ff: {  	v24 =	vor.u32 v29, v24;
	v29 =	vand.u32 $0x7C00, v18;
	v27 =	vadd.s32 v1, v27;
	v19 =	vld.idx.msk [tilespmem:v19+s2+$0x0], $0xffff  }
0x200: {  	v12 =	vmul.f32 $1.442695020e+00, v12;
	v9 =	vsub.f32 v9, v2;
	(erf) = vpow2.f32 v13  }
0x201: {  	v14 =	vor.u32 v14, v29;
	v10 =	vsub.f32 v10, v2;
	v13 =	vld.idx.msk [tilespmem:v15+s2+$0x0], $0xffff;
	v15 =	vadd.s32 v1, v24;
	v18 =	vpop (erf)  }
0x202: {  	v9 =	vmul.f32 $1.442695020e+00, v9;
	v18 =	vadd.f32 v18, v33;
	(erf) = vpow2.f32 v12  }
0x203: {  	v14 =	vadd.s32 v1, v14;
	v24 =	vor.u32 v26, v38;
	v11 =	vsub.f32 v11, v2;
	v12 =	vld.idx.msk [tilespmem:v25+s2+$0x0], $0xffff;
	v25 =	vpop (erf)  }
0x204: {  	v10 =	vmul.f32 $1.442695020e+00, v10;
	v18 =	vadd.f32 v25, v18;
	(erf) = vpow2.f32 v9  }
0x205: {  	v17 =	vor.u32 v17, v43;
	v24 =	vadd.s32 v1, v24;
	v9 =	vsub.f32 v19, v2;
	v19 =	vld.idx.msk [tilespmem:v27+s2+$0x0], $0xffff;
	v25 =	vpop (erf)  }
0x206: {  	v11 =	vmul.f32 $1.442695020e+00, v11;
	v18 =	vadd.f32 v25, v18;
	(erf) = vpow2.f32 v10  }
0x207: {  	v10 =	vsub.f32 v13, v2;
	v13 =	vld.idx.msk [tilespmem:v15+s2+$0x0], $0xffff;
	v15 =	vadd.s32 v1, v17;
	v17 =	vor.u32 v28, v42;
	v25 =	vpop (erf)  }
0x208: {  	v9 =	vmul.f32 $1.442695020e+00, v9;
	v18 =	vadd.f32 v25, v18;
	(erf) = vpow2.f32 v11  }
0x209: {  	v11 =	vsub.f32 v12, v2;
	v12 =	vld.idx.msk [tilespmem:v14+s2+$0x0], $0xffff;
	v14 =	vadd.s32 v1, v17;
	v17 =	vor.u32 v23, v39;
	v23 =	vpop (erf)  }
0x20a: {  	v10 =	vmul.f32 $1.442695020e+00, v10;
	v18 =	vadd.f32 v23, v18;
	(erf) = vpow2.f32 v9  }
0x20b: {  	v7 =	vor.u32 v22, v7;
	v9 =	vsub.f32 v19, v2;
	v17 =	vadd.s32 v1, v17;
	v19 =	vld.idx.msk [tilespmem:v24+s2+$0x0], $0xffff;
	v22 =	vpop (erf)  }
0x20c: {  	v11 =	vmul.f32 $1.442695020e+00, v11;
	v18 =	vadd.f32 v22, v18;
	(erf) = vpow2.f32 v10  }
0x20d: {  	v6 =	vor.u32 v32, v6;
	v7 =	vadd.s32 v1, v7;
	v10 =	vsub.f32 v13, v2;
	v13 =	vld.idx.msk [tilespmem:v15+s2+$0x0], $0xffff;
	v15 =	vpop (erf)  }
0x20e: {  	v9 =	vmul.f32 $1.442695020e+00, v9;
	v15 =	vadd.f32 v15, v18;
	(erf) = vpow2.f32 v11  }
0x20f: {  	v6 =	vadd.s32 v1, v6;
	v5 =	vor.u32 v21, v5;
	v11 =	vsub.f32 v12, v2;
	v12 =	vld.idx.msk [tilespmem:v14+s2+$0x0], $0xffff;
	v14 =	vpop (erf)  }
0x210: {  	v10 =	vmul.f32 $1.442695020e+00, v10;
	v14 =	vadd.f32 v14, v15;
	(erf) = vpow2.f32 v9  }
0x211: {  	v4 =	vor.u32 v31, v4;
	v5 =	vadd.s32 v1, v5;
	v9 =	vsub.f32 v19, v2;
	v15 =	vld.idx.msk [tilespmem:v17+s2+$0x0], $0xffff;
	v17 =	vpop (erf)  }
0x212: {  	v11 =	vmul.f32 $1.442695020e+00, v11;
	v14 =	vadd.f32 v17, v14;
	(erf) = vpow2.f32 v10  }
0x213: {  	v3 =	vor.u32 v20, v3;
	v4 =	vadd.s32 v1, v4;
	v10 =	vsub.f32 v13, v2;
	v7 =	vld.idx.msk [tilespmem:v7+s2+$0x0], $0xffff;
	v13 =	vpop (erf)  }
0x214: {  	v9 =	vmul.f32 $1.442695020e+00, v9;
	v13 =	vadd.f32 v13, v14;
	(erf) = vpow2.f32 v11  }
0x215: {  	v3 =	vadd.s32 v1, v3;
	v11 =	vsub.f32 v12, v2;
	v14 =	vor.u32 v8, v16;
	v6 =	vld.idx.msk [tilespmem:v6+s2+$0x0], $0xffff;
	v12 =	vpop (erf)  }
0x216: {  	v10 =	vmul.f32 $1.442695020e+00, v10;
	v16 =	vadd.f32 v12, v13;
	(erf) = vpow2.f32 v9  }
0x217: {  	v9 =	vsub.f32 v15, v2;
	v13 =	vadd.s32 v1, v14;
	v5 =	vld.idx.msk [tilespmem:v5+s2+$0x0], $0xffff;
	v8 =	vpop (erf)  }
0x218: {  	v11 =	vmul.f32 $1.442695020e+00, v11;
	v8 =	vadd.f32 v8, v16;
	(erf) = vpow2.f32 v10  }
0x219: {  	v15 =	vmov s23;
	v7 =	vsub.f32 v7, v2;
	v4 =	vld.idx.msk [tilespmem:v4+s2+$0x0], $0xffff;
	v12 =	vpop (erf)  }
0x21a: {  	v9 =	vmul.f32 $1.442695020e+00, v9;
	v16 =	vadd.f32 v12, v8;
	(erf) = vpow2.f32 v11  }
0x21b: {  	v14 =	vshll.u32 v15, $0x3;
	v8 =	vand.u32 $0x7F, v15;
	v6 =	vsub.f32 v6, v2;
	v3 =	vld.idx.msk [tilespmem:v3+s2+$0x0], $0xffff;
	v10 =	vpop (erf)  }
0x21c: {  	s24 =	sadd.s32 $0xFFFFFFFE, s23;
	s25 =	sadd.s32 $0xFFFFFFFF, s23;
	v7 =	vmul.f32 $1.442695020e+00, v7;
	v10 =	vadd.f32 v10, v16;
	(erf) = vpow2.f32 v9  }
0x21d: {  	v15 =	vmov s25;
	v9 =	vmov s24;
	v5 =	vsub.f32 v5, v2;
	v11 =	vld.idx.msk [tilespmem:v13+s2+$0x0], $0xffff;
	v12 =	vpop (erf)  }
0x21e: {  	s25 =	sadd.s32 $0xFFFFFFFD, s23;
	s24 =	sadd.s32 $0xFFFFFFFC, s23;
	v6 =	vmul.f32 $1.442695020e+00, v6;
	v10 =	vadd.f32 v12, v10;
	(erf) = vpow2.f32 v7  }
0x21f: {  	v17 =	vmov s25;
	v7 =	vmov s24;
	v4 =	vsub.f32 v4, v2;
	v12 =	vpop (erf)  }
0x220: {  	s25 =	sadd.s32 $0xFFFFFFFB, s23;
	s24 =	sadd.s32 $0xFFFFFFFA, s23;
	v5 =	vmul.f32 $1.442695020e+00, v5;
	v10 =	vadd.f32 v12, v10;
	(erf) = vpow2.f32 v6  }
0x221: {  	v18 =	vmov s25;
	v6 =	vmov s24;
	v3 =	vsub.f32 v3, v2;
	v12 =	vpop (erf)  }
0x222: {  	s25 =	sadd.s32 $0xFFFFFFF9, s23;
	s24 =	sadd.s32 $0xFFFFFFF8, s23;
	v4 =	vmul.f32 $1.442695020e+00, v4;
	v10 =	vadd.f32 v12, v10;
	(erf) = vpow2.f32 v5  }
0x223: {  	v19 =	vmov s25;
	v5 =	vmov s24;
	v11 =	vsub.f32 v11, v2;
	v12 =	vpop (erf)  }
0x224: {  	s26 =	sadd.s32 $0xFFFFFFF7, s23;
	s25 =	sadd.s32 $0xFFFFFFF6, s23;
	s24 =	sadd.s32 $0xFFFFFFF5, s23;
	v3 =	vmul.f32 $1.442695020e+00, v3;
	v10 =	vadd.f32 v12, v10;
	(erf) = vpow2.f32 v4  }
0x225: {  	v25 =	vmov s26;
	v24 =	vmov s25;
	v4 =	vmov s24;
	v12 =	vpop (erf)  }
0x226: {  	s26 =	sadd.s32 $0xFFFFFFF4, s23;
	s25 =	sadd.s32 $0xFFFFFFF3, s23;
	s24 =	sadd.s32 $0xFFFFFFF2, s23;
	v11 =	vmul.f32 $1.442695020e+00, v11;
	v10 =	vadd.f32 v12, v10;
	(erf) = vpow2.f32 v3  }
0x227: {  	s28 =	sadd.s32 $0xFFFFFFF1, s23;
	v30 =	vmov s26;
	v27 =	vmov s25;
	v3 =	vmov s24;
	v12 =	vpop (erf)  }
0x228: {  	v45 =	vmov s28;
	s26 =	sadd.s32 $0xFFFFFFF0, s23;
	s25 =	sadd.s32 $0xFFFFFFEF, s23;
	s24 =	sadd.s32 $0xFFFFFFEE, s23;
	v13 =	vadd.f32 v12, v10;
	(erf) = vpow2.f32 v11  }
0x229: {  	s29 =	sadd.s32 $0xFFFFFFED, s23;
	s28 =	sadd.s32 $0xFFFFFFEC, s23;
	v47 =	vmov s26;
	v10 =	vmov s24;
	v11 =	vmov s25;
	v16 =	vpop (erf)  }
0x22a: {  	v48 =	vmov s28;
	s26 =	sadd.s32 $0xFFFFFFEB, s23;
	s24 =	sadd.s32 $0xFFFFFFE9, s23;
	s25 =	sadd.s32 $0xFFFFFFEA, s23;
	v12 =	vmov s29;
	v20 =	vadd.f32 v16, v13  }
0x22b: {  	s28 =	sadd.s32 $0xFFFFFFE8, s23;
	v49 =	vmov s26;
	v53 =	vmov s24;
	v50 =	vmov s25;
	v21 =	vpop (erf)  }
0x22c: {  	v13 =	vmov s28;
	v16 =	vand.u32 $0x7C00, v14;
	v14 =	vadd.f32 v21, v20  }
0x22d: {  	v52 =	vshll.u32 v15, $0x3;
	v31 =	vand.u32 $0x7F, v9;
	v20 =	vand.u32 $0x7F, v15;
	v15 =	vpop (erf)  }
0x22e: {  	v51 =	vshll.u32 v9, $0x3;
	v21 =	vand.u32 $0x7F, v17;
	v9 =	vadd.f32 v15, v14  }
0x22f: {  	v42 =	vshll.u32 v17, $0x3;
	v32 =	vand.u32 $0x7F, v7;
	v41 =	vshll.u32 v7, $0x3;
	v7 =	vpop (erf)  }
0x230: {  	v22 =	vand.u32 $0x7F, v18;
	v40 =	vshll.u32 v18, $0x3;
	v7 =	vadd.f32 v7, v9  }
0x231: {  	v28 =	vand.u32 $0x7F, v19;
	v23 =	vand.u32 $0x7F, v6;
	v39 =	vshll.u32 v6, $0x3;
	v6 =	vpop (erf)  }
0x232: {  	v44 =	vshll.u32 v19, $0x3;
	v17 =	vand.u32 $0x7F, v5;
	v33 =	vadd.f32 v6, v7  }
0x233: {  	v26 =	vand.u32 $0x7F, v25;
	v38 =	vshll.u32 v25, $0x3;
	v43 =	vshll.u32 v5, $0x3  }
.Ltmp5:
0x234: {  	v18 =	vshll.u32 v24, $0x3;
	v29 =	vand.u32 $0x7F, v4;
	v14 =	vand.u32 $0x7F, v24;
	(pc) =	sbr.rel @p0 .LBB2_9-.Ltmp5, $4  }
0x235: {  	v34 =	vand.u32 $0x7F, v30;
	v35 =	vshll.u32 v30, $0x3;
	v24 =	vshll.u32 v4, $0x3  }
0x236: {  	v25 =	vand.u32 $0x7F, v27;
	v27 =	vshll.u32 v27, $0x3;
	v36 =	vand.u32 $0x7F, v3  }
0x237: {  	v46 =	vshll.u32 v45, $0x3;
	v37 =	vand.u32 $0x7F, v45;
	v15 =	vshll.u32 v3, $0x3  }
0x238: {  	v30 =	vand.u32 $0x7F, v47;
	v19 =	vshll.u32 v47, $0x3;
	s23 =	sadd.s32 $0x19, s23;
	v45 =	vand.u32 $0x7F, v11  }
0x239: {  	v5 =	vand.u32 $0x7F, v10;
	v6 =	vshll.u32 v10, $0x3;
	v7 =	vshll.u32 v11, $0x3  }
0x23a: {  	v3 =	vshll.u32 v13, $0x3;
	v9 =	vand.u32 $0x7F, v12;
	v10 =	vshll.u32 v12, $0x3  }
0x23b: {  	v4 =	vand.u32 $0x7F, v13;
	v11 =	vand.u32 $0x7F, v48;
	v12 =	vshll.u32 v53, $0x3  }
0x23c: {  	v57 =	vand.u32 $0x7F, v53;
	v13 =	vshll.u32 v48, $0x3;
	v3 =	vand.u32 $0x3C00, v3  }
0x23d: {  	v58 =	vshll.u32 v50, $0x3;
	v60 =	vshll.u32 v49, $0x3;
	v3 =	vor.u32 v4, v3  }
0x23e: {  	v62 =	vand.u32 $0x7C00, v51;
	v41 =	vand.u32 $0x7C00, v41;
	v47 =	vadd.s32 v1, v3  }
0x23f: {  	v42 =	vand.u32 $0x7C00, v42;
	v12 =	vand.u32 $0x7C00, v12;
	v13 =	vand.u32 $0x7C00, v13  }
0x240: {  	v10 =	vand.u32 $0x7C00, v10;
	v4 =	vand.u32 $0x7C00, v58;
	v3 =	vor.u32 v57, v12  }
0x241: {  	v11 =	vor.u32 v11, v13;
	v59 =	vadd.s32 v1, v3;
	v3 =	vand.u32 $0x7F, v50  }
0x242: {  	v9 =	vor.u32 v9, v10;
	v11 =	vadd.s32 v1, v11;
	v4 =	vor.u32 v3, v4  }
0x243: {  	v12 =	vand.u32 $0x7F, v49;
	v49 =	vand.u32 $0x7C00, v60;
	v61 =	vadd.s32 v1, v4;
	v47 =	vld.idx.msk [tilespmem:v47+s2+$0x0], $0xffff  }
0x244: {  	v40 =	vand.u32 $0x7C00, v40;
	v9 =	vadd.s32 v1, v9;
	v12 =	vor.u32 v12, v49  }
0x245: {  	v44 =	vand.u32 $0x7C00, v44;
	v6 =	vand.u32 $0x7C00, v6;
	v12 =	vadd.s32 v1, v12  }
0x246: {  	v39 =	vand.u32 $0x7C00, v39;
	v43 =	vand.u32 $0x7C00, v43;
	v5 =	vor.u32 v5, v6;
	v13 =	vld.idx.msk [tilespmem:v59+s2+$0x0], $0xffff  }
0x247: {  	v46 =	vand.u32 $0x7C00, v46;
	v38 =	vand.u32 $0x7C00, v38;
	v5 =	vadd.s32 v1, v5;
	v11 =	vld.idx.msk [tilespmem:v11+s2+$0x0], $0xffff  }
0x248: {  	v63 =	vand.u32 $0x7C00, v19;
	v7 =	vand.u32 $0x7C00, v7;
	v10 =	vld.idx.msk [tilespmem:v61+s2+$0x0], $0xffff;
	v47 =	vsub.f32 v47, v2  }
0x249: {  	v15 =	vand.u32 $0x7C00, v15;
	v7 =	vor.u32 v45, v7;
	v6 =	vor.u32 v30, v63;
	v9 =	vld.idx.msk [tilespmem:v9+s2+$0x0], $0xffff  }
0x24a: {  	s31 =	simm.s32 $0x16;
	v30 =	vor.u32 v37, v46;
	v45 =	vor.u32 v8, v16;
	v12 =	vld.idx.msk [tilespmem:v12+s2+$0x0], $0xffff;
	v19 =	vmul.f32 $1.442695020e+00, v47  }
0x24b: {  	v63 =	vmov s31;
	v7 =	vadd.s32 v1, v7;
	v13 =	vsub.f32 v13, v2  }
0x24c: {  	v6 =	vadd.s32 v1, v6;
	v46 =	vadd.s32 v1, v45;
	v5 =	vld.idx.msk [tilespmem:v5+s2+$0x0], $0xffff;
	(erf) = vpow2.f32 v19  }
0x24d: {  	v3 =	vand.u32 $0x7C00, v52;
	v13 =	vmul.f32 $1.442695020e+00, v13;
	v10 =	vsub.f32 v10, v2  }
0x24e: {  	v4 =	vor.u32 v31, v62;
	v11 =	vsub.f32 v11, v2;
	v9 =	vsub.f32 v9, v2  }
0x24f: {  	v12 =	vsub.f32 v12, v2;
	v10 =	vmul.f32 $1.442695020e+00, v10;
	(erf) = vpow2.f32 v13  }
0x250: {  	v11 =	vmul.f32 $1.442695020e+00, v11;
	v9 =	vmul.f32 $1.442695020e+00, v9;
	v19 =	vadd.s32 v1, v30  }
0x251: {  	v5 =	vsub.f32 v5, v2;
	v12 =	vmul.f32 $1.442695020e+00, v12;
	(erf) = vpow2.f32 v10  }
0x252: {  	v7 =	vld.idx.msk [tilespmem:v7+s2+$0x0], $0xffff;
	v13 =	vor.u32 v36, v15;
	v15 =	vand.u32 $0x7C00, v27;
	v27 =	vand.u32 $0x7C00, v35  }
0x253: {  	v6 =	vld.idx.msk [tilespmem:v6+s2+$0x0], $0xffff;
	v10 =	vadd.s32 v1, v13;
	v13 =	vor.u32 v25, v15;
	(erf) = vpow2.f32 v12  }
0x254: {  	v15 =	vor.u32 v34, v27;
	v12 =	vadd.s32 v1, v13;
	v13 =	vand.u32 $0x7C00, v24  }
0x255: {  	v19 =	vld.idx.msk [tilespmem:v19+s2+$0x0], $0xffff;
	(erf) = vpow2.f32 v11;
	v11 =	vor.u32 v29, v13;
	v13 =	vand.u32 $0x7C00, v18;
	v18 =	vpop (erf)  }
0x256: {  	v3 =	vor.u32 v20, v3;
	v15 =	vadd.s32 v1, v15;
	v18 =	vadd.f32 v18, v33  }
0x257: {  	v7 =	vsub.f32 v7, v2;
	v5 =	vmul.f32 $1.442695020e+00, v5;
	(erf) = vpow2.f32 v9  }
0x258: {  	v6 =	vsub.f32 v6, v2;
	v10 =	vld.idx.msk [tilespmem:v10+s2+$0x0], $0xffff;
	v9 =	vadd.s32 v1, v11;
	v11 =	vor.u32 v14, v13;
	v13 =	vpop (erf)  }
0x259: {  	v7 =	vmul.f32 $1.442695020e+00, v7;
	(erf) = vpow2.f32 v5;
	v13 =	vadd.f32 v13, v18  }
0x25a: {  	v6 =	vmul.f32 $1.442695020e+00, v6;
	v12 =	vld.idx.msk [tilespmem:v12+s2+$0x0], $0xffff;
	v37 =	vadd.s32 v1, v11;
	v14 =	vsub.f32 v19, v2;
	v18 =	vpop (erf)  }
0x25b: {  	v15 =	vld.idx.msk [tilespmem:v15+s2+$0x0], $0xffff;
	v11 =	vor.u32 v26, v38;
	(erf) = vpow2.f32 v7;
	v13 =	vadd.f32 v18, v13  }
0x25c: {  	v38 =	vadd.s32 v1, v11;
	v11 =	vor.u32 v17, v43;
	v14 =	vmul.f32 $1.442695020e+00, v14;
	v17 =	vpop (erf)  }
0x25d: {  	v10 =	vsub.f32 v10, v2;
	(erf) = vpow2.f32 v6;
	v13 =	vadd.f32 v17, v13  }
0x25e: {  	v4 =	vadd.s32 v1, v4;
	v43 =	vadd.s32 v1, v11;
	v11 =	vor.u32 v28, v44;
	v17 =	vpop (erf)  }
0x25f: {  	v9 =	vld.idx.msk [tilespmem:v9+s2+$0x0], $0xffff;
	v10 =	vmul.f32 $1.442695020e+00, v10;
	(erf) = vpow2.f32 v14;
	v13 =	vadd.f32 v17, v13  }
0x260: {  	v11 =	vadd.s32 v1, v11;
	v12 =	vsub.f32 v12, v2;
	v15 =	vsub.f32 v15, v2;
	v17 =	vpop (erf)  }
0x261: {  	v3 =	vadd.s32 v1, v3;
	v5 =	vld.idx.msk [tilespmem:v37+s2+$0x0], $0xffff;
	(erf) = vpow2.f32 v10;
	v13 =	vadd.f32 v17, v13  }
0x262: {  	v7 =	vld.idx.msk [tilespmem:v38+s2+$0x0], $0xffff;
	v12 =	vmul.f32 $1.442695020e+00, v12;
	v15 =	vmul.f32 $1.442695020e+00, v15;
	v14 =	vor.u32 v23, v39;
	v17 =	vpop (erf)  }
0x263: {  	v55 =	vld [tilespmem:s22+$0x10010];
	v10 =	vadd.s32 v1, v14;
	v14 =	vor.u32 v22, v40;
	v13 =	vadd.f32 v17, v13  }
0x264: {  	v6 =	vld.idx.msk [tilespmem:v43+s2+$0x0], $0xffff;
	v9 =	vsub.f32 v9, v2;
	(erf) = vpow2.f32 v12;
	v12 =	vadd.s32 v1, v14;
	v17 =	vpop (erf)  }
0x265: {  	v11 =	vld.idx.msk [tilespmem:v11+s2+$0x0], $0xffff;
	(erf) = vpow2.f32 v15;
	v15 =	vor.u32 v21, v42;
	v13 =	vadd.f32 v17, v13  }
0x266: {  	v4 =	vld.idx.msk [tilespmem:v4+s2+$0x0], $0xffff;
	v5 =	vsub.f32 v5, v2;
	v14 =	vor.u32 v32, v41;
	v9 =	vmul.f32 $1.442695020e+00, v9;
	v17 =	vpop (erf)  }
0x267: {  	v3 =	vld.idx.msk [tilespmem:v3+s2+$0x0], $0xffff;
	v7 =	vsub.f32 v7, v2;
	v14 =	vadd.s32 v1, v14;
	v13 =	vadd.f32 v17, v13  }
0x268: {  	s24 =	simm.s32 $0x17;
	v5 =	vmul.f32 $1.442695020e+00, v5;
	v10 =	vld.idx.msk [tilespmem:v10+s2+$0x0], $0xffff;
	(erf) = vpow2.f32 v9;
	v9 =	vadd.s32 v1, v15;
	v15 =	vpop (erf)  }
0x269: {  	v20 =	vmov s24;
	v6 =	vsub.f32 v6, v2;
	v13 =	vadd.f32 v15, v13  }
0x26a: {  	v7 =	vmul.f32 $1.442695020e+00, v7;
	v44 =	vsub.f32 v11, v2;
	v12 =	vld.idx.msk [tilespmem:v12+s2+$0x0], $0xffff;
	(erf) = vpow2.f32 v5;
	v11 =	vpop (erf)  }
0x26b: {  	v59 =	vshll.u32 v55, $0x3;
	v4 =	vsub.f32 v4, v2;
	v11 =	vadd.f32 v11, v13  }
0x26c: {  	v60 =	vand.u32 $0xFFFFFC00, v59;
	v6 =	vmul.f32 $1.442695020e+00, v6;
	v14 =	vld.idx.msk [tilespmem:v14+s2+$0x0], $0xffff;
	(erf) = vpow2.f32 v7  }
0x26d: {  	v3 =	vsub.f32 v3, v2;
	v4 =	vmul.f32 $1.442695020e+00, v4;
	v8 =	vsub.f32 v10, v2;
	v10 =	vpop (erf)  }
0x26e: {  	s31 =	simm.s32 $0x11;
	v5 =	vmul.f32 $1.442695020e+00, v44;
	v9 =	vld.idx.msk [tilespmem:v9+s2+$0x0], $0xffff;
	(erf) = vpow2.f32 v6;
	v10 =	vadd.f32 v10, v11  }
0x26f: {  	v3 =	vmul.f32 $1.442695020e+00, v3;
	v25 =	vmov s31;
	v47 =	vsub.f32 v12, v2;
	v11 =	vpop (erf)  }
0x270: {  	s29 =	simm.s32 $0x13;
	s31 =	simm.s32 $0xD;
	v8 =	vmul.f32 $1.442695020e+00, v8;
	(erf) = vpow2.f32 v5;
	v10 =	vadd.f32 v11, v10  }
0x271: {  	v27 =	vmov s29;
	v24 =	vmov s31;
	v48 =	vsub.f32 v14, v2;
	v11 =	vpop (erf)  }
0x272: {  	s31 =	simm.s32 $0x9;
	v7 =	vmul.f32 $1.442695020e+00, v47;
	(erf) = vpow2.f32 v8;
	v10 =	vadd.f32 v11, v10  }
0x273: {  	v34 =	vand.u32 $0x7F, v63;
	v29 =	vmov s31;
	v8 =	vsub.f32 v9, v2;
	v9 =	vpop (erf)  }
0x274: {  	s29 =	simm.s32 $0xF;
	v5 =	vmul.f32 $1.442695020e+00, v48;
	(erf) = vpow2.f32 v7;
	v9 =	vadd.f32 v9, v10  }
0x275: {  	v45 =	vand.u32 $0x7F, v24;
	v33 =	vand.u32 $0x7F, v20;
	v28 =	vmov s29;
	v6 =	vld.idx.msk [tilespmem:v46+s2+$0x0], $0xffff;
	v49 =	vpop (erf)  }
0x276: {  	[tilespmem:$0x1FB60] =	vst v63;
	s29 =	simm.s32 $0xB;
	v8 =	vmul.f32 $1.442695020e+00, v8;
	(erf) = vpow2.f32 v5;
	v7 =	vadd.f32 v49, v9  }
0x277: {  	s26 =	simm.s32 $0x15;
	[tilespmem:$0x1FB70] =	vst v20;
	v26 =	vmov s29;
	v59 =	vshll.u32 v28, $0x3;
	v37 =	vand.u32 $0x7F, v27;
	v50 =	vpop (erf)  }
0x278: {  	[tilespmem:$0x1FB90] =	vst v27;
	v22 =	vmov s26;
	(erf) = vpow2.f32 v8;
	v5 =	vadd.f32 v50, v7  }
0x279: {  	[tilespmem:$0x1FBD0] =	vst v25;
	v38 =	vimm.f32 $-Inf;
	v40 =	vand.u32 $0x7F, v25;
	v35 =	vand.u32 $0x7F, v22;
	v51 =	vpop (erf)  }
0x27a: {  	s25 =	simm.s32 $0x14;
	s28 =	simm.s32 $0x12;
	[tilespmem:$0x1FBF0] =	vst v24;
	v6 =	vsub.f32 v6, v2;
	(erf) = vpow2.f32 v4;
	v5 =	vadd.f32 v51, v5  }
0x27b: {  	[tilespmem:$0x1FC40] =	vst v29;
	v21 =	vmov s25;
	v42 =	vand.u32 $0x7F, v28;
	v17 =	vmov s28;
	v52 =	vpop (erf)  }
0x27c: {  	[tilespmem:$0x1FBE0] =	vst v28;
	s28 =	simm.s32 $0xE;
	v53 =	vmul.f32 $1.442695020e+00, v6;
	(erf) = vpow2.f32 v3;
	v4 =	vadd.f32 v52, v5  }
0x27d: {  	s30 =	simm.s32 $0x10;
	[tilespmem:$0x1FC30] =	vst v26;
	v36 =	vand.u32 $0x7F, v21;
	v18 =	vmov s28;
	v39 =	vand.u32 $0x7F, v17;
	v3 =	vpop (erf)  }
0x27e: {  	[tilespmem:$0x1FB80] =	vst v22;
	s28 =	simm.s32 $0xA;
	v15 =	vmov s30;
	s30 =	simm.s32 $0xC;
	(erf) = vpow2.f32 v53;
	v3 =	vadd.f32 v3, v4  }
0x27f: {  	[tilespmem:$0x1FBA0] =	vst v21;
	v16 =	vmov s28;
	v44 =	vand.u32 $0x7F, v18;
	v23 =	vmov s30;
	v54 =	vpop (erf)  }
0x280: {  	[tilespmem:$0x1FBB0] =	vst v17;
	s30 =	simm.s32 $0x8;
	v46 =	vshll.u32 v22, $0x3;
	v4 =	vand.u32 $0x7F, v55;
	v3 =	vadd.f32 v54, v3  }
0x281: {  	s28 =	simm.s32 $0x5;
	[tilespmem:$0x1FC00] =	vst v18;
	v41 =	vand.u32 $0x7F, v15;
	v19 =	vmov s30;
	v56 =	vpop (erf);
	v4 =	vor.u32 v4, v60  }
0x282: {  	[tilespmem:$0x1FBC0] =	vst v15;
	s30 =	simm.s32 $0x0;
	v12 =	vmov s28;
	v14 =	vadd.s32 v1, v4;
	v3 =	vadd.f32 v56, v3  }
0x283: {  	s29 =	simm.s32 $0x7;
	s26 =	simm.s32 $0x4;
	[tilespmem:$0x1FC20] =	vst v16;
	v13 =	vmov s30;
	v47 =	vand.u32 $0x7F, v23;
	v48 =	vshll.u32 v21, $0x3;
	v57 =	vpop (erf)  }
0x284: {  	s24 =	simm.s32 $0x6;
	s31 =	simm.s32 $0x1;
	[tilespmem:$0x1FC10] =	vst v23;
	v6 =	vmov s26;
	v11 =	vmov s29;
	v3 =	vadd.f32 v57, v3  }
0x285: {  	[tilespmem:$0x1FC50] =	vst v19;
	v22 =	vshll.u32 v6, $0x3;
	v10 =	vmov s24;
	v8 =	vmov s31;
	v58 =	vpop (erf)  }
0x286: {  	[tilespmem:$0x1FC70] =	vst v6;
	v21 =	vand.u32 $0x7F, v10;
	v28 =	vshll.u32 v8, $0x3;
	v3 =	vadd.f32 v58, v3  }
0x287: {  	s23 =	simm.s32 $0x18;
	[tilespmem:$0x1FC60] =	vst v10;
	v49 =	vshll.u32 v27, $0x3;
	v27 =	vand.u32 $0x7F, v13;
	v7 =	vshll.u32 v20, $0x3;
	v61 =	vpop (erf);
	v14 =	vld.idx.msk [tilespmem:v14+s2+$0x0], $0xffff  }
0x288: {  	v50 =	vshll.u32 v23, $0x3;
	[tilespmem:s22+$0x10110] =	vst v2;
	v9 =	vadd.f32 v61, v3;
	v3 =	vmov s23  }
0x289: {  	v20 =	vshll.u32 v11, $0x3;
	v51 =	vshll.u32 v17, $0x3;
	[tilespmem:$0x1FB40] =	vst v3;
	v62 =	vshll.u32 v3, $0x3  }
0x28a: {  	v53 =	vand.u32 $0x7F, v16;
	v17 =	vand.u32 $0x7F, v6;
	v5 =	vshll.u32 v63, $0x3;
	[tilespmem:$0x1FB50] =	vst v62  }
0x28b: {  	p0 =	seq.s32 s21, $0x3;
	s25 =	simm.s32 $0x3;
	v52 =	vand.u32 $0x7F, v26;
	v63 =	vand.u32 $0x7F, v19;
	v43 =	vand.u32 $0x7C00, v5;
	s23 =	sshll.u32 s21, $0xD;
	[tilespmem:s22+$0x10210] =	vst v9  }
0x28c: {  	s29 =	simm.s32 $0x2;
	v55 =	vshll.u32 v15, $0x3;
	v30 =	vand.u32 $0x7F, v3;
	v3 =	vmov s25;
	s24 =	sadd.s32 @!p0 s23, s5;
	s25 =	simm.s32 @!p0 $0x0;
	[tilespmem:s22+$0x10310] =	vst v14  }
0x28d: {  	v15 =	vshll.u32 v10, $0x3;
	v60 =	vshll.u32 v24, $0x3;
	v4 =	vmov s29;
	[tilespmem:s25], [sflag:$0x1] =	stream.linear.gather @!p0 [hbm4b:s24+s25], $0x8000, $0x38;
	[tilespmem:$0x10400] =	vst v63  }
0x28e: {  	v54 =	vshll.u32 v25, $0x3;
	v25 =	vand.u32 $0x7F, v8;
	v23 =	vand.u32 $0x7F, v4;
	_ =	swait.ge [sflag:s16], $0x8000  }
0x28f: {  	v56 =	vshll.u32 v26, $0x3;
	v26 =	vshll.u32 v4, $0x3;
	v57 =	vshll.u32 v16, $0x3;
	[tilespmem:$0x1FC80] =	vst v3  }
0x290: {  	v16 =	vand.u32 $0x7F, v11;
	v2 =	vand.u32 $0x7C00, v7;
	v58 =	vand.u32 $0x7F, v29;
	[tilespmem:$0x1FC90] =	vst v8  }
0x291: {  	v61 =	vshll.u32 v29, $0x3;
	v29 =	vshll.u32 v13, $0x3;
	v32 =	vand.u32 $0x7C00, v62;
	[tilespmem:$0x1FCA0] =	vst v4  }
0x292: {  	v62 =	vshll.u32 v18, $0x3;
	v9 =	vshll.u32 v19, $0x3;
	v14 =	vand.u32 $0x7F, v12;
	[sflag:s16] =	ssyncset.done $0x0;
	[tilespmem:$0x1FCB0] =	vst v5  }
0x293: {  	v19 =	vand.u32 $0x7F, v3;
	v18 =	vshll.u32 v12, $0x3;
	v24 =	vshll.u32 v3, $0x3;
	s24 =	simm.s32 $0x31;
	[tilespmem:$0x1FCC0] =	vst v7;
	[sflag:s16] =	ssyncadd.s32 $0xFFFF8000  }
.LBB2_11:
0x294: {  	p1 =	sne.s32 s24, $0x3E7;
	v49 =	vand.u32 $0x7C00, v49;
	v48 =	vand.u32 $0x7C00, v48;
	v46 =	vand.u32 $0x7C00, v46  }
0x295: {  	v55 =	vand.u32 $0x7C00, v55;
	v54 =	vand.u32 $0x7C00, v54;
	v51 =	vand.u32 $0x7C00, v51  }
0x296: {  	v29 =	vand.u32 $0x3C00, v29;
	v62 =	vand.u32 $0x7C00, v62;
	v59 =	vand.u32 $0x7C00, v59  }
0x297: {  	v28 =	vand.u32 $0x7C00, v28;
	v27 =	vor.u32 v27, v29;
	v29 =	vand.u32 $0x7C00, v60  }
0x298: {  	v26 =	vand.u32 $0x7C00, v26;
	v25 =	vor.u32 v25, v28;
	v27 =	vadd.s32 v0, v27  }
0x299: {  	v24 =	vand.u32 $0x7C00, v24;
	v23 =	vor.u32 v23, v26;
	v25 =	vadd.s32 v0, v25  }
0x29a: {  	v22 =	vand.u32 $0x7C00, v22;
	v19 =	vor.u32 v19, v24;
	v23 =	vadd.s32 v0, v23  }
0x29b: {  	v18 =	vand.u32 $0x7C00, v18;
	v17 =	vor.u32 v17, v22;
	v19 =	vadd.s32 v0, v19  }
0x29c: {  	v15 =	vand.u32 $0x7C00, v15;
	v14 =	vor.u32 v14, v18;
	v17 =	vadd.s32 v0, v17  }
0x29d: {  	v20 =	vand.u32 $0x7C00, v20;
	v15 =	vor.u32 v21, v15;
	v14 =	vadd.s32 v0, v14;
	v18 =	vld.idx.msk [tilespmem:v27+s14+$0x0], $0xffff  }
0x29e: {  	v9 =	vand.u32 $0x7C00, v9;
	v16 =	vor.u32 v16, v20;
	v15 =	vadd.s32 v0, v15;
	v21 =	vld.idx.msk [tilespmem:v25+s14+$0x0], $0xffff  }
0x29f: {  	v9 =	vor.u32 v63, v9;
	v22 =	vand.u32 $0x7C00, v61;
	v16 =	vadd.s32 v0, v16;
	v20 =	vld.idx.msk [tilespmem:v23+s14+$0x0], $0xffff  }
0x2a0: {  	v9 =	vadd.s32 v0, v9;
	v22 =	vor.u32 v58, v22;
	v23 =	vand.u32 $0x7C00, v57;
	v19 =	vld.idx.msk [tilespmem:v19+s14+$0x0], $0xffff  }
0x2a1: {  	v24 =	vand.u32 $0x7C00, v56;
	v22 =	vadd.s32 v0, v22;
	v23 =	vor.u32 v53, v23;
	v17 =	vld.idx.msk [tilespmem:v17+s14+$0x0], $0xffff  }
0x2a2: {  	v24 =	vor.u32 v52, v24;
	v25 =	vand.u32 $0x7C00, v50;
	v23 =	vadd.s32 v0, v23;
	v14 =	vld.idx.msk [tilespmem:v14+s14+$0x0], $0xffff  }
0x2a3: {  	v24 =	vadd.s32 v0, v24;
	v25 =	vor.u32 v47, v25;
	v18 =	vmax.f32 v38, v18;
	v15 =	vld.idx.msk [tilespmem:v15+s14+$0x0], $0xffff  }
0x2a4: {  	v18 =	vmax.f32 v18, v21;
	v21 =	vadd.s32 v0, v25;
	v25 =	vor.u32 v45, v29;
	v16 =	vld.idx.msk [tilespmem:v16+s14+$0x0], $0xffff  }
0x2a5: {  	v18 =	vmax.f32 v18, v20;
	v20 =	vadd.s32 v0, v25;
	v25 =	vor.u32 v44, v62;
	v9 =	vld.idx.msk [tilespmem:v9+s14+$0x0], $0xffff  }
0x2a6: {  	v18 =	vmax.f32 v18, v19;
	v19 =	vld.idx.msk [tilespmem:v22+s14+$0x0], $0xffff;
	v22 =	vadd.s32 v0, v25;
	v25 =	vor.u32 v42, v59  }
0x2a7: {  	v17 =	vmax.f32 v18, v17;
	v18 =	vld.idx.msk [tilespmem:v23+s14+$0x0], $0xffff;
	v23 =	vadd.s32 v0, v25;
	v25 =	vor.u32 v41, v55  }
0x2a8: {  	v14 =	vmax.f32 v17, v14;
	v17 =	vld.idx.msk [tilespmem:v24+s14+$0x0], $0xffff;
	v24 =	vadd.s32 v0, v25;
	v25 =	vor.u32 v40, v54  }
0x2a9: {  	v14 =	vmax.f32 v14, v15;
	v15 =	vld.idx.msk [tilespmem:v21+s14+$0x0], $0xffff;
	v21 =	vadd.s32 v0, v25;
	v25 =	vor.u32 v39, v51  }
0x2aa: {  	v14 =	vmax.f32 v14, v16;
	v16 =	vld.idx.msk [tilespmem:v20+s14+$0x0], $0xffff;
	v20 =	vadd.s32 v0, v25;
	v25 =	vor.u32 v37, v49  }
0x2ab: {  	v9 =	vmax.f32 v14, v9;
	v14 =	vld.idx.msk [tilespmem:v22+s14+$0x0], $0xffff;
	v22 =	vadd.s32 v0, v25;
	v25 =	vor.u32 v36, v48  }
0x2ac: {  	v9 =	vmax.f32 v9, v19;
	v19 =	vld.idx.msk [tilespmem:v23+s14+$0x0], $0xffff;
	v23 =	vadd.s32 v0, v25;
	v25 =	vor.u32 v35, v46  }
0x2ad: {  	v9 =	vmax.f32 v9, v18;
	v18 =	vld.idx.msk [tilespmem:v24+s14+$0x0], $0xffff;
	v24 =	vadd.s32 v0, v25;
	v25 =	vor.u32 v34, v43  }
0x2ae: {  	v2 =	vor.u32 v33, v2;
	v9 =	vmax.f32 v9, v17;
	v17 =	vld.idx.msk [tilespmem:v21+s14+$0x0], $0xffff;
	v21 =	vadd.s32 v0, v25  }
0x2af: {  	v2 =	vadd.s32 v0, v2;
	v9 =	vmax.f32 v9, v15;
	v15 =	vld.idx.msk [tilespmem:v20+s14+$0x0], $0xffff;
	v20 =	vor.u32 v30, v32  }
0x2b0: {  	v9 =	vmax.f32 v9, v16;
	v16 =	vld.idx.msk [tilespmem:v22+s14+$0x0], $0xffff;
	v20 =	vadd.s32 v0, v20  }
0x2b1: {  	v22 =	vmov s24;
	v9 =	vmax.f32 v9, v14;
	v14 =	vld.idx.msk [tilespmem:v23+s14+$0x0], $0xffff  }
0x2b2: {  	s25 =	sadd.s32 $0xFFFFFFFE, s24;
	s26 =	sadd.s32 $0xFFFFFFFF, s24;
	v10 =	vand.u32 $0x7F, v22;
	v22 =	vshll.u32 v22, $0x3;
	v9 =	vmax.f32 v9, v19;
	v19 =	vld.idx.msk [tilespmem:v24+s14+$0x0], $0xffff  }
0x2b3: {  	s28 =	sadd.s32 $0xFFFFFFFC, s24;
	s29 =	sadd.s32 $0xFFFFFFFD, s24;
	v23 =	vmov s25;
	v24 =	vmov s26;
	v9 =	vmax.f32 v9, v18;
	v18 =	vld.idx.msk [tilespmem:v21+s14+$0x0], $0xffff  }
0x2b4: {  	v25 =	vmov s29;
	s25 =	sadd.s32 $0xFFFFFFFA, s24;
	s26 =	sadd.s32 $0xFFFFFFFB, s24;
	v21 =	vmov s28;
	v9 =	vmax.f32 v9, v17;
	v2 =	vld.idx.msk [tilespmem:v2+s14+$0x0], $0xffff  }
0x2b5: {  	s29 =	sadd.s32 $0xFFFFFFF9, s24;
	s28 =	sadd.s32 $0xFFFFFFF8, s24;
	v17 =	vmov s25;
	v26 =	vmov s26;
	v9 =	vmax.f32 v9, v15;
	v15 =	vld.idx.msk [tilespmem:v20+s14+$0x0], $0xffff  }
0x2b6: {  	v27 =	vmov s29;
	s25 =	sadd.s32 $0xFFFFFFF6, s24;
	s26 =	sadd.s32 $0xFFFFFFF7, s24;
	v20 =	vmov s28;
	v9 =	vmax.f32 v9, v16  }
0x2b7: {  	s29 =	sadd.s32 $0xFFFFFFF5, s24;
	v28 =	vmov s26;
	s28 =	sadd.s32 $0xFFFFFFF4, s24;
	v16 =	vmov s25;
	v9 =	vmax.f32 v9, v14  }
0x2b8: {  	v29 =	vmov s29;
	s26 =	sadd.s32 $0xFFFFFFF3, s24;
	s25 =	sadd.s32 $0xFFFFFFF2, s24;
	v14 =	vmov s28;
	v9 =	vmax.f32 v9, v19  }
0x2b9: {  	s29 =	sadd.s32 $0xFFFFFFF1, s24;
	v43 =	vmov s26;
	s28 =	sadd.s32 $0xFFFFFFF0, s24;
	v19 =	vmov s25;
	v9 =	vmax.f32 v9, v18  }
0x2ba: {  	v61 =	vmov s29;
	s26 =	sadd.s32 $0xFFFFFFEF, s24;
	s25 =	sadd.s32 $0xFFFFFFEE, s24;
	v18 =	vmov s28;
	v2 =	vmax.f32 v9, v2  }
0x2bb: {  	s30 =	sadd.s32 $0xFFFFFFED, s24;
	s29 =	sadd.s32 $0xFFFFFFEC, s24;
	s28 =	sadd.s32 $0xFFFFFFEB, s24;
	v30 =	vmov s25;
	v9 =	vmov s26;
	v38 =	vmax.f32 v2, v15  }
0x2bc: {  	s31 =	sadd.s32 $0xFFFFFFEA, s24;
	v7 =	vmov s30;
	v5 =	vmov s29;
	s25 =	sadd.s32 $0xFFFFFFE8, s24;
	s26 =	sadd.s32 $0xFFFFFFE9, s24;
	v2 =	vmov s28  }
0x2bd: {  	v4 =	vmov s31;
	v3 =	vmov s25;
	v31 =	vmov s26  }
0x2be: {  	v34 =	vand.u32 $0x7F, v23;
	v32 =	vand.u32 $0x7C00, v22;
	v33 =	vand.u32 $0x7F, v24  }
0x2bf: {  	v35 =	vand.u32 $0x7F, v25;
	v6 =	vshll.u32 v23, $0x3;
	v8 =	vshll.u32 v24, $0x3  }
0x2c0: {  	v46 =	vshll.u32 v25, $0x3;
	v37 =	vand.u32 $0x7F, v26;
	v36 =	vand.u32 $0x7F, v21  }
0x2c1: {  	v39 =	vand.u32 $0x7F, v17;
	v49 =	vshll.u32 v26, $0x3;
	v48 =	vshll.u32 v21, $0x3  }
0x2c2: {  	v40 =	vand.u32 $0x7F, v27;
	v51 =	vshll.u32 v17, $0x3;
	v41 =	vand.u32 $0x7F, v20  }
0x2c3: {  	v54 =	vshll.u32 v27, $0x3;
	v42 =	vand.u32 $0x7F, v28;
	v55 =	vshll.u32 v20, $0x3  }
0x2c4: {  	v45 =	vand.u32 $0x7F, v29;
	v59 =	vshll.u32 v28, $0x3;
	v44 =	vand.u32 $0x7F, v16  }
0x2c5: {  	v60 =	vshll.u32 v29, $0x3;
	v62 =	vshll.u32 v16, $0x3;
	v47 =	vand.u32 $0x7F, v14  }
0x2c6: {  	v52 =	vand.u32 $0x7F, v43;
	v50 =	vshll.u32 v14, $0x3;
	v53 =	vand.u32 $0x7F, v19  }
0x2c7: {  	v58 =	vand.u32 $0x7F, v61;
	v56 =	vshll.u32 v43, $0x3;
	v57 =	vshll.u32 v19, $0x3  }
0x2c8: {  	v61 =	vshll.u32 v61, $0x3;
	v63 =	vand.u32 $0x7F, v18;
	v16 =	vand.u32 $0x7F, v9  }
0x2c9: {  	v21 =	vand.u32 $0x7F, v30;
	v20 =	vshll.u32 v9, $0x3;
	v9 =	vshll.u32 v18, $0x3  }
.Ltmp6:
0x2ca: {  	v17 =	vand.u32 $0x7F, v5;
	v14 =	vand.u32 $0x7F, v7;
	v15 =	vshll.u32 v30, $0x3;
	v30 =	vmovc v10;
	(pc) =	sbr.rel @p1 .LBB2_11-.Ltmp6, $4  }
0x2cb: {  	v22 =	vshll.u32 v5, $0x3;
	v18 =	vshll.u32 v7, $0x3;
	v19 =	vand.u32 $0x7F, v2  }
0x2cc: {  	v23 =	vand.u32 $0x7F, v4;
	v25 =	vand.u32 $0x7F, v31;
	v24 =	vshll.u32 v2, $0x3  }
0x2cd: {  	v26 =	vshll.u32 v4, $0x3;
	v27 =	vand.u32 $0x7F, v3;
	v28 =	vshll.u32 v31, $0x3  }
0x2ce: {  	v43 =	vand.u32 $0x7C00, v6;
	s24 =	sadd.s32 $0x19, s24;
	v29 =	vshll.u32 v3, $0x3;
	v2 =	vand.u32 $0x7C00, v8  }
0x2cf: {  	v3 =	vand.u32 $0x3C00, v29  }
0x2d0: {  	v4 =	vand.u32 $0x7C00, v28;
	v5 =	vand.u32 $0x7C00, v26;
	v6 =	vand.u32 $0x7C00, v24  }
0x2d1: {  	v7 =	vand.u32 $0x7C00, v22;
	v8 =	vand.u32 $0x7C00, v18;
	v15 =	vand.u32 $0x7C00, v15  }
0x2d2: {  	v9 =	vand.u32 $0x7C00, v9;
	v18 =	vand.u32 $0x7C00, v56;
	v3 =	vor.u32 v27, v3  }
0x2d3: {  	v4 =	vor.u32 v25, v4;
	v5 =	vor.u32 v23, v5;
	v3 =	vadd.s32 v0, v3  }
0x2d4: {  	v6 =	vor.u32 v19, v6;
	v7 =	vor.u32 v17, v7;
	v4 =	vadd.s32 v0, v4  }
0x2d5: {  	v8 =	vor.u32 v14, v8;
	v14 =	vor.u32 v21, v15;
	v5 =	vadd.s32 v0, v5  }
0x2d6: {  	v15 =	vand.u32 $0x7C00, v20;
	v9 =	vor.u32 v63, v9;
	v6 =	vadd.s32 v0, v6  }
0x2d7: {  	v17 =	vand.u32 $0x7C00, v57;
	v18 =	vor.u32 v52, v18;
	v7 =	vadd.s32 v0, v7  }
0x2d8: {  	v19 =	vand.u32 $0x7C00, v50;
	v20 =	vand.u32 $0x7C00, v62;
	v8 =	vadd.s32 v0, v8;
	v3 =	vld.idx.msk [tilespmem:v3+s14+$0x0], $0xffff  }
0x2d9: {  	v52 =	vand.u32 $0x7C00, v59;
	v15 =	vor.u32 v16, v15;
	v14 =	vadd.s32 v0, v14;
	v4 =	vld.idx.msk [tilespmem:v4+s14+$0x0], $0xffff  }
0x2da: {  	v16 =	vand.u32 $0x7C00, v61;
	v17 =	vor.u32 v53, v17;
	v15 =	vadd.s32 v0, v15;
	v5 =	vld.idx.msk [tilespmem:v5+s14+$0x0], $0xffff  }
0x2db: {  	v19 =	vor.u32 v47, v19;
	v47 =	vand.u32 $0x7C00, v60;
	v9 =	vadd.s32 v0, v9;
	v6 =	vld.idx.msk [tilespmem:v6+s14+$0x0], $0xffff  }
0x2dc: {  	v50 =	vor.u32 v44, v20;
	v20 =	vand.u32 $0x7C00, v55;
	v16 =	vor.u32 v58, v16;
	v7 =	vld.idx.msk [tilespmem:v7+s14+$0x0], $0xffff  }
0x2dd: {  	v18 =	vadd.s32 v0, v18;
	v16 =	vadd.s32 v0, v16;
	v8 =	vld.idx.msk [tilespmem:v8+s14+$0x0], $0xffff;
	v3 =	vmax.f32 v38, v3  }
0x2de: {  	v17 =	vadd.s32 v0, v17;
	v53 =	vor.u32 v41, v20;
	v14 =	vld.idx.msk [tilespmem:v14+s14+$0x0], $0xffff;
	v3 =	vmax.f32 v3, v4  }
0x2df: {  	v19 =	vadd.s32 v0, v19;
	v15 =	vld.idx.msk [tilespmem:v15+s14+$0x0], $0xffff;
	v4 =	vor.u32 v45, v47;
	v3 =	vmax.f32 v3, v5  }
0x2e0: {  	v20 =	vand.u32 $0x7C00, v51;
	v4 =	vadd.s32 v0, v4;
	v3 =	vmax.f32 v3, v6  }
0x2e1: {  	v9 =	vld.idx.msk [tilespmem:v9+s14+$0x0], $0xffff;
	v5 =	vadd.s32 v0, v50;
	v6 =	vor.u32 v42, v52;
	v3 =	vmax.f32 v3, v7  }
0x2e2: {  	v16 =	vld.idx.msk [tilespmem:v16+s14+$0x0], $0xffff;
	v6 =	vadd.s32 v0, v6;
	v3 =	vmax.f32 v3, v8;
	v8 =	vand.u32 $0x7C00, v54  }
0x2e3: {  	v17 =	vld.idx.msk [tilespmem:v17+s14+$0x0], $0xffff;
	v7 =	vadd.s32 v0, v53;
	v8 =	vor.u32 v40, v8;
	v3 =	vmax.f32 v3, v14  }
0x2e4: {  	v18 =	vld.idx.msk [tilespmem:v18+s14+$0x0], $0xffff;
	v14 =	vor.u32 v39, v20;
	v20 =	vand.u32 $0x7C00, v48;
	v3 =	vmax.f32 v3, v15  }
0x2e5: {  	v19 =	vld.idx.msk [tilespmem:v19+s14+$0x0], $0xffff;
	v15 =	vand.u32 $0x7C00, v49;
	v8 =	vadd.s32 v0, v8;
	v14 =	vadd.s32 v0, v14  }
0x2e6: {  	v4 =	vld.idx.msk [tilespmem:v4+s14+$0x0], $0xffff;
	v15 =	vor.u32 v37, v15;
	v3 =	vmax.f32 v3, v9;
	v9 =	vor.u32 v36, v20  }
0x2e7: {  	v5 =	vld.idx.msk [tilespmem:v5+s14+$0x0], $0xffff;
	v3 =	vmax.f32 v3, v16;
	v16 =	vand.u32 $0x7C00, v46;
	v15 =	vadd.s32 v0, v15  }
0x2e8: {  	v6 =	vld.idx.msk [tilespmem:v6+s14+$0x0], $0xffff;
	v9 =	vadd.s32 v0, v9;
	v16 =	vor.u32 v35, v16;
	v3 =	vmax.f32 v3, v17  }
0x2e9: {  	v7 =	vld.idx.msk [tilespmem:v7+s14+$0x0], $0xffff;
	v17 =	vor.u32 v34, v43;
	v16 =	vadd.s32 v0, v16;
	v3 =	vmax.f32 v3, v18  }
0x2ea: {  	v2 =	vor.u32 v33, v2;
	v17 =	vadd.s32 v0, v17;
	v8 =	vld.idx.msk [tilespmem:v8+s14+$0x0], $0xffff;
	v3 =	vmax.f32 v3, v19  }
0x2eb: {  	v2 =	vadd.s32 v0, v2;
	v14 =	vld.idx.msk [tilespmem:v14+s14+$0x0], $0xffff;
	v3 =	vmax.f32 v3, v4  }
0x2ec: {  	v54 =	vld.idx.msk [tilespmem:v15+s14+$0x0], $0xffff;
	v3 =	vmax.f32 v3, v5  }
0x2ed: {  	v55 =	vld.idx.msk [tilespmem:v9+s14+$0x0], $0xffff;
	v3 =	vmax.f32 v3, v6  }
0x2ee: {  	v56 =	vld.idx.msk [tilespmem:v16+s14+$0x0], $0xffff;
	v3 =	vmax.f32 v3, v7  }
0x2ef: {  	v57 =	vld.idx.msk [tilespmem:v17+s14+$0x0], $0xffff;
	v3 =	vmax.f32 v3, v8  }
0x2f0: {  	v2 =	vld.idx.msk [tilespmem:v2+s14+$0x0], $0xffff;
	v3 =	vmax.f32 v3, v14  }
0x2f1: {  	v3 =	vmax.f32 v3, v54  }
0x2f2: {  	v3 =	vmax.f32 v3, v55  }
0x2f3: {  	v3 =	vmax.f32 v3, v56  }
0x2f4: {  	v3 =	vmax.f32 v3, v57  }
0x2f5: {  	v2 =	vmax.f32 v3, v2;
	v3 =	vld [tilespmem:$0x1FB40];
	_ =	sdelay $0x4  }
0x2f6: {  	v9 =	vand.u32 $0x7F, v3;
	v3 =	vld [tilespmem:$0x1FB50];
	_ =	sdelay $0x4  }
0x2f7: {  	v16 =	vand.u32 $0x7C00, v3;
	v3 =	vld [tilespmem:$0x1FB60];
	_ =	sdelay $0x4  }
0x2f8: {  	v31 =	vand.u32 $0x7F, v3;
	v3 =	vld [tilespmem:$0x1FB70];
	_ =	sdelay $0x4  }
0x2f9: {  	v20 =	vand.u32 $0x7F, v3;
	v3 =	vld [tilespmem:$0x1FBA0];
	_ =	sdelay $0x4  }
0x2fa: {  	v18 =	vor.u32 v30, v32;
	v32 =	vand.u32 $0x7F, v3;
	v41 =	vshll.u32 v3, $0x3;
	v3 =	vld [tilespmem:$0x1FB90];
	_ =	sdelay $0x4  }
0x2fb: {  	v22 =	vand.u32 $0x7F, v3;
	v40 =	vshll.u32 v3, $0x3;
	v3 =	vld [tilespmem:$0x1FBB0];
	_ =	sdelay $0x4  }
0x2fc: {  	v23 =	vand.u32 $0x7F, v3;
	v39 =	vshll.u32 v3, $0x3;
	v3 =	vld [tilespmem:$0x1FBC0];
	_ =	sdelay $0x4  }
0x2fd: {  	v17 =	vand.u32 $0x7F, v3;
	v43 =	vshll.u32 v3, $0x3;
	v3 =	vld [tilespmem:$0x1FC00];
	_ =	sdelay $0x3  }
0x2fe: {  	v10 =	vld [tilespmem:$0x1FC60]  }
0x2ff: {  	v15 =	vadd.s32 v0, v18;
	v14 =	vand.u32 $0x7F, v3;
	v18 =	vshll.u32 v3, $0x3;
	v3 =	vld [tilespmem:$0x1FC10]  }
0x300: {  	v59 =	vld [tilespmem:$0x1FBD0]  }
0x301: {  	v62 =	vld [tilespmem:$0x1FC30]  }
0x302: {  	v63 =	vld [tilespmem:$0x1FC40]  }
0x303: {  	v60 =	vld [tilespmem:$0x1FBE0]  }
0x304: {  	v34 =	vand.u32 $0x7F, v3;
	v35 =	vshll.u32 v3, $0x3;
	v3 =	vld [tilespmem:$0x1FC20]  }
0x305: {  	v61 =	vld [tilespmem:$0x1FBF0]  }
0x306: {  	v58 =	vld [tilespmem:$0x1FB80]  }
0x307: {  	v51 =	vld [tilespmem:$0x1FCB0]  }
0x308: {  	v33 =	vimm.f32 $0.0e+00;
	v8 =	vld.idx.msk [tilespmem:v15+s14+$0x0], $0xffff  }
0x309: {  	v28 =	vand.u32 $0x7F, v59;
	v36 =	vand.u32 $0x7F, v3;
	v15 =	vshll.u32 v3, $0x3;
	v3 =	vld [tilespmem:$0x1FC50]  }
0x30a: {  	v44 =	vshll.u32 v59, $0x3;
	v25 =	vand.u32 $0x7F, v62;
	v27 =	vshll.u32 v62, $0x3;
	v50 =	vld [tilespmem:$0x1FCA0]  }
0x30b: {  	v26 =	vand.u32 $0x7F, v60;
	v29 =	vand.u32 $0x7F, v61;
	v24 =	vshll.u32 v61, $0x3;
	v52 =	vld [tilespmem:$0x1FCC0]  }
0x30c: {  	v21 =	vand.u32 $0x7F, v58;
	v38 =	vshll.u32 v60, $0x3;
	v45 =	vand.u32 $0x7F, v11;
	v48 =	vld [tilespmem:$0x1FC70]  }
0x30d: {  	v42 =	vshll.u32 v58, $0x3;
	v53 =	vld [tilespmem:$0x1FC90];
	v37 =	vand.u32 $0x7F, v63;
	v46 =	vshll.u32 v63, $0x3  }
0x30e: {  	s24 =	simm.s32 $0x31;
	v49 =	vld [tilespmem:$0x1FC80];
	v2 =	vmax.f32 v2, v8;
	v30 =	vand.u32 $0x7F, v3;
	v19 =	vshll.u32 v3, $0x3  }
.LBB2_13:
0x30f: {  	p1 =	sne.s32 s24, $0x3E7;
	v8 =	vand.u32 $0x7F, v10;
	v10 =	vshll.u32 v10, $0x3;
	v11 =	vshll.u32 v11, $0x3  }
0x310: {  	v3 =	vshll.u32 v13, $0x3;
	v47 =	vand.u32 $0x7F, v12;
	v12 =	vshll.u32 v12, $0x3  }
0x311: {  	v4 =	vand.u32 $0x7F, v13;
	v13 =	vand.u32 $0x7F, v48;
	v3 =	vand.u32 $0x3C00, v3  }
0x312: {  	v7 =	vshll.u32 v48, $0x3;
	v3 =	vor.u32 v4, v3;
	v4 =	vshll.u32 v53, $0x3  }
0x313: {  	v5 =	vadd.s32 v0, v3;
	v3 =	vand.u32 $0x7F, v53;
	v4 =	vand.u32 $0x7C00, v4  }
0x314: {  	v6 =	vand.u32 $0x7F, v49;
	v3 =	vor.u32 v3, v4;
	v4 =	vshll.u32 v50, $0x3  }
0x315: {  	v48 =	vadd.s32 v0, v3;
	v3 =	vand.u32 $0x7F, v50;
	v4 =	vand.u32 $0x7C00, v4  }
0x316: {  	v49 =	vshll.u32 v49, $0x3;
	v4 =	vor.u32 v3, v4;
	v3 =	vand.u32 $0x7C00, v52  }
0x317: {  	v49 =	vand.u32 $0x7C00, v49;
	v50 =	vadd.s32 v0, v4;
	v4 =	vand.u32 $0x7C00, v51  }
0x318: {  	v49 =	vor.u32 v6, v49;
	v6 =	vand.u32 $0x7C00, v41;
	v51 =	vld.idx.msk [tilespmem:v5+s14+$0x0], $0xffff;
	v5 =	vand.u32 $0x7C00, v42  }
0x319: {  	v41 =	vadd.s32 v0, v49;
	v42 =	vand.u32 $0x7C00, v7;
	v7 =	vand.u32 $0x7C00, v40  }
0x31a: {  	v39 =	vand.u32 $0x7C00, v39;
	v13 =	vor.u32 v13, v42;
	v42 =	vand.u32 $0x7C00, v44;
	v40 =	vld.idx.msk [tilespmem:v48+s14+$0x0], $0xffff  }
0x31b: {  	v43 =	vand.u32 $0x7C00, v43;
	v12 =	vand.u32 $0x7C00, v12;
	v13 =	vadd.s32 v0, v13  }
0x31c: {  	v46 =	vand.u32 $0x7C00, v46;
	v38 =	vand.u32 $0x7C00, v38;
	v12 =	vor.u32 v47, v12;
	v44 =	vld.idx.msk [tilespmem:v50+s14+$0x0], $0xffff  }
0x31d: {  	v19 =	vand.u32 $0x7C00, v19;
	v10 =	vand.u32 $0x7C00, v10;
	v12 =	vadd.s32 v0, v12  }
0x31e: {  	v8 =	vor.u32 v8, v10;
	v10 =	vand.u32 $0x7C00, v11;
	v47 =	vsub.f32 v51, v2;
	v41 =	vld.idx.msk [tilespmem:v41+s14+$0x0], $0xffff  }
0x31f: {  	v11 =	vor.u32 v30, v19;
	v8 =	vadd.s32 v0, v8;
	v10 =	vor.u32 v45, v10  }
0x320: {  	v10 =	vadd.s32 v0, v10;
	v19 =	vmul.f32 $1.442695020e+00, v47;
	v30 =	vsub.f32 v40, v2;
	v13 =	vld.idx.msk [tilespmem:v13+s14+$0x0], $0xffff  }
0x321: {  	v15 =	vand.u32 $0x7C00, v15;
	v37 =	vor.u32 v37, v46;
	v11 =	vadd.s32 v0, v11  }
0x322: {  	v30 =	vmul.f32 $1.442695020e+00, v30;
	v40 =	vsub.f32 v44, v2;
	v12 =	vld.idx.msk [tilespmem:v12+s14+$0x0], $0xffff;
	(erf) = vpow2.f32 v19  }
0x323: {  	v27 =	vand.u32 $0x7C00, v27;
	v15 =	vor.u32 v36, v15;
	v19 =	vadd.s32 v0, v37  }
0x324: {  	v36 =	vmul.f32 $1.442695020e+00, v40;
	v37 =	vsub.f32 v41, v2;
	v8 =	vld.idx.msk [tilespmem:v8+s14+$0x0], $0xffff;
	(erf) = vpow2.f32 v30  }
0x325: {  	v25 =	vor.u32 v25, v27;
	v27 =	vand.u32 $0x7C00, v35;
	v15 =	vadd.s32 v0, v15;
	v10 =	vld.idx.msk [tilespmem:v10+s14+$0x0], $0xffff  }
0x326: {  	v30 =	vmul.f32 $1.442695020e+00, v37;
	v13 =	vsub.f32 v13, v2;
	(erf) = vpow2.f32 v36  }
0x327: {  	v24 =	vand.u32 $0x7C00, v24;
	v25 =	vadd.s32 v0, v25;
	v27 =	vor.u32 v34, v27;
	v11 =	vld.idx.msk [tilespmem:v11+s14+$0x0], $0xffff  }
0x328: {  	v13 =	vmul.f32 $1.442695020e+00, v13;
	v12 =	vsub.f32 v12, v2;
	(erf) = vpow2.f32 v30  }
0x329: {  	v24 =	vor.u32 v29, v24;
	v29 =	vand.u32 $0x7C00, v18;
	v27 =	vadd.s32 v0, v27;
	v19 =	vld.idx.msk [tilespmem:v19+s14+$0x0], $0xffff  }
0x32a: {  	v12 =	vmul.f32 $1.442695020e+00, v12;
	v8 =	vsub.f32 v8, v2;
	(erf) = vpow2.f32 v13  }
0x32b: {  	v14 =	vor.u32 v14, v29;
	v10 =	vsub.f32 v10, v2;
	v13 =	vld.idx.msk [tilespmem:v15+s14+$0x0], $0xffff;
	v15 =	vadd.s32 v0, v24;
	v18 =	vpop (erf)  }
0x32c: {  	v8 =	vmul.f32 $1.442695020e+00, v8;
	v18 =	vadd.f32 v18, v33;
	(erf) = vpow2.f32 v12  }
0x32d: {  	v14 =	vadd.s32 v0, v14;
	v24 =	vor.u32 v26, v38;
	v11 =	vsub.f32 v11, v2;
	v12 =	vld.idx.msk [tilespmem:v25+s14+$0x0], $0xffff;
	v25 =	vpop (erf)  }
0x32e: {  	v10 =	vmul.f32 $1.442695020e+00, v10;
	v18 =	vadd.f32 v25, v18;
	(erf) = vpow2.f32 v8  }
0x32f: {  	v17 =	vor.u32 v17, v43;
	v24 =	vadd.s32 v0, v24;
	v8 =	vsub.f32 v19, v2;
	v19 =	vld.idx.msk [tilespmem:v27+s14+$0x0], $0xffff;
	v25 =	vpop (erf)  }
0x330: {  	v11 =	vmul.f32 $1.442695020e+00, v11;
	v18 =	vadd.f32 v25, v18;
	(erf) = vpow2.f32 v10  }
0x331: {  	v10 =	vsub.f32 v13, v2;
	v13 =	vld.idx.msk [tilespmem:v15+s14+$0x0], $0xffff;
	v15 =	vadd.s32 v0, v17;
	v17 =	vor.u32 v28, v42;
	v25 =	vpop (erf)  }
0x332: {  	v8 =	vmul.f32 $1.442695020e+00, v8;
	v18 =	vadd.f32 v25, v18;
	(erf) = vpow2.f32 v11  }
0x333: {  	v11 =	vsub.f32 v12, v2;
	v12 =	vld.idx.msk [tilespmem:v14+s14+$0x0], $0xffff;
	v14 =	vadd.s32 v0, v17;
	v17 =	vor.u32 v23, v39;
	v23 =	vpop (erf)  }
0x334: {  	v10 =	vmul.f32 $1.442695020e+00, v10;
	v18 =	vadd.f32 v23, v18;
	(erf) = vpow2.f32 v8  }
0x335: {  	v7 =	vor.u32 v22, v7;
	v8 =	vsub.f32 v19, v2;
	v17 =	vadd.s32 v0, v17;
	v19 =	vld.idx.msk [tilespmem:v24+s14+$0x0], $0xffff;
	v22 =	vpop (erf)  }
0x336: {  	v11 =	vmul.f32 $1.442695020e+00, v11;
	v18 =	vadd.f32 v22, v18;
	(erf) = vpow2.f32 v10  }
0x337: {  	v6 =	vor.u32 v32, v6;
	v7 =	vadd.s32 v0, v7;
	v10 =	vsub.f32 v13, v2;
	v13 =	vld.idx.msk [tilespmem:v15+s14+$0x0], $0xffff;
	v15 =	vpop (erf)  }
0x338: {  	v8 =	vmul.f32 $1.442695020e+00, v8;
	v15 =	vadd.f32 v15, v18;
	(erf) = vpow2.f32 v11  }
0x339: {  	v6 =	vadd.s32 v0, v6;
	v5 =	vor.u32 v21, v5;
	v11 =	vsub.f32 v12, v2;
	v12 =	vld.idx.msk [tilespmem:v14+s14+$0x0], $0xffff;
	v14 =	vpop (erf)  }
0x33a: {  	v10 =	vmul.f32 $1.442695020e+00, v10;
	v14 =	vadd.f32 v14, v15;
	(erf) = vpow2.f32 v8  }
0x33b: {  	v4 =	vor.u32 v31, v4;
	v5 =	vadd.s32 v0, v5;
	v8 =	vsub.f32 v19, v2;
	v15 =	vld.idx.msk [tilespmem:v17+s14+$0x0], $0xffff;
	v17 =	vpop (erf)  }
0x33c: {  	v11 =	vmul.f32 $1.442695020e+00, v11;
	v14 =	vadd.f32 v17, v14;
	(erf) = vpow2.f32 v10  }
0x33d: {  	v3 =	vor.u32 v20, v3;
	v4 =	vadd.s32 v0, v4;
	v10 =	vsub.f32 v13, v2;
	v7 =	vld.idx.msk [tilespmem:v7+s14+$0x0], $0xffff;
	v13 =	vpop (erf)  }
0x33e: {  	v8 =	vmul.f32 $1.442695020e+00, v8;
	v13 =	vadd.f32 v13, v14;
	(erf) = vpow2.f32 v11  }
0x33f: {  	v3 =	vadd.s32 v0, v3;
	v11 =	vsub.f32 v12, v2;
	v14 =	vor.u32 v9, v16;
	v6 =	vld.idx.msk [tilespmem:v6+s14+$0x0], $0xffff;
	v12 =	vpop (erf)  }
0x340: {  	v10 =	vmul.f32 $1.442695020e+00, v10;
	v16 =	vadd.f32 v12, v13;
	(erf) = vpow2.f32 v8  }
0x341: {  	v8 =	vsub.f32 v15, v2;
	v13 =	vadd.s32 v0, v14;
	v5 =	vld.idx.msk [tilespmem:v5+s14+$0x0], $0xffff;
	v9 =	vpop (erf)  }
0x342: {  	v11 =	vmul.f32 $1.442695020e+00, v11;
	v9 =	vadd.f32 v9, v16;
	(erf) = vpow2.f32 v10  }
0x343: {  	v15 =	vmov s24;
	v7 =	vsub.f32 v7, v2;
	v4 =	vld.idx.msk [tilespmem:v4+s14+$0x0], $0xffff;
	v12 =	vpop (erf)  }
0x344: {  	v8 =	vmul.f32 $1.442695020e+00, v8;
	v16 =	vadd.f32 v12, v9;
	(erf) = vpow2.f32 v11  }
0x345: {  	v14 =	vshll.u32 v15, $0x3;
	v9 =	vand.u32 $0x7F, v15;
	v6 =	vsub.f32 v6, v2;
	v3 =	vld.idx.msk [tilespmem:v3+s14+$0x0], $0xffff;
	v10 =	vpop (erf)  }
0x346: {  	s25 =	sadd.s32 $0xFFFFFFFE, s24;
	s26 =	sadd.s32 $0xFFFFFFFF, s24;
	v7 =	vmul.f32 $1.442695020e+00, v7;
	v10 =	vadd.f32 v10, v16;
	(erf) = vpow2.f32 v8  }
0x347: {  	v15 =	vmov s26;
	v8 =	vmov s25;
	v5 =	vsub.f32 v5, v2;
	v11 =	vld.idx.msk [tilespmem:v13+s14+$0x0], $0xffff;
	v12 =	vpop (erf)  }
0x348: {  	s26 =	sadd.s32 $0xFFFFFFFD, s24;
	s25 =	sadd.s32 $0xFFFFFFFC, s24;
	v6 =	vmul.f32 $1.442695020e+00, v6;
	v10 =	vadd.f32 v12, v10;
	(erf) = vpow2.f32 v7  }
0x349: {  	v17 =	vmov s26;
	v7 =	vmov s25;
	v4 =	vsub.f32 v4, v2;
	v12 =	vpop (erf)  }
0x34a: {  	s26 =	sadd.s32 $0xFFFFFFFB, s24;
	s25 =	sadd.s32 $0xFFFFFFFA, s24;
	v5 =	vmul.f32 $1.442695020e+00, v5;
	v10 =	vadd.f32 v12, v10;
	(erf) = vpow2.f32 v6  }
0x34b: {  	v18 =	vmov s26;
	v6 =	vmov s25;
	v3 =	vsub.f32 v3, v2;
	v12 =	vpop (erf)  }
0x34c: {  	s26 =	sadd.s32 $0xFFFFFFF9, s24;
	s25 =	sadd.s32 $0xFFFFFFF8, s24;
	v4 =	vmul.f32 $1.442695020e+00, v4;
	v10 =	vadd.f32 v12, v10;
	(erf) = vpow2.f32 v5  }
0x34d: {  	v19 =	vmov s26;
	v5 =	vmov s25;
	v11 =	vsub.f32 v11, v2;
	v12 =	vpop (erf)  }
0x34e: {  	s28 =	sadd.s32 $0xFFFFFFF7, s24;
	s26 =	sadd.s32 $0xFFFFFFF6, s24;
	s25 =	sadd.s32 $0xFFFFFFF5, s24;
	v3 =	vmul.f32 $1.442695020e+00, v3;
	v10 =	vadd.f32 v12, v10;
	(erf) = vpow2.f32 v4  }
0x34f: {  	v25 =	vmov s28;
	v24 =	vmov s26;
	v4 =	vmov s25;
	v12 =	vpop (erf)  }
0x350: {  	s28 =	sadd.s32 $0xFFFFFFF4, s24;
	s26 =	sadd.s32 $0xFFFFFFF3, s24;
	s25 =	sadd.s32 $0xFFFFFFF2, s24;
	v11 =	vmul.f32 $1.442695020e+00, v11;
	v10 =	vadd.f32 v12, v10;
	(erf) = vpow2.f32 v3  }
0x351: {  	s29 =	sadd.s32 $0xFFFFFFF1, s24;
	v30 =	vmov s28;
	v27 =	vmov s26;
	v3 =	vmov s25;
	v12 =	vpop (erf)  }
0x352: {  	v45 =	vmov s29;
	s28 =	sadd.s32 $0xFFFFFFF0, s24;
	s26 =	sadd.s32 $0xFFFFFFEF, s24;
	s25 =	sadd.s32 $0xFFFFFFEE, s24;
	v13 =	vadd.f32 v12, v10;
	(erf) = vpow2.f32 v11  }
0x353: {  	s30 =	sadd.s32 $0xFFFFFFED, s24;
	s29 =	sadd.s32 $0xFFFFFFEC, s24;
	v47 =	vmov s28;
	v10 =	vmov s25;
	v11 =	vmov s26;
	v16 =	vpop (erf)  }
0x354: {  	v48 =	vmov s29;
	s28 =	sadd.s32 $0xFFFFFFEB, s24;
	s25 =	sadd.s32 $0xFFFFFFE9, s24;
	s26 =	sadd.s32 $0xFFFFFFEA, s24;
	v12 =	vmov s30;
	v20 =	vadd.f32 v16, v13  }
0x355: {  	s29 =	sadd.s32 $0xFFFFFFE8, s24;
	v49 =	vmov s28;
	v53 =	vmov s25;
	v50 =	vmov s26;
	v21 =	vpop (erf)  }
0x356: {  	v13 =	vmov s29;
	v16 =	vand.u32 $0x7C00, v14;
	v14 =	vadd.f32 v21, v20  }
0x357: {  	v52 =	vshll.u32 v15, $0x3;
	v31 =	vand.u32 $0x7F, v8;
	v20 =	vand.u32 $0x7F, v15;
	v15 =	vpop (erf)  }
0x358: {  	v51 =	vshll.u32 v8, $0x3;
	v21 =	vand.u32 $0x7F, v17;
	v8 =	vadd.f32 v15, v14  }
0x359: {  	v42 =	vshll.u32 v17, $0x3;
	v32 =	vand.u32 $0x7F, v7;
	v41 =	vshll.u32 v7, $0x3;
	v7 =	vpop (erf)  }
0x35a: {  	v22 =	vand.u32 $0x7F, v18;
	v40 =	vshll.u32 v18, $0x3;
	v7 =	vadd.f32 v7, v8  }
0x35b: {  	v28 =	vand.u32 $0x7F, v19;
	v23 =	vand.u32 $0x7F, v6;
	v39 =	vshll.u32 v6, $0x3;
	v6 =	vpop (erf)  }
0x35c: {  	v44 =	vshll.u32 v19, $0x3;
	v17 =	vand.u32 $0x7F, v5;
	v33 =	vadd.f32 v6, v7  }
0x35d: {  	v26 =	vand.u32 $0x7F, v25;
	v38 =	vshll.u32 v25, $0x3;
	v43 =	vshll.u32 v5, $0x3  }
.Ltmp7:
0x35e: {  	v18 =	vshll.u32 v24, $0x3;
	v29 =	vand.u32 $0x7F, v4;
	v14 =	vand.u32 $0x7F, v24;
	(pc) =	sbr.rel @p1 .LBB2_13-.Ltmp7, $4  }
0x35f: {  	v34 =	vand.u32 $0x7F, v30;
	v35 =	vshll.u32 v30, $0x3;
	v24 =	vshll.u32 v4, $0x3  }
0x360: {  	v25 =	vand.u32 $0x7F, v27;
	v27 =	vshll.u32 v27, $0x3;
	v36 =	vand.u32 $0x7F, v3  }
0x361: {  	v46 =	vshll.u32 v45, $0x3;
	v37 =	vand.u32 $0x7F, v45;
	v15 =	vshll.u32 v3, $0x3  }
0x362: {  	v30 =	vand.u32 $0x7F, v47;
	v19 =	vshll.u32 v47, $0x3;
	s24 =	sadd.s32 $0x19, s24;
	v45 =	vand.u32 $0x7F, v11  }
0x363: {  	v5 =	vand.u32 $0x7F, v10;
	v6 =	vshll.u32 v10, $0x3;
	v7 =	vshll.u32 v11, $0x3  }
0x364: {  	v3 =	vshll.u32 v13, $0x3;
	v8 =	vand.u32 $0x7F, v12;
	v10 =	vshll.u32 v12, $0x3  }
0x365: {  	v4 =	vand.u32 $0x7F, v13;
	v11 =	vand.u32 $0x7F, v48;
	v12 =	vshll.u32 v53, $0x3  }
0x366: {  	v58 =	vand.u32 $0x7F, v53;
	v13 =	vshll.u32 v48, $0x3;
	v59 =	vshll.u32 v50, $0x3  }
0x367: {  	v61 =	vshll.u32 v49, $0x3;
	v3 =	vand.u32 $0x3C00, v3;
	v12 =	vand.u32 $0x7C00, v12  }
0x368: {  	v13 =	vand.u32 $0x7C00, v13;
	v10 =	vand.u32 $0x7C00, v10;
	v3 =	vor.u32 v4, v3  }
0x369: {  	v6 =	vand.u32 $0x7C00, v6;
	v11 =	vor.u32 v11, v13;
	v47 =	vadd.s32 v0, v3  }
0x36a: {  	v7 =	vand.u32 $0x7C00, v7;
	v8 =	vor.u32 v8, v10;
	v11 =	vadd.s32 v0, v11  }
0x36b: {  	v4 =	vand.u32 $0x7C00, v59;
	v5 =	vor.u32 v5, v6;
	v8 =	vadd.s32 v0, v8  }
0x36c: {  	v6 =	vand.u32 $0x7C00, v19;
	v7 =	vor.u32 v45, v7;
	v5 =	vadd.s32 v0, v5  }
0x36d: {  	v3 =	vor.u32 v58, v12;
	v12 =	vand.u32 $0x7F, v49;
	v7 =	vadd.s32 v0, v7  }
0x36e: {  	v49 =	vand.u32 $0x7C00, v61;
	v6 =	vor.u32 v30, v6;
	v60 =	vadd.s32 v0, v3;
	v47 =	vld.idx.msk [tilespmem:v47+s14+$0x0], $0xffff  }
0x36f: {  	v3 =	vand.u32 $0x7F, v50;
	v12 =	vor.u32 v12, v49;
	v6 =	vadd.s32 v0, v6;
	v11 =	vld.idx.msk [tilespmem:v11+s14+$0x0], $0xffff  }
0x370: {  	v63 =	vand.u32 $0x7C00, v51;
	v4 =	vor.u32 v3, v4;
	v12 =	vadd.s32 v0, v12;
	v8 =	vld.idx.msk [tilespmem:v8+s14+$0x0], $0xffff  }
0x371: {  	v41 =	vand.u32 $0x7C00, v41;
	v42 =	vand.u32 $0x7C00, v42;
	v62 =	vadd.s32 v0, v4;
	v5 =	vld.idx.msk [tilespmem:v5+s14+$0x0], $0xffff  }
0x372: {  	v40 =	vand.u32 $0x7C00, v40;
	v3 =	vand.u32 $0x7C00, v52;
	v4 =	vor.u32 v31, v63;
	v7 =	vld.idx.msk [tilespmem:v7+s14+$0x0], $0xffff  }
0x373: {  	v44 =	vand.u32 $0x7C00, v44;
	v3 =	vor.u32 v20, v3;
	v4 =	vadd.s32 v0, v4;
	v13 =	vld.idx.msk [tilespmem:v60+s14+$0x0], $0xffff  }
0x374: {  	v39 =	vand.u32 $0x7C00, v39;
	v43 =	vand.u32 $0x7C00, v43;
	v3 =	vadd.s32 v0, v3;
	v6 =	vld.idx.msk [tilespmem:v6+s14+$0x0], $0xffff  }
0x375: {  	v46 =	vand.u32 $0x7C00, v46;
	v38 =	vand.u32 $0x7C00, v38;
	v15 =	vand.u32 $0x7C00, v15;
	v12 =	vld.idx.msk [tilespmem:v12+s14+$0x0], $0xffff  }
0x376: {  	s26 =	simm.s32 $0x14;
	v30 =	vor.u32 v37, v46;
	v10 =	vld.idx.msk [tilespmem:v62+s14+$0x0], $0xffff;
	v47 =	vsub.f32 v47, v2;
	v11 =	vsub.f32 v11, v2  }
0x377: {  	v20 =	vmov s26;
	v8 =	vsub.f32 v8, v2;
	v5 =	vsub.f32 v5, v2  }
0x378: {  	v4 =	vld.idx.msk [tilespmem:v4+s14+$0x0], $0xffff;
	v7 =	vsub.f32 v7, v2;
	v13 =	vsub.f32 v13, v2;
	v19 =	vmul.f32 $1.442695020e+00, v47  }
0x379: {  	v3 =	vld.idx.msk [tilespmem:v3+s14+$0x0], $0xffff;
	v6 =	vsub.f32 v6, v2;
	v11 =	vmul.f32 $1.442695020e+00, v11;
	v8 =	vmul.f32 $1.442695020e+00, v8  }
0x37a: {  	v12 =	vsub.f32 v12, v2;
	v5 =	vmul.f32 $1.442695020e+00, v5;
	(erf) = vpow2.f32 v19  }
0x37b: {  	v7 =	vmul.f32 $1.442695020e+00, v7;
	v13 =	vmul.f32 $1.442695020e+00, v13;
	v10 =	vsub.f32 v10, v2  }
0x37c: {  	v48 =	vshll.u32 v20, $0x3;
	v6 =	vmul.f32 $1.442695020e+00, v6;
	v12 =	vmul.f32 $1.442695020e+00, v12  }
0x37d: {  	v19 =	vadd.s32 v0, v30;
	v10 =	vmul.f32 $1.442695020e+00, v10;
	(erf) = vpow2.f32 v13  }
0x37e: {  	v4 =	vsub.f32 v4, v2;
	v3 =	vsub.f32 v3, v2;
	v13 =	vor.u32 v36, v15  }
0x37f: {  	v15 =	vand.u32 $0x7C00, v27;
	v27 =	vand.u32 $0x7C00, v35;
	(erf) = vpow2.f32 v10  }
0x380: {  	v36 =	vand.u32 $0x7F, v20;
	v4 =	vmul.f32 $1.442695020e+00, v4;
	v3 =	vmul.f32 $1.442695020e+00, v3  }
0x381: {  	v10 =	vadd.s32 v0, v13;
	v13 =	vor.u32 v25, v15;
	(erf) = vpow2.f32 v12  }
0x382: {  	v15 =	vor.u32 v34, v27;
	v12 =	vadd.s32 v0, v13;
	v13 =	vand.u32 $0x7C00, v24  }
0x383: {  	s31 =	simm.s32 $0x13;
	v19 =	vld.idx.msk [tilespmem:v19+s14+$0x0], $0xffff;
	(erf) = vpow2.f32 v11;
	v11 =	vor.u32 v29, v13;
	v13 =	vand.u32 $0x7C00, v18;
	v18 =	vpop (erf)  }
0x384: {  	v27 =	vmov s31;
	v15 =	vadd.s32 v0, v15;
	v18 =	vadd.f32 v18, v33  }
0x385: {  	v37 =	vand.u32 $0x7F, v27;
	v49 =	vshll.u32 v27, $0x3;
	(erf) = vpow2.f32 v8  }
0x386: {  	v10 =	vld.idx.msk [tilespmem:v10+s14+$0x0], $0xffff;
	v8 =	vadd.s32 v0, v11;
	v11 =	vor.u32 v14, v13;
	v13 =	vpop (erf);
	(erf) = vpow2.f32 v5  }
0x387: {  	s25 =	simm.s32 $0x17;
	v12 =	vld.idx.msk [tilespmem:v12+s14+$0x0], $0xffff;
	v51 =	vadd.s32 v0, v11;
	v11 =	vor.u32 v26, v38;
	v13 =	vadd.f32 v13, v18  }
0x388: {  	v14 =	vsub.f32 v19, v2;
	v38 =	vimm.f32 $-Inf;
	v19 =	vmov s25;
	v18 =	vpop (erf)  }
0x389: {  	v15 =	vld.idx.msk [tilespmem:v15+s14+$0x0], $0xffff;
	v33 =	vand.u32 $0x7F, v19;
	(erf) = vpow2.f32 v7;
	v13 =	vadd.f32 v18, v13  }
0x38a: {  	v14 =	vmul.f32 $1.442695020e+00, v14;
	v7 =	vadd.s32 v0, v11;
	v11 =	vor.u32 v17, v43;
	v17 =	vpop (erf)  }
0x38b: {  	v10 =	vsub.f32 v10, v2;
	(erf) = vpow2.f32 v6;
	v13 =	vadd.f32 v17, v13  }
0x38c: {  	v8 =	vld.idx.msk [tilespmem:v8+s14+$0x0], $0xffff;
	v12 =	vsub.f32 v12, v2;
	v6 =	vadd.s32 v0, v11;
	v11 =	vor.u32 v28, v44;
	v17 =	vpop (erf)  }
0x38d: {  	s31 =	simm.s32 $0xF;
	v5 =	vld.idx.msk [tilespmem:v51+s14+$0x0], $0xffff;
	v10 =	vmul.f32 $1.442695020e+00, v10;
	(erf) = vpow2.f32 v14;
	v13 =	vadd.f32 v17, v13  }
0x38e: {  	v15 =	vsub.f32 v15, v2;
	v28 =	vmov s31;
	v11 =	vadd.s32 v0, v11;
	v17 =	vpop (erf)  }
0x38f: {  	v14 =	vor.u32 v23, v39;
	(erf) = vpow2.f32 v10;
	v13 =	vadd.f32 v17, v13  }
0x390: {  	v12 =	vmul.f32 $1.442695020e+00, v12;
	v15 =	vmul.f32 $1.442695020e+00, v15;
	v10 =	vadd.s32 v0, v14;
	v17 =	vpop (erf)  }
0x391: {  	v7 =	vld.idx.msk [tilespmem:v7+s14+$0x0], $0xffff;
	v14 =	vor.u32 v22, v40;
	v8 =	vsub.f32 v8, v2;
	v13 =	vadd.f32 v17, v13  }
0x392: {  	v6 =	vld.idx.msk [tilespmem:v6+s14+$0x0], $0xffff;
	v5 =	vsub.f32 v5, v2;
	(erf) = vpow2.f32 v12;
	v12 =	vadd.s32 v0, v14;
	v17 =	vpop (erf)  }
0x393: {  	s31 =	simm.s32 $0xB;
	v11 =	vld.idx.msk [tilespmem:v11+s14+$0x0], $0xffff;
	(erf) = vpow2.f32 v15;
	v15 =	vor.u32 v21, v42;
	v13 =	vadd.f32 v17, v13  }
0x394: {  	v25 =	vmov s31;
	v14 =	vor.u32 v32, v41;
	v8 =	vmul.f32 $1.442695020e+00, v8;
	v17 =	vpop (erf)  }
0x395: {  	v14 =	vadd.s32 v0, v14;
	v5 =	vmul.f32 $1.442695020e+00, v5;
	v13 =	vadd.f32 v17, v13  }
0x396: {  	s28 =	simm.s32 $0x15;
	v7 =	vsub.f32 v7, v2;
	v10 =	vld.idx.msk [tilespmem:v10+s14+$0x0], $0xffff;
	(erf) = vpow2.f32 v8;
	v8 =	vadd.s32 v0, v15;
	v15 =	vpop (erf)  }
0x397: {  	v21 =	vmov s28;
	v6 =	vsub.f32 v6, v2;
	v13 =	vadd.f32 v15, v13  }
0x398: {  	v12 =	vld.idx.msk [tilespmem:v12+s14+$0x0], $0xffff;
	v7 =	vmul.f32 $1.442695020e+00, v7;
	(erf) = vpow2.f32 v5;
	v52 =	vsub.f32 v11, v2;
	v11 =	vpop (erf)  }
0x399: {  	v42 =	vand.u32 $0x7F, v28;
	v35 =	vand.u32 $0x7F, v21;
	v11 =	vadd.f32 v11, v13  }
0x39a: {  	v46 =	vshll.u32 v21, $0x3;
	v6 =	vmul.f32 $1.442695020e+00, v6;
	(erf) = vpow2.f32 v7  }
0x39b: {  	s30 =	simm.s32 $0x12;
	v7 =	vor.u32 v9, v16;
	v5 =	vmul.f32 $1.442695020e+00, v52;
	v9 =	vsub.f32 v10, v2;
	v10 =	vpop (erf)  }
0x39c: {  	v14 =	vld.idx.msk [tilespmem:v14+s14+$0x0], $0xffff;
	v16 =	vmov s30;
	(erf) = vpow2.f32 v6;
	v10 =	vadd.f32 v10, v11  }
0x39d: {  	s30 =	simm.s32 $0xE;
	v6 =	vadd.s32 v0, v7;
	v7 =	vsub.f32 v12, v2;
	v9 =	vmul.f32 $1.442695020e+00, v9;
	v11 =	vpop (erf)  }
0x39e: {  	v52 =	vand.u32 $0x7F, v25;
	v17 =	vmov s30;
	v8 =	vld.idx.msk [tilespmem:v8+s14+$0x0], $0xffff;
	v10 =	vadd.f32 v11, v10  }
0x39f: {  	s30 =	simm.s32 $0xA;
	v39 =	vand.u32 $0x7F, v16;
	v7 =	vmul.f32 $1.442695020e+00, v7;
	(erf) = vpow2.f32 v5;
	v11 =	vpop (erf)  }
0x3a0: {  	v51 =	vshll.u32 v16, $0x3;
	v15 =	vmov s30;
	v10 =	vadd.f32 v11, v10  }
0x3a1: {  	s26 =	simm.s32 $0x10;
	s25 =	simm.s32 $0x0;
	v44 =	vand.u32 $0x7F, v17;
	v53 =	vsub.f32 v14, v2;
	(erf) = vpow2.f32 v9;
	v9 =	vpop (erf)  }
0x3a2: {  	[tilespmem:$0x1FA10] =	vst v20;
	v13 =	vmov s25;
	v14 =	vmov s26;
	v9 =	vadd.f32 v9, v10  }
0x3a3: {  	[tilespmem:$0x1FA00] =	vst v27;
	s26 =	simm.s32 $0xC;
	v8 =	vsub.f32 v8, v2;
	v6 =	vld.idx.msk [tilespmem:v6+s14+$0x0], $0xffff;
	v5 =	vmul.f32 $1.442695020e+00, v53;
	(erf) = vpow2.f32 v7;
	v7 =	vpop (erf)  }
0x3a4: {  	[tilespmem:$0x1F9E0] =	vst v19;
	v27 =	vand.u32 $0x7F, v13;
	v22 =	vmov s26;
	v7 =	vadd.f32 v7, v9  }
0x3a5: {  	[tilespmem:$0x1FA50] =	vst v28;
	s26 =	simm.s32 $0x8;
	v41 =	vand.u32 $0x7F, v14;
	v8 =	vmul.f32 $1.442695020e+00, v8;
	(erf) = vpow2.f32 v5  }
0x3a6: {  	v58 =	vld [tilespmem:s22+$0x10020];
	s31 =	simm.s32 $0x7;
	[tilespmem:$0x1FAA0] =	vst v25;
	v18 =	vmov s26;
	v47 =	vand.u32 $0x7F, v22;
	v50 =	vshll.u32 v22, $0x3;
	v54 =	vpop (erf)  }
0x3a7: {  	[tilespmem:$0x1F9F0] =	vst v21;
	v11 =	vmov s31;
	(erf) = vpow2.f32 v8;
	v5 =	vadd.f32 v54, v7  }
0x3a8: {  	[tilespmem:$0x1FA20] =	vst v16;
	s30 =	simm.s32 $0x6;
	v53 =	vand.u32 $0x7F, v15;
	v16 =	vand.u32 $0x7F, v11;
	v6 =	vsub.f32 v6, v2;
	v7 =	vpop (erf)  }
0x3a9: {  	[tilespmem:$0x1FA70] =	vst v17;
	v10 =	vmov s30;
	(erf) = vpow2.f32 v4;
	v5 =	vadd.f32 v7, v5  }
0x3aa: {  	[tilespmem:$0x1FA90] =	vst v15;
	v20 =	vshll.u32 v11, $0x3;
	v21 =	vand.u32 $0x7F, v10;
	v56 =	vmul.f32 $1.442695020e+00, v6;
	v55 =	vpop (erf)  }
0x3ab: {  	s29 =	simm.s32 $0x16;
	[tilespmem:$0x1FA30] =	vst v14;
	s31 =	simm.s32 $0x1;
	v6 =	vshll.u32 v58, $0x3;
	(erf) = vpow2.f32 v3;
	v4 =	vadd.f32 v55, v5  }
0x3ac: {  	[tilespmem:$0x1FA80] =	vst v22;
	v9 =	vmov s31;
	v62 =	vand.u32 $0xFFFFFC00, v6;
	v7 =	vmov s29;
	s29 =	simm.s32 $0x11;
	v3 =	vpop (erf)  }
0x3ad: {  	[tilespmem:$0x1FAC0] =	vst v18;
	(erf) = vpow2.f32 v56;
	v24 =	vmov s29;
	s29 =	simm.s32 $0xD;
	v3 =	vadd.f32 v3, v4  }
0x3ae: {  	[tilespmem:$0x1FAD0] =	vst v10;
	v34 =	vand.u32 $0x7F, v7;
	v56 =	vshll.u32 v14, $0x3;
	v57 =	vpop (erf);
	v23 =	vmov s29  }
0x3af: {  	[tilespmem:$0x1F9D0] =	vst v7;
	v5 =	vshll.u32 v7, $0x3;
	v7 =	vshll.u32 v19, $0x3;
	v3 =	vadd.f32 v57, v3  }
0x3b0: {  	[tilespmem:$0x1FB00] =	vst v9;
	v40 =	vand.u32 $0x7F, v24;
	v54 =	vshll.u32 v24, $0x3;
	v59 =	vpop (erf);
	v4 =	vand.u32 $0x7F, v58  }
0x3b1: {  	s29 =	simm.s32 $0x9;
	[tilespmem:$0x1FA40] =	vst v24;
	v55 =	vshll.u32 v25, $0x3;
	v4 =	vor.u32 v4, v62;
	v3 =	vadd.f32 v59, v3  }
0x3b2: {  	v25 =	vand.u32 $0x7F, v9;
	v29 =	vmov s29;
	[tilespmem:$0x1FA60] =	vst v23;
	v8 =	vadd.s32 v0, v4;
	v60 =	vpop (erf)  }
0x3b3: {  	s29 =	simm.s32 $0x5;
	v45 =	vand.u32 $0x7F, v23;
	[tilespmem:$0x1FB20] =	vst v5;
	v43 =	vand.u32 $0x7C00, v5;
	v3 =	vadd.f32 v60, v3  }
0x3b4: {  	s30 =	simm.s32 $0x2;
	[tilespmem:$0x1FB30] =	vst v7;
	v12 =	vmov s29;
	v58 =	vand.u32 $0x7F, v29;
	v62 =	vand.u32 $0x7F, v18;
	v61 =	vpop (erf)  }
0x3b5: {  	[tilespmem:$0x1FAB0] =	vst v29;
	v14 =	vand.u32 $0x7F, v12;
	v4 =	vmov s30;
	v3 =	vadd.f32 v61, v3  }
0x3b6: {  	s24 =	simm.s32 $0x18;
	v57 =	vshll.u32 v15, $0x3;
	v15 =	vshll.u32 v10, $0x3;
	[tilespmem:$0x1FB10] =	vst v4;
	v59 =	vshll.u32 v28, $0x3;
	v6 =	vpop (erf)  }
0x3b7: {  	s28 =	simm.s32 $0x4;
	v61 =	vshll.u32 v29, $0x3;
	v29 =	vld.idx.msk [tilespmem:v8+s14+$0x0], $0xffff;
	[tilespmem:s22+$0x10120] =	vst v2;
	v26 =	vadd.f32 v6, v3;
	v3 =	vmov s24  }
0x3b8: {  	v28 =	vshll.u32 v9, $0x3;
	v60 =	vshll.u32 v23, $0x3;
	v6 =	vmov s28;
	[tilespmem:$0x1F9B0] =	vst v3  }
0x3b9: {  	s26 =	simm.s32 $0x3;
	v23 =	vand.u32 $0x7F, v4;
	v8 =	vshll.u32 v18, $0x3;
	v63 =	vshll.u32 v3, $0x3;
	[tilespmem:$0x1FAE0] =	vst v6  }
0x3ba: {  	v18 =	vshll.u32 v12, $0x3;
	v30 =	vand.u32 $0x7F, v3;
	v3 =	vmov s26;
	[tilespmem:$0x1F9C0] =	vst v63  }
0x3bb: {  	v2 =	vand.u32 $0x7C00, v7;
	v22 =	vshll.u32 v6, $0x3;
	v32 =	vand.u32 $0x7C00, v63;
	[tilespmem:$0x1FAF0] =	vst v3  }
0x3bc: {  	v63 =	vshll.u32 v17, $0x3;
	v17 =	vand.u32 $0x7F, v6;
	v19 =	vand.u32 $0x7F, v3;
	[tilespmem:s22+$0x10220] =	vst v26  }
0x3bd: {  	s24 =	simm.s32 $0x31;
	v24 =	vshll.u32 v3, $0x3;
	v26 =	vshll.u32 v4, $0x3;
	[tilespmem:s22+$0x10320] =	vst v29;
	v29 =	vshll.u32 v13, $0x3  }
.LBB2_15:
0x3be: {  	p1 =	sne.s32 s24, $0x3E7;
	v49 =	vand.u32 $0x7C00, v49;
	v48 =	vand.u32 $0x7C00, v48;
	v46 =	vand.u32 $0x7C00, v46  }
0x3bf: {  	v56 =	vand.u32 $0x7C00, v56;
	v54 =	vand.u32 $0x7C00, v54;
	v51 =	vand.u32 $0x7C00, v51  }
0x3c0: {  	v29 =	vand.u32 $0x3C00, v29;
	v63 =	vand.u32 $0x7C00, v63;
	v59 =	vand.u32 $0x7C00, v59  }
0x3c1: {  	v28 =	vand.u32 $0x7C00, v28;
	v27 =	vor.u32 v27, v29;
	v29 =	vand.u32 $0x7C00, v60  }
0x3c2: {  	v26 =	vand.u32 $0x7C00, v26;
	v25 =	vor.u32 v25, v28;
	v27 =	vadd.s32 v1, v27  }
0x3c3: {  	v24 =	vand.u32 $0x7C00, v24;
	v23 =	vor.u32 v23, v26;
	v25 =	vadd.s32 v1, v25  }
0x3c4: {  	v22 =	vand.u32 $0x7C00, v22;
	v19 =	vor.u32 v19, v24;
	v23 =	vadd.s32 v1, v23  }
0x3c5: {  	v18 =	vand.u32 $0x7C00, v18;
	v17 =	vor.u32 v17, v22;
	v19 =	vadd.s32 v1, v19  }
0x3c6: {  	v15 =	vand.u32 $0x7C00, v15;
	v14 =	vor.u32 v14, v18;
	v17 =	vadd.s32 v1, v17  }
0x3c7: {  	v20 =	vand.u32 $0x7C00, v20;
	v15 =	vor.u32 v21, v15;
	v14 =	vadd.s32 v1, v14;
	v18 =	vld.idx.msk [tilespmem:v27+s14+$0x0], $0xffff  }
0x3c8: {  	v8 =	vand.u32 $0x7C00, v8;
	v16 =	vor.u32 v16, v20;
	v15 =	vadd.s32 v1, v15;
	v21 =	vld.idx.msk [tilespmem:v25+s14+$0x0], $0xffff  }
0x3c9: {  	v8 =	vor.u32 v62, v8;
	v22 =	vand.u32 $0x7C00, v61;
	v16 =	vadd.s32 v1, v16;
	v20 =	vld.idx.msk [tilespmem:v23+s14+$0x0], $0xffff  }
0x3ca: {  	v8 =	vadd.s32 v1, v8;
	v22 =	vor.u32 v58, v22;
	v23 =	vand.u32 $0x7C00, v57;
	v19 =	vld.idx.msk [tilespmem:v19+s14+$0x0], $0xffff  }
0x3cb: {  	v24 =	vand.u32 $0x7C00, v55;
	v22 =	vadd.s32 v1, v22;
	v23 =	vor.u32 v53, v23;
	v17 =	vld.idx.msk [tilespmem:v17+s14+$0x0], $0xffff  }
0x3cc: {  	v24 =	vor.u32 v52, v24;
	v25 =	vand.u32 $0x7C00, v50;
	v23 =	vadd.s32 v1, v23;
	v14 =	vld.idx.msk [tilespmem:v14+s14+$0x0], $0xffff  }
0x3cd: {  	v24 =	vadd.s32 v1, v24;
	v25 =	vor.u32 v47, v25;
	v18 =	vmax.f32 v38, v18;
	v15 =	vld.idx.msk [tilespmem:v15+s14+$0x0], $0xffff  }
0x3ce: {  	v18 =	vmax.f32 v18, v21;
	v21 =	vadd.s32 v1, v25;
	v25 =	vor.u32 v45, v29;
	v16 =	vld.idx.msk [tilespmem:v16+s14+$0x0], $0xffff  }
0x3cf: {  	v18 =	vmax.f32 v18, v20;
	v20 =	vadd.s32 v1, v25;
	v25 =	vor.u32 v44, v63;
	v8 =	vld.idx.msk [tilespmem:v8+s14+$0x0], $0xffff  }
0x3d0: {  	v18 =	vmax.f32 v18, v19;
	v19 =	vld.idx.msk [tilespmem:v22+s14+$0x0], $0xffff;
	v22 =	vadd.s32 v1, v25;
	v25 =	vor.u32 v42, v59  }
0x3d1: {  	v17 =	vmax.f32 v18, v17;
	v18 =	vld.idx.msk [tilespmem:v23+s14+$0x0], $0xffff;
	v23 =	vadd.s32 v1, v25;
	v25 =	vor.u32 v41, v56  }
0x3d2: {  	v14 =	vmax.f32 v17, v14;
	v17 =	vld.idx.msk [tilespmem:v24+s14+$0x0], $0xffff;
	v24 =	vadd.s32 v1, v25;
	v25 =	vor.u32 v40, v54  }
0x3d3: {  	v14 =	vmax.f32 v14, v15;
	v15 =	vld.idx.msk [tilespmem:v21+s14+$0x0], $0xffff;
	v21 =	vadd.s32 v1, v25;
	v25 =	vor.u32 v39, v51  }
0x3d4: {  	v14 =	vmax.f32 v14, v16;
	v16 =	vld.idx.msk [tilespmem:v20+s14+$0x0], $0xffff;
	v20 =	vadd.s32 v1, v25;
	v25 =	vor.u32 v37, v49  }
0x3d5: {  	v8 =	vmax.f32 v14, v8;
	v14 =	vld.idx.msk [tilespmem:v22+s14+$0x0], $0xffff;
	v22 =	vadd.s32 v1, v25;
	v25 =	vor.u32 v36, v48  }
0x3d6: {  	v8 =	vmax.f32 v8, v19;
	v19 =	vld.idx.msk [tilespmem:v23+s14+$0x0], $0xffff;
	v23 =	vadd.s32 v1, v25;
	v25 =	vor.u32 v35, v46  }
0x3d7: {  	v8 =	vmax.f32 v8, v18;
	v18 =	vld.idx.msk [tilespmem:v24+s14+$0x0], $0xffff;
	v24 =	vadd.s32 v1, v25;
	v25 =	vor.u32 v34, v43  }
0x3d8: {  	v2 =	vor.u32 v33, v2;
	v8 =	vmax.f32 v8, v17;
	v17 =	vld.idx.msk [tilespmem:v21+s14+$0x0], $0xffff;
	v21 =	vadd.s32 v1, v25  }
0x3d9: {  	v2 =	vadd.s32 v1, v2;
	v8 =	vmax.f32 v8, v15;
	v15 =	vld.idx.msk [tilespmem:v20+s14+$0x0], $0xffff;
	v20 =	vor.u32 v30, v32  }
0x3da: {  	v8 =	vmax.f32 v8, v16;
	v16 =	vld.idx.msk [tilespmem:v22+s14+$0x0], $0xffff;
	v20 =	vadd.s32 v1, v20  }
0x3db: {  	v22 =	vmov s24;
	v8 =	vmax.f32 v8, v14;
	v14 =	vld.idx.msk [tilespmem:v23+s14+$0x0], $0xffff  }
0x3dc: {  	s25 =	sadd.s32 $0xFFFFFFFE, s24;
	s26 =	sadd.s32 $0xFFFFFFFF, s24;
	v10 =	vand.u32 $0x7F, v22;
	v22 =	vshll.u32 v22, $0x3;
	v8 =	vmax.f32 v8, v19;
	v19 =	vld.idx.msk [tilespmem:v24+s14+$0x0], $0xffff  }
0x3dd: {  	s28 =	sadd.s32 $0xFFFFFFFC, s24;
	s29 =	sadd.s32 $0xFFFFFFFD, s24;
	v23 =	vmov s25;
	v24 =	vmov s26;
	v8 =	vmax.f32 v8, v18;
	v18 =	vld.idx.msk [tilespmem:v21+s14+$0x0], $0xffff  }
0x3de: {  	v25 =	vmov s29;
	s25 =	sadd.s32 $0xFFFFFFFA, s24;
	s26 =	sadd.s32 $0xFFFFFFFB, s24;
	v21 =	vmov s28;
	v8 =	vmax.f32 v8, v17;
	v2 =	vld.idx.msk [tilespmem:v2+s14+$0x0], $0xffff  }
0x3df: {  	s29 =	sadd.s32 $0xFFFFFFF9, s24;
	s28 =	sadd.s32 $0xFFFFFFF8, s24;
	v17 =	vmov s25;
	v26 =	vmov s26;
	v8 =	vmax.f32 v8, v15;
	v15 =	vld.idx.msk [tilespmem:v20+s14+$0x0], $0xffff  }
0x3e0: {  	v27 =	vmov s29;
	s25 =	sadd.s32 $0xFFFFFFF6, s24;
	s26 =	sadd.s32 $0xFFFFFFF7, s24;
	v20 =	vmov s28;
	v8 =	vmax.f32 v8, v16  }
0x3e1: {  	s29 =	sadd.s32 $0xFFFFFFF5, s24;
	v28 =	vmov s26;
	s28 =	sadd.s32 $0xFFFFFFF4, s24;
	v16 =	vmov s25;
	v8 =	vmax.f32 v8, v14  }
0x3e2: {  	v29 =	vmov s29;
	s26 =	sadd.s32 $0xFFFFFFF3, s24;
	s25 =	sadd.s32 $0xFFFFFFF2, s24;
	v14 =	vmov s28;
	v8 =	vmax.f32 v8, v19  }
0x3e3: {  	s29 =	sadd.s32 $0xFFFFFFF1, s24;
	v43 =	vmov s26;
	s28 =	sadd.s32 $0xFFFFFFF0, s24;
	v19 =	vmov s25;
	v8 =	vmax.f32 v8, v18  }
0x3e4: {  	v61 =	vmov s29;
	s26 =	sadd.s32 $0xFFFFFFEF, s24;
	s25 =	sadd.s32 $0xFFFFFFEE, s24;
	v18 =	vmov s28;
	v2 =	vmax.f32 v8, v2  }
0x3e5: {  	s30 =	sadd.s32 $0xFFFFFFED, s24;
	s29 =	sadd.s32 $0xFFFFFFEC, s24;
	s28 =	sadd.s32 $0xFFFFFFEB, s24;
	v30 =	vmov s25;
	v8 =	vmov s26;
	v38 =	vmax.f32 v2, v15  }
0x3e6: {  	s31 =	sadd.s32 $0xFFFFFFEA, s24;
	v7 =	vmov s30;
	v5 =	vmov s29;
	s25 =	sadd.s32 $0xFFFFFFE8, s24;
	s26 =	sadd.s32 $0xFFFFFFE9, s24;
	v2 =	vmov s28  }
0x3e7: {  	v31 =	vmov s31;
	v3 =	vmov s25;
	v4 =	vmov s26  }
0x3e8: {  	v34 =	vand.u32 $0x7F, v23;
	v32 =	vand.u32 $0x7C00, v22;
	v33 =	vand.u32 $0x7F, v24  }
0x3e9: {  	v35 =	vand.u32 $0x7F, v25;
	v6 =	vshll.u32 v23, $0x3;
	v9 =	vshll.u32 v24, $0x3  }
0x3ea: {  	v46 =	vshll.u32 v25, $0x3;
	v37 =	vand.u32 $0x7F, v26;
	v36 =	vand.u32 $0x7F, v21  }
0x3eb: {  	v39 =	vand.u32 $0x7F, v17;
	v49 =	vshll.u32 v26, $0x3;
	v48 =	vshll.u32 v21, $0x3  }
0x3ec: {  	v40 =	vand.u32 $0x7F, v27;
	v51 =	vshll.u32 v17, $0x3;
	v41 =	vand.u32 $0x7F, v20  }
0x3ed: {  	v54 =	vshll.u32 v27, $0x3;
	v42 =	vand.u32 $0x7F, v28;
	v56 =	vshll.u32 v20, $0x3  }
0x3ee: {  	v45 =	vand.u32 $0x7F, v29;
	v59 =	vshll.u32 v28, $0x3;
	v44 =	vand.u32 $0x7F, v16  }
0x3ef: {  	v60 =	vshll.u32 v29, $0x3;
	v63 =	vshll.u32 v16, $0x3;
	v47 =	vand.u32 $0x7F, v14  }
0x3f0: {  	v52 =	vand.u32 $0x7F, v43;
	v50 =	vshll.u32 v14, $0x3;
	v53 =	vand.u32 $0x7F, v19  }
0x3f1: {  	v58 =	vand.u32 $0x7F, v61;
	v55 =	vshll.u32 v43, $0x3;
	v57 =	vshll.u32 v19, $0x3  }
0x3f2: {  	v61 =	vshll.u32 v61, $0x3;
	v62 =	vand.u32 $0x7F, v18;
	v16 =	vand.u32 $0x7F, v8  }
0x3f3: {  	v21 =	vand.u32 $0x7F, v30;
	v20 =	vshll.u32 v8, $0x3;
	v8 =	vshll.u32 v18, $0x3  }
.Ltmp8:
0x3f4: {  	v17 =	vand.u32 $0x7F, v5;
	v14 =	vand.u32 $0x7F, v7;
	v15 =	vshll.u32 v30, $0x3;
	v30 =	vmovc v10;
	(pc) =	sbr.rel @p1 .LBB2_15-.Ltmp8, $4  }
0x3f5: {  	v22 =	vshll.u32 v5, $0x3;
	v18 =	vshll.u32 v7, $0x3;
	v19 =	vand.u32 $0x7F, v2  }
0x3f6: {  	v23 =	vand.u32 $0x7F, v31;
	v25 =	vand.u32 $0x7F, v4;
	v24 =	vshll.u32 v2, $0x3  }
0x3f7: {  	v26 =	vshll.u32 v31, $0x3;
	v27 =	vand.u32 $0x7F, v3;
	v28 =	vshll.u32 v4, $0x3  }
0x3f8: {  	v43 =	vand.u32 $0x7C00, v6;
	s24 =	sadd.s32 $0x19, s24;
	v29 =	vshll.u32 v3, $0x3;
	v2 =	vand.u32 $0x7C00, v9  }
0x3f9: {  	v3 =	vand.u32 $0x3C00, v29  }
0x3fa: {  	v4 =	vand.u32 $0x7C00, v28;
	v5 =	vand.u32 $0x7C00, v26;
	v6 =	vand.u32 $0x7C00, v24  }
0x3fb: {  	v7 =	vand.u32 $0x7C00, v22;
	v9 =	vand.u32 $0x7C00, v18;
	v3 =	vor.u32 v27, v3  }
0x3fc: {  	v15 =	vand.u32 $0x7C00, v15;
	v4 =	vor.u32 v25, v4;
	v3 =	vadd.s32 v1, v3  }
0x3fd: {  	v8 =	vand.u32 $0x7C00, v8;
	v5 =	vor.u32 v23, v5;
	v4 =	vadd.s32 v1, v4  }
0x3fe: {  	v18 =	vand.u32 $0x7C00, v55;
	v6 =	vor.u32 v19, v6;
	v5 =	vadd.s32 v1, v5  }
0x3ff: {  	v7 =	vor.u32 v17, v7;
	v9 =	vor.u32 v14, v9;
	v6 =	vadd.s32 v1, v6  }
0x400: {  	v14 =	vor.u32 v21, v15;
	v15 =	vand.u32 $0x7C00, v20;
	v8 =	vor.u32 v62, v8  }
0x401: {  	v17 =	vand.u32 $0x7C00, v57;
	v18 =	vor.u32 v52, v18;
	v7 =	vadd.s32 v1, v7;
	v3 =	vld.idx.msk [tilespmem:v3+s14+$0x0], $0xffff  }
0x402: {  	v19 =	vand.u32 $0x7C00, v50;
	v20 =	vand.u32 $0x7C00, v63;
	v9 =	vadd.s32 v1, v9;
	v4 =	vld.idx.msk [tilespmem:v4+s14+$0x0], $0xffff  }
0x403: {  	v15 =	vor.u32 v16, v15;
	v16 =	vand.u32 $0x7C00, v61;
	v14 =	vadd.s32 v1, v14;
	v5 =	vld.idx.msk [tilespmem:v5+s14+$0x0], $0xffff  }
0x404: {  	v17 =	vor.u32 v53, v17;
	v19 =	vor.u32 v47, v19;
	v15 =	vadd.s32 v1, v15;
	v6 =	vld.idx.msk [tilespmem:v6+s14+$0x0], $0xffff  }
0x405: {  	v53 =	vand.u32 $0x7C00, v60;
	v8 =	vadd.s32 v1, v8;
	v55 =	vor.u32 v44, v20  }
0x406: {  	v20 =	vand.u32 $0x7C00, v56;
	v16 =	vor.u32 v58, v16;
	v7 =	vld.idx.msk [tilespmem:v7+s14+$0x0], $0xffff;
	v3 =	vmax.f32 v38, v3  }
0x407: {  	v18 =	vadd.s32 v1, v18;
	v16 =	vadd.s32 v1, v16;
	v9 =	vld.idx.msk [tilespmem:v9+s14+$0x0], $0xffff;
	v3 =	vmax.f32 v3, v4  }
0x408: {  	v17 =	vadd.s32 v1, v17;
	v19 =	vadd.s32 v1, v19;
	v14 =	vld.idx.msk [tilespmem:v14+s14+$0x0], $0xffff;
	v3 =	vmax.f32 v3, v5  }
0x409: {  	v15 =	vld.idx.msk [tilespmem:v15+s14+$0x0], $0xffff;
	v4 =	vor.u32 v45, v53;
	v3 =	vmax.f32 v3, v6;
	v6 =	vand.u32 $0x7C00, v59  }
0x40a: {  	v4 =	vadd.s32 v1, v4;
	v5 =	vadd.s32 v1, v55;
	v6 =	vor.u32 v42, v6  }
0x40b: {  	v8 =	vld.idx.msk [tilespmem:v8+s14+$0x0], $0xffff;
	v3 =	vmax.f32 v3, v7;
	v7 =	vor.u32 v41, v20;
	v20 =	vand.u32 $0x7C00, v51  }
0x40c: {  	v16 =	vld.idx.msk [tilespmem:v16+s14+$0x0], $0xffff;
	v3 =	vmax.f32 v3, v9;
	v9 =	vand.u32 $0x7C00, v54;
	v6 =	vadd.s32 v1, v6  }
0x40d: {  	v17 =	vld.idx.msk [tilespmem:v17+s14+$0x0], $0xffff;
	v7 =	vadd.s32 v1, v7;
	v9 =	vor.u32 v40, v9;
	v3 =	vmax.f32 v3, v14  }
0x40e: {  	v18 =	vld.idx.msk [tilespmem:v18+s14+$0x0], $0xffff;
	v14 =	vor.u32 v39, v20;
	v20 =	vand.u32 $0x7C00, v48;
	v3 =	vmax.f32 v3, v15  }
0x40f: {  	v19 =	vld.idx.msk [tilespmem:v19+s14+$0x0], $0xffff;
	v15 =	vand.u32 $0x7C00, v49;
	v9 =	vadd.s32 v1, v9;
	v14 =	vadd.s32 v1, v14  }
0x410: {  	v4 =	vld.idx.msk [tilespmem:v4+s14+$0x0], $0xffff;
	v15 =	vor.u32 v37, v15;
	v3 =	vmax.f32 v3, v8;
	v8 =	vor.u32 v36, v20  }
0x411: {  	v5 =	vld.idx.msk [tilespmem:v5+s14+$0x0], $0xffff;
	v3 =	vmax.f32 v3, v16;
	v16 =	vand.u32 $0x7C00, v46;
	v15 =	vadd.s32 v1, v15  }
0x412: {  	v8 =	vadd.s32 v1, v8;
	v16 =	vor.u32 v35, v16;
	v3 =	vmax.f32 v3, v17;
	v6 =	vld.idx.msk [tilespmem:v6+s14+$0x0], $0xffff  }
0x413: {  	v17 =	vor.u32 v34, v43;
	v7 =	vld.idx.msk [tilespmem:v7+s14+$0x0], $0xffff;
	v16 =	vadd.s32 v1, v16;
	v3 =	vmax.f32 v3, v18  }
0x414: {  	v2 =	vor.u32 v33, v2;
	v17 =	vadd.s32 v1, v17;
	v9 =	vld.idx.msk [tilespmem:v9+s14+$0x0], $0xffff;
	v3 =	vmax.f32 v3, v19  }
0x415: {  	v2 =	vadd.s32 v1, v2;
	v14 =	vld.idx.msk [tilespmem:v14+s14+$0x0], $0xffff;
	v3 =	vmax.f32 v3, v4  }
0x416: {  	v56 =	vld.idx.msk [tilespmem:v15+s14+$0x0], $0xffff;
	v3 =	vmax.f32 v3, v5  }
0x417: {  	v57 =	vld.idx.msk [tilespmem:v8+s14+$0x0], $0xffff;
	v3 =	vmax.f32 v3, v6  }
0x418: {  	v18 =	vor.u32 v30, v32;
	v6 =	vld.idx.msk [tilespmem:v16+s14+$0x0], $0xffff;
	v3 =	vmax.f32 v3, v7  }
0x419: {  	v15 =	vadd.s32 v1, v18;
	v7 =	vld.idx.msk [tilespmem:v17+s14+$0x0], $0xffff;
	v3 =	vmax.f32 v3, v9  }
0x41a: {  	v2 =	vld.idx.msk [tilespmem:v2+s14+$0x0], $0xffff;
	v3 =	vmax.f32 v3, v14  }
0x41b: {  	v3 =	vmax.f32 v3, v56  }
0x41c: {  	v3 =	vmax.f32 v3, v57  }
0x41d: {  	v3 =	vmax.f32 v3, v6  }
0x41e: {  	v8 =	vld.idx.msk [tilespmem:v15+s14+$0x0], $0xffff;
	v3 =	vmax.f32 v3, v7  }
0x41f: {  	v2 =	vmax.f32 v3, v2;
	v3 =	vld [tilespmem:$0x1F9B0];
	_ =	sdelay $0x4  }
0x420: {  	v2 =	vmax.f32 v2, v8;
	v8 =	vand.u32 $0x7F, v3;
	v3 =	vld [tilespmem:$0x1F9C0];
	_ =	sdelay $0x4  }
0x421: {  	v16 =	vand.u32 $0x7C00, v3;
	v3 =	vld [tilespmem:$0x1F9D0];
	_ =	sdelay $0x4  }
0x422: {  	v31 =	vand.u32 $0x7F, v3;
	v3 =	vld [tilespmem:$0x1F9E0];
	_ =	sdelay $0x4  }
0x423: {  	v20 =	vand.u32 $0x7F, v3;
	v3 =	vld [tilespmem:$0x1FA10];
	_ =	sdelay $0x4  }
0x424: {  	v32 =	vand.u32 $0x7F, v3;
	v41 =	vshll.u32 v3, $0x3;
	v3 =	vld [tilespmem:$0x1FA00];
	_ =	sdelay $0x4  }
0x425: {  	v22 =	vand.u32 $0x7F, v3;
	v40 =	vshll.u32 v3, $0x3;
	v3 =	vld [tilespmem:$0x1FA20];
	_ =	sdelay $0x4  }
0x426: {  	v23 =	vand.u32 $0x7F, v3;
	v39 =	vshll.u32 v3, $0x3;
	v3 =	vld [tilespmem:$0x1FA30];
	_ =	sdelay $0x4  }
0x427: {  	v17 =	vand.u32 $0x7F, v3;
	v43 =	vshll.u32 v3, $0x3;
	v3 =	vld [tilespmem:$0x1FA70];
	_ =	sdelay $0x4  }
0x428: {  	v14 =	vand.u32 $0x7F, v3;
	v18 =	vshll.u32 v3, $0x3;
	v3 =	vld [tilespmem:$0x1FA80]  }
0x429: {  	v10 =	vld [tilespmem:$0x1FAD0]  }
0x42a: {  	v62 =	vld [tilespmem:$0x1FAA0]  }
0x42b: {  	v63 =	vld [tilespmem:$0x1FAB0]  }
0x42c: {  	v60 =	vld [tilespmem:$0x1FA50]  }
0x42d: {  	v34 =	vand.u32 $0x7F, v3;
	v35 =	vshll.u32 v3, $0x3;
	v3 =	vld [tilespmem:$0x1FA90]  }
0x42e: {  	v61 =	vld [tilespmem:$0x1FA60]  }
0x42f: {  	v58 =	vld [tilespmem:$0x1F9F0]  }
0x430: {  	v50 =	vld [tilespmem:$0x1FB10]  }
0x431: {  	v59 =	vld [tilespmem:$0x1FA40]  }
0x432: {  	v33 =	vimm.f32 $0.0e+00;
	v36 =	vand.u32 $0x7F, v3;
	v15 =	vshll.u32 v3, $0x3;
	v3 =	vld [tilespmem:$0x1FAC0]  }
0x433: {  	v52 =	vld [tilespmem:$0x1FB30];
	v25 =	vand.u32 $0x7F, v62;
	v27 =	vshll.u32 v62, $0x3;
	v26 =	vand.u32 $0x7F, v60  }
0x434: {  	v29 =	vand.u32 $0x7F, v61;
	v24 =	vshll.u32 v61, $0x3;
	v21 =	vand.u32 $0x7F, v58;
	v53 =	vld [tilespmem:$0x1FB00]  }
0x435: {  	v38 =	vshll.u32 v60, $0x3;
	v45 =	vand.u32 $0x7F, v11;
	v42 =	vshll.u32 v58, $0x3;
	v48 =	vld [tilespmem:$0x1FAE0]  }
0x436: {  	v51 =	vld [tilespmem:$0x1FB20];
	v28 =	vand.u32 $0x7F, v59;
	v44 =	vshll.u32 v59, $0x3;
	v37 =	vand.u32 $0x7F, v63  }
0x437: {  	s24 =	simm.s32 $0x31;
	v49 =	vld [tilespmem:$0x1FAF0];
	v46 =	vshll.u32 v63, $0x3;
	v30 =	vand.u32 $0x7F, v3;
	v19 =	vshll.u32 v3, $0x3  }
.LBB2_17:
0x438: {  	p1 =	sne.s32 s24, $0x3E7;
	v9 =	vand.u32 $0x7F, v10;
	v10 =	vshll.u32 v10, $0x3;
	v11 =	vshll.u32 v11, $0x3  }
0x439: {  	v3 =	vshll.u32 v13, $0x3;
	v47 =	vand.u32 $0x7F, v12;
	v12 =	vshll.u32 v12, $0x3  }
0x43a: {  	v4 =	vand.u32 $0x7F, v13;
	v13 =	vand.u32 $0x7F, v48;
	v3 =	vand.u32 $0x3C00, v3  }
0x43b: {  	v7 =	vshll.u32 v48, $0x3;
	v3 =	vor.u32 v4, v3;
	v4 =	vshll.u32 v53, $0x3  }
0x43c: {  	v5 =	vadd.s32 v1, v3;
	v3 =	vand.u32 $0x7F, v53;
	v4 =	vand.u32 $0x7C00, v4  }
0x43d: {  	v6 =	vand.u32 $0x7F, v49;
	v3 =	vor.u32 v3, v4;
	v4 =	vshll.u32 v50, $0x3  }
0x43e: {  	v48 =	vadd.s32 v1, v3;
	v3 =	vand.u32 $0x7F, v50;
	v4 =	vand.u32 $0x7C00, v4  }
0x43f: {  	v49 =	vshll.u32 v49, $0x3;
	v4 =	vor.u32 v3, v4;
	v3 =	vand.u32 $0x7C00, v52  }
0x440: {  	v49 =	vand.u32 $0x7C00, v49;
	v50 =	vadd.s32 v1, v4;
	v4 =	vand.u32 $0x7C00, v51  }
0x441: {  	v49 =	vor.u32 v6, v49;
	v6 =	vand.u32 $0x7C00, v41;
	v51 =	vld.idx.msk [tilespmem:v5+s14+$0x0], $0xffff;
	v5 =	vand.u32 $0x7C00, v42  }
0x442: {  	v41 =	vadd.s32 v1, v49;
	v42 =	vand.u32 $0x7C00, v7;
	v7 =	vand.u32 $0x7C00, v40  }
0x443: {  	v39 =	vand.u32 $0x7C00, v39;
	v13 =	vor.u32 v13, v42;
	v42 =	vand.u32 $0x7C00, v44;
	v40 =	vld.idx.msk [tilespmem:v48+s14+$0x0], $0xffff  }
0x444: {  	v43 =	vand.u32 $0x7C00, v43;
	v12 =	vand.u32 $0x7C00, v12;
	v13 =	vadd.s32 v1, v13  }
0x445: {  	v46 =	vand.u32 $0x7C00, v46;
	v38 =	vand.u32 $0x7C00, v38;
	v12 =	vor.u32 v47, v12;
	v44 =	vld.idx.msk [tilespmem:v50+s14+$0x0], $0xffff  }
0x446: {  	v19 =	vand.u32 $0x7C00, v19;
	v10 =	vand.u32 $0x7C00, v10;
	v12 =	vadd.s32 v1, v12  }
0x447: {  	v9 =	vor.u32 v9, v10;
	v10 =	vand.u32 $0x7C00, v11;
	v47 =	vsub.f32 v51, v2;
	v41 =	vld.idx.msk [tilespmem:v41+s14+$0x0], $0xffff  }
0x448: {  	v11 =	vor.u32 v30, v19;
	v9 =	vadd.s32 v1, v9;
	v10 =	vor.u32 v45, v10  }
0x449: {  	v10 =	vadd.s32 v1, v10;
	v19 =	vmul.f32 $1.442695020e+00, v47;
	v30 =	vsub.f32 v40, v2;
	v13 =	vld.idx.msk [tilespmem:v13+s14+$0x0], $0xffff  }
0x44a: {  	v15 =	vand.u32 $0x7C00, v15;
	v37 =	vor.u32 v37, v46;
	v11 =	vadd.s32 v1, v11  }
0x44b: {  	v30 =	vmul.f32 $1.442695020e+00, v30;
	v40 =	vsub.f32 v44, v2;
	v12 =	vld.idx.msk [tilespmem:v12+s14+$0x0], $0xffff;
	(erf) = vpow2.f32 v19  }
0x44c: {  	v27 =	vand.u32 $0x7C00, v27;
	v15 =	vor.u32 v36, v15;
	v19 =	vadd.s32 v1, v37  }
0x44d: {  	v36 =	vmul.f32 $1.442695020e+00, v40;
	v37 =	vsub.f32 v41, v2;
	v9 =	vld.idx.msk [tilespmem:v9+s14+$0x0], $0xffff;
	(erf) = vpow2.f32 v30  }
0x44e: {  	v25 =	vor.u32 v25, v27;
	v27 =	vand.u32 $0x7C00, v35;
	v15 =	vadd.s32 v1, v15;
	v10 =	vld.idx.msk [tilespmem:v10+s14+$0x0], $0xffff  }
0x44f: {  	v30 =	vmul.f32 $1.442695020e+00, v37;
	v13 =	vsub.f32 v13, v2;
	(erf) = vpow2.f32 v36  }
0x450: {  	v24 =	vand.u32 $0x7C00, v24;
	v25 =	vadd.s32 v1, v25;
	v27 =	vor.u32 v34, v27;
	v11 =	vld.idx.msk [tilespmem:v11+s14+$0x0], $0xffff  }
0x451: {  	v13 =	vmul.f32 $1.442695020e+00, v13;
	v12 =	vsub.f32 v12, v2;
	(erf) = vpow2.f32 v30  }
0x452: {  	v24 =	vor.u32 v29, v24;
	v29 =	vand.u32 $0x7C00, v18;
	v27 =	vadd.s32 v1, v27;
	v19 =	vld.idx.msk [tilespmem:v19+s14+$0x0], $0xffff  }
0x453: {  	v12 =	vmul.f32 $1.442695020e+00, v12;
	v9 =	vsub.f32 v9, v2;
	(erf) = vpow2.f32 v13  }
0x454: {  	v14 =	vor.u32 v14, v29;
	v10 =	vsub.f32 v10, v2;
	v13 =	vld.idx.msk [tilespmem:v15+s14+$0x0], $0xffff;
	v15 =	vadd.s32 v1, v24;
	v18 =	vpop (erf)  }
0x455: {  	v9 =	vmul.f32 $1.442695020e+00, v9;
	v18 =	vadd.f32 v18, v33;
	(erf) = vpow2.f32 v12  }
0x456: {  	v14 =	vadd.s32 v1, v14;
	v24 =	vor.u32 v26, v38;
	v11 =	vsub.f32 v11, v2;
	v12 =	vld.idx.msk [tilespmem:v25+s14+$0x0], $0xffff;
	v25 =	vpop (erf)  }
0x457: {  	v10 =	vmul.f32 $1.442695020e+00, v10;
	v18 =	vadd.f32 v25, v18;
	(erf) = vpow2.f32 v9  }
0x458: {  	v17 =	vor.u32 v17, v43;
	v24 =	vadd.s32 v1, v24;
	v9 =	vsub.f32 v19, v2;
	v19 =	vld.idx.msk [tilespmem:v27+s14+$0x0], $0xffff;
	v25 =	vpop (erf)  }
0x459: {  	v11 =	vmul.f32 $1.442695020e+00, v11;
	v18 =	vadd.f32 v25, v18;
	(erf) = vpow2.f32 v10  }
0x45a: {  	v10 =	vsub.f32 v13, v2;
	v13 =	vld.idx.msk [tilespmem:v15+s14+$0x0], $0xffff;
	v15 =	vadd.s32 v1, v17;
	v17 =	vor.u32 v28, v42;
	v25 =	vpop (erf)  }
0x45b: {  	v9 =	vmul.f32 $1.442695020e+00, v9;
	v18 =	vadd.f32 v25, v18;
	(erf) = vpow2.f32 v11  }
0x45c: {  	v11 =	vsub.f32 v12, v2;
	v12 =	vld.idx.msk [tilespmem:v14+s14+$0x0], $0xffff;
	v14 =	vadd.s32 v1, v17;
	v17 =	vor.u32 v23, v39;
	v23 =	vpop (erf)  }
0x45d: {  	v10 =	vmul.f32 $1.442695020e+00, v10;
	v18 =	vadd.f32 v23, v18;
	(erf) = vpow2.f32 v9  }
0x45e: {  	v7 =	vor.u32 v22, v7;
	v9 =	vsub.f32 v19, v2;
	v17 =	vadd.s32 v1, v17;
	v19 =	vld.idx.msk [tilespmem:v24+s14+$0x0], $0xffff;
	v22 =	vpop (erf)  }
0x45f: {  	v11 =	vmul.f32 $1.442695020e+00, v11;
	v18 =	vadd.f32 v22, v18;
	(erf) = vpow2.f32 v10  }
0x460: {  	v6 =	vor.u32 v32, v6;
	v7 =	vadd.s32 v1, v7;
	v10 =	vsub.f32 v13, v2;
	v13 =	vld.idx.msk [tilespmem:v15+s14+$0x0], $0xffff;
	v15 =	vpop (erf)  }
0x461: {  	v9 =	vmul.f32 $1.442695020e+00, v9;
	v15 =	vadd.f32 v15, v18;
	(erf) = vpow2.f32 v11  }
0x462: {  	v6 =	vadd.s32 v1, v6;
	v5 =	vor.u32 v21, v5;
	v11 =	vsub.f32 v12, v2;
	v12 =	vld.idx.msk [tilespmem:v14+s14+$0x0], $0xffff;
	v14 =	vpop (erf)  }
0x463: {  	v10 =	vmul.f32 $1.442695020e+00, v10;
	v14 =	vadd.f32 v14, v15;
	(erf) = vpow2.f32 v9  }
0x464: {  	v4 =	vor.u32 v31, v4;
	v5 =	vadd.s32 v1, v5;
	v9 =	vsub.f32 v19, v2;
	v15 =	vld.idx.msk [tilespmem:v17+s14+$0x0], $0xffff;
	v17 =	vpop (erf)  }
0x465: {  	v11 =	vmul.f32 $1.442695020e+00, v11;
	v14 =	vadd.f32 v17, v14;
	(erf) = vpow2.f32 v10  }
0x466: {  	v3 =	vor.u32 v20, v3;
	v4 =	vadd.s32 v1, v4;
	v10 =	vsub.f32 v13, v2;
	v7 =	vld.idx.msk [tilespmem:v7+s14+$0x0], $0xffff;
	v13 =	vpop (erf)  }
0x467: {  	v9 =	vmul.f32 $1.442695020e+00, v9;
	v13 =	vadd.f32 v13, v14;
	(erf) = vpow2.f32 v11  }
0x468: {  	v3 =	vadd.s32 v1, v3;
	v11 =	vsub.f32 v12, v2;
	v14 =	vor.u32 v8, v16;
	v6 =	vld.idx.msk [tilespmem:v6+s14+$0x0], $0xffff;
	v12 =	vpop (erf)  }
0x469: {  	v10 =	vmul.f32 $1.442695020e+00, v10;
	v16 =	vadd.f32 v12, v13;
	(erf) = vpow2.f32 v9  }
0x46a: {  	v9 =	vsub.f32 v15, v2;
	v13 =	vadd.s32 v1, v14;
	v5 =	vld.idx.msk [tilespmem:v5+s14+$0x0], $0xffff;
	v8 =	vpop (erf)  }
0x46b: {  	v11 =	vmul.f32 $1.442695020e+00, v11;
	v8 =	vadd.f32 v8, v16;
	(erf) = vpow2.f32 v10  }
0x46c: {  	v15 =	vmov s24;
	v7 =	vsub.f32 v7, v2;
	v4 =	vld.idx.msk [tilespmem:v4+s14+$0x0], $0xffff;
	v12 =	vpop (erf)  }
0x46d: {  	v9 =	vmul.f32 $1.442695020e+00, v9;
	v16 =	vadd.f32 v12, v8;
	(erf) = vpow2.f32 v11  }
0x46e: {  	v14 =	vshll.u32 v15, $0x3;
	v8 =	vand.u32 $0x7F, v15;
	v6 =	vsub.f32 v6, v2;
	v3 =	vld.idx.msk [tilespmem:v3+s14+$0x0], $0xffff;
	v10 =	vpop (erf)  }
0x46f: {  	s25 =	sadd.s32 $0xFFFFFFFE, s24;
	s26 =	sadd.s32 $0xFFFFFFFF, s24;
	v7 =	vmul.f32 $1.442695020e+00, v7;
	v10 =	vadd.f32 v10, v16;
	(erf) = vpow2.f32 v9  }
0x470: {  	v15 =	vmov s26;
	v9 =	vmov s25;
	v5 =	vsub.f32 v5, v2;
	v11 =	vld.idx.msk [tilespmem:v13+s14+$0x0], $0xffff;
	v12 =	vpop (erf)  }
0x471: {  	s26 =	sadd.s32 $0xFFFFFFFD, s24;
	s25 =	sadd.s32 $0xFFFFFFFC, s24;
	v6 =	vmul.f32 $1.442695020e+00, v6;
	v10 =	vadd.f32 v12, v10;
	(erf) = vpow2.f32 v7  }
0x472: {  	v17 =	vmov s26;
	v7 =	vmov s25;
	v4 =	vsub.f32 v4, v2;
	v12 =	vpop (erf)  }
0x473: {  	s26 =	sadd.s32 $0xFFFFFFFB, s24;
	s25 =	sadd.s32 $0xFFFFFFFA, s24;
	v5 =	vmul.f32 $1.442695020e+00, v5;
	v10 =	vadd.f32 v12, v10;
	(erf) = vpow2.f32 v6  }
0x474: {  	v18 =	vmov s26;
	v6 =	vmov s25;
	v3 =	vsub.f32 v3, v2;
	v12 =	vpop (erf)  }
0x475: {  	s26 =	sadd.s32 $0xFFFFFFF9, s24;
	s25 =	sadd.s32 $0xFFFFFFF8, s24;
	v4 =	vmul.f32 $1.442695020e+00, v4;
	v10 =	vadd.f32 v12, v10;
	(erf) = vpow2.f32 v5  }
0x476: {  	v19 =	vmov s26;
	v5 =	vmov s25;
	v11 =	vsub.f32 v11, v2;
	v12 =	vpop (erf)  }
0x477: {  	s28 =	sadd.s32 $0xFFFFFFF7, s24;
	s26 =	sadd.s32 $0xFFFFFFF6, s24;
	s25 =	sadd.s32 $0xFFFFFFF5, s24;
	v3 =	vmul.f32 $1.442695020e+00, v3;
	v10 =	vadd.f32 v12, v10;
	(erf) = vpow2.f32 v4  }
0x478: {  	v25 =	vmov s28;
	v24 =	vmov s26;
	v4 =	vmov s25;
	v12 =	vpop (erf)  }
0x479: {  	s28 =	sadd.s32 $0xFFFFFFF4, s24;
	s26 =	sadd.s32 $0xFFFFFFF3, s24;
	s25 =	sadd.s32 $0xFFFFFFF2, s24;
	v11 =	vmul.f32 $1.442695020e+00, v11;
	v10 =	vadd.f32 v12, v10;
	(erf) = vpow2.f32 v3  }
0x47a: {  	s29 =	sadd.s32 $0xFFFFFFF1, s24;
	v30 =	vmov s28;
	v27 =	vmov s26;
	v3 =	vmov s25;
	v12 =	vpop (erf)  }
0x47b: {  	v45 =	vmov s29;
	s28 =	sadd.s32 $0xFFFFFFF0, s24;
	s26 =	sadd.s32 $0xFFFFFFEF, s24;
	s25 =	sadd.s32 $0xFFFFFFEE, s24;
	v13 =	vadd.f32 v12, v10;
	(erf) = vpow2.f32 v11  }
0x47c: {  	s30 =	sadd.s32 $0xFFFFFFED, s24;
	s29 =	sadd.s32 $0xFFFFFFEC, s24;
	v47 =	vmov s28;
	v10 =	vmov s25;
	v11 =	vmov s26;
	v16 =	vpop (erf)  }
0x47d: {  	v48 =	vmov s29;
	s28 =	sadd.s32 $0xFFFFFFEB, s24;
	s25 =	sadd.s32 $0xFFFFFFE9, s24;
	s26 =	sadd.s32 $0xFFFFFFEA, s24;
	v12 =	vmov s30;
	v20 =	vadd.f32 v16, v13  }
0x47e: {  	s29 =	sadd.s32 $0xFFFFFFE8, s24;
	v49 =	vmov s28;
	v53 =	vmov s25;
	v50 =	vmov s26;
	v21 =	vpop (erf)  }
0x47f: {  	v13 =	vmov s29;
	v16 =	vand.u32 $0x7C00, v14;
	v14 =	vadd.f32 v21, v20  }
0x480: {  	v52 =	vshll.u32 v15, $0x3;
	v31 =	vand.u32 $0x7F, v9;
	v20 =	vand.u32 $0x7F, v15;
	v15 =	vpop (erf)  }
0x481: {  	v51 =	vshll.u32 v9, $0x3;
	v21 =	vand.u32 $0x7F, v17;
	v9 =	vadd.f32 v15, v14  }
0x482: {  	v42 =	vshll.u32 v17, $0x3;
	v32 =	vand.u32 $0x7F, v7;
	v41 =	vshll.u32 v7, $0x3;
	v7 =	vpop (erf)  }
0x483: {  	v22 =	vand.u32 $0x7F, v18;
	v40 =	vshll.u32 v18, $0x3;
	v7 =	vadd.f32 v7, v9  }
0x484: {  	v28 =	vand.u32 $0x7F, v19;
	v23 =	vand.u32 $0x7F, v6;
	v39 =	vshll.u32 v6, $0x3;
	v6 =	vpop (erf)  }
0x485: {  	v44 =	vshll.u32 v19, $0x3;
	v17 =	vand.u32 $0x7F, v5;
	v33 =	vadd.f32 v6, v7  }
0x486: {  	v26 =	vand.u32 $0x7F, v25;
	v38 =	vshll.u32 v25, $0x3;
	v43 =	vshll.u32 v5, $0x3  }
.Ltmp9:
0x487: {  	v18 =	vshll.u32 v24, $0x3;
	v29 =	vand.u32 $0x7F, v4;
	v14 =	vand.u32 $0x7F, v24;
	(pc) =	sbr.rel @p1 .LBB2_17-.Ltmp9, $4  }
0x488: {  	v34 =	vand.u32 $0x7F, v30;
	v35 =	vshll.u32 v30, $0x3;
	v24 =	vshll.u32 v4, $0x3  }
0x489: {  	v25 =	vand.u32 $0x7F, v27;
	v27 =	vshll.u32 v27, $0x3;
	v36 =	vand.u32 $0x7F, v3  }
0x48a: {  	v46 =	vshll.u32 v45, $0x3;
	v37 =	vand.u32 $0x7F, v45;
	v15 =	vshll.u32 v3, $0x3  }
0x48b: {  	v30 =	vand.u32 $0x7F, v47;
	v19 =	vshll.u32 v47, $0x3;
	s24 =	sadd.s32 $0x19, s24;
	v45 =	vand.u32 $0x7F, v11  }
0x48c: {  	v5 =	vand.u32 $0x7F, v10  }
0x48d: {  	v6 =	vshll.u32 v10, $0x3;
	v7 =	vshll.u32 v11, $0x3;
	v3 =	vshll.u32 v13, $0x3  }
0x48e: {  	v9 =	vand.u32 $0x7F, v12;
	v58 =	vshll.u32 v12, $0x3;
	v4 =	vand.u32 $0x7F, v13  }
0x48f: {  	v59 =	vand.u32 $0x7F, v48;
	v60 =	vshll.u32 v53, $0x3;
	v3 =	vand.u32 $0x3C00, v3  }
0x490: {  	v61 =	vand.u32 $0x7F, v53;
	v62 =	vshll.u32 v48, $0x3;
	v3 =	vor.u32 v4, v3  }
0x491: {  	v63 =	vshll.u32 v50, $0x3;
	v12 =	vand.u32 $0x7C00, v60;
	v47 =	vadd.s32 v1, v3  }
0x492: {  	v53 =	vand.u32 $0x7F, v49;
	v55 =	vshll.u32 v49, $0x3;
	v3 =	vor.u32 v61, v12  }
0x493: {  	v4 =	vand.u32 $0x7C00, v63;
	v54 =	vadd.s32 v1, v3;
	v3 =	vand.u32 $0x7F, v50  }
0x494: {  	v41 =	vand.u32 $0x7C00, v41;
	v42 =	vand.u32 $0x7C00, v42;
	v4 =	vor.u32 v3, v4  }
0x495: {  	v40 =	vand.u32 $0x7C00, v40;
	v49 =	vand.u32 $0x7C00, v55;
	v56 =	vadd.s32 v1, v4  }
0x496: {  	v44 =	vand.u32 $0x7C00, v44;
	v39 =	vand.u32 $0x7C00, v39;
	v12 =	vor.u32 v53, v49;
	v47 =	vld.idx.msk [tilespmem:v47+s14+$0x0], $0xffff  }
0x497: {  	v43 =	vand.u32 $0x7C00, v43;
	v13 =	vand.u32 $0x7C00, v62;
	v12 =	vadd.s32 v1, v12  }
0x498: {  	v46 =	vand.u32 $0x7C00, v46;
	v38 =	vand.u32 $0x7C00, v38;
	v11 =	vor.u32 v59, v13;
	v57 =	vld.idx.msk [tilespmem:v54+s14+$0x0], $0xffff  }
0x499: {  	v15 =	vand.u32 $0x7C00, v15;
	v10 =	vand.u32 $0x7C00, v58;
	v11 =	vadd.s32 v1, v11  }
0x49a: {  	v48 =	vand.u32 $0x7C00, v24;
	v6 =	vand.u32 $0x7C00, v6;
	v9 =	vor.u32 v9, v10;
	v58 =	vld.idx.msk [tilespmem:v56+s14+$0x0], $0xffff  }
0x49b: {  	v7 =	vand.u32 $0x7C00, v7;
	v9 =	vadd.s32 v1, v9;
	v47 =	vsub.f32 v47, v2  }
0x49c: {  	v5 =	vor.u32 v5, v6;
	v59 =	vand.u32 $0x7C00, v19;
	v7 =	vor.u32 v45, v7;
	v12 =	vld.idx.msk [tilespmem:v12+s14+$0x0], $0xffff  }
0x49d: {  	v5 =	vadd.s32 v1, v5;
	v13 =	vsub.f32 v57, v2;
	v60 =	vmul.f32 $1.442695020e+00, v47  }
0x49e: {  	v63 =	vor.u32 v36, v15;
	v6 =	vor.u32 v30, v59;
	v7 =	vadd.s32 v1, v7;
	v11 =	vld.idx.msk [tilespmem:v11+s14+$0x0], $0xffff  }
0x49f: {  	v13 =	vmul.f32 $1.442695020e+00, v13;
	v10 =	vsub.f32 v58, v2;
	(erf) = vpow2.f32 v60  }
0x4a0: {  	v36 =	vand.u32 $0x7C00, v35;
	v61 =	vor.u32 v37, v46;
	v6 =	vadd.s32 v1, v6;
	v9 =	vld.idx.msk [tilespmem:v9+s14+$0x0], $0xffff  }
0x4a1: {  	v12 =	vsub.f32 v12, v2;
	v10 =	vmul.f32 $1.442695020e+00, v10;
	(erf) = vpow2.f32 v13  }
0x4a2: {  	v30 =	vand.u32 $0x7C00, v27;
	v37 =	vadd.s32 v1, v63;
	v62 =	vadd.s32 v1, v61;
	v5 =	vld.idx.msk [tilespmem:v5+s14+$0x0], $0xffff  }
0x4a3: {  	v7 =	vld.idx.msk [tilespmem:v7+s14+$0x0], $0xffff;
	v11 =	vsub.f32 v11, v2;
	v12 =	vmul.f32 $1.442695020e+00, v12;
	(erf) = vpow2.f32 v10  }
0x4a4: {  	v46 =	vor.u32 v34, v36;
	v49 =	vor.u32 v29, v48;
	v45 =	vor.u32 v25, v30  }
0x4a5: {  	v6 =	vld.idx.msk [tilespmem:v6+s14+$0x0], $0xffff;
	v9 =	vsub.f32 v9, v2;
	v11 =	vmul.f32 $1.442695020e+00, v11;
	(erf) = vpow2.f32 v12  }
0x4a6: {  	v15 =	vadd.s32 v1, v46;
	v50 =	vand.u32 $0x7C00, v18;
	v47 =	vadd.s32 v1, v45  }
0x4a7: {  	v19 =	vld.idx.msk [tilespmem:v62+s14+$0x0], $0xffff;
	v5 =	vsub.f32 v5, v2;
	v9 =	vmul.f32 $1.442695020e+00, v9;
	(erf) = vpow2.f32 v11  }
0x4a8: {  	v3 =	vand.u32 $0x7C00, v52;
	v4 =	vand.u32 $0x7C00, v51;
	v7 =	vsub.f32 v7, v2;
	v51 =	vpop (erf)  }
0x4a9: {  	v5 =	vmul.f32 $1.442695020e+00, v5;
	(erf) = vpow2.f32 v9;
	v18 =	vadd.f32 v51, v33  }
0x4aa: {  	v52 =	vadd.s32 v1, v49;
	v53 =	vor.u32 v14, v50;
	v6 =	vsub.f32 v6, v2;
	v10 =	vld.idx.msk [tilespmem:v37+s14+$0x0], $0xffff;
	v54 =	vpop (erf)  }
0x4ab: {  	v7 =	vmul.f32 $1.442695020e+00, v7;
	v12 =	vld.idx.msk [tilespmem:v47+s14+$0x0], $0xffff;
	(erf) = vpow2.f32 v5;
	v13 =	vadd.f32 v54, v18  }
0x4ac: {  	v55 =	vadd.s32 v1, v53;
	v56 =	vor.u32 v26, v38;
	v57 =	vsub.f32 v19, v2;
	v58 =	vpop (erf)  }
0x4ad: {  	v15 =	vld.idx.msk [tilespmem:v15+s14+$0x0], $0xffff;
	v6 =	vmul.f32 $1.442695020e+00, v6;
	(erf) = vpow2.f32 v7;
	v13 =	vadd.f32 v58, v13  }
0x4ae: {  	v59 =	vadd.s32 v1, v56;
	v14 =	vmul.f32 $1.442695020e+00, v57;
	v60 =	vor.u32 v17, v43;
	v61 =	vpop (erf)  }
0x4af: {  	v10 =	vsub.f32 v10, v2;
	(erf) = vpow2.f32 v6;
	v13 =	vadd.f32 v61, v13  }
0x4b0: {  	v63 =	vor.u32 v28, v44;
	v62 =	vadd.s32 v1, v60;
	v9 =	vld.idx.msk [tilespmem:v52+s14+$0x0], $0xffff;
	v12 =	vsub.f32 v12, v2;
	v24 =	vpop (erf)  }
0x4b1: {  	v5 =	vld.idx.msk [tilespmem:v55+s14+$0x0], $0xffff;
	v10 =	vmul.f32 $1.442695020e+00, v10;
	(erf) = vpow2.f32 v14;
	v13 =	vadd.f32 v24, v13  }
0x4b2: {  	v25 =	vor.u32 v23, v39;
	v15 =	vsub.f32 v15, v2;
	v11 =	vadd.s32 v1, v63;
	v26 =	vpop (erf)  }
0x4b3: {  	v12 =	vmul.f32 $1.442695020e+00, v12;
	v7 =	vld.idx.msk [tilespmem:v59+s14+$0x0], $0xffff;
	(erf) = vpow2.f32 v10;
	v13 =	vadd.f32 v26, v13  }
0x4b4: {  	v28 =	vor.u32 v22, v40;
	v27 =	vadd.s32 v1, v25;
	v15 =	vmul.f32 $1.442695020e+00, v15;
	v29 =	vpop (erf)  }
0x4b5: {  	v6 =	vld.idx.msk [tilespmem:v62+s14+$0x0], $0xffff;
	v9 =	vsub.f32 v9, v2;
	(erf) = vpow2.f32 v12;
	v13 =	vadd.f32 v29, v13  }
0x4b6: {  	v30 =	vadd.s32 v1, v28;
	v33 =	vor.u32 v32, v41;
	v5 =	vsub.f32 v5, v2;
	v34 =	vpop (erf)  }
0x4b7: {  	v11 =	vld.idx.msk [tilespmem:v11+s14+$0x0], $0xffff;
	v9 =	vmul.f32 $1.442695020e+00, v9;
	(erf) = vpow2.f32 v15;
	v13 =	vadd.f32 v34, v13  }
0x4b8: {  	v35 =	vor.u32 v21, v42;
	v14 =	vadd.s32 v1, v33;
	v7 =	vsub.f32 v7, v2;
	v36 =	vpop (erf)  }
0x4b9: {  	v5 =	vmul.f32 $1.442695020e+00, v5;
	v10 =	vld.idx.msk [tilespmem:v27+s14+$0x0], $0xffff;
	(erf) = vpow2.f32 v9;
	v13 =	vadd.f32 v36, v13  }
0x4ba: {  	v4 =	vor.u32 v31, v4;
	v37 =	vadd.s32 v1, v35;
	v6 =	vsub.f32 v6, v2;
	v38 =	vpop (erf)  }
0x4bb: {  	v12 =	vld.idx.msk [tilespmem:v30+s14+$0x0], $0xffff;
	v7 =	vmul.f32 $1.442695020e+00, v7;
	(erf) = vpow2.f32 v5;
	v13 =	vadd.f32 v38, v13  }
0x4bc: {  	v3 =	vor.u32 v20, v3;
	v4 =	vadd.s32 v1, v4;
	v39 =	vsub.f32 v11, v2;
	v40 =	vpop (erf)  }
0x4bd: {  	v14 =	vld.idx.msk [tilespmem:v14+s14+$0x0], $0xffff;
	v6 =	vmul.f32 $1.442695020e+00, v6;
	(erf) = vpow2.f32 v7;
	v11 =	vadd.f32 v40, v13  }
0x4be: {  	v3 =	vadd.s32 v1, v3;
	v41 =	vor.u32 v8, v16;
	v42 =	vsub.f32 v10, v2;
	v43 =	vpop (erf)  }
0x4bf: {  	v9 =	vld.idx.msk [tilespmem:v37+s14+$0x0], $0xffff;
	v5 =	vmul.f32 $1.442695020e+00, v39;
	(erf) = vpow2.f32 v6;
	v10 =	vadd.f32 v43, v11  }
0x4c0: {  	v44 =	vadd.s32 v1, v41;
	v45 =	vsub.f32 v12, v2;
	v46 =	vpop (erf)  }
0x4c1: {  	v4 =	vld.idx.msk [tilespmem:v4+s14+$0x0], $0xffff;
	v8 =	vmul.f32 $1.442695020e+00, v42;
	(erf) = vpow2.f32 v5;
	v10 =	vadd.f32 v46, v10  }
0x4c2: {  	v47 =	vsub.f32 v14, v2;
	v48 =	vpop (erf)  }
0x4c3: {  	v3 =	vld.idx.msk [tilespmem:v3+s14+$0x0], $0xffff;
	v7 =	vmul.f32 $1.442695020e+00, v45;
	(erf) = vpow2.f32 v8;
	v10 =	vadd.f32 v48, v10  }
0x4c4: {  	v49 =	vsub.f32 v9, v2;
	v50 =	vpop (erf)  }
0x4c5: {  	v5 =	vmul.f32 $1.442695020e+00, v47;
	(erf) = vpow2.f32 v7;
	v9 =	vadd.f32 v50, v10  }
0x4c6: {  	v4 =	vsub.f32 v4, v2;
	v6 =	vld.idx.msk [tilespmem:v44+s14+$0x0], $0xffff;
	v51 =	vpop (erf)  }
0x4c7: {  	v8 =	vmul.f32 $1.442695020e+00, v49;
	(erf) = vpow2.f32 v5;
	v7 =	vadd.f32 v51, v9  }
0x4c8: {  	v3 =	vsub.f32 v3, v2;
	v52 =	vpop (erf)  }
0x4c9: {  	v4 =	vmul.f32 $1.442695020e+00, v4;
	(erf) = vpow2.f32 v8;
	v5 =	vadd.f32 v52, v7  }
0x4ca: {  	v3 =	vmul.f32 $1.442695020e+00, v3;
	v54 =	vld [tilespmem:s22+$0x10030];
	v53 =	vpop (erf)  }
0x4cb: {  	v6 =	vsub.f32 v6, v2;
	(erf) = vpow2.f32 v4;
	v5 =	vadd.f32 v53, v5  }
0x4cc: {  	v55 =	vpop (erf)  }
0x4cd: {  	v56 =	vmul.f32 $1.442695020e+00, v6;
	(erf) = vpow2.f32 v3;
	v4 =	vadd.f32 v55, v5  }
0x4ce: {  	v3 =	vpop (erf)  }
0x4cf: {  	v57 =	vshll.u32 v54, $0x3;
	(erf) = vpow2.f32 v56;
	v3 =	vadd.f32 v3, v4  }
0x4d0: {  	v59 =	vand.u32 $0x7F, v54;
	v58 =	vpop (erf);
	v4 =	vand.u32 $0xFFFFFC00, v57  }
0x4d1: {  	v4 =	vor.u32 v59, v4;
	v3 =	vadd.f32 v58, v3  }
0x4d2: {  	v60 =	vpop (erf);
	v4 =	vadd.s32 v1, v4  }
0x4d3: {  	v3 =	vadd.f32 v60, v3  }
0x4d4: {  	v61 =	vpop (erf)  }
0x4d5: {  	v3 =	vadd.f32 v61, v3  }
0x4d6: {  	v62 =	vpop (erf)  }
0x4d7: {  	v4 =	vld.idx.msk [tilespmem:v4+s14+$0x0], $0xffff;
	v3 =	vadd.f32 v62, v3  }
.Ltmp10:
0x4d8: {  	v63 =	vpop (erf);
	(pc) =	sbr.rel @p0 .LBB2_20-.Ltmp10, $4  }
0x4d9: {  	v3 =	vadd.f32 v63, v3  }
0x4da: {  	[tilespmem:s22+$0x10130] =	vst v2  }
0x4db: {  	[tilespmem:s22+$0x10230] =	vst v3  }
0x4dc: {  	[tilespmem:s22+$0x10330] =	vst v4  }
.Ltmp11:
0x4dd: {  	(pc) =	sbr.rel .LBB2_2-.Ltmp11, $3  }
0x4de: {  	_ =	sdelay $0x1  }
0x4df: {  	s22 =	sadd.s32 s23, s7;
	s21 =	sadd.s32 $0x1, s21  }
0x4e0: {  	[tilespmem:s14], [sflag:$0x2] =	stream.linear.gather [hbm4b:s22+s2], $0x8000, $0x38;
	[tilespmem:$0x10400] =	vst v63  }
.LBB2_21:
0x4e1: {  	_ =	sfence.sel $0x180000  }
0x4e2: {  	[bflag:$0x0] =	sbarrier.arrive $0xFFFF  }
0x4e3: {  	p0 =	sne.s32 s1, $0x0;
	_ =	strace $0x90000047  }
0x4e4: {  	s0 =	sadd.s32 @!p0 $0x100000, s0;
	[bflag:$0x2] =	sbarrier.arrive $0xFFFF  }
0x4e5: {  	[sflag:s0] =	ssyncadd.tile.s32 @!p0 $0x1;
	_ =	shalt  }
.Lfunc_end2:
_tile_overlayer_lowered:
.L_overlay_start_2:
0x4e6: {  	(tag) =	ssettag $0x2  }
0x4e7: {  	s0 =	rddreg [dreg:$0x0];
	s2 =	stileid.u32  }
0x4e8: {  	s1 =	rddreg [dreg:$0x1];
	p0 =	sne.s32 s2, $0x0  }
0x4e9: {  	s3 =	rddreg [dreg:$0x2];
	[bflag:$0x3] =	sbarrier.arrive $0xFFFF;
	s2 =	simm.s32 @!p0 $0x1C03  }
0x4ea: {  	[timem:s3], [sflag:s2] =	dma.local @!p0 [hbm:s0], s1  }
0x4eb: {  	s0 =	simm.s32 @!p0 $0x3  }
0x4ec: {  	_ =	swait.ge @!p0 [sflag:s0], s1  }
0x4ed: {  	s1 =	ssub.s32 @!p0 $0x0, s1;
	[sflag:s0] =	ssyncset.done @!p0 $0x0  }
0x4ee: {  	[sflag:s0] =	ssyncadd.s32 @!p0 s1  }
0x4ef: {  	[bflag:$0x3] =	sbarrier.arrive $0xFFFF  }
0x4f0: {  	_ =	shalt  }

</sc_bundles>
